<compile_context>
chip_gen: v7x
topology: tpu7x:2x2x1
jax: 0.10.2.dev20260603
libtpu: 0.0.44.dev20260713+nightly
codegen_flags: <defaults>
</compile_context>

<pallas_src>
import functools

import jax
import jax.numpy as jnp
from jax import lax
from jax.experimental import pallas as pl
from jax.experimental.pallas import tpu as pltpu
from jax.experimental.pallas import tpu_sc as plsc

_N = 10000
_D = 128
_E = 320000

_NC = 2
_NS = 16
_NT = _NC * _NS
_K = 64
_NB = 4
_C0 = 160
_C1 = 160
_EPAD = _NS * (_C0 + _C1) * _K
_ROWS_SH = 10112
_ZROWS = _ROWS_SH // _NS

_BR = 1000
_BU = 1024


def _mlp_body(x_ref, w1_ref, b1_ref, w2_ref, b2_ref, o_ref):
    h = jnp.dot(x_ref[...], w1_ref[...], preferred_element_type=jnp.float32)
    h = jnp.maximum(h + b1_ref[...], 0.0)
    o_ref[...] = (
        jnp.dot(h, w2_ref[...], preferred_element_type=jnp.float32) + b2_ref[...]
    )


def _node_mlp(x, W1, b1, W2, b2):
    return pl.pallas_call(
        _mlp_body,
        grid=(_N // _BR,),
        in_specs=[
            pl.BlockSpec((_BR, _D), lambda i: (i, 0)),
            pl.BlockSpec((_D, _D), lambda i: (0, 0)),
            pl.BlockSpec((1, _D), lambda i: (0, 0)),
            pl.BlockSpec((_D, _D), lambda i: (0, 0)),
            pl.BlockSpec((1, _D), lambda i: (0, 0)),
        ],
        out_specs=pl.BlockSpec((_BR, _D), lambda i: (i, 0)),
        out_shape=jax.ShapeDtypeStruct((_N, _D), jnp.float32),
    )(x, W1, b1.reshape(1, _D), W2, b2.reshape(1, _D))


_CVR = 80
_IG = 16


def _sc_body(m_hbm, src_hbm, dst_hbm, agg_out, cnt_out,
             isrc, idst, rows, cnt_v, iid, agg_sh, cnt_sp,
             gs0, gs1, gs2, gs3, ss0, ss1, ss2, ss3):
    c = lax.axis_index("c")
    s = lax.axis_index("s")

    def fill(i, carry):
        for q in range(_D // 16):
            rows[0, i, pl.ds(q * 16, 16)] = jnp.zeros((16,), jnp.float32)
        return carry

    lax.fori_loop(0, _K, fill, 0)

    def fill2(i, carry):
        for q in range(_D // 16):
            cnt_v[i, pl.ds(q * 16, 16)] = jnp.zeros((16,), jnp.float32)
        return carry

    lax.fori_loop(0, _CVR, fill2, 0)
    for q in range(_CVR // 16):
        iid[0, pl.ds(q * 16, 16)] = lax.iota(jnp.int32, 16) + (16 * q)

    z0 = s * _ZROWS
    for kk in range(_ZROWS // _K):
        pltpu.sync_copy(rows.at[0], agg_sh.at[pl.ds(z0 + kk * _K, _K)])
    rem = _ZROWS % _K
    pltpu.sync_copy(rows.at[0, pl.ds(0, rem)],
                    agg_sh.at[pl.ds(z0 + (_ZROWS // _K) * _K, rem)])

    @pl.when(s == 0)
    def _():
        pltpu.sync_copy(rows.at[0], cnt_sp.at[pl.ds(0, _K)])
        pltpu.sync_copy(rows.at[0, pl.ds(0, _CVR - _K)],
                        cnt_sp.at[pl.ds(_K, _CVR - _K)])

    plsc.subcore_barrier()

    lane = lax.iota(jnp.int32, 16)
    masks = [lane == l for l in range(16)]
    one16 = jnp.ones((16,), jnp.float32)
    gsems = (gs0, gs1, gs2, gs3)
    ssems = (ss0, ss1, ss2, ss3)

    chunk_off = jnp.where(c == 0, s * _C0, _NS * _C0 + s * _C1)
    ngroups = jnp.where(c == 0, _C0 // _IG, _C1 // _IG)

    def group(gi, carry):
        base = chunk_off + gi * _IG
        pltpu.sync_copy(src_hbm.at[pl.ds(base, _IG)], isrc)
        pltpu.sync_copy(dst_hbm.at[pl.ds(base, _IG)], idst)
        for b in range(_NB - 1):
            pltpu.async_copy(m_hbm.at[isrc.at[b]], rows.at[b], gsems[b])

        def turn(jj, carry2):
            for b in range(_NB):
                j = jj * _NB + b
                nb = (b + _NB - 1) % _NB
                pltpu.make_async_copy(
                    m_hbm.at[isrc.at[j]], rows.at[b], gsems[b]).wait()

                @pl.when(j > 0)
                def _():
                    pltpu.make_async_copy(
                        rows.at[nb], agg_sh.at[idst.at[j - 1]],
                        ssems[nb]).wait()

                @pl.when(j + _NB - 1 < _IG)
                def _():
                    pltpu.async_copy(
                        m_hbm.at[isrc.at[j + _NB - 1]], rows.at[nb],
                        gsems[nb])

                pltpu.async_copy(
                    rows.at[b], agg_sh.at[idst.at[j]], ssems[b], add=True)

                for q in range(_K // 16):
                    d16 = idst[j, pl.ds(q * 16, 16)]
                    hi = d16 >> 7
                    lo = d16 & 127
                    for l in range(16):
                        plsc.addupdate_scatter(
                            cnt_v, [hi, lo], one16, mask=masks[l])
            return carry2

        lax.fori_loop(0, _IG // _NB, turn, 0)
        pltpu.make_async_copy(
            rows.at[_NB - 1], agg_sh.at[idst.at[_IG - 1]],
            ssems[_NB - 1]).wait()
        return carry

    lax.fori_loop(0, ngroups, group, 0)

    pltpu.sync_copy(cnt_v, cnt_sp.at[iid.at[0]], add=True)
    plsc.subcore_barrier()

    o0 = s * _ZROWS
    pltpu.sync_copy(agg_sh.at[pl.ds(o0, _ZROWS)],
                    agg_out.at[c, pl.ds(o0, _ZROWS)])

    @pl.when(s == 0)
    def _():
        pltpu.sync_copy(cnt_sp, cnt_out.at[c])


def _sc_scatter(m, srcR, dstR):
    mesh = plsc.VectorSubcoreMesh(core_axis_name="c", subcore_axis_name="s")
    k = pl.kernel(
        _sc_body,
        out_type=[
            jax.ShapeDtypeStruct((_NC, _ROWS_SH, _D), jnp.float32),
            jax.ShapeDtypeStruct((_NC, _CVR, _D), jnp.float32),
        ],
        mesh=mesh,
        compiler_params=pltpu.CompilerParams(needs_layout_passes=False),
        scratch_types=[
            pltpu.VMEM((_IG, _K), jnp.int32),
            pltpu.VMEM((_IG, _K), jnp.int32),
            pltpu.VMEM((_NB, _K, _D), jnp.float32),
            pltpu.VMEM((_CVR, _D), jnp.float32),
            pltpu.VMEM((1, _CVR), jnp.int32),
            pltpu.VMEM_SHARED((_ROWS_SH, _D), jnp.float32),
            pltpu.VMEM_SHARED((_CVR, _D), jnp.float32),
        ] + [pltpu.SemaphoreType.DMA] * (2 * _NB),
    )
    return k(m, srcR, dstR)


def _update_body(x_ref, agg_ref, cnt_ref, w3x_ref, w3a_ref, b3_ref,
                 w4_ref, b4_ref, g_ref, be_ref, o_ref):
    c2 = cnt_ref[0] + cnt_ref[1]
    rid = lax.broadcasted_iota(jnp.int32, (_BU, 1), 0)
    hi_oh = (rid // _D == lax.broadcasted_iota(
        jnp.int32, (_BU, _BU // _D), 1)).astype(jnp.float32)
    lane_oh = (rid % _D) == lax.broadcasted_iota(jnp.int32, (_BU, _D), 1)
    c1 = jnp.dot(hi_oh, c2, preferred_element_type=jnp.float32)
    cnt = jnp.sum(jnp.where(lane_oh, c1, 0.0), axis=-1, keepdims=True)
    cnt = jnp.maximum(cnt, 1.0)
    agg = (agg_ref[0] + agg_ref[1]) / cnt
    xv = x_ref[...]
    u = jnp.dot(xv, w3x_ref[...], preferred_element_type=jnp.float32)
    u = u + jnp.dot(agg, w3a_ref[...], preferred_element_type=jnp.float32)
    u = jnp.maximum(u + b3_ref[...], 0.0)
    y = jnp.dot(u, w4_ref[...], preferred_element_type=jnp.float32)
    y = y + b4_ref[...] + xv
    mu = jnp.mean(y, axis=-1, keepdims=True)
    yc = y - mu
    var = jnp.mean(yc * yc, axis=-1, keepdims=True)
    o_ref[...] = g_ref[...] * yc * lax.rsqrt(var + 1e-5) + be_ref[...]


def _update(x, agg_p, cnt_p, W3, b3, W4, b4, gamma, beta):
    return pl.pallas_call(
        _update_body,
        grid=(-(-_N // _BU),),
        in_specs=[
            pl.BlockSpec((_BU, _D), lambda i: (i, 0)),
            pl.BlockSpec((_NC, _BU, _D), lambda i: (0, i, 0)),
            pl.BlockSpec((_NC, _BU // _D, _D), lambda i: (0, i, 0)),
            pl.BlockSpec((_D, _D), lambda i: (0, 0)),
            pl.BlockSpec((_D, _D), lambda i: (0, 0)),
            pl.BlockSpec((1, _D), lambda i: (0, 0)),
            pl.BlockSpec((_D, _D), lambda i: (0, 0)),
            pl.BlockSpec((1, _D), lambda i: (0, 0)),
            pl.BlockSpec((1, _D), lambda i: (0, 0)),
            pl.BlockSpec((1, _D), lambda i: (0, 0)),
        ],
        out_specs=pl.BlockSpec((_BU, _D), lambda i: (i, 0)),
        out_shape=jax.ShapeDtypeStruct((_N, _D), jnp.float32),
    )(x, agg_p, cnt_p, W3[:_D], W3[_D:], b3.reshape(1, _D),
      W4, b4.reshape(1, _D), gamma.reshape(1, _D), beta.reshape(1, _D))


def kernel(x, edge_index, W1, b1, W2, b2, W3, b3, W4, b4, gamma, beta):
    src = edge_index[0]
    dst = edge_index[1]
    pad = _EPAD - _E
    srcR = jnp.concatenate(
        [src, jnp.zeros((pad,), jnp.int32)]).reshape(_EPAD // _K, _K)
    dstR = jnp.concatenate(
        [dst, jnp.full((pad,), _N, jnp.int32)]).reshape(_EPAD // _K, _K)

    m = _node_mlp(x, W1, b1, W2, b2)
    agg_p, cnt_p = _sc_scatter(m, srcR, dstR)
    return _update(x, agg_p, cnt_p, W3, b3, W4, b4, gamma, beta)

# --- scband reference (transcript-rebuilt; emitter-appended) ---
"""Pipeline reference for scband-intra-level-mp-88751204204556 (READ-ONLY COPY).

The authoritative reference and input builder live on the scoring server;
editing this copy changes nothing except your own understanding.
"""

import jax, jax.numpy as jnp
import numpy as np

N = 10000
E = 320000
D = 128


def setup_inputs(seed: int = 0) -> dict:
    key = jax.random.key(seed)
    ks = jax.random.split(key, 12)
    x = jax.random.normal(ks[0], (N, D), dtype=jnp.float32)
    edge_index = jax.random.randint(ks[1], (2, E), 0, N, dtype=jnp.int32)
    s = 0.05
    W1 = jax.random.normal(ks[2], (D, D), dtype=jnp.float32) * s
    b1 = jnp.zeros((D,), dtype=jnp.float32)
    W2 = jax.random.normal(ks[3], (D, D), dtype=jnp.float32) * s
    b2 = jnp.zeros((D,), dtype=jnp.float32)
    W3 = jax.random.normal(ks[4], (2 * D, D), dtype=jnp.float32) * s
    b3 = jnp.zeros((D,), dtype=jnp.float32)
    W4 = jax.random.normal(ks[5], (D, D), dtype=jnp.float32) * s
    b4 = jnp.zeros((D,), dtype=jnp.float32)
    gamma = jnp.ones((D,), dtype=jnp.float32)
    beta = jnp.zeros((D,), dtype=jnp.float32)
    return {"x": x, "edge_index": edge_index, "W1": W1, "b1": b1, "W2": W2, "b2": b2,
            "W3": W3, "b3": b3, "W4": W4, "b4": b4, "gamma": gamma, "beta": beta}


def _layer_norm(y, gamma, beta, eps=1e-5):
    mean = jnp.mean(y, axis=-1, keepdims=True)
    var = jnp.var(y, axis=-1, keepdims=True)
    return gamma * (y - mean) / jnp.sqrt(var + eps) + beta


def reference(x, edge_index, W1, b1, W2, b2, W3, b3, W4, b4, gamma, beta):
    num_nodes = x.shape[0]
    src = edge_index[0]
    dst = edge_index[1]
    # message_mlp on gathered source features
    h = x[src]
    h = jnp.maximum(h @ W1 + b1, 0.0)
    messages = h @ W2 + b2
    # mean aggregation via scatter-add
    agg = jnp.zeros((num_nodes, messages.shape[-1]), dtype=x.dtype).at[dst].add(messages)
    count = jnp.zeros((num_nodes,), dtype=x.dtype).at[dst].add(1.0)
    count = jnp.clip(count, 1.0, None)[:, None]
    agg = agg / count
    combined = jnp.concatenate([x, agg], axis=-1)
    u = jnp.maximum(combined @ W3 + b3, 0.0)
    updated = u @ W4 + b4
    # dropout in eval mode -> identity
    return _layer_norm(updated + x, gamma, beta)

if __name__ == "__main__":
    import jax
    _d = setup_inputs()
    print(jax.jit(kernel)(*tuple(_d.values())))

</pallas_src>

<mosaic_0001>
#map = affine_map<(d0, d1) -> (0, 0)>
#map1 = affine_map<(d0, d1) -> (0, 0, 0)>
module attributes {stable_mosaic.version = 14 : i64} {
  func.func @_sc_body(%arg0: i32, %arg1: i32, %arg2: memref<10000x128xf32, #tpu.memory_space<hbm>>, %arg3: memref<5120x64xi32, #tpu.memory_space<hbm>>, %arg4: memref<5120x64xi32, #tpu.memory_space<hbm>>, %arg5: memref<2x10112x128xf32, #tpu.memory_space<hbm>>, %arg6: memref<2x80x128xf32, #tpu.memory_space<hbm>>, %arg7: memref<16x64xi32, #tpu.memory_space<vmem>>, %arg8: memref<16x64xi32, #tpu.memory_space<vmem>>, %arg9: memref<4x64x128xf32, #tpu.memory_space<vmem>>, %arg10: memref<80x128xf32, #tpu.memory_space<vmem>>, %arg11: memref<1x80xi32, #tpu.memory_space<vmem>>, %arg12: memref<10112x128xf32, #tpu.memory_space<vmem_shared>>, %arg13: memref<80x128xf32, #tpu.memory_space<vmem_shared>>, %arg14: memref<!tpu.dma_semaphore, #tpu.memory_space<semaphore_mem>>, %arg15: memref<!tpu.dma_semaphore, #tpu.memory_space<semaphore_mem>>, %arg16: memref<!tpu.dma_semaphore, #tpu.memory_space<semaphore_mem>>, %arg17: memref<!tpu.dma_semaphore, #tpu.memory_space<semaphore_mem>>, %arg18: memref<!tpu.dma_semaphore, #tpu.memory_space<semaphore_mem>>, %arg19: memref<!tpu.dma_semaphore, #tpu.memory_space<semaphore_mem>>, %arg20: memref<!tpu.dma_semaphore, #tpu.memory_space<semaphore_mem>>, %arg21: memref<!tpu.dma_semaphore, #tpu.memory_space<semaphore_mem>>) attributes {dimension_semantics = [#tpu.dimension_semantics<core_parallel>, #tpu.dimension_semantics<subcore_parallel>], iteration_bounds = array<i64: 2, 16>, scalar_prefetch = 0 : i64, scratch_operands = 15 : i64, tpu.core_type = #tpu.core_type<sc_vector_subcore>, window_params = [{transform_indices = #map}, {transform_indices = #map}, {transform_indices = #map}, {transform_indices = #map1}, {transform_indices = #map1}]} {
    %scan3A = arith.constant 0 : i32
    %scan3A_0 = arith.constant 0 : i32
    %scan3A_1 = arith.constant 64 : i32
    %scan3A_2 = arith.addi %scan3A_0, %scan3A_1 : i32
    %scan3A_3 = arith.constant 1 : i32
    scf.for %scan3A_160 = %scan3A_0 to %scan3A_2 step %scan3A_3  : i32 {
      %broadcast_in_dim3A_161 = arith.constant 0.000000e+00 : f32
      %broadcast_in_dim3A_162 = vector.broadcast %broadcast_in_dim3A_161 : f32 to vector<16xf32>
      %swap3A_163 = arith.constant 0 : i32
      %swap3A_164 = arith.index_cast %swap3A_163 : i32 to index
      %swap3A_165 = arith.index_cast %scan3A_160 : i32 to index
      %swap3A_166 = arith.constant 0 : index
      %swap3A_167 = tpu.vector_load %arg9[%swap3A_164, %swap3A_165, %swap3A_166] {strides = array<i32>} : memref<4x64x128xf32, #tpu.memory_space<vmem>>, vector<16xf32>,
      tpu.vector_store %arg9[%swap3A_164, %swap3A_165, %swap3A_166], %broadcast_in_dim3A_162 {strides = array<i32>} : memref<4x64x128xf32, #tpu.memory_space<vmem>>, vector<16xf32>,
      %broadcast_in_dim3A_168 = arith.constant 0.000000e+00 : f32
      %broadcast_in_dim3A_169 = vector.broadcast %broadcast_in_dim3A_168 : f32 to vector<16xf32>
      %swap3A_170 = arith.constant 0 : i32
      %swap3A_171 = arith.index_cast %swap3A_170 : i32 to index
      %swap3A_172 = arith.index_cast %scan3A_160 : i32 to index
      %swap3A_173 = arith.constant 16 : index
      %swap3A_174 = tpu.vector_load %arg9[%swap3A_171, %swap3A_172, %swap3A_173] {strides = array<i32>} : memref<4x64x128xf32, #tpu.memory_space<vmem>>, vector<16xf32>,
      tpu.vector_store %arg9[%swap3A_171, %swap3A_172, %swap3A_173], %broadcast_in_dim3A_169 {strides = array<i32>} : memref<4x64x128xf32, #tpu.memory_space<vmem>>, vector<16xf32>,
      %broadcast_in_dim3A_175 = arith.constant 0.000000e+00 : f32
      %broadcast_in_dim3A_176 = vector.broadcast %broadcast_in_dim3A_175 : f32 to vector<16xf32>
      %swap3A_177 = arith.constant 0 : i32
      %swap3A_178 = arith.index_cast %swap3A_177 : i32 to index
      %swap3A_179 = arith.index_cast %scan3A_160 : i32 to index
      %swap3A_180 = arith.constant 32 : index
      %swap3A_181 = tpu.vector_load %arg9[%swap3A_178, %swap3A_179, %swap3A_180] {strides = array<i32>} : memref<4x64x128xf32, #tpu.memory_space<vmem>>, vector<16xf32>,
      tpu.vector_store %arg9[%swap3A_178, %swap3A_179, %swap3A_180], %broadcast_in_dim3A_176 {strides = array<i32>} : memref<4x64x128xf32, #tpu.memory_space<vmem>>, vector<16xf32>,
      %broadcast_in_dim3A_182 = arith.constant 0.000000e+00 : f32
      %broadcast_in_dim3A_183 = vector.broadcast %broadcast_in_dim3A_182 : f32 to vector<16xf32>
      %swap3A_184 = arith.constant 0 : i32
      %swap3A_185 = arith.index_cast %swap3A_184 : i32 to index
      %swap3A_186 = arith.index_cast %scan3A_160 : i32 to index
      %swap3A_187 = arith.constant 48 : index
      %swap3A_188 = tpu.vector_load %arg9[%swap3A_185, %swap3A_186, %swap3A_187] {strides = array<i32>} : memref<4x64x128xf32, #tpu.memory_space<vmem>>, vector<16xf32>,
      tpu.vector_store %arg9[%swap3A_185, %swap3A_186, %swap3A_187], %broadcast_in_dim3A_183 {strides = array<i32>} : memref<4x64x128xf32, #tpu.memory_space<vmem>>, vector<16xf32>,
      %broadcast_in_dim3A_189 = arith.constant 0.000000e+00 : f32
      %broadcast_in_dim3A_190 = vector.broadcast %broadcast_in_dim3A_189 : f32 to vector<16xf32>
      %swap3A_191 = arith.constant 0 : i32
      %swap3A_192 = arith.index_cast %swap3A_191 : i32 to index
      %swap3A_193 = arith.index_cast %scan3A_160 : i32 to index
      %swap3A_194 = arith.constant 64 : index
      %swap3A_195 = tpu.vector_load %arg9[%swap3A_192, %swap3A_193, %swap3A_194] {strides = array<i32>} : memref<4x64x128xf32, #tpu.memory_space<vmem>>, vector<16xf32>,
      tpu.vector_store %arg9[%swap3A_192, %swap3A_193, %swap3A_194], %broadcast_in_dim3A_190 {strides = array<i32>} : memref<4x64x128xf32, #tpu.memory_space<vmem>>, vector<16xf32>,
      %broadcast_in_dim3A_196 = arith.constant 0.000000e+00 : f32
      %broadcast_in_dim3A_197 = vector.broadcast %broadcast_in_dim3A_196 : f32 to vector<16xf32>
      %swap3A_198 = arith.constant 0 : i32
      %swap3A_199 = arith.index_cast %swap3A_198 : i32 to index
      %swap3A_200 = arith.index_cast %scan3A_160 : i32 to index
      %swap3A_201 = arith.constant 80 : index
      %swap3A_202 = tpu.vector_load %arg9[%swap3A_199, %swap3A_200, %swap3A_201] {strides = array<i32>} : memref<4x64x128xf32, #tpu.memory_space<vmem>>, vector<16xf32>,
      tpu.vector_store %arg9[%swap3A_199, %swap3A_200, %swap3A_201], %broadcast_in_dim3A_197 {strides = array<i32>} : memref<4x64x128xf32, #tpu.memory_space<vmem>>, vector<16xf32>,
      %broadcast_in_dim3A_203 = arith.constant 0.000000e+00 : f32
      %broadcast_in_dim3A_204 = vector.broadcast %broadcast_in_dim3A_203 : f32 to vector<16xf32>
      %swap3A_205 = arith.constant 0 : i32
      %swap3A_206 = arith.index_cast %swap3A_205 : i32 to index
      %swap3A_207 = arith.index_cast %scan3A_160 : i32 to index
      %swap3A_208 = arith.constant 96 : index
      %swap3A_209 = tpu.vector_load %arg9[%swap3A_206, %swap3A_207, %swap3A_208] {strides = array<i32>} : memref<4x64x128xf32, #tpu.memory_space<vmem>>, vector<16xf32>,
      tpu.vector_store %arg9[%swap3A_206, %swap3A_207, %swap3A_208], %broadcast_in_dim3A_204 {strides = array<i32>} : memref<4x64x128xf32, #tpu.memory_space<vmem>>, vector<16xf32>,
      %broadcast_in_dim3A_210 = arith.constant 0.000000e+00 : f32
      %broadcast_in_dim3A_211 = vector.broadcast %broadcast_in_dim3A_210 : f32 to vector<16xf32>
      %swap3A_212 = arith.constant 0 : i32
      %swap3A_213 = arith.index_cast %swap3A_212 : i32 to index
      %swap3A_214 = arith.index_cast %scan3A_160 : i32 to index
      %swap3A_215 = arith.constant 112 : index
      %swap3A_216 = tpu.vector_load %arg9[%swap3A_213, %swap3A_214, %swap3A_215] {strides = array<i32>} : memref<4x64x128xf32, #tpu.memory_space<vmem>>, vector<16xf32>,
      tpu.vector_store %arg9[%swap3A_213, %swap3A_214, %swap3A_215], %broadcast_in_dim3A_211 {strides = array<i32>} : memref<4x64x128xf32, #tpu.memory_space<vmem>>, vector<16xf32>,
    }
    %scan3A_4 = arith.constant 64 : i32
    %scan3A_5 = arith.constant 0 : i32
    %scan3A_6 = arith.constant 0 : i32
    %scan3A_7 = arith.constant 80 : i32
    %scan3A_8 = arith.addi %scan3A_6, %scan3A_7 : i32
    %scan3A_9 = arith.constant 1 : i32
    scf.for %scan3A_160 = %scan3A_6 to %scan3A_8 step %scan3A_9  : i32 {
      %broadcast_in_dim3A_161 = arith.constant 0.000000e+00 : f32
      %broadcast_in_dim3A_162 = vector.broadcast %broadcast_in_dim3A_161 : f32 to vector<16xf32>
      %swap3A_163 = arith.index_cast %scan3A_160 : i32 to index
      %swap3A_164 = arith.constant 0 : index
      %swap3A_165 = tpu.vector_load %arg10[%swap3A_163, %swap3A_164] {strides = array<i32>} : memref<80x128xf32, #tpu.memory_space<vmem>>, vector<16xf32>,
      tpu.vector_store %arg10[%swap3A_163, %swap3A_164], %broadcast_in_dim3A_162 {strides = array<i32>} : memref<80x128xf32, #tpu.memory_space<vmem>>, vector<16xf32>,
      %broadcast_in_dim3A_166 = arith.constant 0.000000e+00 : f32
      %broadcast_in_dim3A_167 = vector.broadcast %broadcast_in_dim3A_166 : f32 to vector<16xf32>
      %swap3A_168 = arith.index_cast %scan3A_160 : i32 to index
      %swap3A_169 = arith.constant 16 : index
      %swap3A_170 = tpu.vector_load %arg10[%swap3A_168, %swap3A_169] {strides = array<i32>} : memref<80x128xf32, #tpu.memory_space<vmem>>, vector<16xf32>,
      tpu.vector_store %arg10[%swap3A_168, %swap3A_169], %broadcast_in_dim3A_167 {strides = array<i32>} : memref<80x128xf32, #tpu.memory_space<vmem>>, vector<16xf32>,
      %broadcast_in_dim3A_171 = arith.constant 0.000000e+00 : f32
      %broadcast_in_dim3A_172 = vector.broadcast %broadcast_in_dim3A_171 : f32 to vector<16xf32>
      %swap3A_173 = arith.index_cast %scan3A_160 : i32 to index
      %swap3A_174 = arith.constant 32 : index
      %swap3A_175 = tpu.vector_load %arg10[%swap3A_173, %swap3A_174] {strides = array<i32>} : memref<80x128xf32, #tpu.memory_space<vmem>>, vector<16xf32>,
      tpu.vector_store %arg10[%swap3A_173, %swap3A_174], %broadcast_in_dim3A_172 {strides = array<i32>} : memref<80x128xf32, #tpu.memory_space<vmem>>, vector<16xf32>,
      %broadcast_in_dim3A_176 = arith.constant 0.000000e+00 : f32
      %broadcast_in_dim3A_177 = vector.broadcast %broadcast_in_dim3A_176 : f32 to vector<16xf32>
      %swap3A_178 = arith.index_cast %scan3A_160 : i32 to index
      %swap3A_179 = arith.constant 48 : index
      %swap3A_180 = tpu.vector_load %arg10[%swap3A_178, %swap3A_179] {strides = array<i32>} : memref<80x128xf32, #tpu.memory_space<vmem>>, vector<16xf32>,
      tpu.vector_store %arg10[%swap3A_178, %swap3A_179], %broadcast_in_dim3A_177 {strides = array<i32>} : memref<80x128xf32, #tpu.memory_space<vmem>>, vector<16xf32>,
      %broadcast_in_dim3A_181 = arith.constant 0.000000e+00 : f32
      %broadcast_in_dim3A_182 = vector.broadcast %broadcast_in_dim3A_181 : f32 to vector<16xf32>
      %swap3A_183 = arith.index_cast %scan3A_160 : i32 to index
      %swap3A_184 = arith.constant 64 : index
      %swap3A_185 = tpu.vector_load %arg10[%swap3A_183, %swap3A_184] {strides = array<i32>} : memref<80x128xf32, #tpu.memory_space<vmem>>, vector<16xf32>,
      tpu.vector_store %arg10[%swap3A_183, %swap3A_184], %broadcast_in_dim3A_182 {strides = array<i32>} : memref<80x128xf32, #tpu.memory_space<vmem>>, vector<16xf32>,
      %broadcast_in_dim3A_186 = arith.constant 0.000000e+00 : f32
      %broadcast_in_dim3A_187 = vector.broadcast %broadcast_in_dim3A_186 : f32 to vector<16xf32>
      %swap3A_188 = arith.index_cast %scan3A_160 : i32 to index
      %swap3A_189 = arith.constant 80 : index
      %swap3A_190 = tpu.vector_load %arg10[%swap3A_188, %swap3A_189] {strides = array<i32>} : memref<80x128xf32, #tpu.memory_space<vmem>>, vector<16xf32>,
      tpu.vector_store %arg10[%swap3A_188, %swap3A_189], %broadcast_in_dim3A_187 {strides = array<i32>} : memref<80x128xf32, #tpu.memory_space<vmem>>, vector<16xf32>,
      %broadcast_in_dim3A_191 = arith.constant 0.000000e+00 : f32
      %broadcast_in_dim3A_192 = vector.broadcast %broadcast_in_dim3A_191 : f32 to vector<16xf32>
      %swap3A_193 = arith.index_cast %scan3A_160 : i32 to index
      %swap3A_194 = arith.constant 96 : index
      %swap3A_195 = tpu.vector_load %arg10[%swap3A_193, %swap3A_194] {strides = array<i32>} : memref<80x128xf32, #tpu.memory_space<vmem>>, vector<16xf32>,
      tpu.vector_store %arg10[%swap3A_193, %swap3A_194], %broadcast_in_dim3A_192 {strides = array<i32>} : memref<80x128xf32, #tpu.memory_space<vmem>>, vector<16xf32>,
      %broadcast_in_dim3A_196 = arith.constant 0.000000e+00 : f32
      %broadcast_in_dim3A_197 = vector.broadcast %broadcast_in_dim3A_196 : f32 to vector<16xf32>
      %swap3A_198 = arith.index_cast %scan3A_160 : i32 to index
      %swap3A_199 = arith.constant 112 : index
      %swap3A_200 = tpu.vector_load %arg10[%swap3A_198, %swap3A_199] {strides = array<i32>} : memref<80x128xf32, #tpu.memory_space<vmem>>, vector<16xf32>,
      tpu.vector_store %arg10[%swap3A_198, %swap3A_199], %broadcast_in_dim3A_197 {strides = array<i32>} : memref<80x128xf32, #tpu.memory_space<vmem>>, vector<16xf32>,
    }
    %scan3A_10 = arith.constant 80 : i32
    %iota3A = tpu.iota {dimensions = array<i32: 0>} : vector<16xi32>
    %add3A = arith.constant 0 : i32
    %add3A_11 = vector.broadcast %add3A : i32 to vector<16xi32>
    %add3A_12 = arith.addi %iota3A, %add3A_11 : vector<16xi32>
    %swap3A = arith.constant 0 : i32
    %swap3A_13 = arith.index_cast %swap3A : i32 to index
    %swap3A_14 = arith.constant 0 : index
    %swap3A_15 = tpu.vector_load %arg11[%swap3A_13, %swap3A_14] {strides = array<i32>} : memref<1x80xi32, #tpu.memory_space<vmem>>, vector<16xi32>,
    tpu.vector_store %arg11[%swap3A_13, %swap3A_14], %add3A_12 {strides = array<i32>} : memref<1x80xi32, #tpu.memory_space<vmem>>, vector<16xi32>,
    %iota3A_16 = tpu.iota {dimensions = array<i32: 0>} : vector<16xi32>
    %add3A_17 = arith.constant 16 : i32
    %add3A_18 = vector.broadcast %add3A_17 : i32 to vector<16xi32>
    %add3A_19 = arith.addi %iota3A_16, %add3A_18 : vector<16xi32>
    %swap3A_20 = arith.constant 0 : i32
    %swap3A_21 = arith.index_cast %swap3A_20 : i32 to index
    %swap3A_22 = arith.constant 16 : index
    %swap3A_23 = tpu.vector_load %arg11[%swap3A_21, %swap3A_22] {strides = array<i32>} : memref<1x80xi32, #tpu.memory_space<vmem>>, vector<16xi32>,
    tpu.vector_store %arg11[%swap3A_21, %swap3A_22], %add3A_19 {strides = array<i32>} : memref<1x80xi32, #tpu.memory_space<vmem>>, vector<16xi32>,
    %iota3A_24 = tpu.iota {dimensions = array<i32: 0>} : vector<16xi32>
    %add3A_25 = arith.constant 32 : i32
    %add3A_26 = vector.broadcast %add3A_25 : i32 to vector<16xi32>
    %add3A_27 = arith.addi %iota3A_24, %add3A_26 : vector<16xi32>
    %swap3A_28 = arith.constant 0 : i32
    %swap3A_29 = arith.index_cast %swap3A_28 : i32 to index
    %swap3A_30 = arith.constant 32 : index
    %swap3A_31 = tpu.vector_load %arg11[%swap3A_29, %swap3A_30] {strides = array<i32>} : memref<1x80xi32, #tpu.memory_space<vmem>>, vector<16xi32>,
    tpu.vector_store %arg11[%swap3A_29, %swap3A_30], %add3A_27 {strides = array<i32>} : memref<1x80xi32, #tpu.memory_space<vmem>>, vector<16xi32>,
    %iota3A_32 = tpu.iota {dimensions = array<i32: 0>} : vector<16xi32>
    %add3A_33 = arith.constant 48 : i32
    %add3A_34 = vector.broadcast %add3A_33 : i32 to vector<16xi32>
    %add3A_35 = arith.addi %iota3A_32, %add3A_34 : vector<16xi32>
    %swap3A_36 = arith.constant 0 : i32
    %swap3A_37 = arith.index_cast %swap3A_36 : i32 to index
    %swap3A_38 = arith.constant 48 : index
    %swap3A_39 = tpu.vector_load %arg11[%swap3A_37, %swap3A_38] {strides = array<i32>} : memref<1x80xi32, #tpu.memory_space<vmem>>, vector<16xi32>,
    tpu.vector_store %arg11[%swap3A_37, %swap3A_38], %add3A_35 {strides = array<i32>} : memref<1x80xi32, #tpu.memory_space<vmem>>, vector<16xi32>,
    %iota3A_40 = tpu.iota {dimensions = array<i32: 0>} : vector<16xi32>
    %add3A_41 = arith.constant 64 : i32
    %add3A_42 = vector.broadcast %add3A_41 : i32 to vector<16xi32>
    %add3A_43 = arith.addi %iota3A_40, %add3A_42 : vector<16xi32>
    %swap3A_44 = arith.constant 0 : i32
    %swap3A_45 = arith.index_cast %swap3A_44 : i32 to index
    %swap3A_46 = arith.constant 64 : index
    %swap3A_47 = tpu.vector_load %arg11[%swap3A_45, %swap3A_46] {strides = array<i32>} : memref<1x80xi32, #tpu.memory_space<vmem>>, vector<16xi32>,
    tpu.vector_store %arg11[%swap3A_45, %swap3A_46], %add3A_43 {strides = array<i32>} : memref<1x80xi32, #tpu.memory_space<vmem>>, vector<16xi32>,
    %mul3A = arith.constant 632 : i32
    %mul3A_48 = arith.muli %arg1, %mul3A : i32
    %add3A_49 = arith.constant 0 : i32
    %add3A_50 = arith.addi %mul3A_48, %add3A_49 : i32
    %run_scoped3A = arith.constant 0 : i32
    "tpu.region"() ({
      %run_scoped3A_160 = tpu.sem_alloc : memref<!tpu.dma_semaphore, #tpu.memory_space<semaphore_mem>>
      %dma_start3A = arith.constant 0 : i32
      %dma_start3A_161 = arith.constant 0 : i32
      %dma_start3A_162 = tpu.memref_slice %arg9[%run_scoped3A, %dma_start3A, %dma_start3A_161] : memref<4x64x128xf32, #tpu.memory_space<vmem>> -> memref<1x64x128xf32, #tpu.memory_space<vmem>>
      %dma_start3A_163 = tpu.memref_squeeze %dma_start3A_162 : memref<1x64x128xf32, #tpu.memory_space<vmem>> -> memref<64x128xf32, #tpu.memory_space<vmem>>
      %dma_start3A_164 = arith.constant 0 : i32
      %dma_start3A_165 = tpu.memref_slice %arg12[%add3A_50, %dma_start3A_164] : memref<10112x128xf32, #tpu.memory_space<vmem_shared>> -> memref<64x128xf32, #tpu.memory_space<vmem_shared>>
      %dma_start3A_166 = arith.constant 0 : i32
      %dma_start3A_167 = tpu.memref_slice %arg12[%add3A_50, %dma_start3A_166] : memref<10112x128xf32, #tpu.memory_space<vmem_shared>> -> memref<64x128xf32, #tpu.memory_space<vmem_shared>>
      %dma_start3A_168 = arith.constant 0 : i32
      %dma_start3A_169 = arith.constant 0 : i32
      %dma_start3A_170 = tpu.memref_slice %arg9[%run_scoped3A, %dma_start3A_168, %dma_start3A_169] : memref<4x64x128xf32, #tpu.memory_space<vmem>> -> memref<1x64x128xf32, #tpu.memory_space<vmem>>
      %dma_start3A_171 = tpu.memref_squeeze %dma_start3A_170 : memref<1x64x128xf32, #tpu.memory_space<vmem>> -> memref<64x128xf32, #tpu.memory_space<vmem>>
      tpu.enqueue_dma source(%dma_start3A_171 : memref<64x128xf32, #tpu.memory_space<vmem>>) target(%dma_start3A_167 : memref<64x128xf32, #tpu.memory_space<vmem_shared>>) target_semaphore(%run_scoped3A_160 : memref<!tpu.dma_semaphore, #tpu.memory_space<semaphore_mem>>)
      %dma_wait3A = arith.constant 0 : i32
      %dma_wait3A_172 = arith.constant 0 : i32
      %dma_wait3A_173 = tpu.memref_slice %arg9[%run_scoped3A, %dma_wait3A, %dma_wait3A_172] : memref<4x64x128xf32, #tpu.memory_space<vmem>> -> memref<1x64x128xf32, #tpu.memory_space<vmem>>
      %dma_wait3A_174 = tpu.memref_squeeze %dma_wait3A_173 : memref<1x64x128xf32, #tpu.memory_space<vmem>> -> memref<64x128xf32, #tpu.memory_space<vmem>>
      %dma_wait3A_175 = arith.constant 0 : i32
      %dma_wait3A_176 = tpu.memref_slice %arg12[%add3A_50, %dma_wait3A_175] : memref<10112x128xf32, #tpu.memory_space<vmem_shared>> -> memref<64x128xf32, #tpu.memory_space<vmem_shared>>
      %dma_wait3A_177 = arith.constant 0 : i32
      %dma_wait3A_178 = tpu.memref_slice %arg12[%add3A_50, %dma_wait3A_177] : memref<10112x128xf32, #tpu.memory_space<vmem_shared>> -> memref<64x128xf32, #tpu.memory_space<vmem_shared>>
      %dma_wait3A_179 = arith.constant 0 : i32
      %dma_wait3A_180 = arith.constant 0 : i32
      %dma_wait3A_181 = tpu.memref_slice %arg9[%run_scoped3A, %dma_wait3A_179, %dma_wait3A_180] : memref<4x64x128xf32, #tpu.memory_space<vmem>> -> memref<1x64x128xf32, #tpu.memory_space<vmem>>
      %dma_wait3A_182 = tpu.memref_squeeze %dma_wait3A_181 : memref<1x64x128xf32, #tpu.memory_space<vmem>> -> memref<64x128xf32, #tpu.memory_space<vmem>>
      tpu.wait_dma2 semaphore(%run_scoped3A_160 : memref<!tpu.dma_semaphore, #tpu.memory_space<semaphore_mem>>) src(%dma_wait3A_182 : memref<64x128xf32, #tpu.memory_space<vmem>>) dst(%dma_wait3A_178 : memref<64x128xf32, #tpu.memory_space<vmem_shared>>)
      tpu.yield
    }) : () -> ()
    %add3A_51 = arith.constant 64 : i32
    %add3A_52 = arith.addi %mul3A_48, %add3A_51 : i32
    %run_scoped3A_53 = arith.constant 0 : i32
    "tpu.region"() ({
      %run_scoped3A_160 = tpu.sem_alloc : memref<!tpu.dma_semaphore, #tpu.memory_space<semaphore_mem>>
      %dma_start3A = arith.constant 0 : i32
      %dma_start3A_161 = arith.constant 0 : i32
      %dma_start3A_162 = tpu.memref_slice %arg9[%run_scoped3A_53, %dma_start3A, %dma_start3A_161] : memref<4x64x128xf32, #tpu.memory_space<vmem>> -> memref<1x64x128xf32, #tpu.memory_space<vmem>>
      %dma_start3A_163 = tpu.memref_squeeze %dma_start3A_162 : memref<1x64x128xf32, #tpu.memory_space<vmem>> -> memref<64x128xf32, #tpu.memory_space<vmem>>
      %dma_start3A_164 = arith.constant 0 : i32
      %dma_start3A_165 = tpu.memref_slice %arg12[%add3A_52, %dma_start3A_164] : memref<10112x128xf32, #tpu.memory_space<vmem_shared>> -> memref<64x128xf32, #tpu.memory_space<vmem_shared>>
      %dma_start3A_166 = arith.constant 0 : i32
      %dma_start3A_167 = tpu.memref_slice %arg12[%add3A_52, %dma_start3A_166] : memref<10112x128xf32, #tpu.memory_space<vmem_shared>> -> memref<64x128xf32, #tpu.memory_space<vmem_shared>>
      %dma_start3A_168 = arith.constant 0 : i32
      %dma_start3A_169 = arith.constant 0 : i32
      %dma_start3A_170 = tpu.memref_slice %arg9[%run_scoped3A_53, %dma_start3A_168, %dma_start3A_169] : memref<4x64x128xf32, #tpu.memory_space<vmem>> -> memref<1x64x128xf32, #tpu.memory_space<vmem>>
      %dma_start3A_171 = tpu.memref_squeeze %dma_start3A_170 : memref<1x64x128xf32, #tpu.memory_space<vmem>> -> memref<64x128xf32, #tpu.memory_space<vmem>>
      tpu.enqueue_dma source(%dma_start3A_171 : memref<64x128xf32, #tpu.memory_space<vmem>>) target(%dma_start3A_167 : memref<64x128xf32, #tpu.memory_space<vmem_shared>>) target_semaphore(%run_scoped3A_160 : memref<!tpu.dma_semaphore, #tpu.memory_space<semaphore_mem>>)
      %dma_wait3A = arith.constant 0 : i32
      %dma_wait3A_172 = arith.constant 0 : i32
      %dma_wait3A_173 = tpu.memref_slice %arg9[%run_scoped3A_53, %dma_wait3A, %dma_wait3A_172] : memref<4x64x128xf32, #tpu.memory_space<vmem>> -> memref<1x64x128xf32, #tpu.memory_space<vmem>>
      %dma_wait3A_174 = tpu.memref_squeeze %dma_wait3A_173 : memref<1x64x128xf32, #tpu.memory_space<vmem>> -> memref<64x128xf32, #tpu.memory_space<vmem>>
      %dma_wait3A_175 = arith.constant 0 : i32
      %dma_wait3A_176 = tpu.memref_slice %arg12[%add3A_52, %dma_wait3A_175] : memref<10112x128xf32, #tpu.memory_space<vmem_shared>> -> memref<64x128xf32, #tpu.memory_space<vmem_shared>>
      %dma_wait3A_177 = arith.constant 0 : i32
      %dma_wait3A_178 = tpu.memref_slice %arg12[%add3A_52, %dma_wait3A_177] : memref<10112x128xf32, #tpu.memory_space<vmem_shared>> -> memref<64x128xf32, #tpu.memory_space<vmem_shared>>
      %dma_wait3A_179 = arith.constant 0 : i32
      %dma_wait3A_180 = arith.constant 0 : i32
      %dma_wait3A_181 = tpu.memref_slice %arg9[%run_scoped3A_53, %dma_wait3A_179, %dma_wait3A_180] : memref<4x64x128xf32, #tpu.memory_space<vmem>> -> memref<1x64x128xf32, #tpu.memory_space<vmem>>
      %dma_wait3A_182 = tpu.memref_squeeze %dma_wait3A_181 : memref<1x64x128xf32, #tpu.memory_space<vmem>> -> memref<64x128xf32, #tpu.memory_space<vmem>>
      tpu.wait_dma2 semaphore(%run_scoped3A_160 : memref<!tpu.dma_semaphore, #tpu.memory_space<semaphore_mem>>) src(%dma_wait3A_182 : memref<64x128xf32, #tpu.memory_space<vmem>>) dst(%dma_wait3A_178 : memref<64x128xf32, #tpu.memory_space<vmem_shared>>)
      tpu.yield
    }) : () -> ()
    %add3A_54 = arith.constant 128 : i32
    %add3A_55 = arith.addi %mul3A_48, %add3A_54 : i32
    %run_scoped3A_56 = arith.constant 0 : i32
    "tpu.region"() ({
      %run_scoped3A_160 = tpu.sem_alloc : memref<!tpu.dma_semaphore, #tpu.memory_space<semaphore_mem>>
      %dma_start3A = arith.constant 0 : i32
      %dma_start3A_161 = arith.constant 0 : i32
      %dma_start3A_162 = tpu.memref_slice %arg9[%run_scoped3A_56, %dma_start3A, %dma_start3A_161] : memref<4x64x128xf32, #tpu.memory_space<vmem>> -> memref<1x64x128xf32, #tpu.memory_space<vmem>>
      %dma_start3A_163 = tpu.memref_squeeze %dma_start3A_162 : memref<1x64x128xf32, #tpu.memory_space<vmem>> -> memref<64x128xf32, #tpu.memory_space<vmem>>
      %dma_start3A_164 = arith.constant 0 : i32
      %dma_start3A_165 = tpu.memref_slice %arg12[%add3A_55, %dma_start3A_164] : memref<10112x128xf32, #tpu.memory_space<vmem_shared>> -> memref<64x128xf32, #tpu.memory_space<vmem_shared>>
      %dma_start3A_166 = arith.constant 0 : i32
      %dma_start3A_167 = tpu.memref_slice %arg12[%add3A_55, %dma_start3A_166] : memref<10112x128xf32, #tpu.memory_space<vmem_shared>> -> memref<64x128xf32, #tpu.memory_space<vmem_shared>>
      %dma_start3A_168 = arith.constant 0 : i32
      %dma_start3A_169 = arith.constant 0 : i32
      %dma_start3A_170 = tpu.memref_slice %arg9[%run_scoped3A_56, %dma_start3A_168, %dma_start3A_169] : memref<4x64x128xf32, #tpu.memory_space<vmem>> -> memref<1x64x128xf32, #tpu.memory_space<vmem>>
      %dma_start3A_171 = tpu.memref_squeeze %dma_start3A_170 : memref<1x64x128xf32, #tpu.memory_space<vmem>> -> memref<64x128xf32, #tpu.memory_space<vmem>>
      tpu.enqueue_dma source(%dma_start3A_171 : memref<64x128xf32, #tpu.memory_space<vmem>>) target(%dma_start3A_167 : memref<64x128xf32, #tpu.memory_space<vmem_shared>>) target_semaphore(%run_scoped3A_160 : memref<!tpu.dma_semaphore, #tpu.memory_space<semaphore_mem>>)
      %dma_wait3A = arith.constant 0 : i32
      %dma_wait3A_172 = arith.constant 0 : i32
      %dma_wait3A_173 = tpu.memref_slice %arg9[%run_scoped3A_56, %dma_wait3A, %dma_wait3A_172] : memref<4x64x128xf32, #tpu.memory_space<vmem>> -> memref<1x64x128xf32, #tpu.memory_space<vmem>>
      %dma_wait3A_174 = tpu.memref_squeeze %dma_wait3A_173 : memref<1x64x128xf32, #tpu.memory_space<vmem>> -> memref<64x128xf32, #tpu.memory_space<vmem>>
      %dma_wait3A_175 = arith.constant 0 : i32
      %dma_wait3A_176 = tpu.memref_slice %arg12[%add3A_55, %dma_wait3A_175] : memref<10112x128xf32, #tpu.memory_space<vmem_shared>> -> memref<64x128xf32, #tpu.memory_space<vmem_shared>>
      %dma_wait3A_177 = arith.constant 0 : i32
      %dma_wait3A_178 = tpu.memref_slice %arg12[%add3A_55, %dma_wait3A_177] : memref<10112x128xf32, #tpu.memory_space<vmem_shared>> -> memref<64x128xf32, #tpu.memory_space<vmem_shared>>
      %dma_wait3A_179 = arith.constant 0 : i32
      %dma_wait3A_180 = arith.constant 0 : i32
      %dma_wait3A_181 = tpu.memref_slice %arg9[%run_scoped3A_56, %dma_wait3A_179, %dma_wait3A_180] : memref<4x64x128xf32, #tpu.memory_space<vmem>> -> memref<1x64x128xf32, #tpu.memory_space<vmem>>
      %dma_wait3A_182 = tpu.memref_squeeze %dma_wait3A_181 : memref<1x64x128xf32, #tpu.memory_space<vmem>> -> memref<64x128xf32, #tpu.memory_space<vmem>>
      tpu.wait_dma2 semaphore(%run_scoped3A_160 : memref<!tpu.dma_semaphore, #tpu.memory_space<semaphore_mem>>) src(%dma_wait3A_182 : memref<64x128xf32, #tpu.memory_space<vmem>>) dst(%dma_wait3A_178 : memref<64x128xf32, #tpu.memory_space<vmem_shared>>)
      tpu.yield
    }) : () -> ()
    %add3A_57 = arith.constant 192 : i32
    %add3A_58 = arith.addi %mul3A_48, %add3A_57 : i32
    %run_scoped3A_59 = arith.constant 0 : i32
    "tpu.region"() ({
      %run_scoped3A_160 = tpu.sem_alloc : memref<!tpu.dma_semaphore, #tpu.memory_space<semaphore_mem>>
      %dma_start3A = arith.constant 0 : i32
      %dma_start3A_161 = arith.constant 0 : i32
      %dma_start3A_162 = tpu.memref_slice %arg9[%run_scoped3A_59, %dma_start3A, %dma_start3A_161] : memref<4x64x128xf32, #tpu.memory_space<vmem>> -> memref<1x64x128xf32, #tpu.memory_space<vmem>>
      %dma_start3A_163 = tpu.memref_squeeze %dma_start3A_162 : memref<1x64x128xf32, #tpu.memory_space<vmem>> -> memref<64x128xf32, #tpu.memory_space<vmem>>
      %dma_start3A_164 = arith.constant 0 : i32
      %dma_start3A_165 = tpu.memref_slice %arg12[%add3A_58, %dma_start3A_164] : memref<10112x128xf32, #tpu.memory_space<vmem_shared>> -> memref<64x128xf32, #tpu.memory_space<vmem_shared>>
      %dma_start3A_166 = arith.constant 0 : i32
      %dma_start3A_167 = tpu.memref_slice %arg12[%add3A_58, %dma_start3A_166] : memref<10112x128xf32, #tpu.memory_space<vmem_shared>> -> memref<64x128xf32, #tpu.memory_space<vmem_shared>>
      %dma_start3A_168 = arith.constant 0 : i32
      %dma_start3A_169 = arith.constant 0 : i32
      %dma_start3A_170 = tpu.memref_slice %arg9[%run_scoped3A_59, %dma_start3A_168, %dma_start3A_169] : memref<4x64x128xf32, #tpu.memory_space<vmem>> -> memref<1x64x128xf32, #tpu.memory_space<vmem>>
      %dma_start3A_171 = tpu.memref_squeeze %dma_start3A_170 : memref<1x64x128xf32, #tpu.memory_space<vmem>> -> memref<64x128xf32, #tpu.memory_space<vmem>>
      tpu.enqueue_dma source(%dma_start3A_171 : memref<64x128xf32, #tpu.memory_space<vmem>>) target(%dma_start3A_167 : memref<64x128xf32, #tpu.memory_space<vmem_shared>>) target_semaphore(%run_scoped3A_160 : memref<!tpu.dma_semaphore, #tpu.memory_space<semaphore_mem>>)
      %dma_wait3A = arith.constant 0 : i32
      %dma_wait3A_172 = arith.constant 0 : i32
      %dma_wait3A_173 = tpu.memref_slice %arg9[%run_scoped3A_59, %dma_wait3A, %dma_wait3A_172] : memref<4x64x128xf32, #tpu.memory_space<vmem>> -> memref<1x64x128xf32, #tpu.memory_space<vmem>>
      %dma_wait3A_174 = tpu.memref_squeeze %dma_wait3A_173 : memref<1x64x128xf32, #tpu.memory_space<vmem>> -> memref<64x128xf32, #tpu.memory_space<vmem>>
      %dma_wait3A_175 = arith.constant 0 : i32
      %dma_wait3A_176 = tpu.memref_slice %arg12[%add3A_58, %dma_wait3A_175] : memref<10112x128xf32, #tpu.memory_space<vmem_shared>> -> memref<64x128xf32, #tpu.memory_space<vmem_shared>>
      %dma_wait3A_177 = arith.constant 0 : i32
      %dma_wait3A_178 = tpu.memref_slice %arg12[%add3A_58, %dma_wait3A_177] : memref<10112x128xf32, #tpu.memory_space<vmem_shared>> -> memref<64x128xf32, #tpu.memory_space<vmem_shared>>
      %dma_wait3A_179 = arith.constant 0 : i32
      %dma_wait3A_180 = arith.constant 0 : i32
      %dma_wait3A_181 = tpu.memref_slice %arg9[%run_scoped3A_59, %dma_wait3A_179, %dma_wait3A_180] : memref<4x64x128xf32, #tpu.memory_space<vmem>> -> memref<1x64x128xf32, #tpu.memory_space<vmem>>
      %dma_wait3A_182 = tpu.memref_squeeze %dma_wait3A_181 : memref<1x64x128xf32, #tpu.memory_space<vmem>> -> memref<64x128xf32, #tpu.memory_space<vmem>>
      tpu.wait_dma2 semaphore(%run_scoped3A_160 : memref<!tpu.dma_semaphore, #tpu.memory_space<semaphore_mem>>) src(%dma_wait3A_182 : memref<64x128xf32, #tpu.memory_space<vmem>>) dst(%dma_wait3A_178 : memref<64x128xf32, #tpu.memory_space<vmem_shared>>)
      tpu.yield
    }) : () -> ()
    %add3A_60 = arith.constant 256 : i32
    %add3A_61 = arith.addi %mul3A_48, %add3A_60 : i32
    %run_scoped3A_62 = arith.constant 0 : i32
    "tpu.region"() ({
      %run_scoped3A_160 = tpu.sem_alloc : memref<!tpu.dma_semaphore, #tpu.memory_space<semaphore_mem>>
      %dma_start3A = arith.constant 0 : i32
      %dma_start3A_161 = arith.constant 0 : i32
      %dma_start3A_162 = tpu.memref_slice %arg9[%run_scoped3A_62, %dma_start3A, %dma_start3A_161] : memref<4x64x128xf32, #tpu.memory_space<vmem>> -> memref<1x64x128xf32, #tpu.memory_space<vmem>>
      %dma_start3A_163 = tpu.memref_squeeze %dma_start3A_162 : memref<1x64x128xf32, #tpu.memory_space<vmem>> -> memref<64x128xf32, #tpu.memory_space<vmem>>
      %dma_start3A_164 = arith.constant 0 : i32
      %dma_start3A_165 = tpu.memref_slice %arg12[%add3A_61, %dma_start3A_164] : memref<10112x128xf32, #tpu.memory_space<vmem_shared>> -> memref<64x128xf32, #tpu.memory_space<vmem_shared>>
      %dma_start3A_166 = arith.constant 0 : i32
      %dma_start3A_167 = tpu.memref_slice %arg12[%add3A_61, %dma_start3A_166] : memref<10112x128xf32, #tpu.memory_space<vmem_shared>> -> memref<64x128xf32, #tpu.memory_space<vmem_shared>>
      %dma_start3A_168 = arith.constant 0 : i32
      %dma_start3A_169 = arith.constant 0 : i32
      %dma_start3A_170 = tpu.memref_slice %arg9[%run_scoped3A_62, %dma_start3A_168, %dma_start3A_169] : memref<4x64x128xf32, #tpu.memory_space<vmem>> -> memref<1x64x128xf32, #tpu.memory_space<vmem>>
      %dma_start3A_171 = tpu.memref_squeeze %dma_start3A_170 : memref<1x64x128xf32, #tpu.memory_space<vmem>> -> memref<64x128xf32, #tpu.memory_space<vmem>>
      tpu.enqueue_dma source(%dma_start3A_171 : memref<64x128xf32, #tpu.memory_space<vmem>>) target(%dma_start3A_167 : memref<64x128xf32, #tpu.memory_space<vmem_shared>>) target_semaphore(%run_scoped3A_160 : memref<!tpu.dma_semaphore, #tpu.memory_space<semaphore_mem>>)
      %dma_wait3A = arith.constant 0 : i32
      %dma_wait3A_172 = arith.constant 0 : i32
      %dma_wait3A_173 = tpu.memref_slice %arg9[%run_scoped3A_62, %dma_wait3A, %dma_wait3A_172] : memref<4x64x128xf32, #tpu.memory_space<vmem>> -> memref<1x64x128xf32, #tpu.memory_space<vmem>>
      %dma_wait3A_174 = tpu.memref_squeeze %dma_wait3A_173 : memref<1x64x128xf32, #tpu.memory_space<vmem>> -> memref<64x128xf32, #tpu.memory_space<vmem>>
      %dma_wait3A_175 = arith.constant 0 : i32
      %dma_wait3A_176 = tpu.memref_slice %arg12[%add3A_61, %dma_wait3A_175] : memref<10112x128xf32, #tpu.memory_space<vmem_shared>> -> memref<64x128xf32, #tpu.memory_space<vmem_shared>>
      %dma_wait3A_177 = arith.constant 0 : i32
      %dma_wait3A_178 = tpu.memref_slice %arg12[%add3A_61, %dma_wait3A_177] : memref<10112x128xf32, #tpu.memory_space<vmem_shared>> -> memref<64x128xf32, #tpu.memory_space<vmem_shared>>
      %dma_wait3A_179 = arith.constant 0 : i32
      %dma_wait3A_180 = arith.constant 0 : i32
      %dma_wait3A_181 = tpu.memref_slice %arg9[%run_scoped3A_62, %dma_wait3A_179, %dma_wait3A_180] : memref<4x64x128xf32, #tpu.memory_space<vmem>> -> memref<1x64x128xf32, #tpu.memory_space<vmem>>
      %dma_wait3A_182 = tpu.memref_squeeze %dma_wait3A_181 : memref<1x64x128xf32, #tpu.memory_space<vmem>> -> memref<64x128xf32, #tpu.memory_space<vmem>>
      tpu.wait_dma2 semaphore(%run_scoped3A_160 : memref<!tpu.dma_semaphore, #tpu.memory_space<semaphore_mem>>) src(%dma_wait3A_182 : memref<64x128xf32, #tpu.memory_space<vmem>>) dst(%dma_wait3A_178 : memref<64x128xf32, #tpu.memory_space<vmem_shared>>)
      tpu.yield
    }) : () -> ()
    %add3A_63 = arith.constant 320 : i32
    %add3A_64 = arith.addi %mul3A_48, %add3A_63 : i32
    %run_scoped3A_65 = arith.constant 0 : i32
    "tpu.region"() ({
      %run_scoped3A_160 = tpu.sem_alloc : memref<!tpu.dma_semaphore, #tpu.memory_space<semaphore_mem>>
      %dma_start3A = arith.constant 0 : i32
      %dma_start3A_161 = arith.constant 0 : i32
      %dma_start3A_162 = tpu.memref_slice %arg9[%run_scoped3A_65, %dma_start3A, %dma_start3A_161] : memref<4x64x128xf32, #tpu.memory_space<vmem>> -> memref<1x64x128xf32, #tpu.memory_space<vmem>>
      %dma_start3A_163 = tpu.memref_squeeze %dma_start3A_162 : memref<1x64x128xf32, #tpu.memory_space<vmem>> -> memref<64x128xf32, #tpu.memory_space<vmem>>
      %dma_start3A_164 = arith.constant 0 : i32
      %dma_start3A_165 = tpu.memref_slice %arg12[%add3A_64, %dma_start3A_164] : memref<10112x128xf32, #tpu.memory_space<vmem_shared>> -> memref<64x128xf32, #tpu.memory_space<vmem_shared>>
      %dma_start3A_166 = arith.constant 0 : i32
      %dma_start3A_167 = tpu.memref_slice %arg12[%add3A_64, %dma_start3A_166] : memref<10112x128xf32, #tpu.memory_space<vmem_shared>> -> memref<64x128xf32, #tpu.memory_space<vmem_shared>>
      %dma_start3A_168 = arith.constant 0 : i32
      %dma_start3A_169 = arith.constant 0 : i32
      %dma_start3A_170 = tpu.memref_slice %arg9[%run_scoped3A_65, %dma_start3A_168, %dma_start3A_169] : memref<4x64x128xf32, #tpu.memory_space<vmem>> -> memref<1x64x128xf32, #tpu.memory_space<vmem>>
      %dma_start3A_171 = tpu.memref_squeeze %dma_start3A_170 : memref<1x64x128xf32, #tpu.memory_space<vmem>> -> memref<64x128xf32, #tpu.memory_space<vmem>>
      tpu.enqueue_dma source(%dma_start3A_171 : memref<64x128xf32, #tpu.memory_space<vmem>>) target(%dma_start3A_167 : memref<64x128xf32, #tpu.memory_space<vmem_shared>>) target_semaphore(%run_scoped3A_160 : memref<!tpu.dma_semaphore, #tpu.memory_space<semaphore_mem>>)
      %dma_wait3A = arith.constant 0 : i32
      %dma_wait3A_172 = arith.constant 0 : i32
      %dma_wait3A_173 = tpu.memref_slice %arg9[%run_scoped3A_65, %dma_wait3A, %dma_wait3A_172] : memref<4x64x128xf32, #tpu.memory_space<vmem>> -> memref<1x64x128xf32, #tpu.memory_space<vmem>>
      %dma_wait3A_174 = tpu.memref_squeeze %dma_wait3A_173 : memref<1x64x128xf32, #tpu.memory_space<vmem>> -> memref<64x128xf32, #tpu.memory_space<vmem>>
      %dma_wait3A_175 = arith.constant 0 : i32
      %dma_wait3A_176 = tpu.memref_slice %arg12[%add3A_64, %dma_wait3A_175] : memref<10112x128xf32, #tpu.memory_space<vmem_shared>> -> memref<64x128xf32, #tpu.memory_space<vmem_shared>>
      %dma_wait3A_177 = arith.constant 0 : i32
      %dma_wait3A_178 = tpu.memref_slice %arg12[%add3A_64, %dma_wait3A_177] : memref<10112x128xf32, #tpu.memory_space<vmem_shared>> -> memref<64x128xf32, #tpu.memory_space<vmem_shared>>
      %dma_wait3A_179 = arith.constant 0 : i32
      %dma_wait3A_180 = arith.constant 0 : i32
      %dma_wait3A_181 = tpu.memref_slice %arg9[%run_scoped3A_65, %dma_wait3A_179, %dma_wait3A_180] : memref<4x64x128xf32, #tpu.memory_space<vmem>> -> memref<1x64x128xf32, #tpu.memory_space<vmem>>
      %dma_wait3A_182 = tpu.memref_squeeze %dma_wait3A_181 : memref<1x64x128xf32, #tpu.memory_space<vmem>> -> memref<64x128xf32, #tpu.memory_space<vmem>>
      tpu.wait_dma2 semaphore(%run_scoped3A_160 : memref<!tpu.dma_semaphore, #tpu.memory_space<semaphore_mem>>) src(%dma_wait3A_182 : memref<64x128xf32, #tpu.memory_space<vmem>>) dst(%dma_wait3A_178 : memref<64x128xf32, #tpu.memory_space<vmem_shared>>)
      tpu.yield
    }) : () -> ()
    %add3A_66 = arith.constant 384 : i32
    %add3A_67 = arith.addi %mul3A_48, %add3A_66 : i32
    %run_scoped3A_68 = arith.constant 0 : i32
    "tpu.region"() ({
      %run_scoped3A_160 = tpu.sem_alloc : memref<!tpu.dma_semaphore, #tpu.memory_space<semaphore_mem>>
      %dma_start3A = arith.constant 0 : i32
      %dma_start3A_161 = arith.constant 0 : i32
      %dma_start3A_162 = tpu.memref_slice %arg9[%run_scoped3A_68, %dma_start3A, %dma_start3A_161] : memref<4x64x128xf32, #tpu.memory_space<vmem>> -> memref<1x64x128xf32, #tpu.memory_space<vmem>>
      %dma_start3A_163 = tpu.memref_squeeze %dma_start3A_162 : memref<1x64x128xf32, #tpu.memory_space<vmem>> -> memref<64x128xf32, #tpu.memory_space<vmem>>
      %dma_start3A_164 = arith.constant 0 : i32
      %dma_start3A_165 = tpu.memref_slice %arg12[%add3A_67, %dma_start3A_164] : memref<10112x128xf32, #tpu.memory_space<vmem_shared>> -> memref<64x128xf32, #tpu.memory_space<vmem_shared>>
      %dma_start3A_166 = arith.constant 0 : i32
      %dma_start3A_167 = tpu.memref_slice %arg12[%add3A_67, %dma_start3A_166] : memref<10112x128xf32, #tpu.memory_space<vmem_shared>> -> memref<64x128xf32, #tpu.memory_space<vmem_shared>>
      %dma_start3A_168 = arith.constant 0 : i32
      %dma_start3A_169 = arith.constant 0 : i32
      %dma_start3A_170 = tpu.memref_slice %arg9[%run_scoped3A_68, %dma_start3A_168, %dma_start3A_169] : memref<4x64x128xf32, #tpu.memory_space<vmem>> -> memref<1x64x128xf32, #tpu.memory_space<vmem>>
      %dma_start3A_171 = tpu.memref_squeeze %dma_start3A_170 : memref<1x64x128xf32, #tpu.memory_space<vmem>> -> memref<64x128xf32, #tpu.memory_space<vmem>>
      tpu.enqueue_dma source(%dma_start3A_171 : memref<64x128xf32, #tpu.memory_space<vmem>>) target(%dma_start3A_167 : memref<64x128xf32, #tpu.memory_space<vmem_shared>>) target_semaphore(%run_scoped3A_160 : memref<!tpu.dma_semaphore, #tpu.memory_space<semaphore_mem>>)
      %dma_wait3A = arith.constant 0 : i32
      %dma_wait3A_172 = arith.constant 0 : i32
      %dma_wait3A_173 = tpu.memref_slice %arg9[%run_scoped3A_68, %dma_wait3A, %dma_wait3A_172] : memref<4x64x128xf32, #tpu.memory_space<vmem>> -> memref<1x64x128xf32, #tpu.memory_space<vmem>>
      %dma_wait3A_174 = tpu.memref_squeeze %dma_wait3A_173 : memref<1x64x128xf32, #tpu.memory_space<vmem>> -> memref<64x128xf32, #tpu.memory_space<vmem>>
      %dma_wait3A_175 = arith.constant 0 : i32
      %dma_wait3A_176 = tpu.memref_slice %arg12[%add3A_67, %dma_wait3A_175] : memref<10112x128xf32, #tpu.memory_space<vmem_shared>> -> memref<64x128xf32, #tpu.memory_space<vmem_shared>>
      %dma_wait3A_177 = arith.constant 0 : i32
      %dma_wait3A_178 = tpu.memref_slice %arg12[%add3A_67, %dma_wait3A_177] : memref<10112x128xf32, #tpu.memory_space<vmem_shared>> -> memref<64x128xf32, #tpu.memory_space<vmem_shared>>
      %dma_wait3A_179 = arith.constant 0 : i32
      %dma_wait3A_180 = arith.constant 0 : i32
      %dma_wait3A_181 = tpu.memref_slice %arg9[%run_scoped3A_68, %dma_wait3A_179, %dma_wait3A_180] : memref<4x64x128xf32, #tpu.memory_space<vmem>> -> memref<1x64x128xf32, #tpu.memory_space<vmem>>
      %dma_wait3A_182 = tpu.memref_squeeze %dma_wait3A_181 : memref<1x64x128xf32, #tpu.memory_space<vmem>> -> memref<64x128xf32, #tpu.memory_space<vmem>>
      tpu.wait_dma2 semaphore(%run_scoped3A_160 : memref<!tpu.dma_semaphore, #tpu.memory_space<semaphore_mem>>) src(%dma_wait3A_182 : memref<64x128xf32, #tpu.memory_space<vmem>>) dst(%dma_wait3A_178 : memref<64x128xf32, #tpu.memory_space<vmem_shared>>)
      tpu.yield
    }) : () -> ()
    %add3A_69 = arith.constant 448 : i32
    %add3A_70 = arith.addi %mul3A_48, %add3A_69 : i32
    %run_scoped3A_71 = arith.constant 0 : i32
    "tpu.region"() ({
      %run_scoped3A_160 = tpu.sem_alloc : memref<!tpu.dma_semaphore, #tpu.memory_space<semaphore_mem>>
      %dma_start3A = arith.constant 0 : i32
      %dma_start3A_161 = arith.constant 0 : i32
      %dma_start3A_162 = tpu.memref_slice %arg9[%run_scoped3A_71, %dma_start3A, %dma_start3A_161] : memref<4x64x128xf32, #tpu.memory_space<vmem>> -> memref<1x64x128xf32, #tpu.memory_space<vmem>>
      %dma_start3A_163 = tpu.memref_squeeze %dma_start3A_162 : memref<1x64x128xf32, #tpu.memory_space<vmem>> -> memref<64x128xf32, #tpu.memory_space<vmem>>
      %dma_start3A_164 = arith.constant 0 : i32
      %dma_start3A_165 = tpu.memref_slice %arg12[%add3A_70, %dma_start3A_164] : memref<10112x128xf32, #tpu.memory_space<vmem_shared>> -> memref<64x128xf32, #tpu.memory_space<vmem_shared>>
      %dma_start3A_166 = arith.constant 0 : i32
      %dma_start3A_167 = tpu.memref_slice %arg12[%add3A_70, %dma_start3A_166] : memref<10112x128xf32, #tpu.memory_space<vmem_shared>> -> memref<64x128xf32, #tpu.memory_space<vmem_shared>>
      %dma_start3A_168 = arith.constant 0 : i32
      %dma_start3A_169 = arith.constant 0 : i32
      %dma_start3A_170 = tpu.memref_slice %arg9[%run_scoped3A_71, %dma_start3A_168, %dma_start3A_169] : memref<4x64x128xf32, #tpu.memory_space<vmem>> -> memref<1x64x128xf32, #tpu.memory_space<vmem>>
      %dma_start3A_171 = tpu.memref_squeeze %dma_start3A_170 : memref<1x64x128xf32, #tpu.memory_space<vmem>> -> memref<64x128xf32, #tpu.memory_space<vmem>>
      tpu.enqueue_dma source(%dma_start3A_171 : memref<64x128xf32, #tpu.memory_space<vmem>>) target(%dma_start3A_167 : memref<64x128xf32, #tpu.memory_space<vmem_shared>>) target_semaphore(%run_scoped3A_160 : memref<!tpu.dma_semaphore, #tpu.memory_space<semaphore_mem>>)
      %dma_wait3A = arith.constant 0 : i32
      %dma_wait3A_172 = arith.constant 0 : i32
      %dma_wait3A_173 = tpu.memref_slice %arg9[%run_scoped3A_71, %dma_wait3A, %dma_wait3A_172] : memref<4x64x128xf32, #tpu.memory_space<vmem>> -> memref<1x64x128xf32, #tpu.memory_space<vmem>>
      %dma_wait3A_174 = tpu.memref_squeeze %dma_wait3A_173 : memref<1x64x128xf32, #tpu.memory_space<vmem>> -> memref<64x128xf32, #tpu.memory_space<vmem>>
      %dma_wait3A_175 = arith.constant 0 : i32
      %dma_wait3A_176 = tpu.memref_slice %arg12[%add3A_70, %dma_wait3A_175] : memref<10112x128xf32, #tpu.memory_space<vmem_shared>> -> memref<64x128xf32, #tpu.memory_space<vmem_shared>>
      %dma_wait3A_177 = arith.constant 0 : i32
      %dma_wait3A_178 = tpu.memref_slice %arg12[%add3A_70, %dma_wait3A_177] : memref<10112x128xf32, #tpu.memory_space<vmem_shared>> -> memref<64x128xf32, #tpu.memory_space<vmem_shared>>
      %dma_wait3A_179 = arith.constant 0 : i32
      %dma_wait3A_180 = arith.constant 0 : i32
      %dma_wait3A_181 = tpu.memref_slice %arg9[%run_scoped3A_71, %dma_wait3A_179, %dma_wait3A_180] : memref<4x64x128xf32, #tpu.memory_space<vmem>> -> memref<1x64x128xf32, #tpu.memory_space<vmem>>
      %dma_wait3A_182 = tpu.memref_squeeze %dma_wait3A_181 : memref<1x64x128xf32, #tpu.memory_space<vmem>> -> memref<64x128xf32, #tpu.memory_space<vmem>>
      tpu.wait_dma2 semaphore(%run_scoped3A_160 : memref<!tpu.dma_semaphore, #tpu.memory_space<semaphore_mem>>) src(%dma_wait3A_182 : memref<64x128xf32, #tpu.memory_space<vmem>>) dst(%dma_wait3A_178 : memref<64x128xf32, #tpu.memory_space<vmem_shared>>)
      tpu.yield
    }) : () -> ()
    %add3A_72 = arith.constant 512 : i32
    %add3A_73 = arith.addi %mul3A_48, %add3A_72 : i32
    %run_scoped3A_74 = arith.constant 0 : i32
    "tpu.region"() ({
      %run_scoped3A_160 = tpu.sem_alloc : memref<!tpu.dma_semaphore, #tpu.memory_space<semaphore_mem>>
      %dma_start3A = arith.constant 0 : i32
      %dma_start3A_161 = arith.constant 0 : i32
      %dma_start3A_162 = tpu.memref_slice %arg9[%run_scoped3A_74, %dma_start3A, %dma_start3A_161] : memref<4x64x128xf32, #tpu.memory_space<vmem>> -> memref<1x64x128xf32, #tpu.memory_space<vmem>>
      %dma_start3A_163 = tpu.memref_squeeze %dma_start3A_162 : memref<1x64x128xf32, #tpu.memory_space<vmem>> -> memref<64x128xf32, #tpu.memory_space<vmem>>
      %dma_start3A_164 = arith.constant 0 : i32
      %dma_start3A_165 = tpu.memref_slice %arg12[%add3A_73, %dma_start3A_164] : memref<10112x128xf32, #tpu.memory_space<vmem_shared>> -> memref<64x128xf32, #tpu.memory_space<vmem_shared>>
      %dma_start3A_166 = arith.constant 0 : i32
      %dma_start3A_167 = tpu.memref_slice %arg12[%add3A_73, %dma_start3A_166] : memref<10112x128xf32, #tpu.memory_space<vmem_shared>> -> memref<64x128xf32, #tpu.memory_space<vmem_shared>>
      %dma_start3A_168 = arith.constant 0 : i32
      %dma_start3A_169 = arith.constant 0 : i32
      %dma_start3A_170 = tpu.memref_slice %arg9[%run_scoped3A_74, %dma_start3A_168, %dma_start3A_169] : memref<4x64x128xf32, #tpu.memory_space<vmem>> -> memref<1x64x128xf32, #tpu.memory_space<vmem>>
      %dma_start3A_171 = tpu.memref_squeeze %dma_start3A_170 : memref<1x64x128xf32, #tpu.memory_space<vmem>> -> memref<64x128xf32, #tpu.memory_space<vmem>>
      tpu.enqueue_dma source(%dma_start3A_171 : memref<64x128xf32, #tpu.memory_space<vmem>>) target(%dma_start3A_167 : memref<64x128xf32, #tpu.memory_space<vmem_shared>>) target_semaphore(%run_scoped3A_160 : memref<!tpu.dma_semaphore, #tpu.memory_space<semaphore_mem>>)
      %dma_wait3A = arith.constant 0 : i32
      %dma_wait3A_172 = arith.constant 0 : i32
      %dma_wait3A_173 = tpu.memref_slice %arg9[%run_scoped3A_74, %dma_wait3A, %dma_wait3A_172] : memref<4x64x128xf32, #tpu.memory_space<vmem>> -> memref<1x64x128xf32, #tpu.memory_space<vmem>>
      %dma_wait3A_174 = tpu.memref_squeeze %dma_wait3A_173 : memref<1x64x128xf32, #tpu.memory_space<vmem>> -> memref<64x128xf32, #tpu.memory_space<vmem>>
      %dma_wait3A_175 = arith.constant 0 : i32
      %dma_wait3A_176 = tpu.memref_slice %arg12[%add3A_73, %dma_wait3A_175] : memref<10112x128xf32, #tpu.memory_space<vmem_shared>> -> memref<64x128xf32, #tpu.memory_space<vmem_shared>>
      %dma_wait3A_177 = arith.constant 0 : i32
      %dma_wait3A_178 = tpu.memref_slice %arg12[%add3A_73, %dma_wait3A_177] : memref<10112x128xf32, #tpu.memory_space<vmem_shared>> -> memref<64x128xf32, #tpu.memory_space<vmem_shared>>
      %dma_wait3A_179 = arith.constant 0 : i32
      %dma_wait3A_180 = arith.constant 0 : i32
      %dma_wait3A_181 = tpu.memref_slice %arg9[%run_scoped3A_74, %dma_wait3A_179, %dma_wait3A_180] : memref<4x64x128xf32, #tpu.memory_space<vmem>> -> memref<1x64x128xf32, #tpu.memory_space<vmem>>
      %dma_wait3A_182 = tpu.memref_squeeze %dma_wait3A_181 : memref<1x64x128xf32, #tpu.memory_space<vmem>> -> memref<64x128xf32, #tpu.memory_space<vmem>>
      tpu.wait_dma2 semaphore(%run_scoped3A_160 : memref<!tpu.dma_semaphore, #tpu.memory_space<semaphore_mem>>) src(%dma_wait3A_182 : memref<64x128xf32, #tpu.memory_space<vmem>>) dst(%dma_wait3A_178 : memref<64x128xf32, #tpu.memory_space<vmem_shared>>)
      tpu.yield
    }) : () -> ()
    %add3A_75 = arith.constant 576 : i32
    %add3A_76 = arith.addi %mul3A_48, %add3A_75 : i32
    %run_scoped3A_77 = arith.constant 0 : i32
    "tpu.region"() ({
      %run_scoped3A_160 = tpu.sem_alloc : memref<!tpu.dma_semaphore, #tpu.memory_space<semaphore_mem>>
      %dma_start3A = arith.constant 0 : i32
      %dma_start3A_161 = arith.constant 0 : i32
      %dma_start3A_162 = tpu.memref_slice %arg9[%run_scoped3A_77, %dma_start3A, %dma_start3A_161] : memref<4x64x128xf32, #tpu.memory_space<vmem>> -> memref<1x56x128xf32, #tpu.memory_space<vmem>>
      %dma_start3A_163 = tpu.memref_squeeze %dma_start3A_162 : memref<1x56x128xf32, #tpu.memory_space<vmem>> -> memref<56x128xf32, #tpu.memory_space<vmem>>
      %dma_start3A_164 = arith.constant 0 : i32
      %dma_start3A_165 = tpu.memref_slice %arg12[%add3A_76, %dma_start3A_164] : memref<10112x128xf32, #tpu.memory_space<vmem_shared>> -> memref<56x128xf32, #tpu.memory_space<vmem_shared>>
      %dma_start3A_166 = arith.constant 0 : i32
      %dma_start3A_167 = tpu.memref_slice %arg12[%add3A_76, %dma_start3A_166] : memref<10112x128xf32, #tpu.memory_space<vmem_shared>> -> memref<56x128xf32, #tpu.memory_space<vmem_shared>>
      %dma_start3A_168 = arith.constant 0 : i32
      %dma_start3A_169 = arith.constant 0 : i32
      %dma_start3A_170 = tpu.memref_slice %arg9[%run_scoped3A_77, %dma_start3A_168, %dma_start3A_169] : memref<4x64x128xf32, #tpu.memory_space<vmem>> -> memref<1x56x128xf32, #tpu.memory_space<vmem>>
      %dma_start3A_171 = tpu.memref_squeeze %dma_start3A_170 : memref<1x56x128xf32, #tpu.memory_space<vmem>> -> memref<56x128xf32, #tpu.memory_space<vmem>>
      tpu.enqueue_dma source(%dma_start3A_171 : memref<56x128xf32, #tpu.memory_space<vmem>>) target(%dma_start3A_167 : memref<56x128xf32, #tpu.memory_space<vmem_shared>>) target_semaphore(%run_scoped3A_160 : memref<!tpu.dma_semaphore, #tpu.memory_space<semaphore_mem>>)
      %dma_wait3A = arith.constant 0 : i32
      %dma_wait3A_172 = arith.constant 0 : i32
      %dma_wait3A_173 = tpu.memref_slice %arg9[%run_scoped3A_77, %dma_wait3A, %dma_wait3A_172] : memref<4x64x128xf32, #tpu.memory_space<vmem>> -> memref<1x56x128xf32, #tpu.memory_space<vmem>>
      %dma_wait3A_174 = tpu.memref_squeeze %dma_wait3A_173 : memref<1x56x128xf32, #tpu.memory_space<vmem>> -> memref<56x128xf32, #tpu.memory_space<vmem>>
      %dma_wait3A_175 = arith.constant 0 : i32
      %dma_wait3A_176 = tpu.memref_slice %arg12[%add3A_76, %dma_wait3A_175] : memref<10112x128xf32, #tpu.memory_space<vmem_shared>> -> memref<56x128xf32, #tpu.memory_space<vmem_shared>>
      %dma_wait3A_177 = arith.constant 0 : i32
      %dma_wait3A_178 = tpu.memref_slice %arg12[%add3A_76, %dma_wait3A_177] : memref<10112x128xf32, #tpu.memory_space<vmem_shared>> -> memref<56x128xf32, #tpu.memory_space<vmem_shared>>
      %dma_wait3A_179 = arith.constant 0 : i32
      %dma_wait3A_180 = arith.constant 0 : i32
      %dma_wait3A_181 = tpu.memref_slice %arg9[%run_scoped3A_77, %dma_wait3A_179, %dma_wait3A_180] : memref<4x64x128xf32, #tpu.memory_space<vmem>> -> memref<1x56x128xf32, #tpu.memory_space<vmem>>
      %dma_wait3A_182 = tpu.memref_squeeze %dma_wait3A_181 : memref<1x56x128xf32, #tpu.memory_space<vmem>> -> memref<56x128xf32, #tpu.memory_space<vmem>>
      tpu.wait_dma2 semaphore(%run_scoped3A_160 : memref<!tpu.dma_semaphore, #tpu.memory_space<semaphore_mem>>) src(%dma_wait3A_182 : memref<56x128xf32, #tpu.memory_space<vmem>>) dst(%dma_wait3A_178 : memref<56x128xf32, #tpu.memory_space<vmem_shared>>)
      tpu.yield
    }) : () -> ()
    %eq3A = arith.constant 0 : i32
    %eq3A_78 = arith.cmpi eq, %arg1, %eq3A : i32
    %convert_element_type3A = arith.extui %eq3A_78 : i1 to i32
    %cond3A = arith.constant 0 : i32
    %cond3A_79 = arith.cmpi ne, %convert_element_type3A, %cond3A : i32
    scf.if %cond3A_79 {
      %run_scoped3A_160 = arith.constant 0 : i32
      "tpu.region"() ({
        %run_scoped3A_162 = tpu.sem_alloc : memref<!tpu.dma_semaphore, #tpu.memory_space<semaphore_mem>>
        %dma_start3A = arith.constant 0 : i32
        %dma_start3A_163 = arith.constant 0 : i32
        %dma_start3A_164 = tpu.memref_slice %arg9[%run_scoped3A_160, %dma_start3A, %dma_start3A_163] : memref<4x64x128xf32, #tpu.memory_space<vmem>> -> memref<1x64x128xf32, #tpu.memory_space<vmem>>
        %dma_start3A_165 = tpu.memref_squeeze %dma_start3A_164 : memref<1x64x128xf32, #tpu.memory_space<vmem>> -> memref<64x128xf32, #tpu.memory_space<vmem>>
        %dma_start3A_166 = arith.constant 0 : i32
        %dma_start3A_167 = arith.constant 0 : i32
        %dma_start3A_168 = tpu.memref_slice %arg13[%dma_start3A_166, %dma_start3A_167] : memref<80x128xf32, #tpu.memory_space<vmem_shared>> -> memref<64x128xf32, #tpu.memory_space<vmem_shared>>
        %dma_start3A_169 = arith.constant 0 : i32
        %dma_start3A_170 = arith.constant 0 : i32
        %dma_start3A_171 = tpu.memref_slice %arg13[%dma_start3A_169, %dma_start3A_170] : memref<80x128xf32, #tpu.memory_space<vmem_shared>> -> memref<64x128xf32, #tpu.memory_space<vmem_shared>>
        %dma_start3A_172 = arith.constant 0 : i32
        %dma_start3A_173 = arith.constant 0 : i32
        %dma_start3A_174 = tpu.memref_slice %arg9[%run_scoped3A_160, %dma_start3A_172, %dma_start3A_173] : memref<4x64x128xf32, #tpu.memory_space<vmem>> -> memref<1x64x128xf32, #tpu.memory_space<vmem>>
        %dma_start3A_175 = tpu.memref_squeeze %dma_start3A_174 : memref<1x64x128xf32, #tpu.memory_space<vmem>> -> memref<64x128xf32, #tpu.memory_space<vmem>>
        tpu.enqueue_dma source(%dma_start3A_175 : memref<64x128xf32, #tpu.memory_space<vmem>>) target(%dma_start3A_171 : memref<64x128xf32, #tpu.memory_space<vmem_shared>>) target_semaphore(%run_scoped3A_162 : memref<!tpu.dma_semaphore, #tpu.memory_space<semaphore_mem>>)
        %dma_wait3A = arith.constant 0 : i32
        %dma_wait3A_176 = arith.constant 0 : i32
        %dma_wait3A_177 = tpu.memref_slice %arg9[%run_scoped3A_160, %dma_wait3A, %dma_wait3A_176] : memref<4x64x128xf32, #tpu.memory_space<vmem>> -> memref<1x64x128xf32, #tpu.memory_space<vmem>>
        %dma_wait3A_178 = tpu.memref_squeeze %dma_wait3A_177 : memref<1x64x128xf32, #tpu.memory_space<vmem>> -> memref<64x128xf32, #tpu.memory_space<vmem>>
        %dma_wait3A_179 = arith.constant 0 : i32
        %dma_wait3A_180 = arith.constant 0 : i32
        %dma_wait3A_181 = tpu.memref_slice %arg13[%dma_wait3A_179, %dma_wait3A_180] : memref<80x128xf32, #tpu.memory_space<vmem_shared>> -> memref<64x128xf32, #tpu.memory_space<vmem_shared>>
        %dma_wait3A_182 = arith.constant 0 : i32
        %dma_wait3A_183 = arith.constant 0 : i32
        %dma_wait3A_184 = tpu.memref_slice %arg13[%dma_wait3A_182, %dma_wait3A_183] : memref<80x128xf32, #tpu.memory_space<vmem_shared>> -> memref<64x128xf32, #tpu.memory_space<vmem_shared>>
        %dma_wait3A_185 = arith.constant 0 : i32
        %dma_wait3A_186 = arith.constant 0 : i32
        %dma_wait3A_187 = tpu.memref_slice %arg9[%run_scoped3A_160, %dma_wait3A_185, %dma_wait3A_186] : memref<4x64x128xf32, #tpu.memory_space<vmem>> -> memref<1x64x128xf32, #tpu.memory_space<vmem>>
        %dma_wait3A_188 = tpu.memref_squeeze %dma_wait3A_187 : memref<1x64x128xf32, #tpu.memory_space<vmem>> -> memref<64x128xf32, #tpu.memory_space<vmem>>
        tpu.wait_dma2 semaphore(%run_scoped3A_162 : memref<!tpu.dma_semaphore, #tpu.memory_space<semaphore_mem>>) src(%dma_wait3A_188 : memref<64x128xf32, #tpu.memory_space<vmem>>) dst(%dma_wait3A_184 : memref<64x128xf32, #tpu.memory_space<vmem_shared>>)
        tpu.yield
      }) : () -> ()
      %run_scoped3A_161 = arith.constant 0 : i32
      "tpu.region"() ({
        %run_scoped3A_162 = tpu.sem_alloc : memref<!tpu.dma_semaphore, #tpu.memory_space<semaphore_mem>>
        %dma_start3A = arith.constant 0 : i32
        %dma_start3A_163 = arith.constant 0 : i32
        %dma_start3A_164 = tpu.memref_slice %arg9[%run_scoped3A_161, %dma_start3A, %dma_start3A_163] : memref<4x64x128xf32, #tpu.memory_space<vmem>> -> memref<1x16x128xf32, #tpu.memory_space<vmem>>
        %dma_start3A_165 = tpu.memref_squeeze %dma_start3A_164 : memref<1x16x128xf32, #tpu.memory_space<vmem>> -> memref<16x128xf32, #tpu.memory_space<vmem>>
        %dma_start3A_166 = arith.constant 64 : i32
        %dma_start3A_167 = arith.constant 0 : i32
        %dma_start3A_168 = tpu.memref_slice %arg13[%dma_start3A_166, %dma_start3A_167] : memref<80x128xf32, #tpu.memory_space<vmem_shared>> -> memref<16x128xf32, #tpu.memory_space<vmem_shared>>
        %dma_start3A_169 = arith.constant 64 : i32
        %dma_start3A_170 = arith.constant 0 : i32
        %dma_start3A_171 = tpu.memref_slice %arg13[%dma_start3A_169, %dma_start3A_170] : memref<80x128xf32, #tpu.memory_space<vmem_shared>> -> memref<16x128xf32, #tpu.memory_space<vmem_shared>>
        %dma_start3A_172 = arith.constant 0 : i32
        %dma_start3A_173 = arith.constant 0 : i32
        %dma_start3A_174 = tpu.memref_slice %arg9[%run_scoped3A_161, %dma_start3A_172, %dma_start3A_173] : memref<4x64x128xf32, #tpu.memory_space<vmem>> -> memref<1x16x128xf32, #tpu.memory_space<vmem>>
        %dma_start3A_175 = tpu.memref_squeeze %dma_start3A_174 : memref<1x16x128xf32, #tpu.memory_space<vmem>> -> memref<16x128xf32, #tpu.memory_space<vmem>>
        tpu.enqueue_dma source(%dma_start3A_175 : memref<16x128xf32, #tpu.memory_space<vmem>>) target(%dma_start3A_171 : memref<16x128xf32, #tpu.memory_space<vmem_shared>>) target_semaphore(%run_scoped3A_162 : memref<!tpu.dma_semaphore, #tpu.memory_space<semaphore_mem>>)
        %dma_wait3A = arith.constant 0 : i32
        %dma_wait3A_176 = arith.constant 0 : i32
        %dma_wait3A_177 = tpu.memref_slice %arg9[%run_scoped3A_161, %dma_wait3A, %dma_wait3A_176] : memref<4x64x128xf32, #tpu.memory_space<vmem>> -> memref<1x16x128xf32, #tpu.memory_space<vmem>>
        %dma_wait3A_178 = tpu.memref_squeeze %dma_wait3A_177 : memref<1x16x128xf32, #tpu.memory_space<vmem>> -> memref<16x128xf32, #tpu.memory_space<vmem>>
        %dma_wait3A_179 = arith.constant 64 : i32
        %dma_wait3A_180 = arith.constant 0 : i32
        %dma_wait3A_181 = tpu.memref_slice %arg13[%dma_wait3A_179, %dma_wait3A_180] : memref<80x128xf32, #tpu.memory_space<vmem_shared>> -> memref<16x128xf32, #tpu.memory_space<vmem_shared>>
        %dma_wait3A_182 = arith.constant 64 : i32
        %dma_wait3A_183 = arith.constant 0 : i32
        %dma_wait3A_184 = tpu.memref_slice %arg13[%dma_wait3A_182, %dma_wait3A_183] : memref<80x128xf32, #tpu.memory_space<vmem_shared>> -> memref<16x128xf32, #tpu.memory_space<vmem_shared>>
        %dma_wait3A_185 = arith.constant 0 : i32
        %dma_wait3A_186 = arith.constant 0 : i32
        %dma_wait3A_187 = tpu.memref_slice %arg9[%run_scoped3A_161, %dma_wait3A_185, %dma_wait3A_186] : memref<4x64x128xf32, #tpu.memory_space<vmem>> -> memref<1x16x128xf32, #tpu.memory_space<vmem>>
        %dma_wait3A_188 = tpu.memref_squeeze %dma_wait3A_187 : memref<1x16x128xf32, #tpu.memory_space<vmem>> -> memref<16x128xf32, #tpu.memory_space<vmem>>
        tpu.wait_dma2 semaphore(%run_scoped3A_162 : memref<!tpu.dma_semaphore, #tpu.memory_space<semaphore_mem>>) src(%dma_wait3A_188 : memref<16x128xf32, #tpu.memory_space<vmem>>) dst(%dma_wait3A_184 : memref<16x128xf32, #tpu.memory_space<vmem_shared>>)
        tpu.yield
      }) : () -> ()
    } else {
    }
    %barrier3A = arith.constant 0 : index
    tpu.barrier barrier_id(%barrier3A)
    %iota3A_80 = tpu.iota {dimensions = array<i32: 0>} : vector<16xi32>
    %eq3A_81 = arith.constant 0 : i32
    %eq3A_82 = vector.broadcast %eq3A_81 : i32 to vector<16xi32>
    %eq3A_83 = arith.cmpi eq, %iota3A_80, %eq3A_82 : vector<16xi32>
    %eq3A_84 = arith.constant 1 : i32
    %eq3A_85 = vector.broadcast %eq3A_84 : i32 to vector<16xi32>
    %eq3A_86 = arith.cmpi eq, %iota3A_80, %eq3A_85 : vector<16xi32>
    %eq3A_87 = arith.constant 2 : i32
    %eq3A_88 = vector.broadcast %eq3A_87 : i32 to vector<16xi32>
    %eq3A_89 = arith.cmpi eq, %iota3A_80, %eq3A_88 : vector<16xi32>
    %eq3A_90 = arith.constant 3 : i32
    %eq3A_91 = vector.broadcast %eq3A_90 : i32 to vector<16xi32>
    %eq3A_92 = arith.cmpi eq, %iota3A_80, %eq3A_91 : vector<16xi32>
    %eq3A_93 = arith.constant 4 : i32
    %eq3A_94 = vector.broadcast %eq3A_93 : i32 to vector<16xi32>
    %eq3A_95 = arith.cmpi eq, %iota3A_80, %eq3A_94 : vector<16xi32>
    %eq3A_96 = arith.constant 5 : i32
    %eq3A_97 = vector.broadcast %eq3A_96 : i32 to vector<16xi32>
    %eq3A_98 = arith.cmpi eq, %iota3A_80, %eq3A_97 : vector<16xi32>
    %eq3A_99 = arith.constant 6 : i32
    %eq3A_100 = vector.broadcast %eq3A_99 : i32 to vector<16xi32>
    %eq3A_101 = arith.cmpi eq, %iota3A_80, %eq3A_100 : vector<16xi32>
    %eq3A_102 = arith.constant 7 : i32
    %eq3A_103 = vector.broadcast %eq3A_102 : i32 to vector<16xi32>
    %eq3A_104 = arith.cmpi eq, %iota3A_80, %eq3A_103 : vector<16xi32>
    %eq3A_105 = arith.constant 8 : i32
    %eq3A_106 = vector.broadcast %eq3A_105 : i32 to vector<16xi32>
    %eq3A_107 = arith.cmpi eq, %iota3A_80, %eq3A_106 : vector<16xi32>
    %eq3A_108 = arith.constant 9 : i32
    %eq3A_109 = vector.broadcast %eq3A_108 : i32 to vector<16xi32>
    %eq3A_110 = arith.cmpi eq, %iota3A_80, %eq3A_109 : vector<16xi32>
    %eq3A_111 = arith.constant 10 : i32
    %eq3A_112 = vector.broadcast %eq3A_111 : i32 to vector<16xi32>
    %eq3A_113 = arith.cmpi eq, %iota3A_80, %eq3A_112 : vector<16xi32>
    %eq3A_114 = arith.constant 11 : i32
    %eq3A_115 = vector.broadcast %eq3A_114 : i32 to vector<16xi32>
    %eq3A_116 = arith.cmpi eq, %iota3A_80, %eq3A_115 : vector<16xi32>
    %eq3A_117 = arith.constant 12 : i32
    %eq3A_118 = vector.broadcast %eq3A_117 : i32 to vector<16xi32>
    %eq3A_119 = arith.cmpi eq, %iota3A_80, %eq3A_118 : vector<16xi32>
    %eq3A_120 = arith.constant 13 : i32
    %eq3A_121 = vector.broadcast %eq3A_120 : i32 to vector<16xi32>
    %eq3A_122 = arith.cmpi eq, %iota3A_80, %eq3A_121 : vector<16xi32>
    %eq3A_123 = arith.constant 14 : i32
    %eq3A_124 = vector.broadcast %eq3A_123 : i32 to vector<16xi32>
    %eq3A_125 = arith.cmpi eq, %iota3A_80, %eq3A_124 : vector<16xi32>
    %eq3A_126 = arith.constant 15 : i32
    %eq3A_127 = vector.broadcast %eq3A_126 : i32 to vector<16xi32>
    %eq3A_128 = arith.cmpi eq, %iota3A_80, %eq3A_127 : vector<16xi32>
    %broadcast_in_dim3A = arith.constant 1.000000e+00 : f32
    %broadcast_in_dim3A_129 = vector.broadcast %broadcast_in_dim3A : f32 to vector<16xf32>
    %eq3A_130 = arith.constant 0 : i32
    %eq3A_131 = arith.cmpi eq, %arg0, %eq3A_130 : i32
    %mul3A_132 = arith.constant 160 : i32
    %mul3A_133 = arith.muli %arg1, %mul3A_132 : i32
    %mul3A_134 = arith.constant 160 : i32
    %mul3A_135 = arith.muli %arg1, %mul3A_134 : i32
    %add3A_136 = arith.constant 2560 : i32
    %add3A_137 = arith.addi %add3A_136, %mul3A_135 : i32
    %select_n3A = arith.select %eq3A_131, %mul3A_133, %add3A_137 : i32
    %eq3A_138 = arith.constant 0 : i32
    %eq3A_139 = arith.cmpi eq, %arg0, %eq3A_138 : i32
    %jit3A = arith.constant 10 : i32
    %jit3A_140 = arith.constant 10 : i32
    %select_n3A_141 = arith.select %eq3A_139, %jit3A, %jit3A_140 : i32
    %while3A = arith.constant 0 : i32
    %while3A_142 = arith.constant 0 : i32
    %while3A_143 = arith.subi %select_n3A_141, %while3A_142 : i32
    %while3A_144 = arith.addi %while3A_142, %while3A_143 : i32
    %while3A_145 = arith.constant 1 : i32
    %while3A_146 = arith.divsi %while3A_143, %while3A_145 : i32
    %while3A_147 = arith.muli %while3A_146, %while3A_145 : i32
    %while3A_148 = arith.addi %while3A_142, %while3A_147 : i32
    %while3A_149 = arith.constant 1 : i32
    scf.for %while3A_160 = %while3A_142 to %while3A_148 step %while3A_149  : i32 {
      %mul3A_161 = arith.constant 16 : i32
      %mul3A_162 = arith.muli %while3A_160, %mul3A_161 : i32
      %add3A_163 = arith.addi %select_n3A, %mul3A_162 : i32
      "tpu.region"() ({
        %run_scoped3A_216 = tpu.sem_alloc : memref<!tpu.dma_semaphore, #tpu.memory_space<semaphore_mem>>
        %dma_start3A_217 = arith.constant 0 : i32
        %dma_start3A_218 = tpu.memref_slice %arg3[%add3A_163, %dma_start3A_217] : memref<5120x64xi32, #tpu.memory_space<hbm>> -> memref<16x64xi32, #tpu.memory_space<hbm>>
        %dma_start3A_219 = arith.constant 0 : i32
        %dma_start3A_220 = tpu.memref_slice %arg3[%add3A_163, %dma_start3A_219] : memref<5120x64xi32, #tpu.memory_space<hbm>> -> memref<16x64xi32, #tpu.memory_space<hbm>>
        tpu.enqueue_dma source(%dma_start3A_220 : memref<16x64xi32, #tpu.memory_space<hbm>>) target(%arg7 : memref<16x64xi32, #tpu.memory_space<vmem>>) target_semaphore(%run_scoped3A_216 : memref<!tpu.dma_semaphore, #tpu.memory_space<semaphore_mem>>)
        %dma_wait3A_221 = arith.constant 0 : i32
        %dma_wait3A_222 = tpu.memref_slice %arg3[%add3A_163, %dma_wait3A_221] : memref<5120x64xi32, #tpu.memory_space<hbm>> -> memref<16x64xi32, #tpu.memory_space<hbm>>
        %dma_wait3A_223 = arith.constant 0 : i32
        %dma_wait3A_224 = tpu.memref_slice %arg3[%add3A_163, %dma_wait3A_223] : memref<5120x64xi32, #tpu.memory_space<hbm>> -> memref<16x64xi32, #tpu.memory_space<hbm>>
        tpu.wait_dma2 semaphore(%run_scoped3A_216 : memref<!tpu.dma_semaphore, #tpu.memory_space<semaphore_mem>>) src(%dma_wait3A_224 : memref<16x64xi32, #tpu.memory_space<hbm>>) dst(%arg7 : memref<16x64xi32, #tpu.memory_space<vmem>>)
        tpu.yield
      }) : () -> ()
      "tpu.region"() ({
        %run_scoped3A_216 = tpu.sem_alloc : memref<!tpu.dma_semaphore, #tpu.memory_space<semaphore_mem>>
        %dma_start3A_217 = arith.constant 0 : i32
        %dma_start3A_218 = tpu.memref_slice %arg4[%add3A_163, %dma_start3A_217] : memref<5120x64xi32, #tpu.memory_space<hbm>> -> memref<16x64xi32, #tpu.memory_space<hbm>>
        %dma_start3A_219 = arith.constant 0 : i32
        %dma_start3A_220 = tpu.memref_slice %arg4[%add3A_163, %dma_start3A_219] : memref<5120x64xi32, #tpu.memory_space<hbm>> -> memref<16x64xi32, #tpu.memory_space<hbm>>
        tpu.enqueue_dma source(%dma_start3A_220 : memref<16x64xi32, #tpu.memory_space<hbm>>) target(%arg8 : memref<16x64xi32, #tpu.memory_space<vmem>>) target_semaphore(%run_scoped3A_216 : memref<!tpu.dma_semaphore, #tpu.memory_space<semaphore_mem>>)
        %dma_wait3A_221 = arith.constant 0 : i32
        %dma_wait3A_222 = tpu.memref_slice %arg4[%add3A_163, %dma_wait3A_221] : memref<5120x64xi32, #tpu.memory_space<hbm>> -> memref<16x64xi32, #tpu.memory_space<hbm>>
        %dma_wait3A_223 = arith.constant 0 : i32
        %dma_wait3A_224 = tpu.memref_slice %arg4[%add3A_163, %dma_wait3A_223] : memref<5120x64xi32, #tpu.memory_space<hbm>> -> memref<16x64xi32, #tpu.memory_space<hbm>>
        tpu.wait_dma2 semaphore(%run_scoped3A_216 : memref<!tpu.dma_semaphore, #tpu.memory_space<semaphore_mem>>) src(%dma_wait3A_224 : memref<16x64xi32, #tpu.memory_space<hbm>>) dst(%arg8 : memref<16x64xi32, #tpu.memory_space<vmem>>)
        tpu.yield
      }) : () -> ()
      %dma_start3A = arith.constant 0 : i32
      %dma_start3A_164 = arith.constant 0 : i32
      %dma_start3A_165 = arith.constant 0 : i32
      %dma_start3A_166 = arith.constant 0 : i32
      %dma_start3A_167 = tpu.memref_slice %arg9[%dma_start3A_164, %dma_start3A_165, %dma_start3A_166] : memref<4x64x128xf32, #tpu.memory_space<vmem>> -> memref<1x64x128xf32, #tpu.memory_space<vmem>>
      %dma_start3A_168 = tpu.memref_squeeze %dma_start3A_167 : memref<1x64x128xf32, #tpu.memory_space<vmem>> -> memref<64x128xf32, #tpu.memory_space<vmem>>
      %dma_start3A_169 = arith.constant 0 : i32
      %dma_start3A_170 = tpu.memref_slice %arg7[%dma_start3A, %dma_start3A_169] : memref<16x64xi32, #tpu.memory_space<vmem>> -> memref<1x64xi32, #tpu.memory_space<vmem>>
      %dma_start3A_171 = tpu.memref_squeeze %dma_start3A_170 : memref<1x64xi32, #tpu.memory_space<vmem>> -> memref<64xi32, #tpu.memory_space<vmem>>
      %dma_start3A_172 = arith.constant 0 : i32
      %dma_start3A_173 = arith.constant 0 : i32
      %dma_start3A_174 = tpu.memref_slice %arg2[%dma_start3A_172, %dma_start3A_173] : memref<10000x128xf32, #tpu.memory_space<hbm>> -> memref<10000x128xf32, #tpu.memory_space<hbm>>
      tpu.enqueue_indirect_dma source(%dma_start3A_174 : memref<10000x128xf32, #tpu.memory_space<hbm>>) target(%dma_start3A_168 : memref<64x128xf32, #tpu.memory_space<vmem>>) offsets(%dma_start3A_171 : memref<64xi32, #tpu.memory_space<vmem>>) semaphore(%arg14 : memref<!tpu.dma_semaphore, #tpu.memory_space<semaphore_mem>>)
      %dma_start3A_175 = arith.constant 1 : i32
      %dma_start3A_176 = arith.constant 1 : i32
      %dma_start3A_177 = arith.constant 0 : i32
      %dma_start3A_178 = arith.constant 0 : i32
      %dma_start3A_179 = tpu.memref_slice %arg9[%dma_start3A_176, %dma_start3A_177, %dma_start3A_178] : memref<4x64x128xf32, #tpu.memory_space<vmem>> -> memref<1x64x128xf32, #tpu.memory_space<vmem>>
      %dma_start3A_180 = tpu.memref_squeeze %dma_start3A_179 : memref<1x64x128xf32, #tpu.memory_space<vmem>> -> memref<64x128xf32, #tpu.memory_space<vmem>>
      %dma_start3A_181 = arith.constant 0 : i32
      %dma_start3A_182 = tpu.memref_slice %arg7[%dma_start3A_175, %dma_start3A_181] : memref<16x64xi32, #tpu.memory_space<vmem>> -> memref<1x64xi32, #tpu.memory_space<vmem>>
      %dma_start3A_183 = tpu.memref_squeeze %dma_start3A_182 : memref<1x64xi32, #tpu.memory_space<vmem>> -> memref<64xi32, #tpu.memory_space<vmem>>
      %dma_start3A_184 = arith.constant 0 : i32
      %dma_start3A_185 = arith.constant 0 : i32
      %dma_start3A_186 = tpu.memref_slice %arg2[%dma_start3A_184, %dma_start3A_185] : memref<10000x128xf32, #tpu.memory_space<hbm>> -> memref<10000x128xf32, #tpu.memory_space<hbm>>
      tpu.enqueue_indirect_dma source(%dma_start3A_186 : memref<10000x128xf32, #tpu.memory_space<hbm>>) target(%dma_start3A_180 : memref<64x128xf32, #tpu.memory_space<vmem>>) offsets(%dma_start3A_183 : memref<64xi32, #tpu.memory_space<vmem>>) semaphore(%arg15 : memref<!tpu.dma_semaphore, #tpu.memory_space<semaphore_mem>>)
      %dma_start3A_187 = arith.constant 2 : i32
      %dma_start3A_188 = arith.constant 2 : i32
      %dma_start3A_189 = arith.constant 0 : i32
      %dma_start3A_190 = arith.constant 0 : i32
      %dma_start3A_191 = tpu.memref_slice %arg9[%dma_start3A_188, %dma_start3A_189, %dma_start3A_190] : memref<4x64x128xf32, #tpu.memory_space<vmem>> -> memref<1x64x128xf32, #tpu.memory_space<vmem>>
      %dma_start3A_192 = tpu.memref_squeeze %dma_start3A_191 : memref<1x64x128xf32, #tpu.memory_space<vmem>> -> memref<64x128xf32, #tpu.memory_space<vmem>>
      %dma_start3A_193 = arith.constant 0 : i32
      %dma_start3A_194 = tpu.memref_slice %arg7[%dma_start3A_187, %dma_start3A_193] : memref<16x64xi32, #tpu.memory_space<vmem>> -> memref<1x64xi32, #tpu.memory_space<vmem>>
      %dma_start3A_195 = tpu.memref_squeeze %dma_start3A_194 : memref<1x64xi32, #tpu.memory_space<vmem>> -> memref<64xi32, #tpu.memory_space<vmem>>
      %dma_start3A_196 = arith.constant 0 : i32
      %dma_start3A_197 = arith.constant 0 : i32
      %dma_start3A_198 = tpu.memref_slice %arg2[%dma_start3A_196, %dma_start3A_197] : memref<10000x128xf32, #tpu.memory_space<hbm>> -> memref<10000x128xf32, #tpu.memory_space<hbm>>
      tpu.enqueue_indirect_dma source(%dma_start3A_198 : memref<10000x128xf32, #tpu.memory_space<hbm>>) target(%dma_start3A_192 : memref<64x128xf32, #tpu.memory_space<vmem>>) offsets(%dma_start3A_195 : memref<64xi32, #tpu.memory_space<vmem>>) semaphore(%arg16 : memref<!tpu.dma_semaphore, #tpu.memory_space<semaphore_mem>>)
      %scan3A_199 = arith.constant 0 : i32
      %scan3A_200 = arith.constant 0 : i32
      %scan3A_201 = arith.constant 4 : i32
      %scan3A_202 = arith.addi %scan3A_200, %scan3A_201 : i32
      %scan3A_203 = arith.constant 1 : i32
      scf.for %scan3A_216 = %scan3A_200 to %scan3A_202 step %scan3A_203  : i32 {
        %mul3A_217 = arith.constant 4 : i32
        %mul3A_218 = arith.muli %scan3A_216, %mul3A_217 : i32
        %add3A_219 = arith.constant 0 : i32
        %add3A_220 = arith.addi %mul3A_218, %add3A_219 : i32
        %dma_wait3A_221 = arith.constant 0 : i32
        %dma_wait3A_222 = arith.constant 0 : i32
        %dma_wait3A_223 = arith.constant 0 : i32
        %dma_wait3A_224 = tpu.memref_slice %arg9[%dma_wait3A_221, %dma_wait3A_222, %dma_wait3A_223] : memref<4x64x128xf32, #tpu.memory_space<vmem>> -> memref<1x64x128xf32, #tpu.memory_space<vmem>>
        %dma_wait3A_225 = tpu.memref_squeeze %dma_wait3A_224 : memref<1x64x128xf32, #tpu.memory_space<vmem>> -> memref<64x128xf32, #tpu.memory_space<vmem>>
        %dma_wait3A_226 = arith.constant 0 : i32
        %dma_wait3A_227 = tpu.memref_slice %arg7[%add3A_220, %dma_wait3A_226] : memref<16x64xi32, #tpu.memory_space<vmem>> -> memref<1x64xi32, #tpu.memory_space<vmem>>
        %dma_wait3A_228 = tpu.memref_squeeze %dma_wait3A_227 : memref<1x64xi32, #tpu.memory_space<vmem>> -> memref<64xi32, #tpu.memory_space<vmem>>
        %dma_wait3A_229 = arith.constant 0 : i32
        %dma_wait3A_230 = arith.constant 0 : i32
        %dma_wait3A_231 = tpu.memref_slice %arg2[%dma_wait3A_229, %dma_wait3A_230] : memref<10000x128xf32, #tpu.memory_space<hbm>> -> memref<10000x128xf32, #tpu.memory_space<hbm>>
        tpu.wait_indirect_dma semaphore(%arg14 : memref<!tpu.dma_semaphore, #tpu.memory_space<semaphore_mem>>) src(%dma_wait3A_231 : memref<10000x128xf32, #tpu.memory_space<hbm>>) dst(%dma_wait3A_225 : memref<64x128xf32, #tpu.memory_space<vmem>>)
        %gt3A = arith.constant 0 : i32
        %gt3A_232 = arith.cmpi sgt, %add3A_220, %gt3A : i32
        %convert_element_type3A_233 = arith.extui %gt3A_232 : i1 to i32
        %cond3A_234 = arith.constant 0 : i32
        %cond3A_235 = arith.cmpi ne, %convert_element_type3A_233, %cond3A_234 : i32
        scf.if %cond3A_235 {
          %sub3A_515 = arith.constant 1 : i32
          %sub3A_516 = arith.subi %add3A_220, %sub3A_515 : i32
          %dma_wait3A_517 = arith.constant 3 : i32
          %dma_wait3A_518 = arith.constant 0 : i32
          %dma_wait3A_519 = arith.constant 0 : i32
          %dma_wait3A_520 = tpu.memref_slice %arg9[%dma_wait3A_517, %dma_wait3A_518, %dma_wait3A_519] : memref<4x64x128xf32, #tpu.memory_space<vmem>> -> memref<1x64x128xf32, #tpu.memory_space<vmem>>
          %dma_wait3A_521 = tpu.memref_squeeze %dma_wait3A_520 : memref<1x64x128xf32, #tpu.memory_space<vmem>> -> memref<64x128xf32, #tpu.memory_space<vmem>>
          %dma_wait3A_522 = arith.constant 0 : i32
          %dma_wait3A_523 = tpu.memref_slice %arg8[%sub3A_516, %dma_wait3A_522] : memref<16x64xi32, #tpu.memory_space<vmem>> -> memref<1x64xi32, #tpu.memory_space<vmem>>
          %dma_wait3A_524 = tpu.memref_squeeze %dma_wait3A_523 : memref<1x64xi32, #tpu.memory_space<vmem>> -> memref<64xi32, #tpu.memory_space<vmem>>
          %dma_wait3A_525 = arith.constant 0 : i32
          %dma_wait3A_526 = arith.constant 0 : i32
          %dma_wait3A_527 = tpu.memref_slice %arg12[%dma_wait3A_525, %dma_wait3A_526] : memref<10112x128xf32, #tpu.memory_space<vmem_shared>> -> memref<10112x128xf32, #tpu.memory_space<vmem_shared>>
          tpu.wait_indirect_dma semaphore(%arg21 : memref<!tpu.dma_semaphore, #tpu.memory_space<semaphore_mem>>) src(%dma_wait3A_521 : memref<64x128xf32, #tpu.memory_space<vmem>>) dst(%dma_wait3A_527 : memref<10112x128xf32, #tpu.memory_space<vmem_shared>>)
        } else {
        }
        %add3A_236 = arith.constant 4 : i32
        %add3A_237 = arith.addi %add3A_220, %add3A_236 : i32
        %sub3A = arith.constant 1 : i32
        %sub3A_238 = arith.subi %add3A_237, %sub3A : i32
        %lt3A = arith.constant 16 : i32
        %lt3A_239 = arith.cmpi slt, %sub3A_238, %lt3A : i32
        %convert_element_type3A_240 = arith.extui %lt3A_239 : i1 to i32
        %cond3A_241 = arith.constant 0 : i32
        %cond3A_242 = arith.cmpi ne, %convert_element_type3A_240, %cond3A_241 : i32
        scf.if %cond3A_242 {
          %add3A_515 = arith.constant 4 : i32
          %add3A_516 = arith.addi %add3A_220, %add3A_515 : i32
          %sub3A_517 = arith.constant 1 : i32
          %sub3A_518 = arith.subi %add3A_516, %sub3A_517 : i32
          %dma_start3A_519 = arith.constant 3 : i32
          %dma_start3A_520 = arith.constant 0 : i32
          %dma_start3A_521 = arith.constant 0 : i32
          %dma_start3A_522 = tpu.memref_slice %arg9[%dma_start3A_519, %dma_start3A_520, %dma_start3A_521] : memref<4x64x128xf32, #tpu.memory_space<vmem>> -> memref<1x64x128xf32, #tpu.memory_space<vmem>>
          %dma_start3A_523 = tpu.memref_squeeze %dma_start3A_522 : memref<1x64x128xf32, #tpu.memory_space<vmem>> -> memref<64x128xf32, #tpu.memory_space<vmem>>
          %dma_start3A_524 = arith.constant 0 : i32
          %dma_start3A_525 = tpu.memref_slice %arg7[%sub3A_518, %dma_start3A_524] : memref<16x64xi32, #tpu.memory_space<vmem>> -> memref<1x64xi32, #tpu.memory_space<vmem>>
          %dma_start3A_526 = tpu.memref_squeeze %dma_start3A_525 : memref<1x64xi32, #tpu.memory_space<vmem>> -> memref<64xi32, #tpu.memory_space<vmem>>
          %dma_start3A_527 = arith.constant 0 : i32
          %dma_start3A_528 = arith.constant 0 : i32
          %dma_start3A_529 = tpu.memref_slice %arg2[%dma_start3A_527, %dma_start3A_528] : memref<10000x128xf32, #tpu.memory_space<hbm>> -> memref<10000x128xf32, #tpu.memory_space<hbm>>
          tpu.enqueue_indirect_dma source(%dma_start3A_529 : memref<10000x128xf32, #tpu.memory_space<hbm>>) target(%dma_start3A_523 : memref<64x128xf32, #tpu.memory_space<vmem>>) offsets(%dma_start3A_526 : memref<64xi32, #tpu.memory_space<vmem>>) semaphore(%arg17 : memref<!tpu.dma_semaphore, #tpu.memory_space<semaphore_mem>>)
        } else {
        }
        %dma_start3A_243 = arith.constant 0 : i32
        %dma_start3A_244 = arith.constant 0 : i32
        %dma_start3A_245 = arith.constant 0 : i32
        %dma_start3A_246 = tpu.memref_slice %arg9[%dma_start3A_243, %dma_start3A_244, %dma_start3A_245] : memref<4x64x128xf32, #tpu.memory_space<vmem>> -> memref<1x64x128xf32, #tpu.memory_space<vmem>>
        %dma_start3A_247 = tpu.memref_squeeze %dma_start3A_246 : memref<1x64x128xf32, #tpu.memory_space<vmem>> -> memref<64x128xf32, #tpu.memory_space<vmem>>
        %dma_start3A_248 = arith.constant 0 : i32
        %dma_start3A_249 = tpu.memref_slice %arg8[%add3A_220, %dma_start3A_248] : memref<16x64xi32, #tpu.memory_space<vmem>> -> memref<1x64xi32, #tpu.memory_space<vmem>>
        %dma_start3A_250 = tpu.memref_squeeze %dma_start3A_249 : memref<1x64xi32, #tpu.memory_space<vmem>> -> memref<64xi32, #tpu.memory_space<vmem>>
        %dma_start3A_251 = arith.constant 0 : i32
        %dma_start3A_252 = arith.constant 0 : i32
        %dma_start3A_253 = tpu.memref_slice %arg12[%dma_start3A_251, %dma_start3A_252] : memref<10112x128xf32, #tpu.memory_space<vmem_shared>> -> memref<10112x128xf32, #tpu.memory_space<vmem_shared>>
        tpu.enqueue_indirect_dma source(%dma_start3A_247 : memref<64x128xf32, #tpu.memory_space<vmem>>) target(%dma_start3A_253 : memref<10112x128xf32, #tpu.memory_space<vmem_shared>>) offsets(%dma_start3A_250 : memref<64xi32, #tpu.memory_space<vmem>>) semaphore(%arg18 : memref<!tpu.dma_semaphore, #tpu.memory_space<semaphore_mem>>) {add = true}
        %get3A = arith.index_cast %add3A_220 : i32 to index
        %get3A_254 = arith.constant 0 : index
        %get3A_255 = tpu.vector_load %arg8[%get3A, %get3A_254] {strides = array<i32>} : memref<16x64xi32, #tpu.memory_space<vmem>>, vector<16xi32>,
        %shift_right_arithmetic3A = arith.constant 7 : i32
        %shift_right_arithmetic3A_256 = vector.broadcast %shift_right_arithmetic3A : i32 to vector<16xi32>
        %shift_right_arithmetic3A_257 = arith.shrsi %get3A_255, %shift_right_arithmetic3A_256 : vector<16xi32>
        %and3A = arith.constant 127 : i32
        %and3A_258 = vector.broadcast %and3A : i32 to vector<16xi32>
        %and3A_259 = arith.andi %get3A_255, %and3A_258 : vector<16xi32>
        tpu.vector_store_idx %arg10[%shift_right_arithmetic3A_257, %and3A_259], %broadcast_in_dim3A_129 masked %eq3A_83 {add = true} : memref<80x128xf32, #tpu.memory_space<vmem>>[vector<16xi32>, vector<16xi32>], vector<16xf32>, vector<16xi1>
        tpu.vector_store_idx %arg10[%shift_right_arithmetic3A_257, %and3A_259], %broadcast_in_dim3A_129 masked %eq3A_86 {add = true} : memref<80x128xf32, #tpu.memory_space<vmem>>[vector<16xi32>, vector<16xi32>], vector<16xf32>, vector<16xi1>
        tpu.vector_store_idx %arg10[%shift_right_arithmetic3A_257, %and3A_259], %broadcast_in_dim3A_129 masked %eq3A_89 {add = true} : memref<80x128xf32, #tpu.memory_space<vmem>>[vector<16xi32>, vector<16xi32>], vector<16xf32>, vector<16xi1>
        tpu.vector_store_idx %arg10[%shift_right_arithmetic3A_257, %and3A_259], %broadcast_in_dim3A_129 masked %eq3A_92 {add = true} : memref<80x128xf32, #tpu.memory_space<vmem>>[vector<16xi32>, vector<16xi32>], vector<16xf32>, vector<16xi1>
        tpu.vector_store_idx %arg10[%shift_right_arithmetic3A_257, %and3A_259], %broadcast_in_dim3A_129 masked %eq3A_95 {add = true} : memref<80x128xf32, #tpu.memory_space<vmem>>[vector<16xi32>, vector<16xi32>], vector<16xf32>, vector<16xi1>
        tpu.vector_store_idx %arg10[%shift_right_arithmetic3A_257, %and3A_259], %broadcast_in_dim3A_129 masked %eq3A_98 {add = true} : memref<80x128xf32, #tpu.memory_space<vmem>>[vector<16xi32>, vector<16xi32>], vector<16xf32>, vector<16xi1>
        tpu.vector_store_idx %arg10[%shift_right_arithmetic3A_257, %and3A_259], %broadcast_in_dim3A_129 masked %eq3A_101 {add = true} : memref<80x128xf32, #tpu.memory_space<vmem>>[vector<16xi32>, vector<16xi32>], vector<16xf32>, vector<16xi1>
        tpu.vector_store_idx %arg10[%shift_right_arithmetic3A_257, %and3A_259], %broadcast_in_dim3A_129 masked %eq3A_104 {add = true} : memref<80x128xf32, #tpu.memory_space<vmem>>[vector<16xi32>, vector<16xi32>], vector<16xf32>, vector<16xi1>
        tpu.vector_store_idx %arg10[%shift_right_arithmetic3A_257, %and3A_259], %broadcast_in_dim3A_129 masked %eq3A_107 {add = true} : memref<80x128xf32, #tpu.memory_space<vmem>>[vector<16xi32>, vector<16xi32>], vector<16xf32>, vector<16xi1>
        tpu.vector_store_idx %arg10[%shift_right_arithmetic3A_257, %and3A_259], %broadcast_in_dim3A_129 masked %eq3A_110 {add = true} : memref<80x128xf32, #tpu.memory_space<vmem>>[vector<16xi32>, vector<16xi32>], vector<16xf32>, vector<16xi1>
        tpu.vector_store_idx %arg10[%shift_right_arithmetic3A_257, %and3A_259], %broadcast_in_dim3A_129 masked %eq3A_113 {add = true} : memref<80x128xf32, #tpu.memory_space<vmem>>[vector<16xi32>, vector<16xi32>], vector<16xf32>, vector<16xi1>
        tpu.vector_store_idx %arg10[%shift_right_arithmetic3A_257, %and3A_259], %broadcast_in_dim3A_129 masked %eq3A_116 {add = true} : memref<80x128xf32, #tpu.memory_space<vmem>>[vector<16xi32>, vector<16xi32>], vector<16xf32>, vector<16xi1>
        tpu.vector_store_idx %arg10[%shift_right_arithmetic3A_257, %and3A_259], %broadcast_in_dim3A_129 masked %eq3A_119 {add = true} : memref<80x128xf32, #tpu.memory_space<vmem>>[vector<16xi32>, vector<16xi32>], vector<16xf32>, vector<16xi1>
        tpu.vector_store_idx %arg10[%shift_right_arithmetic3A_257, %and3A_259], %broadcast_in_dim3A_129 masked %eq3A_122 {add = true} : memref<80x128xf32, #tpu.memory_space<vmem>>[vector<16xi32>, vector<16xi32>], vector<16xf32>, vector<16xi1>
        tpu.vector_store_idx %arg10[%shift_right_arithmetic3A_257, %and3A_259], %broadcast_in_dim3A_129 masked %eq3A_125 {add = true} : memref<80x128xf32, #tpu.memory_space<vmem>>[vector<16xi32>, vector<16xi32>], vector<16xf32>, vector<16xi1>
        tpu.vector_store_idx %arg10[%shift_right_arithmetic3A_257, %and3A_259], %broadcast_in_dim3A_129 masked %eq3A_128 {add = true} : memref<80x128xf32, #tpu.memory_space<vmem>>[vector<16xi32>, vector<16xi32>], vector<16xf32>, vector<16xi1>
        %get3A_260 = arith.index_cast %add3A_220 : i32 to index
        %get3A_261 = arith.constant 16 : index
        %get3A_262 = tpu.vector_load %arg8[%get3A_260, %get3A_261] {strides = array<i32>} : memref<16x64xi32, #tpu.memory_space<vmem>>, vector<16xi32>,
        %shift_right_arithmetic3A_263 = arith.constant 7 : i32
        %shift_right_arithmetic3A_264 = vector.broadcast %shift_right_arithmetic3A_263 : i32 to vector<16xi32>
        %shift_right_arithmetic3A_265 = arith.shrsi %get3A_262, %shift_right_arithmetic3A_264 : vector<16xi32>
        %and3A_266 = arith.constant 127 : i32
        %and3A_267 = vector.broadcast %and3A_266 : i32 to vector<16xi32>
        %and3A_268 = arith.andi %get3A_262, %and3A_267 : vector<16xi32>
        tpu.vector_store_idx %arg10[%shift_right_arithmetic3A_265, %and3A_268], %broadcast_in_dim3A_129 masked %eq3A_83 {add = true} : memref<80x128xf32, #tpu.memory_space<vmem>>[vector<16xi32>, vector<16xi32>], vector<16xf32>, vector<16xi1>
        tpu.vector_store_idx %arg10[%shift_right_arithmetic3A_265, %and3A_268], %broadcast_in_dim3A_129 masked %eq3A_86 {add = true} : memref<80x128xf32, #tpu.memory_space<vmem>>[vector<16xi32>, vector<16xi32>], vector<16xf32>, vector<16xi1>
        tpu.vector_store_idx %arg10[%shift_right_arithmetic3A_265, %and3A_268], %broadcast_in_dim3A_129 masked %eq3A_89 {add = true} : memref<80x128xf32, #tpu.memory_space<vmem>>[vector<16xi32>, vector<16xi32>], vector<16xf32>, vector<16xi1>
        tpu.vector_store_idx %arg10[%shift_right_arithmetic3A_265, %and3A_268], %broadcast_in_dim3A_129 masked %eq3A_92 {add = true} : memref<80x128xf32, #tpu.memory_space<vmem>>[vector<16xi32>, vector<16xi32>], vector<16xf32>, vector<16xi1>
        tpu.vector_store_idx %arg10[%shift_right_arithmetic3A_265, %and3A_268], %broadcast_in_dim3A_129 masked %eq3A_95 {add = true} : memref<80x128xf32, #tpu.memory_space<vmem>>[vector<16xi32>, vector<16xi32>], vector<16xf32>, vector<16xi1>
        tpu.vector_store_idx %arg10[%shift_right_arithmetic3A_265, %and3A_268], %broadcast_in_dim3A_129 masked %eq3A_98 {add = true} : memref<80x128xf32, #tpu.memory_space<vmem>>[vector<16xi32>, vector<16xi32>], vector<16xf32>, vector<16xi1>
        tpu.vector_store_idx %arg10[%shift_right_arithmetic3A_265, %and3A_268], %broadcast_in_dim3A_129 masked %eq3A_101 {add = true} : memref<80x128xf32, #tpu.memory_space<vmem>>[vector<16xi32>, vector<16xi32>], vector<16xf32>, vector<16xi1>
        tpu.vector_store_idx %arg10[%shift_right_arithmetic3A_265, %and3A_268], %broadcast_in_dim3A_129 masked %eq3A_104 {add = true} : memref<80x128xf32, #tpu.memory_space<vmem>>[vector<16xi32>, vector<16xi32>], vector<16xf32>, vector<16xi1>
        tpu.vector_store_idx %arg10[%shift_right_arithmetic3A_265, %and3A_268], %broadcast_in_dim3A_129 masked %eq3A_107 {add = true} : memref<80x128xf32, #tpu.memory_space<vmem>>[vector<16xi32>, vector<16xi32>], vector<16xf32>, vector<16xi1>
        tpu.vector_store_idx %arg10[%shift_right_arithmetic3A_265, %and3A_268], %broadcast_in_dim3A_129 masked %eq3A_110 {add = true} : memref<80x128xf32, #tpu.memory_space<vmem>>[vector<16xi32>, vector<16xi32>], vector<16xf32>, vector<16xi1>
        tpu.vector_store_idx %arg10[%shift_right_arithmetic3A_265, %and3A_268], %broadcast_in_dim3A_129 masked %eq3A_113 {add = true} : memref<80x128xf32, #tpu.memory_space<vmem>>[vector<16xi32>, vector<16xi32>], vector<16xf32>, vector<16xi1>
        tpu.vector_store_idx %arg10[%shift_right_arithmetic3A_265, %and3A_268], %broadcast_in_dim3A_129 masked %eq3A_116 {add = true} : memref<80x128xf32, #tpu.memory_space<vmem>>[vector<16xi32>, vector<16xi32>], vector<16xf32>, vector<16xi1>
        tpu.vector_store_idx %arg10[%shift_right_arithmetic3A_265, %and3A_268], %broadcast_in_dim3A_129 masked %eq3A_119 {add = true} : memref<80x128xf32, #tpu.memory_space<vmem>>[vector<16xi32>, vector<16xi32>], vector<16xf32>, vector<16xi1>
        tpu.vector_store_idx %arg10[%shift_right_arithmetic3A_265, %and3A_268], %broadcast_in_dim3A_129 masked %eq3A_122 {add = true} : memref<80x128xf32, #tpu.memory_space<vmem>>[vector<16xi32>, vector<16xi32>], vector<16xf32>, vector<16xi1>
        tpu.vector_store_idx %arg10[%shift_right_arithmetic3A_265, %and3A_268], %broadcast_in_dim3A_129 masked %eq3A_125 {add = true} : memref<80x128xf32, #tpu.memory_space<vmem>>[vector<16xi32>, vector<16xi32>], vector<16xf32>, vector<16xi1>
        tpu.vector_store_idx %arg10[%shift_right_arithmetic3A_265, %and3A_268], %broadcast_in_dim3A_129 masked %eq3A_128 {add = true} : memref<80x128xf32, #tpu.memory_space<vmem>>[vector<16xi32>, vector<16xi32>], vector<16xf32>, vector<16xi1>
        %get3A_269 = arith.index_cast %add3A_220 : i32 to index
        %get3A_270 = arith.constant 32 : index
        %get3A_271 = tpu.vector_load %arg8[%get3A_269, %get3A_270] {strides = array<i32>} : memref<16x64xi32, #tpu.memory_space<vmem>>, vector<16xi32>,
        %shift_right_arithmetic3A_272 = arith.constant 7 : i32
        %shift_right_arithmetic3A_273 = vector.broadcast %shift_right_arithmetic3A_272 : i32 to vector<16xi32>
        %shift_right_arithmetic3A_274 = arith.shrsi %get3A_271, %shift_right_arithmetic3A_273 : vector<16xi32>
        %and3A_275 = arith.constant 127 : i32
        %and3A_276 = vector.broadcast %and3A_275 : i32 to vector<16xi32>
        %and3A_277 = arith.andi %get3A_271, %and3A_276 : vector<16xi32>
        tpu.vector_store_idx %arg10[%shift_right_arithmetic3A_274, %and3A_277], %broadcast_in_dim3A_129 masked %eq3A_83 {add = true} : memref<80x128xf32, #tpu.memory_space<vmem>>[vector<16xi32>, vector<16xi32>], vector<16xf32>, vector<16xi1>
        tpu.vector_store_idx %arg10[%shift_right_arithmetic3A_274, %and3A_277], %broadcast_in_dim3A_129 masked %eq3A_86 {add = true} : memref<80x128xf32, #tpu.memory_space<vmem>>[vector<16xi32>, vector<16xi32>], vector<16xf32>, vector<16xi1>
        tpu.vector_store_idx %arg10[%shift_right_arithmetic3A_274, %and3A_277], %broadcast_in_dim3A_129 masked %eq3A_89 {add = true} : memref<80x128xf32, #tpu.memory_space<vmem>>[vector<16xi32>, vector<16xi32>], vector<16xf32>, vector<16xi1>
        tpu.vector_store_idx %arg10[%shift_right_arithmetic3A_274, %and3A_277], %broadcast_in_dim3A_129 masked %eq3A_92 {add = true} : memref<80x128xf32, #tpu.memory_space<vmem>>[vector<16xi32>, vector<16xi32>], vector<16xf32>, vector<16xi1>
        tpu.vector_store_idx %arg10[%shift_right_arithmetic3A_274, %and3A_277], %broadcast_in_dim3A_129 masked %eq3A_95 {add = true} : memref<80x128xf32, #tpu.memory_space<vmem>>[vector<16xi32>, vector<16xi32>], vector<16xf32>, vector<16xi1>
        tpu.vector_store_idx %arg10[%shift_right_arithmetic3A_274, %and3A_277], %broadcast_in_dim3A_129 masked %eq3A_98 {add = true} : memref<80x128xf32, #tpu.memory_space<vmem>>[vector<16xi32>, vector<16xi32>], vector<16xf32>, vector<16xi1>
        tpu.vector_store_idx %arg10[%shift_right_arithmetic3A_274, %and3A_277], %broadcast_in_dim3A_129 masked %eq3A_101 {add = true} : memref<80x128xf32, #tpu.memory_space<vmem>>[vector<16xi32>, vector<16xi32>], vector<16xf32>, vector<16xi1>
        tpu.vector_store_idx %arg10[%shift_right_arithmetic3A_274, %and3A_277], %broadcast_in_dim3A_129 masked %eq3A_104 {add = true} : memref<80x128xf32, #tpu.memory_space<vmem>>[vector<16xi32>, vector<16xi32>], vector<16xf32>, vector<16xi1>
        tpu.vector_store_idx %arg10[%shift_right_arithmetic3A_274, %and3A_277], %broadcast_in_dim3A_129 masked %eq3A_107 {add = true} : memref<80x128xf32, #tpu.memory_space<vmem>>[vector<16xi32>, vector<16xi32>], vector<16xf32>, vector<16xi1>
        tpu.vector_store_idx %arg10[%shift_right_arithmetic3A_274, %and3A_277], %broadcast_in_dim3A_129 masked %eq3A_110 {add = true} : memref<80x128xf32, #tpu.memory_space<vmem>>[vector<16xi32>, vector<16xi32>], vector<16xf32>, vector<16xi1>
        tpu.vector_store_idx %arg10[%shift_right_arithmetic3A_274, %and3A_277], %broadcast_in_dim3A_129 masked %eq3A_113 {add = true} : memref<80x128xf32, #tpu.memory_space<vmem>>[vector<16xi32>, vector<16xi32>], vector<16xf32>, vector<16xi1>
        tpu.vector_store_idx %arg10[%shift_right_arithmetic3A_274, %and3A_277], %broadcast_in_dim3A_129 masked %eq3A_116 {add = true} : memref<80x128xf32, #tpu.memory_space<vmem>>[vector<16xi32>, vector<16xi32>], vector<16xf32>, vector<16xi1>
        tpu.vector_store_idx %arg10[%shift_right_arithmetic3A_274, %and3A_277], %broadcast_in_dim3A_129 masked %eq3A_119 {add = true} : memref<80x128xf32, #tpu.memory_space<vmem>>[vector<16xi32>, vector<16xi32>], vector<16xf32>, vector<16xi1>
        tpu.vector_store_idx %arg10[%shift_right_arithmetic3A_274, %and3A_277], %broadcast_in_dim3A_129 masked %eq3A_122 {add = true} : memref<80x128xf32, #tpu.memory_space<vmem>>[vector<16xi32>, vector<16xi32>], vector<16xf32>, vector<16xi1>
        tpu.vector_store_idx %arg10[%shift_right_arithmetic3A_274, %and3A_277], %broadcast_in_dim3A_129 masked %eq3A_125 {add = true} : memref<80x128xf32, #tpu.memory_space<vmem>>[vector<16xi32>, vector<16xi32>], vector<16xf32>, vector<16xi1>
        tpu.vector_store_idx %arg10[%shift_right_arithmetic3A_274, %and3A_277], %broadcast_in_dim3A_129 masked %eq3A_128 {add = true} : memref<80x128xf32, #tpu.memory_space<vmem>>[vector<16xi32>, vector<16xi32>], vector<16xf32>, vector<16xi1>
        %get3A_278 = arith.index_cast %add3A_220 : i32 to index
        %get3A_279 = arith.constant 48 : index
        %get3A_280 = tpu.vector_load %arg8[%get3A_278, %get3A_279] {strides = array<i32>} : memref<16x64xi32, #tpu.memory_space<vmem>>, vector<16xi32>,
        %shift_right_arithmetic3A_281 = arith.constant 7 : i32
        %shift_right_arithmetic3A_282 = vector.broadcast %shift_right_arithmetic3A_281 : i32 to vector<16xi32>
        %shift_right_arithmetic3A_283 = arith.shrsi %get3A_280, %shift_right_arithmetic3A_282 : vector<16xi32>
        %and3A_284 = arith.constant 127 : i32
        %and3A_285 = vector.broadcast %and3A_284 : i32 to vector<16xi32>
        %and3A_286 = arith.andi %get3A_280, %and3A_285 : vector<16xi32>
        tpu.vector_store_idx %arg10[%shift_right_arithmetic3A_283, %and3A_286], %broadcast_in_dim3A_129 masked %eq3A_83 {add = true} : memref<80x128xf32, #tpu.memory_space<vmem>>[vector<16xi32>, vector<16xi32>], vector<16xf32>, vector<16xi1>
        tpu.vector_store_idx %arg10[%shift_right_arithmetic3A_283, %and3A_286], %broadcast_in_dim3A_129 masked %eq3A_86 {add = true} : memref<80x128xf32, #tpu.memory_space<vmem>>[vector<16xi32>, vector<16xi32>], vector<16xf32>, vector<16xi1>
        tpu.vector_store_idx %arg10[%shift_right_arithmetic3A_283, %and3A_286], %broadcast_in_dim3A_129 masked %eq3A_89 {add = true} : memref<80x128xf32, #tpu.memory_space<vmem>>[vector<16xi32>, vector<16xi32>], vector<16xf32>, vector<16xi1>
        tpu.vector_store_idx %arg10[%shift_right_arithmetic3A_283, %and3A_286], %broadcast_in_dim3A_129 masked %eq3A_92 {add = true} : memref<80x128xf32, #tpu.memory_space<vmem>>[vector<16xi32>, vector<16xi32>], vector<16xf32>, vector<16xi1>
        tpu.vector_store_idx %arg10[%shift_right_arithmetic3A_283, %and3A_286], %broadcast_in_dim3A_129 masked %eq3A_95 {add = true} : memref<80x128xf32, #tpu.memory_space<vmem>>[vector<16xi32>, vector<16xi32>], vector<16xf32>, vector<16xi1>
        tpu.vector_store_idx %arg10[%shift_right_arithmetic3A_283, %and3A_286], %broadcast_in_dim3A_129 masked %eq3A_98 {add = true} : memref<80x128xf32, #tpu.memory_space<vmem>>[vector<16xi32>, vector<16xi32>], vector<16xf32>, vector<16xi1>
        tpu.vector_store_idx %arg10[%shift_right_arithmetic3A_283, %and3A_286], %broadcast_in_dim3A_129 masked %eq3A_101 {add = true} : memref<80x128xf32, #tpu.memory_space<vmem>>[vector<16xi32>, vector<16xi32>], vector<16xf32>, vector<16xi1>
        tpu.vector_store_idx %arg10[%shift_right_arithmetic3A_283, %and3A_286], %broadcast_in_dim3A_129 masked %eq3A_104 {add = true} : memref<80x128xf32, #tpu.memory_space<vmem>>[vector<16xi32>, vector<16xi32>], vector<16xf32>, vector<16xi1>
        tpu.vector_store_idx %arg10[%shift_right_arithmetic3A_283, %and3A_286], %broadcast_in_dim3A_129 masked %eq3A_107 {add = true} : memref<80x128xf32, #tpu.memory_space<vmem>>[vector<16xi32>, vector<16xi32>], vector<16xf32>, vector<16xi1>
        tpu.vector_store_idx %arg10[%shift_right_arithmetic3A_283, %and3A_286], %broadcast_in_dim3A_129 masked %eq3A_110 {add = true} : memref<80x128xf32, #tpu.memory_space<vmem>>[vector<16xi32>, vector<16xi32>], vector<16xf32>, vector<16xi1>
        tpu.vector_store_idx %arg10[%shift_right_arithmetic3A_283, %and3A_286], %broadcast_in_dim3A_129 masked %eq3A_113 {add = true} : memref<80x128xf32, #tpu.memory_space<vmem>>[vector<16xi32>, vector<16xi32>], vector<16xf32>, vector<16xi1>
        tpu.vector_store_idx %arg10[%shift_right_arithmetic3A_283, %and3A_286], %broadcast_in_dim3A_129 masked %eq3A_116 {add = true} : memref<80x128xf32, #tpu.memory_space<vmem>>[vector<16xi32>, vector<16xi32>], vector<16xf32>, vector<16xi1>
        tpu.vector_store_idx %arg10[%shift_right_arithmetic3A_283, %and3A_286], %broadcast_in_dim3A_129 masked %eq3A_119 {add = true} : memref<80x128xf32, #tpu.memory_space<vmem>>[vector<16xi32>, vector<16xi32>], vector<16xf32>, vector<16xi1>
        tpu.vector_store_idx %arg10[%shift_right_arithmetic3A_283, %and3A_286], %broadcast_in_dim3A_129 masked %eq3A_122 {add = true} : memref<80x128xf32, #tpu.memory_space<vmem>>[vector<16xi32>, vector<16xi32>], vector<16xf32>, vector<16xi1>
        tpu.vector_store_idx %arg10[%shift_right_arithmetic3A_283, %and3A_286], %broadcast_in_dim3A_129 masked %eq3A_125 {add = true} : memref<80x128xf32, #tpu.memory_space<vmem>>[vector<16xi32>, vector<16xi32>], vector<16xf32>, vector<16xi1>
        tpu.vector_store_idx %arg10[%shift_right_arithmetic3A_283, %and3A_286], %broadcast_in_dim3A_129 masked %eq3A_128 {add = true} : memref<80x128xf32, #tpu.memory_space<vmem>>[vector<16xi32>, vector<16xi32>], vector<16xf32>, vector<16xi1>
        %mul3A_287 = arith.constant 4 : i32
        %mul3A_288 = arith.muli %scan3A_216, %mul3A_287 : i32
        %add3A_289 = arith.constant 1 : i32
        %add3A_290 = arith.addi %mul3A_288, %add3A_289 : i32
        %dma_wait3A_291 = arith.constant 1 : i32
        %dma_wait3A_292 = arith.constant 0 : i32
        %dma_wait3A_293 = arith.constant 0 : i32
        %dma_wait3A_294 = tpu.memref_slice %arg9[%dma_wait3A_291, %dma_wait3A_292, %dma_wait3A_293] : memref<4x64x128xf32, #tpu.memory_space<vmem>> -> memref<1x64x128xf32, #tpu.memory_space<vmem>>
        %dma_wait3A_295 = tpu.memref_squeeze %dma_wait3A_294 : memref<1x64x128xf32, #tpu.memory_space<vmem>> -> memref<64x128xf32, #tpu.memory_space<vmem>>
        %dma_wait3A_296 = arith.constant 0 : i32
        %dma_wait3A_297 = tpu.memref_slice %arg7[%add3A_290, %dma_wait3A_296] : memref<16x64xi32, #tpu.memory_space<vmem>> -> memref<1x64xi32, #tpu.memory_space<vmem>>
        %dma_wait3A_298 = tpu.memref_squeeze %dma_wait3A_297 : memref<1x64xi32, #tpu.memory_space<vmem>> -> memref<64xi32, #tpu.memory_space<vmem>>
        %dma_wait3A_299 = arith.constant 0 : i32
        %dma_wait3A_300 = arith.constant 0 : i32
        %dma_wait3A_301 = tpu.memref_slice %arg2[%dma_wait3A_299, %dma_wait3A_300] : memref<10000x128xf32, #tpu.memory_space<hbm>> -> memref<10000x128xf32, #tpu.memory_space<hbm>>
        tpu.wait_indirect_dma semaphore(%arg15 : memref<!tpu.dma_semaphore, #tpu.memory_space<semaphore_mem>>) src(%dma_wait3A_301 : memref<10000x128xf32, #tpu.memory_space<hbm>>) dst(%dma_wait3A_295 : memref<64x128xf32, #tpu.memory_space<vmem>>)
        %gt3A_302 = arith.constant 0 : i32
        %gt3A_303 = arith.cmpi sgt, %add3A_290, %gt3A_302 : i32
        %convert_element_type3A_304 = arith.extui %gt3A_303 : i1 to i32
        %cond3A_305 = arith.constant 0 : i32
        %cond3A_306 = arith.cmpi ne, %convert_element_type3A_304, %cond3A_305 : i32
        scf.if %cond3A_306 {
          %sub3A_515 = arith.constant 1 : i32
          %sub3A_516 = arith.subi %add3A_290, %sub3A_515 : i32
          %dma_wait3A_517 = arith.constant 0 : i32
          %dma_wait3A_518 = arith.constant 0 : i32
          %dma_wait3A_519 = arith.constant 0 : i32
          %dma_wait3A_520 = tpu.memref_slice %arg9[%dma_wait3A_517, %dma_wait3A_518, %dma_wait3A_519] : memref<4x64x128xf32, #tpu.memory_space<vmem>> -> memref<1x64x128xf32, #tpu.memory_space<vmem>>
          %dma_wait3A_521 = tpu.memref_squeeze %dma_wait3A_520 : memref<1x64x128xf32, #tpu.memory_space<vmem>> -> memref<64x128xf32, #tpu.memory_space<vmem>>
          %dma_wait3A_522 = arith.constant 0 : i32
          %dma_wait3A_523 = tpu.memref_slice %arg8[%sub3A_516, %dma_wait3A_522] : memref<16x64xi32, #tpu.memory_space<vmem>> -> memref<1x64xi32, #tpu.memory_space<vmem>>
          %dma_wait3A_524 = tpu.memref_squeeze %dma_wait3A_523 : memref<1x64xi32, #tpu.memory_space<vmem>> -> memref<64xi32, #tpu.memory_space<vmem>>
          %dma_wait3A_525 = arith.constant 0 : i32
          %dma_wait3A_526 = arith.constant 0 : i32
          %dma_wait3A_527 = tpu.memref_slice %arg12[%dma_wait3A_525, %dma_wait3A_526] : memref<10112x128xf32, #tpu.memory_space<vmem_shared>> -> memref<10112x128xf32, #tpu.memory_space<vmem_shared>>
          tpu.wait_indirect_dma semaphore(%arg18 : memref<!tpu.dma_semaphore, #tpu.memory_space<semaphore_mem>>) src(%dma_wait3A_521 : memref<64x128xf32, #tpu.memory_space<vmem>>) dst(%dma_wait3A_527 : memref<10112x128xf32, #tpu.memory_space<vmem_shared>>)
        } else {
        }
        %add3A_307 = arith.constant 4 : i32
        %add3A_308 = arith.addi %add3A_290, %add3A_307 : i32
        %sub3A_309 = arith.constant 1 : i32
        %sub3A_310 = arith.subi %add3A_308, %sub3A_309 : i32
        %lt3A_311 = arith.constant 16 : i32
        %lt3A_312 = arith.cmpi slt, %sub3A_310, %lt3A_311 : i32
        %convert_element_type3A_313 = arith.extui %lt3A_312 : i1 to i32
        %cond3A_314 = arith.constant 0 : i32
        %cond3A_315 = arith.cmpi ne, %convert_element_type3A_313, %cond3A_314 : i32
        scf.if %cond3A_315 {
          %add3A_515 = arith.constant 4 : i32
          %add3A_516 = arith.addi %add3A_290, %add3A_515 : i32
          %sub3A_517 = arith.constant 1 : i32
          %sub3A_518 = arith.subi %add3A_516, %sub3A_517 : i32
          %dma_start3A_519 = arith.constant 0 : i32
          %dma_start3A_520 = arith.constant 0 : i32
          %dma_start3A_521 = arith.constant 0 : i32
          %dma_start3A_522 = tpu.memref_slice %arg9[%dma_start3A_519, %dma_start3A_520, %dma_start3A_521] : memref<4x64x128xf32, #tpu.memory_space<vmem>> -> memref<1x64x128xf32, #tpu.memory_space<vmem>>
          %dma_start3A_523 = tpu.memref_squeeze %dma_start3A_522 : memref<1x64x128xf32, #tpu.memory_space<vmem>> -> memref<64x128xf32, #tpu.memory_space<vmem>>
          %dma_start3A_524 = arith.constant 0 : i32
          %dma_start3A_525 = tpu.memref_slice %arg7[%sub3A_518, %dma_start3A_524] : memref<16x64xi32, #tpu.memory_space<vmem>> -> memref<1x64xi32, #tpu.memory_space<vmem>>
          %dma_start3A_526 = tpu.memref_squeeze %dma_start3A_525 : memref<1x64xi32, #tpu.memory_space<vmem>> -> memref<64xi32, #tpu.memory_space<vmem>>
          %dma_start3A_527 = arith.constant 0 : i32
          %dma_start3A_528 = arith.constant 0 : i32
          %dma_start3A_529 = tpu.memref_slice %arg2[%dma_start3A_527, %dma_start3A_528] : memref<10000x128xf32, #tpu.memory_space<hbm>> -> memref<10000x128xf32, #tpu.memory_space<hbm>>
          tpu.enqueue_indirect_dma source(%dma_start3A_529 : memref<10000x128xf32, #tpu.memory_space<hbm>>) target(%dma_start3A_523 : memref<64x128xf32, #tpu.memory_space<vmem>>) offsets(%dma_start3A_526 : memref<64xi32, #tpu.memory_space<vmem>>) semaphore(%arg14 : memref<!tpu.dma_semaphore, #tpu.memory_space<semaphore_mem>>)
        } else {
        }
        %dma_start3A_316 = arith.constant 1 : i32
        %dma_start3A_317 = arith.constant 0 : i32
        %dma_start3A_318 = arith.constant 0 : i32
        %dma_start3A_319 = tpu.memref_slice %arg9[%dma_start3A_316, %dma_start3A_317, %dma_start3A_318] : memref<4x64x128xf32, #tpu.memory_space<vmem>> -> memref<1x64x128xf32, #tpu.memory_space<vmem>>
        %dma_start3A_320 = tpu.memref_squeeze %dma_start3A_319 : memref<1x64x128xf32, #tpu.memory_space<vmem>> -> memref<64x128xf32, #tpu.memory_space<vmem>>
        %dma_start3A_321 = arith.constant 0 : i32
        %dma_start3A_322 = tpu.memref_slice %arg8[%add3A_290, %dma_start3A_321] : memref<16x64xi32, #tpu.memory_space<vmem>> -> memref<1x64xi32, #tpu.memory_space<vmem>>
        %dma_start3A_323 = tpu.memref_squeeze %dma_start3A_322 : memref<1x64xi32, #tpu.memory_space<vmem>> -> memref<64xi32, #tpu.memory_space<vmem>>
        %dma_start3A_324 = arith.constant 0 : i32
        %dma_start3A_325 = arith.constant 0 : i32
        %dma_start3A_326 = tpu.memref_slice %arg12[%dma_start3A_324, %dma_start3A_325] : memref<10112x128xf32, #tpu.memory_space<vmem_shared>> -> memref<10112x128xf32, #tpu.memory_space<vmem_shared>>
        tpu.enqueue_indirect_dma source(%dma_start3A_320 : memref<64x128xf32, #tpu.memory_space<vmem>>) target(%dma_start3A_326 : memref<10112x128xf32, #tpu.memory_space<vmem_shared>>) offsets(%dma_start3A_323 : memref<64xi32, #tpu.memory_space<vmem>>) semaphore(%arg19 : memref<!tpu.dma_semaphore, #tpu.memory_space<semaphore_mem>>) {add = true}
        %get3A_327 = arith.index_cast %add3A_290 : i32 to index
        %get3A_328 = arith.constant 0 : index
        %get3A_329 = tpu.vector_load %arg8[%get3A_327, %get3A_328] {strides = array<i32>} : memref<16x64xi32, #tpu.memory_space<vmem>>, vector<16xi32>,
        %shift_right_arithmetic3A_330 = arith.constant 7 : i32
        %shift_right_arithmetic3A_331 = vector.broadcast %shift_right_arithmetic3A_330 : i32 to vector<16xi32>
        %shift_right_arithmetic3A_332 = arith.shrsi %get3A_329, %shift_right_arithmetic3A_331 : vector<16xi32>
        %and3A_333 = arith.constant 127 : i32
        %and3A_334 = vector.broadcast %and3A_333 : i32 to vector<16xi32>
        %and3A_335 = arith.andi %get3A_329, %and3A_334 : vector<16xi32>
        tpu.vector_store_idx %arg10[%shift_right_arithmetic3A_332, %and3A_335], %broadcast_in_dim3A_129 masked %eq3A_83 {add = true} : memref<80x128xf32, #tpu.memory_space<vmem>>[vector<16xi32>, vector<16xi32>], vector<16xf32>, vector<16xi1>
        tpu.vector_store_idx %arg10[%shift_right_arithmetic3A_332, %and3A_335], %broadcast_in_dim3A_129 masked %eq3A_86 {add = true} : memref<80x128xf32, #tpu.memory_space<vmem>>[vector<16xi32>, vector<16xi32>], vector<16xf32>, vector<16xi1>
        tpu.vector_store_idx %arg10[%shift_right_arithmetic3A_332, %and3A_335], %broadcast_in_dim3A_129 masked %eq3A_89 {add = true} : memref<80x128xf32, #tpu.memory_space<vmem>>[vector<16xi32>, vector<16xi32>], vector<16xf32>, vector<16xi1>
        tpu.vector_store_idx %arg10[%shift_right_arithmetic3A_332, %and3A_335], %broadcast_in_dim3A_129 masked %eq3A_92 {add = true} : memref<80x128xf32, #tpu.memory_space<vmem>>[vector<16xi32>, vector<16xi32>], vector<16xf32>, vector<16xi1>
        tpu.vector_store_idx %arg10[%shift_right_arithmetic3A_332, %and3A_335], %broadcast_in_dim3A_129 masked %eq3A_95 {add = true} : memref<80x128xf32, #tpu.memory_space<vmem>>[vector<16xi32>, vector<16xi32>], vector<16xf32>, vector<16xi1>
        tpu.vector_store_idx %arg10[%shift_right_arithmetic3A_332, %and3A_335], %broadcast_in_dim3A_129 masked %eq3A_98 {add = true} : memref<80x128xf32, #tpu.memory_space<vmem>>[vector<16xi32>, vector<16xi32>], vector<16xf32>, vector<16xi1>
        tpu.vector_store_idx %arg10[%shift_right_arithmetic3A_332, %and3A_335], %broadcast_in_dim3A_129 masked %eq3A_101 {add = true} : memref<80x128xf32, #tpu.memory_space<vmem>>[vector<16xi32>, vector<16xi32>], vector<16xf32>, vector<16xi1>
        tpu.vector_store_idx %arg10[%shift_right_arithmetic3A_332, %and3A_335], %broadcast_in_dim3A_129 masked %eq3A_104 {add = true} : memref<80x128xf32, #tpu.memory_space<vmem>>[vector<16xi32>, vector<16xi32>], vector<16xf32>, vector<16xi1>
        tpu.vector_store_idx %arg10[%shift_right_arithmetic3A_332, %and3A_335], %broadcast_in_dim3A_129 masked %eq3A_107 {add = true} : memref<80x128xf32, #tpu.memory_space<vmem>>[vector<16xi32>, vector<16xi32>], vector<16xf32>, vector<16xi1>
        tpu.vector_store_idx %arg10[%shift_right_arithmetic3A_332, %and3A_335], %broadcast_in_dim3A_129 masked %eq3A_110 {add = true} : memref<80x128xf32, #tpu.memory_space<vmem>>[vector<16xi32>, vector<16xi32>], vector<16xf32>, vector<16xi1>
        tpu.vector_store_idx %arg10[%shift_right_arithmetic3A_332, %and3A_335], %broadcast_in_dim3A_129 masked %eq3A_113 {add = true} : memref<80x128xf32, #tpu.memory_space<vmem>>[vector<16xi32>, vector<16xi32>], vector<16xf32>, vector<16xi1>
        tpu.vector_store_idx %arg10[%shift_right_arithmetic3A_332, %and3A_335], %broadcast_in_dim3A_129 masked %eq3A_116 {add = true} : memref<80x128xf32, #tpu.memory_space<vmem>>[vector<16xi32>, vector<16xi32>], vector<16xf32>, vector<16xi1>
        tpu.vector_store_idx %arg10[%shift_right_arithmetic3A_332, %and3A_335], %broadcast_in_dim3A_129 masked %eq3A_119 {add = true} : memref<80x128xf32, #tpu.memory_space<vmem>>[vector<16xi32>, vector<16xi32>], vector<16xf32>, vector<16xi1>
        tpu.vector_store_idx %arg10[%shift_right_arithmetic3A_332, %and3A_335], %broadcast_in_dim3A_129 masked %eq3A_122 {add = true} : memref<80x128xf32, #tpu.memory_space<vmem>>[vector<16xi32>, vector<16xi32>], vector<16xf32>, vector<16xi1>
        tpu.vector_store_idx %arg10[%shift_right_arithmetic3A_332, %and3A_335], %broadcast_in_dim3A_129 masked %eq3A_125 {add = true} : memref<80x128xf32, #tpu.memory_space<vmem>>[vector<16xi32>, vector<16xi32>], vector<16xf32>, vector<16xi1>
        tpu.vector_store_idx %arg10[%shift_right_arithmetic3A_332, %and3A_335], %broadcast_in_dim3A_129 masked %eq3A_128 {add = true} : memref<80x128xf32, #tpu.memory_space<vmem>>[vector<16xi32>, vector<16xi32>], vector<16xf32>, vector<16xi1>
        %get3A_336 = arith.index_cast %add3A_290 : i32 to index
        %get3A_337 = arith.constant 16 : index
        %get3A_338 = tpu.vector_load %arg8[%get3A_336, %get3A_337] {strides = array<i32>} : memref<16x64xi32, #tpu.memory_space<vmem>>, vector<16xi32>,
        %shift_right_arithmetic3A_339 = arith.constant 7 : i32
        %shift_right_arithmetic3A_340 = vector.broadcast %shift_right_arithmetic3A_339 : i32 to vector<16xi32>
        %shift_right_arithmetic3A_341 = arith.shrsi %get3A_338, %shift_right_arithmetic3A_340 : vector<16xi32>
        %and3A_342 = arith.constant 127 : i32
        %and3A_343 = vector.broadcast %and3A_342 : i32 to vector<16xi32>
        %and3A_344 = arith.andi %get3A_338, %and3A_343 : vector<16xi32>
        tpu.vector_store_idx %arg10[%shift_right_arithmetic3A_341, %and3A_344], %broadcast_in_dim3A_129 masked %eq3A_83 {add = true} : memref<80x128xf32, #tpu.memory_space<vmem>>[vector<16xi32>, vector<16xi32>], vector<16xf32>, vector<16xi1>
        tpu.vector_store_idx %arg10[%shift_right_arithmetic3A_341, %and3A_344], %broadcast_in_dim3A_129 masked %eq3A_86 {add = true} : memref<80x128xf32, #tpu.memory_space<vmem>>[vector<16xi32>, vector<16xi32>], vector<16xf32>, vector<16xi1>
        tpu.vector_store_idx %arg10[%shift_right_arithmetic3A_341, %and3A_344], %broadcast_in_dim3A_129 masked %eq3A_89 {add = true} : memref<80x128xf32, #tpu.memory_space<vmem>>[vector<16xi32>, vector<16xi32>], vector<16xf32>, vector<16xi1>
        tpu.vector_store_idx %arg10[%shift_right_arithmetic3A_341, %and3A_344], %broadcast_in_dim3A_129 masked %eq3A_92 {add = true} : memref<80x128xf32, #tpu.memory_space<vmem>>[vector<16xi32>, vector<16xi32>], vector<16xf32>, vector<16xi1>
        tpu.vector_store_idx %arg10[%shift_right_arithmetic3A_341, %and3A_344], %broadcast_in_dim3A_129 masked %eq3A_95 {add = true} : memref<80x128xf32, #tpu.memory_space<vmem>>[vector<16xi32>, vector<16xi32>], vector<16xf32>, vector<16xi1>
        tpu.vector_store_idx %arg10[%shift_right_arithmetic3A_341, %and3A_344], %broadcast_in_dim3A_129 masked %eq3A_98 {add = true} : memref<80x128xf32, #tpu.memory_space<vmem>>[vector<16xi32>, vector<16xi32>], vector<16xf32>, vector<16xi1>
        tpu.vector_store_idx %arg10[%shift_right_arithmetic3A_341, %and3A_344], %broadcast_in_dim3A_129 masked %eq3A_101 {add = true} : memref<80x128xf32, #tpu.memory_space<vmem>>[vector<16xi32>, vector<16xi32>], vector<16xf32>, vector<16xi1>
        tpu.vector_store_idx %arg10[%shift_right_arithmetic3A_341, %and3A_344], %broadcast_in_dim3A_129 masked %eq3A_104 {add = true} : memref<80x128xf32, #tpu.memory_space<vmem>>[vector<16xi32>, vector<16xi32>], vector<16xf32>, vector<16xi1>
        tpu.vector_store_idx %arg10[%shift_right_arithmetic3A_341, %and3A_344], %broadcast_in_dim3A_129 masked %eq3A_107 {add = true} : memref<80x128xf32, #tpu.memory_space<vmem>>[vector<16xi32>, vector<16xi32>], vector<16xf32>, vector<16xi1>
        tpu.vector_store_idx %arg10[%shift_right_arithmetic3A_341, %and3A_344], %broadcast_in_dim3A_129 masked %eq3A_110 {add = true} : memref<80x128xf32, #tpu.memory_space<vmem>>[vector<16xi32>, vector<16xi32>], vector<16xf32>, vector<16xi1>
        tpu.vector_store_idx %arg10[%shift_right_arithmetic3A_341, %and3A_344], %broadcast_in_dim3A_129 masked %eq3A_113 {add = true} : memref<80x128xf32, #tpu.memory_space<vmem>>[vector<16xi32>, vector<16xi32>], vector<16xf32>, vector<16xi1>
        tpu.vector_store_idx %arg10[%shift_right_arithmetic3A_341, %and3A_344], %broadcast_in_dim3A_129 masked %eq3A_116 {add = true} : memref<80x128xf32, #tpu.memory_space<vmem>>[vector<16xi32>, vector<16xi32>], vector<16xf32>, vector<16xi1>
        tpu.vector_store_idx %arg10[%shift_right_arithmetic3A_341, %and3A_344], %broadcast_in_dim3A_129 masked %eq3A_119 {add = true} : memref<80x128xf32, #tpu.memory_space<vmem>>[vector<16xi32>, vector<16xi32>], vector<16xf32>, vector<16xi1>
        tpu.vector_store_idx %arg10[%shift_right_arithmetic3A_341, %and3A_344], %broadcast_in_dim3A_129 masked %eq3A_122 {add = true} : memref<80x128xf32, #tpu.memory_space<vmem>>[vector<16xi32>, vector<16xi32>], vector<16xf32>, vector<16xi1>
        tpu.vector_store_idx %arg10[%shift_right_arithmetic3A_341, %and3A_344], %broadcast_in_dim3A_129 masked %eq3A_125 {add = true} : memref<80x128xf32, #tpu.memory_space<vmem>>[vector<16xi32>, vector<16xi32>], vector<16xf32>, vector<16xi1>
        tpu.vector_store_idx %arg10[%shift_right_arithmetic3A_341, %and3A_344], %broadcast_in_dim3A_129 masked %eq3A_128 {add = true} : memref<80x128xf32, #tpu.memory_space<vmem>>[vector<16xi32>, vector<16xi32>], vector<16xf32>, vector<16xi1>
        %get3A_345 = arith.index_cast %add3A_290 : i32 to index
        %get3A_346 = arith.constant 32 : index
        %get3A_347 = tpu.vector_load %arg8[%get3A_345, %get3A_346] {strides = array<i32>} : memref<16x64xi32, #tpu.memory_space<vmem>>, vector<16xi32>,
        %shift_right_arithmetic3A_348 = arith.constant 7 : i32
        %shift_right_arithmetic3A_349 = vector.broadcast %shift_right_arithmetic3A_348 : i32 to vector<16xi32>
        %shift_right_arithmetic3A_350 = arith.shrsi %get3A_347, %shift_right_arithmetic3A_349 : vector<16xi32>
        %and3A_351 = arith.constant 127 : i32
        %and3A_352 = vector.broadcast %and3A_351 : i32 to vector<16xi32>
        %and3A_353 = arith.andi %get3A_347, %and3A_352 : vector<16xi32>
        tpu.vector_store_idx %arg10[%shift_right_arithmetic3A_350, %and3A_353], %broadcast_in_dim3A_129 masked %eq3A_83 {add = true} : memref<80x128xf32, #tpu.memory_space<vmem>>[vector<16xi32>, vector<16xi32>], vector<16xf32>, vector<16xi1>
        tpu.vector_store_idx %arg10[%shift_right_arithmetic3A_350, %and3A_353], %broadcast_in_dim3A_129 masked %eq3A_86 {add = true} : memref<80x128xf32, #tpu.memory_space<vmem>>[vector<16xi32>, vector<16xi32>], vector<16xf32>, vector<16xi1>
        tpu.vector_store_idx %arg10[%shift_right_arithmetic3A_350, %and3A_353], %broadcast_in_dim3A_129 masked %eq3A_89 {add = true} : memref<80x128xf32, #tpu.memory_space<vmem>>[vector<16xi32>, vector<16xi32>], vector<16xf32>, vector<16xi1>
        tpu.vector_store_idx %arg10[%shift_right_arithmetic3A_350, %and3A_353], %broadcast_in_dim3A_129 masked %eq3A_92 {add = true} : memref<80x128xf32, #tpu.memory_space<vmem>>[vector<16xi32>, vector<16xi32>], vector<16xf32>, vector<16xi1>
        tpu.vector_store_idx %arg10[%shift_right_arithmetic3A_350, %and3A_353], %broadcast_in_dim3A_129 masked %eq3A_95 {add = true} : memref<80x128xf32, #tpu.memory_space<vmem>>[vector<16xi32>, vector<16xi32>], vector<16xf32>, vector<16xi1>
        tpu.vector_store_idx %arg10[%shift_right_arithmetic3A_350, %and3A_353], %broadcast_in_dim3A_129 masked %eq3A_98 {add = true} : memref<80x128xf32, #tpu.memory_space<vmem>>[vector<16xi32>, vector<16xi32>], vector<16xf32>, vector<16xi1>
        tpu.vector_store_idx %arg10[%shift_right_arithmetic3A_350, %and3A_353], %broadcast_in_dim3A_129 masked %eq3A_101 {add = true} : memref<80x128xf32, #tpu.memory_space<vmem>>[vector<16xi32>, vector<16xi32>], vector<16xf32>, vector<16xi1>
        tpu.vector_store_idx %arg10[%shift_right_arithmetic3A_350, %and3A_353], %broadcast_in_dim3A_129 masked %eq3A_104 {add = true} : memref<80x128xf32, #tpu.memory_space<vmem>>[vector<16xi32>, vector<16xi32>], vector<16xf32>, vector<16xi1>
        tpu.vector_store_idx %arg10[%shift_right_arithmetic3A_350, %and3A_353], %broadcast_in_dim3A_129 masked %eq3A_107 {add = true} : memref<80x128xf32, #tpu.memory_space<vmem>>[vector<16xi32>, vector<16xi32>], vector<16xf32>, vector<16xi1>
        tpu.vector_store_idx %arg10[%shift_right_arithmetic3A_350, %and3A_353], %broadcast_in_dim3A_129 masked %eq3A_110 {add = true} : memref<80x128xf32, #tpu.memory_space<vmem>>[vector<16xi32>, vector<16xi32>], vector<16xf32>, vector<16xi1>
        tpu.vector_store_idx %arg10[%shift_right_arithmetic3A_350, %and3A_353], %broadcast_in_dim3A_129 masked %eq3A_113 {add = true} : memref<80x128xf32, #tpu.memory_space<vmem>>[vector<16xi32>, vector<16xi32>], vector<16xf32>, vector<16xi1>
        tpu.vector_store_idx %arg10[%shift_right_arithmetic3A_350, %and3A_353], %broadcast_in_dim3A_129 masked %eq3A_116 {add = true} : memref<80x128xf32, #tpu.memory_space<vmem>>[vector<16xi32>, vector<16xi32>], vector<16xf32>, vector<16xi1>
        tpu.vector_store_idx %arg10[%shift_right_arithmetic3A_350, %and3A_353], %broadcast_in_dim3A_129 masked %eq3A_119 {add = true} : memref<80x128xf32, #tpu.memory_space<vmem>>[vector<16xi32>, vector<16xi32>], vector<16xf32>, vector<16xi1>
        tpu.vector_store_idx %arg10[%shift_right_arithmetic3A_350, %and3A_353], %broadcast_in_dim3A_129 masked %eq3A_122 {add = true} : memref<80x128xf32, #tpu.memory_space<vmem>>[vector<16xi32>, vector<16xi32>], vector<16xf32>, vector<16xi1>
        tpu.vector_store_idx %arg10[%shift_right_arithmetic3A_350, %and3A_353], %broadcast_in_dim3A_129 masked %eq3A_125 {add = true} : memref<80x128xf32, #tpu.memory_space<vmem>>[vector<16xi32>, vector<16xi32>], vector<16xf32>, vector<16xi1>
        tpu.vector_store_idx %arg10[%shift_right_arithmetic3A_350, %and3A_353], %broadcast_in_dim3A_129 masked %eq3A_128 {add = true} : memref<80x128xf32, #tpu.memory_space<vmem>>[vector<16xi32>, vector<16xi32>], vector<16xf32>, vector<16xi1>
        %get3A_354 = arith.index_cast %add3A_290 : i32 to index
        %get3A_355 = arith.constant 48 : index
        %get3A_356 = tpu.vector_load %arg8[%get3A_354, %get3A_355] {strides = array<i32>} : memref<16x64xi32, #tpu.memory_space<vmem>>, vector<16xi32>,
        %shift_right_arithmetic3A_357 = arith.constant 7 : i32
        %shift_right_arithmetic3A_358 = vector.broadcast %shift_right_arithmetic3A_357 : i32 to vector<16xi32>
        %shift_right_arithmetic3A_359 = arith.shrsi %get3A_356, %shift_right_arithmetic3A_358 : vector<16xi32>
        %and3A_360 = arith.constant 127 : i32
        %and3A_361 = vector.broadcast %and3A_360 : i32 to vector<16xi32>
        %and3A_362 = arith.andi %get3A_356, %and3A_361 : vector<16xi32>
        tpu.vector_store_idx %arg10[%shift_right_arithmetic3A_359, %and3A_362], %broadcast_in_dim3A_129 masked %eq3A_83 {add = true} : memref<80x128xf32, #tpu.memory_space<vmem>>[vector<16xi32>, vector<16xi32>], vector<16xf32>, vector<16xi1>
        tpu.vector_store_idx %arg10[%shift_right_arithmetic3A_359, %and3A_362], %broadcast_in_dim3A_129 masked %eq3A_86 {add = true} : memref<80x128xf32, #tpu.memory_space<vmem>>[vector<16xi32>, vector<16xi32>], vector<16xf32>, vector<16xi1>
        tpu.vector_store_idx %arg10[%shift_right_arithmetic3A_359, %and3A_362], %broadcast_in_dim3A_129 masked %eq3A_89 {add = true} : memref<80x128xf32, #tpu.memory_space<vmem>>[vector<16xi32>, vector<16xi32>], vector<16xf32>, vector<16xi1>
        tpu.vector_store_idx %arg10[%shift_right_arithmetic3A_359, %and3A_362], %broadcast_in_dim3A_129 masked %eq3A_92 {add = true} : memref<80x128xf32, #tpu.memory_space<vmem>>[vector<16xi32>, vector<16xi32>], vector<16xf32>, vector<16xi1>
        tpu.vector_store_idx %arg10[%shift_right_arithmetic3A_359, %and3A_362], %broadcast_in_dim3A_129 masked %eq3A_95 {add = true} : memref<80x128xf32, #tpu.memory_space<vmem>>[vector<16xi32>, vector<16xi32>], vector<16xf32>, vector<16xi1>
        tpu.vector_store_idx %arg10[%shift_right_arithmetic3A_359, %and3A_362], %broadcast_in_dim3A_129 masked %eq3A_98 {add = true} : memref<80x128xf32, #tpu.memory_space<vmem>>[vector<16xi32>, vector<16xi32>], vector<16xf32>, vector<16xi1>
        tpu.vector_store_idx %arg10[%shift_right_arithmetic3A_359, %and3A_362], %broadcast_in_dim3A_129 masked %eq3A_101 {add = true} : memref<80x128xf32, #tpu.memory_space<vmem>>[vector<16xi32>, vector<16xi32>], vector<16xf32>, vector<16xi1>
        tpu.vector_store_idx %arg10[%shift_right_arithmetic3A_359, %and3A_362], %broadcast_in_dim3A_129 masked %eq3A_104 {add = true} : memref<80x128xf32, #tpu.memory_space<vmem>>[vector<16xi32>, vector<16xi32>], vector<16xf32>, vector<16xi1>
        tpu.vector_store_idx %arg10[%shift_right_arithmetic3A_359, %and3A_362], %broadcast_in_dim3A_129 masked %eq3A_107 {add = true} : memref<80x128xf32, #tpu.memory_space<vmem>>[vector<16xi32>, vector<16xi32>], vector<16xf32>, vector<16xi1>
        tpu.vector_store_idx %arg10[%shift_right_arithmetic3A_359, %and3A_362], %broadcast_in_dim3A_129 masked %eq3A_110 {add = true} : memref<80x128xf32, #tpu.memory_space<vmem>>[vector<16xi32>, vector<16xi32>], vector<16xf32>, vector<16xi1>
        tpu.vector_store_idx %arg10[%shift_right_arithmetic3A_359, %and3A_362], %broadcast_in_dim3A_129 masked %eq3A_113 {add = true} : memref<80x128xf32, #tpu.memory_space<vmem>>[vector<16xi32>, vector<16xi32>], vector<16xf32>, vector<16xi1>
        tpu.vector_store_idx %arg10[%shift_right_arithmetic3A_359, %and3A_362], %broadcast_in_dim3A_129 masked %eq3A_116 {add = true} : memref<80x128xf32, #tpu.memory_space<vmem>>[vector<16xi32>, vector<16xi32>], vector<16xf32>, vector<16xi1>
        tpu.vector_store_idx %arg10[%shift_right_arithmetic3A_359, %and3A_362], %broadcast_in_dim3A_129 masked %eq3A_119 {add = true} : memref<80x128xf32, #tpu.memory_space<vmem>>[vector<16xi32>, vector<16xi32>], vector<16xf32>, vector<16xi1>
        tpu.vector_store_idx %arg10[%shift_right_arithmetic3A_359, %and3A_362], %broadcast_in_dim3A_129 masked %eq3A_122 {add = true} : memref<80x128xf32, #tpu.memory_space<vmem>>[vector<16xi32>, vector<16xi32>], vector<16xf32>, vector<16xi1>
        tpu.vector_store_idx %arg10[%shift_right_arithmetic3A_359, %and3A_362], %broadcast_in_dim3A_129 masked %eq3A_125 {add = true} : memref<80x128xf32, #tpu.memory_space<vmem>>[vector<16xi32>, vector<16xi32>], vector<16xf32>, vector<16xi1>
        tpu.vector_store_idx %arg10[%shift_right_arithmetic3A_359, %and3A_362], %broadcast_in_dim3A_129 masked %eq3A_128 {add = true} : memref<80x128xf32, #tpu.memory_space<vmem>>[vector<16xi32>, vector<16xi32>], vector<16xf32>, vector<16xi1>
        %mul3A_363 = arith.constant 4 : i32
        %mul3A_364 = arith.muli %scan3A_216, %mul3A_363 : i32
        %add3A_365 = arith.constant 2 : i32
        %add3A_366 = arith.addi %mul3A_364, %add3A_365 : i32
        %dma_wait3A_367 = arith.constant 2 : i32
        %dma_wait3A_368 = arith.constant 0 : i32
        %dma_wait3A_369 = arith.constant 0 : i32
        %dma_wait3A_370 = tpu.memref_slice %arg9[%dma_wait3A_367, %dma_wait3A_368, %dma_wait3A_369] : memref<4x64x128xf32, #tpu.memory_space<vmem>> -> memref<1x64x128xf32, #tpu.memory_space<vmem>>
        %dma_wait3A_371 = tpu.memref_squeeze %dma_wait3A_370 : memref<1x64x128xf32, #tpu.memory_space<vmem>> -> memref<64x128xf32, #tpu.memory_space<vmem>>
        %dma_wait3A_372 = arith.constant 0 : i32
        %dma_wait3A_373 = tpu.memref_slice %arg7[%add3A_366, %dma_wait3A_372] : memref<16x64xi32, #tpu.memory_space<vmem>> -> memref<1x64xi32, #tpu.memory_space<vmem>>
        %dma_wait3A_374 = tpu.memref_squeeze %dma_wait3A_373 : memref<1x64xi32, #tpu.memory_space<vmem>> -> memref<64xi32, #tpu.memory_space<vmem>>
        %dma_wait3A_375 = arith.constant 0 : i32
        %dma_wait3A_376 = arith.constant 0 : i32
        %dma_wait3A_377 = tpu.memref_slice %arg2[%dma_wait3A_375, %dma_wait3A_376] : memref<10000x128xf32, #tpu.memory_space<hbm>> -> memref<10000x128xf32, #tpu.memory_space<hbm>>
        tpu.wait_indirect_dma semaphore(%arg16 : memref<!tpu.dma_semaphore, #tpu.memory_space<semaphore_mem>>) src(%dma_wait3A_377 : memref<10000x128xf32, #tpu.memory_space<hbm>>) dst(%dma_wait3A_371 : memref<64x128xf32, #tpu.memory_space<vmem>>)
        %gt3A_378 = arith.constant 0 : i32
        %gt3A_379 = arith.cmpi sgt, %add3A_366, %gt3A_378 : i32
        %convert_element_type3A_380 = arith.extui %gt3A_379 : i1 to i32
        %cond3A_381 = arith.constant 0 : i32
        %cond3A_382 = arith.cmpi ne, %convert_element_type3A_380, %cond3A_381 : i32
        scf.if %cond3A_382 {
          %sub3A_515 = arith.constant 1 : i32
          %sub3A_516 = arith.subi %add3A_366, %sub3A_515 : i32
          %dma_wait3A_517 = arith.constant 1 : i32
          %dma_wait3A_518 = arith.constant 0 : i32
          %dma_wait3A_519 = arith.constant 0 : i32
          %dma_wait3A_520 = tpu.memref_slice %arg9[%dma_wait3A_517, %dma_wait3A_518, %dma_wait3A_519] : memref<4x64x128xf32, #tpu.memory_space<vmem>> -> memref<1x64x128xf32, #tpu.memory_space<vmem>>
          %dma_wait3A_521 = tpu.memref_squeeze %dma_wait3A_520 : memref<1x64x128xf32, #tpu.memory_space<vmem>> -> memref<64x128xf32, #tpu.memory_space<vmem>>
          %dma_wait3A_522 = arith.constant 0 : i32
          %dma_wait3A_523 = tpu.memref_slice %arg8[%sub3A_516, %dma_wait3A_522] : memref<16x64xi32, #tpu.memory_space<vmem>> -> memref<1x64xi32, #tpu.memory_space<vmem>>
          %dma_wait3A_524 = tpu.memref_squeeze %dma_wait3A_523 : memref<1x64xi32, #tpu.memory_space<vmem>> -> memref<64xi32, #tpu.memory_space<vmem>>
          %dma_wait3A_525 = arith.constant 0 : i32
          %dma_wait3A_526 = arith.constant 0 : i32
          %dma_wait3A_527 = tpu.memref_slice %arg12[%dma_wait3A_525, %dma_wait3A_526] : memref<10112x128xf32, #tpu.memory_space<vmem_shared>> -> memref<10112x128xf32, #tpu.memory_space<vmem_shared>>
          tpu.wait_indirect_dma semaphore(%arg19 : memref<!tpu.dma_semaphore, #tpu.memory_space<semaphore_mem>>) src(%dma_wait3A_521 : memref<64x128xf32, #tpu.memory_space<vmem>>) dst(%dma_wait3A_527 : memref<10112x128xf32, #tpu.memory_space<vmem_shared>>)
        } else {
        }
        %add3A_383 = arith.constant 4 : i32
        %add3A_384 = arith.addi %add3A_366, %add3A_383 : i32
        %sub3A_385 = arith.constant 1 : i32
        %sub3A_386 = arith.subi %add3A_384, %sub3A_385 : i32
        %lt3A_387 = arith.constant 16 : i32
        %lt3A_388 = arith.cmpi slt, %sub3A_386, %lt3A_387 : i32
        %convert_element_type3A_389 = arith.extui %lt3A_388 : i1 to i32
        %cond3A_390 = arith.constant 0 : i32
        %cond3A_391 = arith.cmpi ne, %convert_element_type3A_389, %cond3A_390 : i32
        scf.if %cond3A_391 {
          %add3A_515 = arith.constant 4 : i32
          %add3A_516 = arith.addi %add3A_366, %add3A_515 : i32
          %sub3A_517 = arith.constant 1 : i32
          %sub3A_518 = arith.subi %add3A_516, %sub3A_517 : i32
          %dma_start3A_519 = arith.constant 1 : i32
          %dma_start3A_520 = arith.constant 0 : i32
          %dma_start3A_521 = arith.constant 0 : i32
          %dma_start3A_522 = tpu.memref_slice %arg9[%dma_start3A_519, %dma_start3A_520, %dma_start3A_521] : memref<4x64x128xf32, #tpu.memory_space<vmem>> -> memref<1x64x128xf32, #tpu.memory_space<vmem>>
          %dma_start3A_523 = tpu.memref_squeeze %dma_start3A_522 : memref<1x64x128xf32, #tpu.memory_space<vmem>> -> memref<64x128xf32, #tpu.memory_space<vmem>>
          %dma_start3A_524 = arith.constant 0 : i32
          %dma_start3A_525 = tpu.memref_slice %arg7[%sub3A_518, %dma_start3A_524] : memref<16x64xi32, #tpu.memory_space<vmem>> -> memref<1x64xi32, #tpu.memory_space<vmem>>
          %dma_start3A_526 = tpu.memref_squeeze %dma_start3A_525 : memref<1x64xi32, #tpu.memory_space<vmem>> -> memref<64xi32, #tpu.memory_space<vmem>>
          %dma_start3A_527 = arith.constant 0 : i32
          %dma_start3A_528 = arith.constant 0 : i32
          %dma_start3A_529 = tpu.memref_slice %arg2[%dma_start3A_527, %dma_start3A_528] : memref<10000x128xf32, #tpu.memory_space<hbm>> -> memref<10000x128xf32, #tpu.memory_space<hbm>>
          tpu.enqueue_indirect_dma source(%dma_start3A_529 : memref<10000x128xf32, #tpu.memory_space<hbm>>) target(%dma_start3A_523 : memref<64x128xf32, #tpu.memory_space<vmem>>) offsets(%dma_start3A_526 : memref<64xi32, #tpu.memory_space<vmem>>) semaphore(%arg15 : memref<!tpu.dma_semaphore, #tpu.memory_space<semaphore_mem>>)
        } else {
        }
        %dma_start3A_392 = arith.constant 2 : i32
        %dma_start3A_393 = arith.constant 0 : i32
        %dma_start3A_394 = arith.constant 0 : i32
        %dma_start3A_395 = tpu.memref_slice %arg9[%dma_start3A_392, %dma_start3A_393, %dma_start3A_394] : memref<4x64x128xf32, #tpu.memory_space<vmem>> -> memref<1x64x128xf32, #tpu.memory_space<vmem>>
        %dma_start3A_396 = tpu.memref_squeeze %dma_start3A_395 : memref<1x64x128xf32, #tpu.memory_space<vmem>> -> memref<64x128xf32, #tpu.memory_space<vmem>>
        %dma_start3A_397 = arith.constant 0 : i32
        %dma_start3A_398 = tpu.memref_slice %arg8[%add3A_366, %dma_start3A_397] : memref<16x64xi32, #tpu.memory_space<vmem>> -> memref<1x64xi32, #tpu.memory_space<vmem>>
        %dma_start3A_399 = tpu.memref_squeeze %dma_start3A_398 : memref<1x64xi32, #tpu.memory_space<vmem>> -> memref<64xi32, #tpu.memory_space<vmem>>
        %dma_start3A_400 = arith.constant 0 : i32
        %dma_start3A_401 = arith.constant 0 : i32
        %dma_start3A_402 = tpu.memref_slice %arg12[%dma_start3A_400, %dma_start3A_401] : memref<10112x128xf32, #tpu.memory_space<vmem_shared>> -> memref<10112x128xf32, #tpu.memory_space<vmem_shared>>
        tpu.enqueue_indirect_dma source(%dma_start3A_396 : memref<64x128xf32, #tpu.memory_space<vmem>>) target(%dma_start3A_402 : memref<10112x128xf32, #tpu.memory_space<vmem_shared>>) offsets(%dma_start3A_399 : memref<64xi32, #tpu.memory_space<vmem>>) semaphore(%arg20 : memref<!tpu.dma_semaphore, #tpu.memory_space<semaphore_mem>>) {add = true}
        %get3A_403 = arith.index_cast %add3A_366 : i32 to index
        %get3A_404 = arith.constant 0 : index
        %get3A_405 = tpu.vector_load %arg8[%get3A_403, %get3A_404] {strides = array<i32>} : memref<16x64xi32, #tpu.memory_space<vmem>>, vector<16xi32>,
        %shift_right_arithmetic3A_406 = arith.constant 7 : i32
        %shift_right_arithmetic3A_407 = vector.broadcast %shift_right_arithmetic3A_406 : i32 to vector<16xi32>
        %shift_right_arithmetic3A_408 = arith.shrsi %get3A_405, %shift_right_arithmetic3A_407 : vector<16xi32>
        %and3A_409 = arith.constant 127 : i32
        %and3A_410 = vector.broadcast %and3A_409 : i32 to vector<16xi32>
        %and3A_411 = arith.andi %get3A_405, %and3A_410 : vector<16xi32>
        tpu.vector_store_idx %arg10[%shift_right_arithmetic3A_408, %and3A_411], %broadcast_in_dim3A_129 masked %eq3A_83 {add = true} : memref<80x128xf32, #tpu.memory_space<vmem>>[vector<16xi32>, vector<16xi32>], vector<16xf32>, vector<16xi1>
        tpu.vector_store_idx %arg10[%shift_right_arithmetic3A_408, %and3A_411], %broadcast_in_dim3A_129 masked %eq3A_86 {add = true} : memref<80x128xf32, #tpu.memory_space<vmem>>[vector<16xi32>, vector<16xi32>], vector<16xf32>, vector<16xi1>
        tpu.vector_store_idx %arg10[%shift_right_arithmetic3A_408, %and3A_411], %broadcast_in_dim3A_129 masked %eq3A_89 {add = true} : memref<80x128xf32, #tpu.memory_space<vmem>>[vector<16xi32>, vector<16xi32>], vector<16xf32>, vector<16xi1>
        tpu.vector_store_idx %arg10[%shift_right_arithmetic3A_408, %and3A_411], %broadcast_in_dim3A_129 masked %eq3A_92 {add = true} : memref<80x128xf32, #tpu.memory_space<vmem>>[vector<16xi32>, vector<16xi32>], vector<16xf32>, vector<16xi1>
        tpu.vector_store_idx %arg10[%shift_right_arithmetic3A_408, %and3A_411], %broadcast_in_dim3A_129 masked %eq3A_95 {add = true} : memref<80x128xf32, #tpu.memory_space<vmem>>[vector<16xi32>, vector<16xi32>], vector<16xf32>, vector<16xi1>
        tpu.vector_store_idx %arg10[%shift_right_arithmetic3A_408, %and3A_411], %broadcast_in_dim3A_129 masked %eq3A_98 {add = true} : memref<80x128xf32, #tpu.memory_space<vmem>>[vector<16xi32>, vector<16xi32>], vector<16xf32>, vector<16xi1>
        tpu.vector_store_idx %arg10[%shift_right_arithmetic3A_408, %and3A_411], %broadcast_in_dim3A_129 masked %eq3A_101 {add = true} : memref<80x128xf32, #tpu.memory_space<vmem>>[vector<16xi32>, vector<16xi32>], vector<16xf32>, vector<16xi1>
        tpu.vector_store_idx %arg10[%shift_right_arithmetic3A_408, %and3A_411], %broadcast_in_dim3A_129 masked %eq3A_104 {add = true} : memref<80x128xf32, #tpu.memory_space<vmem>>[vector<16xi32>, vector<16xi32>], vector<16xf32>, vector<16xi1>
        tpu.vector_store_idx %arg10[%shift_right_arithmetic3A_408, %and3A_411], %broadcast_in_dim3A_129 masked %eq3A_107 {add = true} : memref<80x128xf32, #tpu.memory_space<vmem>>[vector<16xi32>, vector<16xi32>], vector<16xf32>, vector<16xi1>
        tpu.vector_store_idx %arg10[%shift_right_arithmetic3A_408, %and3A_411], %broadcast_in_dim3A_129 masked %eq3A_110 {add = true} : memref<80x128xf32, #tpu.memory_space<vmem>>[vector<16xi32>, vector<16xi32>], vector<16xf32>, vector<16xi1>
        tpu.vector_store_idx %arg10[%shift_right_arithmetic3A_408, %and3A_411], %broadcast_in_dim3A_129 masked %eq3A_113 {add = true} : memref<80x128xf32, #tpu.memory_space<vmem>>[vector<16xi32>, vector<16xi32>], vector<16xf32>, vector<16xi1>
        tpu.vector_store_idx %arg10[%shift_right_arithmetic3A_408, %and3A_411], %broadcast_in_dim3A_129 masked %eq3A_116 {add = true} : memref<80x128xf32, #tpu.memory_space<vmem>>[vector<16xi32>, vector<16xi32>], vector<16xf32>, vector<16xi1>
        tpu.vector_store_idx %arg10[%shift_right_arithmetic3A_408, %and3A_411], %broadcast_in_dim3A_129 masked %eq3A_119 {add = true} : memref<80x128xf32, #tpu.memory_space<vmem>>[vector<16xi32>, vector<16xi32>], vector<16xf32>, vector<16xi1>
        tpu.vector_store_idx %arg10[%shift_right_arithmetic3A_408, %and3A_411], %broadcast_in_dim3A_129 masked %eq3A_122 {add = true} : memref<80x128xf32, #tpu.memory_space<vmem>>[vector<16xi32>, vector<16xi32>], vector<16xf32>, vector<16xi1>
        tpu.vector_store_idx %arg10[%shift_right_arithmetic3A_408, %and3A_411], %broadcast_in_dim3A_129 masked %eq3A_125 {add = true} : memref<80x128xf32, #tpu.memory_space<vmem>>[vector<16xi32>, vector<16xi32>], vector<16xf32>, vector<16xi1>
        tpu.vector_store_idx %arg10[%shift_right_arithmetic3A_408, %and3A_411], %broadcast_in_dim3A_129 masked %eq3A_128 {add = true} : memref<80x128xf32, #tpu.memory_space<vmem>>[vector<16xi32>, vector<16xi32>], vector<16xf32>, vector<16xi1>
        %get3A_412 = arith.index_cast %add3A_366 : i32 to index
        %get3A_413 = arith.constant 16 : index
        %get3A_414 = tpu.vector_load %arg8[%get3A_412, %get3A_413] {strides = array<i32>} : memref<16x64xi32, #tpu.memory_space<vmem>>, vector<16xi32>,
        %shift_right_arithmetic3A_415 = arith.constant 7 : i32
        %shift_right_arithmetic3A_416 = vector.broadcast %shift_right_arithmetic3A_415 : i32 to vector<16xi32>
        %shift_right_arithmetic3A_417 = arith.shrsi %get3A_414, %shift_right_arithmetic3A_416 : vector<16xi32>
        %and3A_418 = arith.constant 127 : i32
        %and3A_419 = vector.broadcast %and3A_418 : i32 to vector<16xi32>
        %and3A_420 = arith.andi %get3A_414, %and3A_419 : vector<16xi32>
        tpu.vector_store_idx %arg10[%shift_right_arithmetic3A_417, %and3A_420], %broadcast_in_dim3A_129 masked %eq3A_83 {add = true} : memref<80x128xf32, #tpu.memory_space<vmem>>[vector<16xi32>, vector<16xi32>], vector<16xf32>, vector<16xi1>
        tpu.vector_store_idx %arg10[%shift_right_arithmetic3A_417, %and3A_420], %broadcast_in_dim3A_129 masked %eq3A_86 {add = true} : memref<80x128xf32, #tpu.memory_space<vmem>>[vector<16xi32>, vector<16xi32>], vector<16xf32>, vector<16xi1>
        tpu.vector_store_idx %arg10[%shift_right_arithmetic3A_417, %and3A_420], %broadcast_in_dim3A_129 masked %eq3A_89 {add = true} : memref<80x128xf32, #tpu.memory_space<vmem>>[vector<16xi32>, vector<16xi32>], vector<16xf32>, vector<16xi1>
        tpu.vector_store_idx %arg10[%shift_right_arithmetic3A_417, %and3A_420], %broadcast_in_dim3A_129 masked %eq3A_92 {add = true} : memref<80x128xf32, #tpu.memory_space<vmem>>[vector<16xi32>, vector<16xi32>], vector<16xf32>, vector<16xi1>
        tpu.vector_store_idx %arg10[%shift_right_arithmetic3A_417, %and3A_420], %broadcast_in_dim3A_129 masked %eq3A_95 {add = true} : memref<80x128xf32, #tpu.memory_space<vmem>>[vector<16xi32>, vector<16xi32>], vector<16xf32>, vector<16xi1>
        tpu.vector_store_idx %arg10[%shift_right_arithmetic3A_417, %and3A_420], %broadcast_in_dim3A_129 masked %eq3A_98 {add = true} : memref<80x128xf32, #tpu.memory_space<vmem>>[vector<16xi32>, vector<16xi32>], vector<16xf32>, vector<16xi1>
        tpu.vector_store_idx %arg10[%shift_right_arithmetic3A_417, %and3A_420], %broadcast_in_dim3A_129 masked %eq3A_101 {add = true} : memref<80x128xf32, #tpu.memory_space<vmem>>[vector<16xi32>, vector<16xi32>], vector<16xf32>, vector<16xi1>
        tpu.vector_store_idx %arg10[%shift_right_arithmetic3A_417, %and3A_420], %broadcast_in_dim3A_129 masked %eq3A_104 {add = true} : memref<80x128xf32, #tpu.memory_space<vmem>>[vector<16xi32>, vector<16xi32>], vector<16xf32>, vector<16xi1>
        tpu.vector_store_idx %arg10[%shift_right_arithmetic3A_417, %and3A_420], %broadcast_in_dim3A_129 masked %eq3A_107 {add = true} : memref<80x128xf32, #tpu.memory_space<vmem>>[vector<16xi32>, vector<16xi32>], vector<16xf32>, vector<16xi1>
        tpu.vector_store_idx %arg10[%shift_right_arithmetic3A_417, %and3A_420], %broadcast_in_dim3A_129 masked %eq3A_110 {add = true} : memref<80x128xf32, #tpu.memory_space<vmem>>[vector<16xi32>, vector<16xi32>], vector<16xf32>, vector<16xi1>
        tpu.vector_store_idx %arg10[%shift_right_arithmetic3A_417, %and3A_420], %broadcast_in_dim3A_129 masked %eq3A_113 {add = true} : memref<80x128xf32, #tpu.memory_space<vmem>>[vector<16xi32>, vector<16xi32>], vector<16xf32>, vector<16xi1>
        tpu.vector_store_idx %arg10[%shift_right_arithmetic3A_417, %and3A_420], %broadcast_in_dim3A_129 masked %eq3A_116 {add = true} : memref<80x128xf32, #tpu.memory_space<vmem>>[vector<16xi32>, vector<16xi32>], vector<16xf32>, vector<16xi1>
        tpu.vector_store_idx %arg10[%shift_right_arithmetic3A_417, %and3A_420], %broadcast_in_dim3A_129 masked %eq3A_119 {add = true} : memref<80x128xf32, #tpu.memory_space<vmem>>[vector<16xi32>, vector<16xi32>], vector<16xf32>, vector<16xi1>
        tpu.vector_store_idx %arg10[%shift_right_arithmetic3A_417, %and3A_420], %broadcast_in_dim3A_129 masked %eq3A_122 {add = true} : memref<80x128xf32, #tpu.memory_space<vmem>>[vector<16xi32>, vector<16xi32>], vector<16xf32>, vector<16xi1>
        tpu.vector_store_idx %arg10[%shift_right_arithmetic3A_417, %and3A_420], %broadcast_in_dim3A_129 masked %eq3A_125 {add = true} : memref<80x128xf32, #tpu.memory_space<vmem>>[vector<16xi32>, vector<16xi32>], vector<16xf32>, vector<16xi1>
        tpu.vector_store_idx %arg10[%shift_right_arithmetic3A_417, %and3A_420], %broadcast_in_dim3A_129 masked %eq3A_128 {add = true} : memref<80x128xf32, #tpu.memory_space<vmem>>[vector<16xi32>, vector<16xi32>], vector<16xf32>, vector<16xi1>
        %get3A_421 = arith.index_cast %add3A_366 : i32 to index
        %get3A_422 = arith.constant 32 : index
        %get3A_423 = tpu.vector_load %arg8[%get3A_421, %get3A_422] {strides = array<i32>} : memref<16x64xi32, #tpu.memory_space<vmem>>, vector<16xi32>,
        %shift_right_arithmetic3A_424 = arith.constant 7 : i32
        %shift_right_arithmetic3A_425 = vector.broadcast %shift_right_arithmetic3A_424 : i32 to vector<16xi32>
        %shift_right_arithmetic3A_426 = arith.shrsi %get3A_423, %shift_right_arithmetic3A_425 : vector<16xi32>
        %and3A_427 = arith.constant 127 : i32
        %and3A_428 = vector.broadcast %and3A_427 : i32 to vector<16xi32>
        %and3A_429 = arith.andi %get3A_423, %and3A_428 : vector<16xi32>
        tpu.vector_store_idx %arg10[%shift_right_arithmetic3A_426, %and3A_429], %broadcast_in_dim3A_129 masked %eq3A_83 {add = true} : memref<80x128xf32, #tpu.memory_space<vmem>>[vector<16xi32>, vector<16xi32>], vector<16xf32>, vector<16xi1>
        tpu.vector_store_idx %arg10[%shift_right_arithmetic3A_426, %and3A_429], %broadcast_in_dim3A_129 masked %eq3A_86 {add = true} : memref<80x128xf32, #tpu.memory_space<vmem>>[vector<16xi32>, vector<16xi32>], vector<16xf32>, vector<16xi1>
        tpu.vector_store_idx %arg10[%shift_right_arithmetic3A_426, %and3A_429], %broadcast_in_dim3A_129 masked %eq3A_89 {add = true} : memref<80x128xf32, #tpu.memory_space<vmem>>[vector<16xi32>, vector<16xi32>], vector<16xf32>, vector<16xi1>
        tpu.vector_store_idx %arg10[%shift_right_arithmetic3A_426, %and3A_429], %broadcast_in_dim3A_129 masked %eq3A_92 {add = true} : memref<80x128xf32, #tpu.memory_space<vmem>>[vector<16xi32>, vector<16xi32>], vector<16xf32>, vector<16xi1>
        tpu.vector_store_idx %arg10[%shift_right_arithmetic3A_426, %and3A_429], %broadcast_in_dim3A_129 masked %eq3A_95 {add = true} : memref<80x128xf32, #tpu.memory_space<vmem>>[vector<16xi32>, vector<16xi32>], vector<16xf32>, vector<16xi1>
        tpu.vector_store_idx %arg10[%shift_right_arithmetic3A_426, %and3A_429], %broadcast_in_dim3A_129 masked %eq3A_98 {add = true} : memref<80x128xf32, #tpu.memory_space<vmem>>[vector<16xi32>, vector<16xi32>], vector<16xf32>, vector<16xi1>
        tpu.vector_store_idx %arg10[%shift_right_arithmetic3A_426, %and3A_429], %broadcast_in_dim3A_129 masked %eq3A_101 {add = true} : memref<80x128xf32, #tpu.memory_space<vmem>>[vector<16xi32>, vector<16xi32>], vector<16xf32>, vector<16xi1>
        tpu.vector_store_idx %arg10[%shift_right_arithmetic3A_426, %and3A_429], %broadcast_in_dim3A_129 masked %eq3A_104 {add = true} : memref<80x128xf32, #tpu.memory_space<vmem>>[vector<16xi32>, vector<16xi32>], vector<16xf32>, vector<16xi1>
        tpu.vector_store_idx %arg10[%shift_right_arithmetic3A_426, %and3A_429], %broadcast_in_dim3A_129 masked %eq3A_107 {add = true} : memref<80x128xf32, #tpu.memory_space<vmem>>[vector<16xi32>, vector<16xi32>], vector<16xf32>, vector<16xi1>
        tpu.vector_store_idx %arg10[%shift_right_arithmetic3A_426, %and3A_429], %broadcast_in_dim3A_129 masked %eq3A_110 {add = true} : memref<80x128xf32, #tpu.memory_space<vmem>>[vector<16xi32>, vector<16xi32>], vector<16xf32>, vector<16xi1>
        tpu.vector_store_idx %arg10[%shift_right_arithmetic3A_426, %and3A_429], %broadcast_in_dim3A_129 masked %eq3A_113 {add = true} : memref<80x128xf32, #tpu.memory_space<vmem>>[vector<16xi32>, vector<16xi32>], vector<16xf32>, vector<16xi1>
        tpu.vector_store_idx %arg10[%shift_right_arithmetic3A_426, %and3A_429], %broadcast_in_dim3A_129 masked %eq3A_116 {add = true} : memref<80x128xf32, #tpu.memory_space<vmem>>[vector<16xi32>, vector<16xi32>], vector<16xf32>, vector<16xi1>
        tpu.vector_store_idx %arg10[%shift_right_arithmetic3A_426, %and3A_429], %broadcast_in_dim3A_129 masked %eq3A_119 {add = true} : memref<80x128xf32, #tpu.memory_space<vmem>>[vector<16xi32>, vector<16xi32>], vector<16xf32>, vector<16xi1>
        tpu.vector_store_idx %arg10[%shift_right_arithmetic3A_426, %and3A_429], %broadcast_in_dim3A_129 masked %eq3A_122 {add = true} : memref<80x128xf32, #tpu.memory_space<vmem>>[vector<16xi32>, vector<16xi32>], vector<16xf32>, vector<16xi1>
        tpu.vector_store_idx %arg10[%shift_right_arithmetic3A_426, %and3A_429], %broadcast_in_dim3A_129 masked %eq3A_125 {add = true} : memref<80x128xf32, #tpu.memory_space<vmem>>[vector<16xi32>, vector<16xi32>], vector<16xf32>, vector<16xi1>
        tpu.vector_store_idx %arg10[%shift_right_arithmetic3A_426, %and3A_429], %broadcast_in_dim3A_129 masked %eq3A_128 {add = true} : memref<80x128xf32, #tpu.memory_space<vmem>>[vector<16xi32>, vector<16xi32>], vector<16xf32>, vector<16xi1>
        %get3A_430 = arith.index_cast %add3A_366 : i32 to index
        %get3A_431 = arith.constant 48 : index
        %get3A_432 = tpu.vector_load %arg8[%get3A_430, %get3A_431] {strides = array<i32>} : memref<16x64xi32, #tpu.memory_space<vmem>>, vector<16xi32>,
        %shift_right_arithmetic3A_433 = arith.constant 7 : i32
        %shift_right_arithmetic3A_434 = vector.broadcast %shift_right_arithmetic3A_433 : i32 to vector<16xi32>
        %shift_right_arithmetic3A_435 = arith.shrsi %get3A_432, %shift_right_arithmetic3A_434 : vector<16xi32>
        %and3A_436 = arith.constant 127 : i32
        %and3A_437 = vector.broadcast %and3A_436 : i32 to vector<16xi32>
        %and3A_438 = arith.andi %get3A_432, %and3A_437 : vector<16xi32>
        tpu.vector_store_idx %arg10[%shift_right_arithmetic3A_435, %and3A_438], %broadcast_in_dim3A_129 masked %eq3A_83 {add = true} : memref<80x128xf32, #tpu.memory_space<vmem>>[vector<16xi32>, vector<16xi32>], vector<16xf32>, vector<16xi1>
        tpu.vector_store_idx %arg10[%shift_right_arithmetic3A_435, %and3A_438], %broadcast_in_dim3A_129 masked %eq3A_86 {add = true} : memref<80x128xf32, #tpu.memory_space<vmem>>[vector<16xi32>, vector<16xi32>], vector<16xf32>, vector<16xi1>
        tpu.vector_store_idx %arg10[%shift_right_arithmetic3A_435, %and3A_438], %broadcast_in_dim3A_129 masked %eq3A_89 {add = true} : memref<80x128xf32, #tpu.memory_space<vmem>>[vector<16xi32>, vector<16xi32>], vector<16xf32>, vector<16xi1>
        tpu.vector_store_idx %arg10[%shift_right_arithmetic3A_435, %and3A_438], %broadcast_in_dim3A_129 masked %eq3A_92 {add = true} : memref<80x128xf32, #tpu.memory_space<vmem>>[vector<16xi32>, vector<16xi32>], vector<16xf32>, vector<16xi1>
        tpu.vector_store_idx %arg10[%shift_right_arithmetic3A_435, %and3A_438], %broadcast_in_dim3A_129 masked %eq3A_95 {add = true} : memref<80x128xf32, #tpu.memory_space<vmem>>[vector<16xi32>, vector<16xi32>], vector<16xf32>, vector<16xi1>
        tpu.vector_store_idx %arg10[%shift_right_arithmetic3A_435, %and3A_438], %broadcast_in_dim3A_129 masked %eq3A_98 {add = true} : memref<80x128xf32, #tpu.memory_space<vmem>>[vector<16xi32>, vector<16xi32>], vector<16xf32>, vector<16xi1>
        tpu.vector_store_idx %arg10[%shift_right_arithmetic3A_435, %and3A_438], %broadcast_in_dim3A_129 masked %eq3A_101 {add = true} : memref<80x128xf32, #tpu.memory_space<vmem>>[vector<16xi32>, vector<16xi32>], vector<16xf32>, vector<16xi1>
        tpu.vector_store_idx %arg10[%shift_right_arithmetic3A_435, %and3A_438], %broadcast_in_dim3A_129 masked %eq3A_104 {add = true} : memref<80x128xf32, #tpu.memory_space<vmem>>[vector<16xi32>, vector<16xi32>], vector<16xf32>, vector<16xi1>
        tpu.vector_store_idx %arg10[%shift_right_arithmetic3A_435, %and3A_438], %broadcast_in_dim3A_129 masked %eq3A_107 {add = true} : memref<80x128xf32, #tpu.memory_space<vmem>>[vector<16xi32>, vector<16xi32>], vector<16xf32>, vector<16xi1>
        tpu.vector_store_idx %arg10[%shift_right_arithmetic3A_435, %and3A_438], %broadcast_in_dim3A_129 masked %eq3A_110 {add = true} : memref<80x128xf32, #tpu.memory_space<vmem>>[vector<16xi32>, vector<16xi32>], vector<16xf32>, vector<16xi1>
        tpu.vector_store_idx %arg10[%shift_right_arithmetic3A_435, %and3A_438], %broadcast_in_dim3A_129 masked %eq3A_113 {add = true} : memref<80x128xf32, #tpu.memory_space<vmem>>[vector<16xi32>, vector<16xi32>], vector<16xf32>, vector<16xi1>
        tpu.vector_store_idx %arg10[%shift_right_arithmetic3A_435, %and3A_438], %broadcast_in_dim3A_129 masked %eq3A_116 {add = true} : memref<80x128xf32, #tpu.memory_space<vmem>>[vector<16xi32>, vector<16xi32>], vector<16xf32>, vector<16xi1>
        tpu.vector_store_idx %arg10[%shift_right_arithmetic3A_435, %and3A_438], %broadcast_in_dim3A_129 masked %eq3A_119 {add = true} : memref<80x128xf32, #tpu.memory_space<vmem>>[vector<16xi32>, vector<16xi32>], vector<16xf32>, vector<16xi1>
        tpu.vector_store_idx %arg10[%shift_right_arithmetic3A_435, %and3A_438], %broadcast_in_dim3A_129 masked %eq3A_122 {add = true} : memref<80x128xf32, #tpu.memory_space<vmem>>[vector<16xi32>, vector<16xi32>], vector<16xf32>, vector<16xi1>
        tpu.vector_store_idx %arg10[%shift_right_arithmetic3A_435, %and3A_438], %broadcast_in_dim3A_129 masked %eq3A_125 {add = true} : memref<80x128xf32, #tpu.memory_space<vmem>>[vector<16xi32>, vector<16xi32>], vector<16xf32>, vector<16xi1>
        tpu.vector_store_idx %arg10[%shift_right_arithmetic3A_435, %and3A_438], %broadcast_in_dim3A_129 masked %eq3A_128 {add = true} : memref<80x128xf32, #tpu.memory_space<vmem>>[vector<16xi32>, vector<16xi32>], vector<16xf32>, vector<16xi1>
        %mul3A_439 = arith.constant 4 : i32
        %mul3A_440 = arith.muli %scan3A_216, %mul3A_439 : i32
        %add3A_441 = arith.constant 3 : i32
        %add3A_442 = arith.addi %mul3A_440, %add3A_441 : i32
        %dma_wait3A_443 = arith.constant 3 : i32
        %dma_wait3A_444 = arith.constant 0 : i32
        %dma_wait3A_445 = arith.constant 0 : i32
        %dma_wait3A_446 = tpu.memref_slice %arg9[%dma_wait3A_443, %dma_wait3A_444, %dma_wait3A_445] : memref<4x64x128xf32, #tpu.memory_space<vmem>> -> memref<1x64x128xf32, #tpu.memory_space<vmem>>
        %dma_wait3A_447 = tpu.memref_squeeze %dma_wait3A_446 : memref<1x64x128xf32, #tpu.memory_space<vmem>> -> memref<64x128xf32, #tpu.memory_space<vmem>>
        %dma_wait3A_448 = arith.constant 0 : i32
        %dma_wait3A_449 = tpu.memref_slice %arg7[%add3A_442, %dma_wait3A_448] : memref<16x64xi32, #tpu.memory_space<vmem>> -> memref<1x64xi32, #tpu.memory_space<vmem>>
        %dma_wait3A_450 = tpu.memref_squeeze %dma_wait3A_449 : memref<1x64xi32, #tpu.memory_space<vmem>> -> memref<64xi32, #tpu.memory_space<vmem>>
        %dma_wait3A_451 = arith.constant 0 : i32
        %dma_wait3A_452 = arith.constant 0 : i32
        %dma_wait3A_453 = tpu.memref_slice %arg2[%dma_wait3A_451, %dma_wait3A_452] : memref<10000x128xf32, #tpu.memory_space<hbm>> -> memref<10000x128xf32, #tpu.memory_space<hbm>>
        tpu.wait_indirect_dma semaphore(%arg17 : memref<!tpu.dma_semaphore, #tpu.memory_space<semaphore_mem>>) src(%dma_wait3A_453 : memref<10000x128xf32, #tpu.memory_space<hbm>>) dst(%dma_wait3A_447 : memref<64x128xf32, #tpu.memory_space<vmem>>)
        %gt3A_454 = arith.constant 0 : i32
        %gt3A_455 = arith.cmpi sgt, %add3A_442, %gt3A_454 : i32
        %convert_element_type3A_456 = arith.extui %gt3A_455 : i1 to i32
        %cond3A_457 = arith.constant 0 : i32
        %cond3A_458 = arith.cmpi ne, %convert_element_type3A_456, %cond3A_457 : i32
        scf.if %cond3A_458 {
          %sub3A_515 = arith.constant 1 : i32
          %sub3A_516 = arith.subi %add3A_442, %sub3A_515 : i32
          %dma_wait3A_517 = arith.constant 2 : i32
          %dma_wait3A_518 = arith.constant 0 : i32
          %dma_wait3A_519 = arith.constant 0 : i32
          %dma_wait3A_520 = tpu.memref_slice %arg9[%dma_wait3A_517, %dma_wait3A_518, %dma_wait3A_519] : memref<4x64x128xf32, #tpu.memory_space<vmem>> -> memref<1x64x128xf32, #tpu.memory_space<vmem>>
          %dma_wait3A_521 = tpu.memref_squeeze %dma_wait3A_520 : memref<1x64x128xf32, #tpu.memory_space<vmem>> -> memref<64x128xf32, #tpu.memory_space<vmem>>
          %dma_wait3A_522 = arith.constant 0 : i32
          %dma_wait3A_523 = tpu.memref_slice %arg8[%sub3A_516, %dma_wait3A_522] : memref<16x64xi32, #tpu.memory_space<vmem>> -> memref<1x64xi32, #tpu.memory_space<vmem>>
          %dma_wait3A_524 = tpu.memref_squeeze %dma_wait3A_523 : memref<1x64xi32, #tpu.memory_space<vmem>> -> memref<64xi32, #tpu.memory_space<vmem>>
          %dma_wait3A_525 = arith.constant 0 : i32
          %dma_wait3A_526 = arith.constant 0 : i32
          %dma_wait3A_527 = tpu.memref_slice %arg12[%dma_wait3A_525, %dma_wait3A_526] : memref<10112x128xf32, #tpu.memory_space<vmem_shared>> -> memref<10112x128xf32, #tpu.memory_space<vmem_shared>>
          tpu.wait_indirect_dma semaphore(%arg20 : memref<!tpu.dma_semaphore, #tpu.memory_space<semaphore_mem>>) src(%dma_wait3A_521 : memref<64x128xf32, #tpu.memory_space<vmem>>) dst(%dma_wait3A_527 : memref<10112x128xf32, #tpu.memory_space<vmem_shared>>)
        } else {
        }
        %add3A_459 = arith.constant 4 : i32
        %add3A_460 = arith.addi %add3A_442, %add3A_459 : i32
        %sub3A_461 = arith.constant 1 : i32
        %sub3A_462 = arith.subi %add3A_460, %sub3A_461 : i32
        %lt3A_463 = arith.constant 16 : i32
        %lt3A_464 = arith.cmpi slt, %sub3A_462, %lt3A_463 : i32
        %convert_element_type3A_465 = arith.extui %lt3A_464 : i1 to i32
        %cond3A_466 = arith.constant 0 : i32
        %cond3A_467 = arith.cmpi ne, %convert_element_type3A_465, %cond3A_466 : i32
        scf.if %cond3A_467 {
          %add3A_515 = arith.constant 4 : i32
          %add3A_516 = arith.addi %add3A_442, %add3A_515 : i32
          %sub3A_517 = arith.constant 1 : i32
          %sub3A_518 = arith.subi %add3A_516, %sub3A_517 : i32
          %dma_start3A_519 = arith.constant 2 : i32
          %dma_start3A_520 = arith.constant 0 : i32
          %dma_start3A_521 = arith.constant 0 : i32
          %dma_start3A_522 = tpu.memref_slice %arg9[%dma_start3A_519, %dma_start3A_520, %dma_start3A_521] : memref<4x64x128xf32, #tpu.memory_space<vmem>> -> memref<1x64x128xf32, #tpu.memory_space<vmem>>
          %dma_start3A_523 = tpu.memref_squeeze %dma_start3A_522 : memref<1x64x128xf32, #tpu.memory_space<vmem>> -> memref<64x128xf32, #tpu.memory_space<vmem>>
          %dma_start3A_524 = arith.constant 0 : i32
          %dma_start3A_525 = tpu.memref_slice %arg7[%sub3A_518, %dma_start3A_524] : memref<16x64xi32, #tpu.memory_space<vmem>> -> memref<1x64xi32, #tpu.memory_space<vmem>>
          %dma_start3A_526 = tpu.memref_squeeze %dma_start3A_525 : memref<1x64xi32, #tpu.memory_space<vmem>> -> memref<64xi32, #tpu.memory_space<vmem>>
          %dma_start3A_527 = arith.constant 0 : i32
          %dma_start3A_528 = arith.constant 0 : i32
          %dma_start3A_529 = tpu.memref_slice %arg2[%dma_start3A_527, %dma_start3A_528] : memref<10000x128xf32, #tpu.memory_space<hbm>> -> memref<10000x128xf32, #tpu.memory_space<hbm>>
          tpu.enqueue_indirect_dma source(%dma_start3A_529 : memref<10000x128xf32, #tpu.memory_space<hbm>>) target(%dma_start3A_523 : memref<64x128xf32, #tpu.memory_space<vmem>>) offsets(%dma_start3A_526 : memref<64xi32, #tpu.memory_space<vmem>>) semaphore(%arg16 : memref<!tpu.dma_semaphore, #tpu.memory_space<semaphore_mem>>)
        } else {
        }
        %dma_start3A_468 = arith.constant 3 : i32
        %dma_start3A_469 = arith.constant 0 : i32
        %dma_start3A_470 = arith.constant 0 : i32
        %dma_start3A_471 = tpu.memref_slice %arg9[%dma_start3A_468, %dma_start3A_469, %dma_start3A_470] : memref<4x64x128xf32, #tpu.memory_space<vmem>> -> memref<1x64x128xf32, #tpu.memory_space<vmem>>
        %dma_start3A_472 = tpu.memref_squeeze %dma_start3A_471 : memref<1x64x128xf32, #tpu.memory_space<vmem>> -> memref<64x128xf32, #tpu.memory_space<vmem>>
        %dma_start3A_473 = arith.constant 0 : i32
        %dma_start3A_474 = tpu.memref_slice %arg8[%add3A_442, %dma_start3A_473] : memref<16x64xi32, #tpu.memory_space<vmem>> -> memref<1x64xi32, #tpu.memory_space<vmem>>
        %dma_start3A_475 = tpu.memref_squeeze %dma_start3A_474 : memref<1x64xi32, #tpu.memory_space<vmem>> -> memref<64xi32, #tpu.memory_space<vmem>>
        %dma_start3A_476 = arith.constant 0 : i32
        %dma_start3A_477 = arith.constant 0 : i32
        %dma_start3A_478 = tpu.memref_slice %arg12[%dma_start3A_476, %dma_start3A_477] : memref<10112x128xf32, #tpu.memory_space<vmem_shared>> -> memref<10112x128xf32, #tpu.memory_space<vmem_shared>>
        tpu.enqueue_indirect_dma source(%dma_start3A_472 : memref<64x128xf32, #tpu.memory_space<vmem>>) target(%dma_start3A_478 : memref<10112x128xf32, #tpu.memory_space<vmem_shared>>) offsets(%dma_start3A_475 : memref<64xi32, #tpu.memory_space<vmem>>) semaphore(%arg21 : memref<!tpu.dma_semaphore, #tpu.memory_space<semaphore_mem>>) {add = true}
        %get3A_479 = arith.index_cast %add3A_442 : i32 to index
        %get3A_480 = arith.constant 0 : index
        %get3A_481 = tpu.vector_load %arg8[%get3A_479, %get3A_480] {strides = array<i32>} : memref<16x64xi32, #tpu.memory_space<vmem>>, vector<16xi32>,
        %shift_right_arithmetic3A_482 = arith.constant 7 : i32
        %shift_right_arithmetic3A_483 = vector.broadcast %shift_right_arithmetic3A_482 : i32 to vector<16xi32>
        %shift_right_arithmetic3A_484 = arith.shrsi %get3A_481, %shift_right_arithmetic3A_483 : vector<16xi32>
        %and3A_485 = arith.constant 127 : i32
        %and3A_486 = vector.broadcast %and3A_485 : i32 to vector<16xi32>
        %and3A_487 = arith.andi %get3A_481, %and3A_486 : vector<16xi32>
        tpu.vector_store_idx %arg10[%shift_right_arithmetic3A_484, %and3A_487], %broadcast_in_dim3A_129 masked %eq3A_83 {add = true} : memref<80x128xf32, #tpu.memory_space<vmem>>[vector<16xi32>, vector<16xi32>], vector<16xf32>, vector<16xi1>
        tpu.vector_store_idx %arg10[%shift_right_arithmetic3A_484, %and3A_487], %broadcast_in_dim3A_129 masked %eq3A_86 {add = true} : memref<80x128xf32, #tpu.memory_space<vmem>>[vector<16xi32>, vector<16xi32>], vector<16xf32>, vector<16xi1>
        tpu.vector_store_idx %arg10[%shift_right_arithmetic3A_484, %and3A_487], %broadcast_in_dim3A_129 masked %eq3A_89 {add = true} : memref<80x128xf32, #tpu.memory_space<vmem>>[vector<16xi32>, vector<16xi32>], vector<16xf32>, vector<16xi1>
        tpu.vector_store_idx %arg10[%shift_right_arithmetic3A_484, %and3A_487], %broadcast_in_dim3A_129 masked %eq3A_92 {add = true} : memref<80x128xf32, #tpu.memory_space<vmem>>[vector<16xi32>, vector<16xi32>], vector<16xf32>, vector<16xi1>
        tpu.vector_store_idx %arg10[%shift_right_arithmetic3A_484, %and3A_487], %broadcast_in_dim3A_129 masked %eq3A_95 {add = true} : memref<80x128xf32, #tpu.memory_space<vmem>>[vector<16xi32>, vector<16xi32>], vector<16xf32>, vector<16xi1>
        tpu.vector_store_idx %arg10[%shift_right_arithmetic3A_484, %and3A_487], %broadcast_in_dim3A_129 masked %eq3A_98 {add = true} : memref<80x128xf32, #tpu.memory_space<vmem>>[vector<16xi32>, vector<16xi32>], vector<16xf32>, vector<16xi1>
        tpu.vector_store_idx %arg10[%shift_right_arithmetic3A_484, %and3A_487], %broadcast_in_dim3A_129 masked %eq3A_101 {add = true} : memref<80x128xf32, #tpu.memory_space<vmem>>[vector<16xi32>, vector<16xi32>], vector<16xf32>, vector<16xi1>
        tpu.vector_store_idx %arg10[%shift_right_arithmetic3A_484, %and3A_487], %broadcast_in_dim3A_129 masked %eq3A_104 {add = true} : memref<80x128xf32, #tpu.memory_space<vmem>>[vector<16xi32>, vector<16xi32>], vector<16xf32>, vector<16xi1>
        tpu.vector_store_idx %arg10[%shift_right_arithmetic3A_484, %and3A_487], %broadcast_in_dim3A_129 masked %eq3A_107 {add = true} : memref<80x128xf32, #tpu.memory_space<vmem>>[vector<16xi32>, vector<16xi32>], vector<16xf32>, vector<16xi1>
        tpu.vector_store_idx %arg10[%shift_right_arithmetic3A_484, %and3A_487], %broadcast_in_dim3A_129 masked %eq3A_110 {add = true} : memref<80x128xf32, #tpu.memory_space<vmem>>[vector<16xi32>, vector<16xi32>], vector<16xf32>, vector<16xi1>
        tpu.vector_store_idx %arg10[%shift_right_arithmetic3A_484, %and3A_487], %broadcast_in_dim3A_129 masked %eq3A_113 {add = true} : memref<80x128xf32, #tpu.memory_space<vmem>>[vector<16xi32>, vector<16xi32>], vector<16xf32>, vector<16xi1>
        tpu.vector_store_idx %arg10[%shift_right_arithmetic3A_484, %and3A_487], %broadcast_in_dim3A_129 masked %eq3A_116 {add = true} : memref<80x128xf32, #tpu.memory_space<vmem>>[vector<16xi32>, vector<16xi32>], vector<16xf32>, vector<16xi1>
        tpu.vector_store_idx %arg10[%shift_right_arithmetic3A_484, %and3A_487], %broadcast_in_dim3A_129 masked %eq3A_119 {add = true} : memref<80x128xf32, #tpu.memory_space<vmem>>[vector<16xi32>, vector<16xi32>], vector<16xf32>, vector<16xi1>
        tpu.vector_store_idx %arg10[%shift_right_arithmetic3A_484, %and3A_487], %broadcast_in_dim3A_129 masked %eq3A_122 {add = true} : memref<80x128xf32, #tpu.memory_space<vmem>>[vector<16xi32>, vector<16xi32>], vector<16xf32>, vector<16xi1>
        tpu.vector_store_idx %arg10[%shift_right_arithmetic3A_484, %and3A_487], %broadcast_in_dim3A_129 masked %eq3A_125 {add = true} : memref<80x128xf32, #tpu.memory_space<vmem>>[vector<16xi32>, vector<16xi32>], vector<16xf32>, vector<16xi1>
        tpu.vector_store_idx %arg10[%shift_right_arithmetic3A_484, %and3A_487], %broadcast_in_dim3A_129 masked %eq3A_128 {add = true} : memref<80x128xf32, #tpu.memory_space<vmem>>[vector<16xi32>, vector<16xi32>], vector<16xf32>, vector<16xi1>
        %get3A_488 = arith.index_cast %add3A_442 : i32 to index
        %get3A_489 = arith.constant 16 : index
        %get3A_490 = tpu.vector_load %arg8[%get3A_488, %get3A_489] {strides = array<i32>} : memref<16x64xi32, #tpu.memory_space<vmem>>, vector<16xi32>,
        %shift_right_arithmetic3A_491 = arith.constant 7 : i32
        %shift_right_arithmetic3A_492 = vector.broadcast %shift_right_arithmetic3A_491 : i32 to vector<16xi32>
        %shift_right_arithmetic3A_493 = arith.shrsi %get3A_490, %shift_right_arithmetic3A_492 : vector<16xi32>
        %and3A_494 = arith.constant 127 : i32
        %and3A_495 = vector.broadcast %and3A_494 : i32 to vector<16xi32>
        %and3A_496 = arith.andi %get3A_490, %and3A_495 : vector<16xi32>
        tpu.vector_store_idx %arg10[%shift_right_arithmetic3A_493, %and3A_496], %broadcast_in_dim3A_129 masked %eq3A_83 {add = true} : memref<80x128xf32, #tpu.memory_space<vmem>>[vector<16xi32>, vector<16xi32>], vector<16xf32>, vector<16xi1>
        tpu.vector_store_idx %arg10[%shift_right_arithmetic3A_493, %and3A_496], %broadcast_in_dim3A_129 masked %eq3A_86 {add = true} : memref<80x128xf32, #tpu.memory_space<vmem>>[vector<16xi32>, vector<16xi32>], vector<16xf32>, vector<16xi1>
        tpu.vector_store_idx %arg10[%shift_right_arithmetic3A_493, %and3A_496], %broadcast_in_dim3A_129 masked %eq3A_89 {add = true} : memref<80x128xf32, #tpu.memory_space<vmem>>[vector<16xi32>, vector<16xi32>], vector<16xf32>, vector<16xi1>
        tpu.vector_store_idx %arg10[%shift_right_arithmetic3A_493, %and3A_496], %broadcast_in_dim3A_129 masked %eq3A_92 {add = true} : memref<80x128xf32, #tpu.memory_space<vmem>>[vector<16xi32>, vector<16xi32>], vector<16xf32>, vector<16xi1>
        tpu.vector_store_idx %arg10[%shift_right_arithmetic3A_493, %and3A_496], %broadcast_in_dim3A_129 masked %eq3A_95 {add = true} : memref<80x128xf32, #tpu.memory_space<vmem>>[vector<16xi32>, vector<16xi32>], vector<16xf32>, vector<16xi1>
        tpu.vector_store_idx %arg10[%shift_right_arithmetic3A_493, %and3A_496], %broadcast_in_dim3A_129 masked %eq3A_98 {add = true} : memref<80x128xf32, #tpu.memory_space<vmem>>[vector<16xi32>, vector<16xi32>], vector<16xf32>, vector<16xi1>
        tpu.vector_store_idx %arg10[%shift_right_arithmetic3A_493, %and3A_496], %broadcast_in_dim3A_129 masked %eq3A_101 {add = true} : memref<80x128xf32, #tpu.memory_space<vmem>>[vector<16xi32>, vector<16xi32>], vector<16xf32>, vector<16xi1>
        tpu.vector_store_idx %arg10[%shift_right_arithmetic3A_493, %and3A_496], %broadcast_in_dim3A_129 masked %eq3A_104 {add = true} : memref<80x128xf32, #tpu.memory_space<vmem>>[vector<16xi32>, vector<16xi32>], vector<16xf32>, vector<16xi1>
        tpu.vector_store_idx %arg10[%shift_right_arithmetic3A_493, %and3A_496], %broadcast_in_dim3A_129 masked %eq3A_107 {add = true} : memref<80x128xf32, #tpu.memory_space<vmem>>[vector<16xi32>, vector<16xi32>], vector<16xf32>, vector<16xi1>
        tpu.vector_store_idx %arg10[%shift_right_arithmetic3A_493, %and3A_496], %broadcast_in_dim3A_129 masked %eq3A_110 {add = true} : memref<80x128xf32, #tpu.memory_space<vmem>>[vector<16xi32>, vector<16xi32>], vector<16xf32>, vector<16xi1>
        tpu.vector_store_idx %arg10[%shift_right_arithmetic3A_493, %and3A_496], %broadcast_in_dim3A_129 masked %eq3A_113 {add = true} : memref<80x128xf32, #tpu.memory_space<vmem>>[vector<16xi32>, vector<16xi32>], vector<16xf32>, vector<16xi1>
        tpu.vector_store_idx %arg10[%shift_right_arithmetic3A_493, %and3A_496], %broadcast_in_dim3A_129 masked %eq3A_116 {add = true} : memref<80x128xf32, #tpu.memory_space<vmem>>[vector<16xi32>, vector<16xi32>], vector<16xf32>, vector<16xi1>
        tpu.vector_store_idx %arg10[%shift_right_arithmetic3A_493, %and3A_496], %broadcast_in_dim3A_129 masked %eq3A_119 {add = true} : memref<80x128xf32, #tpu.memory_space<vmem>>[vector<16xi32>, vector<16xi32>], vector<16xf32>, vector<16xi1>
        tpu.vector_store_idx %arg10[%shift_right_arithmetic3A_493, %and3A_496], %broadcast_in_dim3A_129 masked %eq3A_122 {add = true} : memref<80x128xf32, #tpu.memory_space<vmem>>[vector<16xi32>, vector<16xi32>], vector<16xf32>, vector<16xi1>
        tpu.vector_store_idx %arg10[%shift_right_arithmetic3A_493, %and3A_496], %broadcast_in_dim3A_129 masked %eq3A_125 {add = true} : memref<80x128xf32, #tpu.memory_space<vmem>>[vector<16xi32>, vector<16xi32>], vector<16xf32>, vector<16xi1>
        tpu.vector_store_idx %arg10[%shift_right_arithmetic3A_493, %and3A_496], %broadcast_in_dim3A_129 masked %eq3A_128 {add = true} : memref<80x128xf32, #tpu.memory_space<vmem>>[vector<16xi32>, vector<16xi32>], vector<16xf32>, vector<16xi1>
        %get3A_497 = arith.index_cast %add3A_442 : i32 to index
        %get3A_498 = arith.constant 32 : index
        %get3A_499 = tpu.vector_load %arg8[%get3A_497, %get3A_498] {strides = array<i32>} : memref<16x64xi32, #tpu.memory_space<vmem>>, vector<16xi32>,
        %shift_right_arithmetic3A_500 = arith.constant 7 : i32
        %shift_right_arithmetic3A_501 = vector.broadcast %shift_right_arithmetic3A_500 : i32 to vector<16xi32>
        %shift_right_arithmetic3A_502 = arith.shrsi %get3A_499, %shift_right_arithmetic3A_501 : vector<16xi32>
        %and3A_503 = arith.constant 127 : i32
        %and3A_504 = vector.broadcast %and3A_503 : i32 to vector<16xi32>
        %and3A_505 = arith.andi %get3A_499, %and3A_504 : vector<16xi32>
        tpu.vector_store_idx %arg10[%shift_right_arithmetic3A_502, %and3A_505], %broadcast_in_dim3A_129 masked %eq3A_83 {add = true} : memref<80x128xf32, #tpu.memory_space<vmem>>[vector<16xi32>, vector<16xi32>], vector<16xf32>, vector<16xi1>
        tpu.vector_store_idx %arg10[%shift_right_arithmetic3A_502, %and3A_505], %broadcast_in_dim3A_129 masked %eq3A_86 {add = true} : memref<80x128xf32, #tpu.memory_space<vmem>>[vector<16xi32>, vector<16xi32>], vector<16xf32>, vector<16xi1>
        tpu.vector_store_idx %arg10[%shift_right_arithmetic3A_502, %and3A_505], %broadcast_in_dim3A_129 masked %eq3A_89 {add = true} : memref<80x128xf32, #tpu.memory_space<vmem>>[vector<16xi32>, vector<16xi32>], vector<16xf32>, vector<16xi1>
        tpu.vector_store_idx %arg10[%shift_right_arithmetic3A_502, %and3A_505], %broadcast_in_dim3A_129 masked %eq3A_92 {add = true} : memref<80x128xf32, #tpu.memory_space<vmem>>[vector<16xi32>, vector<16xi32>], vector<16xf32>, vector<16xi1>
        tpu.vector_store_idx %arg10[%shift_right_arithmetic3A_502, %and3A_505], %broadcast_in_dim3A_129 masked %eq3A_95 {add = true} : memref<80x128xf32, #tpu.memory_space<vmem>>[vector<16xi32>, vector<16xi32>], vector<16xf32>, vector<16xi1>
        tpu.vector_store_idx %arg10[%shift_right_arithmetic3A_502, %and3A_505], %broadcast_in_dim3A_129 masked %eq3A_98 {add = true} : memref<80x128xf32, #tpu.memory_space<vmem>>[vector<16xi32>, vector<16xi32>], vector<16xf32>, vector<16xi1>
        tpu.vector_store_idx %arg10[%shift_right_arithmetic3A_502, %and3A_505], %broadcast_in_dim3A_129 masked %eq3A_101 {add = true} : memref<80x128xf32, #tpu.memory_space<vmem>>[vector<16xi32>, vector<16xi32>], vector<16xf32>, vector<16xi1>
        tpu.vector_store_idx %arg10[%shift_right_arithmetic3A_502, %and3A_505], %broadcast_in_dim3A_129 masked %eq3A_104 {add = true} : memref<80x128xf32, #tpu.memory_space<vmem>>[vector<16xi32>, vector<16xi32>], vector<16xf32>, vector<16xi1>
        tpu.vector_store_idx %arg10[%shift_right_arithmetic3A_502, %and3A_505], %broadcast_in_dim3A_129 masked %eq3A_107 {add = true} : memref<80x128xf32, #tpu.memory_space<vmem>>[vector<16xi32>, vector<16xi32>], vector<16xf32>, vector<16xi1>
        tpu.vector_store_idx %arg10[%shift_right_arithmetic3A_502, %and3A_505], %broadcast_in_dim3A_129 masked %eq3A_110 {add = true} : memref<80x128xf32, #tpu.memory_space<vmem>>[vector<16xi32>, vector<16xi32>], vector<16xf32>, vector<16xi1>
        tpu.vector_store_idx %arg10[%shift_right_arithmetic3A_502, %and3A_505], %broadcast_in_dim3A_129 masked %eq3A_113 {add = true} : memref<80x128xf32, #tpu.memory_space<vmem>>[vector<16xi32>, vector<16xi32>], vector<16xf32>, vector<16xi1>
        tpu.vector_store_idx %arg10[%shift_right_arithmetic3A_502, %and3A_505], %broadcast_in_dim3A_129 masked %eq3A_116 {add = true} : memref<80x128xf32, #tpu.memory_space<vmem>>[vector<16xi32>, vector<16xi32>], vector<16xf32>, vector<16xi1>
        tpu.vector_store_idx %arg10[%shift_right_arithmetic3A_502, %and3A_505], %broadcast_in_dim3A_129 masked %eq3A_119 {add = true} : memref<80x128xf32, #tpu.memory_space<vmem>>[vector<16xi32>, vector<16xi32>], vector<16xf32>, vector<16xi1>
        tpu.vector_store_idx %arg10[%shift_right_arithmetic3A_502, %and3A_505], %broadcast_in_dim3A_129 masked %eq3A_122 {add = true} : memref<80x128xf32, #tpu.memory_space<vmem>>[vector<16xi32>, vector<16xi32>], vector<16xf32>, vector<16xi1>
        tpu.vector_store_idx %arg10[%shift_right_arithmetic3A_502, %and3A_505], %broadcast_in_dim3A_129 masked %eq3A_125 {add = true} : memref<80x128xf32, #tpu.memory_space<vmem>>[vector<16xi32>, vector<16xi32>], vector<16xf32>, vector<16xi1>
        tpu.vector_store_idx %arg10[%shift_right_arithmetic3A_502, %and3A_505], %broadcast_in_dim3A_129 masked %eq3A_128 {add = true} : memref<80x128xf32, #tpu.memory_space<vmem>>[vector<16xi32>, vector<16xi32>], vector<16xf32>, vector<16xi1>
        %get3A_506 = arith.index_cast %add3A_442 : i32 to index
        %get3A_507 = arith.constant 48 : index
        %get3A_508 = tpu.vector_load %arg8[%get3A_506, %get3A_507] {strides = array<i32>} : memref<16x64xi32, #tpu.memory_space<vmem>>, vector<16xi32>,
        %shift_right_arithmetic3A_509 = arith.constant 7 : i32
        %shift_right_arithmetic3A_510 = vector.broadcast %shift_right_arithmetic3A_509 : i32 to vector<16xi32>
        %shift_right_arithmetic3A_511 = arith.shrsi %get3A_508, %shift_right_arithmetic3A_510 : vector<16xi32>
        %and3A_512 = arith.constant 127 : i32
        %and3A_513 = vector.broadcast %and3A_512 : i32 to vector<16xi32>
        %and3A_514 = arith.andi %get3A_508, %and3A_513 : vector<16xi32>
        tpu.vector_store_idx %arg10[%shift_right_arithmetic3A_511, %and3A_514], %broadcast_in_dim3A_129 masked %eq3A_83 {add = true} : memref<80x128xf32, #tpu.memory_space<vmem>>[vector<16xi32>, vector<16xi32>], vector<16xf32>, vector<16xi1>
        tpu.vector_store_idx %arg10[%shift_right_arithmetic3A_511, %and3A_514], %broadcast_in_dim3A_129 masked %eq3A_86 {add = true} : memref<80x128xf32, #tpu.memory_space<vmem>>[vector<16xi32>, vector<16xi32>], vector<16xf32>, vector<16xi1>
        tpu.vector_store_idx %arg10[%shift_right_arithmetic3A_511, %and3A_514], %broadcast_in_dim3A_129 masked %eq3A_89 {add = true} : memref<80x128xf32, #tpu.memory_space<vmem>>[vector<16xi32>, vector<16xi32>], vector<16xf32>, vector<16xi1>
        tpu.vector_store_idx %arg10[%shift_right_arithmetic3A_511, %and3A_514], %broadcast_in_dim3A_129 masked %eq3A_92 {add = true} : memref<80x128xf32, #tpu.memory_space<vmem>>[vector<16xi32>, vector<16xi32>], vector<16xf32>, vector<16xi1>
        tpu.vector_store_idx %arg10[%shift_right_arithmetic3A_511, %and3A_514], %broadcast_in_dim3A_129 masked %eq3A_95 {add = true} : memref<80x128xf32, #tpu.memory_space<vmem>>[vector<16xi32>, vector<16xi32>], vector<16xf32>, vector<16xi1>
        tpu.vector_store_idx %arg10[%shift_right_arithmetic3A_511, %and3A_514], %broadcast_in_dim3A_129 masked %eq3A_98 {add = true} : memref<80x128xf32, #tpu.memory_space<vmem>>[vector<16xi32>, vector<16xi32>], vector<16xf32>, vector<16xi1>
        tpu.vector_store_idx %arg10[%shift_right_arithmetic3A_511, %and3A_514], %broadcast_in_dim3A_129 masked %eq3A_101 {add = true} : memref<80x128xf32, #tpu.memory_space<vmem>>[vector<16xi32>, vector<16xi32>], vector<16xf32>, vector<16xi1>
        tpu.vector_store_idx %arg10[%shift_right_arithmetic3A_511, %and3A_514], %broadcast_in_dim3A_129 masked %eq3A_104 {add = true} : memref<80x128xf32, #tpu.memory_space<vmem>>[vector<16xi32>, vector<16xi32>], vector<16xf32>, vector<16xi1>
        tpu.vector_store_idx %arg10[%shift_right_arithmetic3A_511, %and3A_514], %broadcast_in_dim3A_129 masked %eq3A_107 {add = true} : memref<80x128xf32, #tpu.memory_space<vmem>>[vector<16xi32>, vector<16xi32>], vector<16xf32>, vector<16xi1>
        tpu.vector_store_idx %arg10[%shift_right_arithmetic3A_511, %and3A_514], %broadcast_in_dim3A_129 masked %eq3A_110 {add = true} : memref<80x128xf32, #tpu.memory_space<vmem>>[vector<16xi32>, vector<16xi32>], vector<16xf32>, vector<16xi1>
        tpu.vector_store_idx %arg10[%shift_right_arithmetic3A_511, %and3A_514], %broadcast_in_dim3A_129 masked %eq3A_113 {add = true} : memref<80x128xf32, #tpu.memory_space<vmem>>[vector<16xi32>, vector<16xi32>], vector<16xf32>, vector<16xi1>
        tpu.vector_store_idx %arg10[%shift_right_arithmetic3A_511, %and3A_514], %broadcast_in_dim3A_129 masked %eq3A_116 {add = true} : memref<80x128xf32, #tpu.memory_space<vmem>>[vector<16xi32>, vector<16xi32>], vector<16xf32>, vector<16xi1>
        tpu.vector_store_idx %arg10[%shift_right_arithmetic3A_511, %and3A_514], %broadcast_in_dim3A_129 masked %eq3A_119 {add = true} : memref<80x128xf32, #tpu.memory_space<vmem>>[vector<16xi32>, vector<16xi32>], vector<16xf32>, vector<16xi1>
        tpu.vector_store_idx %arg10[%shift_right_arithmetic3A_511, %and3A_514], %broadcast_in_dim3A_129 masked %eq3A_122 {add = true} : memref<80x128xf32, #tpu.memory_space<vmem>>[vector<16xi32>, vector<16xi32>], vector<16xf32>, vector<16xi1>
        tpu.vector_store_idx %arg10[%shift_right_arithmetic3A_511, %and3A_514], %broadcast_in_dim3A_129 masked %eq3A_125 {add = true} : memref<80x128xf32, #tpu.memory_space<vmem>>[vector<16xi32>, vector<16xi32>], vector<16xf32>, vector<16xi1>
        tpu.vector_store_idx %arg10[%shift_right_arithmetic3A_511, %and3A_514], %broadcast_in_dim3A_129 masked %eq3A_128 {add = true} : memref<80x128xf32, #tpu.memory_space<vmem>>[vector<16xi32>, vector<16xi32>], vector<16xf32>, vector<16xi1>
      }
      %scan3A_204 = arith.constant 4 : i32
      %dma_wait3A = arith.constant 3 : i32
      %dma_wait3A_205 = arith.constant 15 : i32
      %dma_wait3A_206 = arith.constant 0 : i32
      %dma_wait3A_207 = arith.constant 0 : i32
      %dma_wait3A_208 = tpu.memref_slice %arg9[%dma_wait3A, %dma_wait3A_206, %dma_wait3A_207] : memref<4x64x128xf32, #tpu.memory_space<vmem>> -> memref<1x64x128xf32, #tpu.memory_space<vmem>>
      %dma_wait3A_209 = tpu.memref_squeeze %dma_wait3A_208 : memref<1x64x128xf32, #tpu.memory_space<vmem>> -> memref<64x128xf32, #tpu.memory_space<vmem>>
      %dma_wait3A_210 = arith.constant 0 : i32
      %dma_wait3A_211 = tpu.memref_slice %arg8[%dma_wait3A_205, %dma_wait3A_210] : memref<16x64xi32, #tpu.memory_space<vmem>> -> memref<1x64xi32, #tpu.memory_space<vmem>>
      %dma_wait3A_212 = tpu.memref_squeeze %dma_wait3A_211 : memref<1x64xi32, #tpu.memory_space<vmem>> -> memref<64xi32, #tpu.memory_space<vmem>>
      %dma_wait3A_213 = arith.constant 0 : i32
      %dma_wait3A_214 = arith.constant 0 : i32
      %dma_wait3A_215 = tpu.memref_slice %arg12[%dma_wait3A_213, %dma_wait3A_214] : memref<10112x128xf32, #tpu.memory_space<vmem_shared>> -> memref<10112x128xf32, #tpu.memory_space<vmem_shared>>
      tpu.wait_indirect_dma semaphore(%arg21 : memref<!tpu.dma_semaphore, #tpu.memory_space<semaphore_mem>>) src(%dma_wait3A_209 : memref<64x128xf32, #tpu.memory_space<vmem>>) dst(%dma_wait3A_215 : memref<10112x128xf32, #tpu.memory_space<vmem_shared>>)
    }
    %while3A_150 = arith.constant 1 : i32
    scf.for %while3A_160 = %while3A_148 to %while3A_144 step %while3A_150  : i32 {
      %mul3A_161 = arith.constant 16 : i32
      %mul3A_162 = arith.muli %while3A_160, %mul3A_161 : i32
      %add3A_163 = arith.addi %select_n3A, %mul3A_162 : i32
      "tpu.region"() ({
        %run_scoped3A_216 = tpu.sem_alloc : memref<!tpu.dma_semaphore, #tpu.memory_space<semaphore_mem>>
        %dma_start3A_217 = arith.constant 0 : i32
        %dma_start3A_218 = tpu.memref_slice %arg3[%add3A_163, %dma_start3A_217] : memref<5120x64xi32, #tpu.memory_space<hbm>> -> memref<16x64xi32, #tpu.memory_space<hbm>>
        %dma_start3A_219 = arith.constant 0 : i32
        %dma_start3A_220 = tpu.memref_slice %arg3[%add3A_163, %dma_start3A_219] : memref<5120x64xi32, #tpu.memory_space<hbm>> -> memref<16x64xi32, #tpu.memory_space<hbm>>
        tpu.enqueue_dma source(%dma_start3A_220 : memref<16x64xi32, #tpu.memory_space<hbm>>) target(%arg7 : memref<16x64xi32, #tpu.memory_space<vmem>>) target_semaphore(%run_scoped3A_216 : memref<!tpu.dma_semaphore, #tpu.memory_space<semaphore_mem>>)
        %dma_wait3A_221 = arith.constant 0 : i32
        %dma_wait3A_222 = tpu.memref_slice %arg3[%add3A_163, %dma_wait3A_221] : memref<5120x64xi32, #tpu.memory_space<hbm>> -> memref<16x64xi32, #tpu.memory_space<hbm>>
        %dma_wait3A_223 = arith.constant 0 : i32
        %dma_wait3A_224 = tpu.memref_slice %arg3[%add3A_163, %dma_wait3A_223] : memref<5120x64xi32, #tpu.memory_space<hbm>> -> memref<16x64xi32, #tpu.memory_space<hbm>>
        tpu.wait_dma2 semaphore(%run_scoped3A_216 : memref<!tpu.dma_semaphore, #tpu.memory_space<semaphore_mem>>) src(%dma_wait3A_224 : memref<16x64xi32, #tpu.memory_space<hbm>>) dst(%arg7 : memref<16x64xi32, #tpu.memory_space<vmem>>)
        tpu.yield
      }) : () -> ()
      "tpu.region"() ({
        %run_scoped3A_216 = tpu.sem_alloc : memref<!tpu.dma_semaphore, #tpu.memory_space<semaphore_mem>>
        %dma_start3A_217 = arith.constant 0 : i32
        %dma_start3A_218 = tpu.memref_slice %arg4[%add3A_163, %dma_start3A_217] : memref<5120x64xi32, #tpu.memory_space<hbm>> -> memref<16x64xi32, #tpu.memory_space<hbm>>
        %dma_start3A_219 = arith.constant 0 : i32
        %dma_start3A_220 = tpu.memref_slice %arg4[%add3A_163, %dma_start3A_219] : memref<5120x64xi32, #tpu.memory_space<hbm>> -> memref<16x64xi32, #tpu.memory_space<hbm>>
        tpu.enqueue_dma source(%dma_start3A_220 : memref<16x64xi32, #tpu.memory_space<hbm>>) target(%arg8 : memref<16x64xi32, #tpu.memory_space<vmem>>) target_semaphore(%run_scoped3A_216 : memref<!tpu.dma_semaphore, #tpu.memory_space<semaphore_mem>>)
        %dma_wait3A_221 = arith.constant 0 : i32
        %dma_wait3A_222 = tpu.memref_slice %arg4[%add3A_163, %dma_wait3A_221] : memref<5120x64xi32, #tpu.memory_space<hbm>> -> memref<16x64xi32, #tpu.memory_space<hbm>>
        %dma_wait3A_223 = arith.constant 0 : i32
        %dma_wait3A_224 = tpu.memref_slice %arg4[%add3A_163, %dma_wait3A_223] : memref<5120x64xi32, #tpu.memory_space<hbm>> -> memref<16x64xi32, #tpu.memory_space<hbm>>
        tpu.wait_dma2 semaphore(%run_scoped3A_216 : memref<!tpu.dma_semaphore, #tpu.memory_space<semaphore_mem>>) src(%dma_wait3A_224 : memref<16x64xi32, #tpu.memory_space<hbm>>) dst(%arg8 : memref<16x64xi32, #tpu.memory_space<vmem>>)
        tpu.yield
      }) : () -> ()
      %dma_start3A = arith.constant 0 : i32
      %dma_start3A_164 = arith.constant 0 : i32
      %dma_start3A_165 = arith.constant 0 : i32
      %dma_start3A_166 = arith.constant 0 : i32
      %dma_start3A_167 = tpu.memref_slice %arg9[%dma_start3A_164, %dma_start3A_165, %dma_start3A_166] : memref<4x64x128xf32, #tpu.memory_space<vmem>> -> memref<1x64x128xf32, #tpu.memory_space<vmem>>
      %dma_start3A_168 = tpu.memref_squeeze %dma_start3A_167 : memref<1x64x128xf32, #tpu.memory_space<vmem>> -> memref<64x128xf32, #tpu.memory_space<vmem>>
      %dma_start3A_169 = arith.constant 0 : i32
      %dma_start3A_170 = tpu.memref_slice %arg7[%dma_start3A, %dma_start3A_169] : memref<16x64xi32, #tpu.memory_space<vmem>> -> memref<1x64xi32, #tpu.memory_space<vmem>>
      %dma_start3A_171 = tpu.memref_squeeze %dma_start3A_170 : memref<1x64xi32, #tpu.memory_space<vmem>> -> memref<64xi32, #tpu.memory_space<vmem>>
      %dma_start3A_172 = arith.constant 0 : i32
      %dma_start3A_173 = arith.constant 0 : i32
      %dma_start3A_174 = tpu.memref_slice %arg2[%dma_start3A_172, %dma_start3A_173] : memref<10000x128xf32, #tpu.memory_space<hbm>> -> memref<10000x128xf32, #tpu.memory_space<hbm>>
      tpu.enqueue_indirect_dma source(%dma_start3A_174 : memref<10000x128xf32, #tpu.memory_space<hbm>>) target(%dma_start3A_168 : memref<64x128xf32, #tpu.memory_space<vmem>>) offsets(%dma_start3A_171 : memref<64xi32, #tpu.memory_space<vmem>>) semaphore(%arg14 : memref<!tpu.dma_semaphore, #tpu.memory_space<semaphore_mem>>)
      %dma_start3A_175 = arith.constant 1 : i32
      %dma_start3A_176 = arith.constant 1 : i32
      %dma_start3A_177 = arith.constant 0 : i32
      %dma_start3A_178 = arith.constant 0 : i32
      %dma_start3A_179 = tpu.memref_slice %arg9[%dma_start3A_176, %dma_start3A_177, %dma_start3A_178] : memref<4x64x128xf32, #tpu.memory_space<vmem>> -> memref<1x64x128xf32, #tpu.memory_space<vmem>>
      %dma_start3A_180 = tpu.memref_squeeze %dma_start3A_179 : memref<1x64x128xf32, #tpu.memory_space<vmem>> -> memref<64x128xf32, #tpu.memory_space<vmem>>
      %dma_start3A_181 = arith.constant 0 : i32
      %dma_start3A_182 = tpu.memref_slice %arg7[%dma_start3A_175, %dma_start3A_181] : memref<16x64xi32, #tpu.memory_space<vmem>> -> memref<1x64xi32, #tpu.memory_space<vmem>>
      %dma_start3A_183 = tpu.memref_squeeze %dma_start3A_182 : memref<1x64xi32, #tpu.memory_space<vmem>> -> memref<64xi32, #tpu.memory_space<vmem>>
      %dma_start3A_184 = arith.constant 0 : i32
      %dma_start3A_185 = arith.constant 0 : i32
      %dma_start3A_186 = tpu.memref_slice %arg2[%dma_start3A_184, %dma_start3A_185] : memref<10000x128xf32, #tpu.memory_space<hbm>> -> memref<10000x128xf32, #tpu.memory_space<hbm>>
      tpu.enqueue_indirect_dma source(%dma_start3A_186 : memref<10000x128xf32, #tpu.memory_space<hbm>>) target(%dma_start3A_180 : memref<64x128xf32, #tpu.memory_space<vmem>>) offsets(%dma_start3A_183 : memref<64xi32, #tpu.memory_space<vmem>>) semaphore(%arg15 : memref<!tpu.dma_semaphore, #tpu.memory_space<semaphore_mem>>)
      %dma_start3A_187 = arith.constant 2 : i32
      %dma_start3A_188 = arith.constant 2 : i32
      %dma_start3A_189 = arith.constant 0 : i32
      %dma_start3A_190 = arith.constant 0 : i32
      %dma_start3A_191 = tpu.memref_slice %arg9[%dma_start3A_188, %dma_start3A_189, %dma_start3A_190] : memref<4x64x128xf32, #tpu.memory_space<vmem>> -> memref<1x64x128xf32, #tpu.memory_space<vmem>>
      %dma_start3A_192 = tpu.memref_squeeze %dma_start3A_191 : memref<1x64x128xf32, #tpu.memory_space<vmem>> -> memref<64x128xf32, #tpu.memory_space<vmem>>
      %dma_start3A_193 = arith.constant 0 : i32
      %dma_start3A_194 = tpu.memref_slice %arg7[%dma_start3A_187, %dma_start3A_193] : memref<16x64xi32, #tpu.memory_space<vmem>> -> memref<1x64xi32, #tpu.memory_space<vmem>>
      %dma_start3A_195 = tpu.memref_squeeze %dma_start3A_194 : memref<1x64xi32, #tpu.memory_space<vmem>> -> memref<64xi32, #tpu.memory_space<vmem>>
      %dma_start3A_196 = arith.constant 0 : i32
      %dma_start3A_197 = arith.constant 0 : i32
      %dma_start3A_198 = tpu.memref_slice %arg2[%dma_start3A_196, %dma_start3A_197] : memref<10000x128xf32, #tpu.memory_space<hbm>> -> memref<10000x128xf32, #tpu.memory_space<hbm>>
      tpu.enqueue_indirect_dma source(%dma_start3A_198 : memref<10000x128xf32, #tpu.memory_space<hbm>>) target(%dma_start3A_192 : memref<64x128xf32, #tpu.memory_space<vmem>>) offsets(%dma_start3A_195 : memref<64xi32, #tpu.memory_space<vmem>>) semaphore(%arg16 : memref<!tpu.dma_semaphore, #tpu.memory_space<semaphore_mem>>)
      %scan3A_199 = arith.constant 0 : i32
      %scan3A_200 = arith.constant 0 : i32
      %scan3A_201 = arith.constant 4 : i32
      %scan3A_202 = arith.addi %scan3A_200, %scan3A_201 : i32
      %scan3A_203 = arith.constant 1 : i32
      scf.for %scan3A_216 = %scan3A_200 to %scan3A_202 step %scan3A_203  : i32 {
        %mul3A_217 = arith.constant 4 : i32
        %mul3A_218 = arith.muli %scan3A_216, %mul3A_217 : i32
        %add3A_219 = arith.constant 0 : i32
        %add3A_220 = arith.addi %mul3A_218, %add3A_219 : i32
        %dma_wait3A_221 = arith.constant 0 : i32
        %dma_wait3A_222 = arith.constant 0 : i32
        %dma_wait3A_223 = arith.constant 0 : i32
        %dma_wait3A_224 = tpu.memref_slice %arg9[%dma_wait3A_221, %dma_wait3A_222, %dma_wait3A_223] : memref<4x64x128xf32, #tpu.memory_space<vmem>> -> memref<1x64x128xf32, #tpu.memory_space<vmem>>
        %dma_wait3A_225 = tpu.memref_squeeze %dma_wait3A_224 : memref<1x64x128xf32, #tpu.memory_space<vmem>> -> memref<64x128xf32, #tpu.memory_space<vmem>>
        %dma_wait3A_226 = arith.constant 0 : i32
        %dma_wait3A_227 = tpu.memref_slice %arg7[%add3A_220, %dma_wait3A_226] : memref<16x64xi32, #tpu.memory_space<vmem>> -> memref<1x64xi32, #tpu.memory_space<vmem>>
        %dma_wait3A_228 = tpu.memref_squeeze %dma_wait3A_227 : memref<1x64xi32, #tpu.memory_space<vmem>> -> memref<64xi32, #tpu.memory_space<vmem>>
        %dma_wait3A_229 = arith.constant 0 : i32
        %dma_wait3A_230 = arith.constant 0 : i32
        %dma_wait3A_231 = tpu.memref_slice %arg2[%dma_wait3A_229, %dma_wait3A_230] : memref<10000x128xf32, #tpu.memory_space<hbm>> -> memref<10000x128xf32, #tpu.memory_space<hbm>>
        tpu.wait_indirect_dma semaphore(%arg14 : memref<!tpu.dma_semaphore, #tpu.memory_space<semaphore_mem>>) src(%dma_wait3A_231 : memref<10000x128xf32, #tpu.memory_space<hbm>>) dst(%dma_wait3A_225 : memref<64x128xf32, #tpu.memory_space<vmem>>)
        %gt3A = arith.constant 0 : i32
        %gt3A_232 = arith.cmpi sgt, %add3A_220, %gt3A : i32
        %convert_element_type3A_233 = arith.extui %gt3A_232 : i1 to i32
        %cond3A_234 = arith.constant 0 : i32
        %cond3A_235 = arith.cmpi ne, %convert_element_type3A_233, %cond3A_234 : i32
        scf.if %cond3A_235 {
          %sub3A_515 = arith.constant 1 : i32
          %sub3A_516 = arith.subi %add3A_220, %sub3A_515 : i32
          %dma_wait3A_517 = arith.constant 3 : i32
          %dma_wait3A_518 = arith.constant 0 : i32
          %dma_wait3A_519 = arith.constant 0 : i32
          %dma_wait3A_520 = tpu.memref_slice %arg9[%dma_wait3A_517, %dma_wait3A_518, %dma_wait3A_519] : memref<4x64x128xf32, #tpu.memory_space<vmem>> -> memref<1x64x128xf32, #tpu.memory_space<vmem>>
          %dma_wait3A_521 = tpu.memref_squeeze %dma_wait3A_520 : memref<1x64x128xf32, #tpu.memory_space<vmem>> -> memref<64x128xf32, #tpu.memory_space<vmem>>
          %dma_wait3A_522 = arith.constant 0 : i32
          %dma_wait3A_523 = tpu.memref_slice %arg8[%sub3A_516, %dma_wait3A_522] : memref<16x64xi32, #tpu.memory_space<vmem>> -> memref<1x64xi32, #tpu.memory_space<vmem>>
          %dma_wait3A_524 = tpu.memref_squeeze %dma_wait3A_523 : memref<1x64xi32, #tpu.memory_space<vmem>> -> memref<64xi32, #tpu.memory_space<vmem>>
          %dma_wait3A_525 = arith.constant 0 : i32
          %dma_wait3A_526 = arith.constant 0 : i32
          %dma_wait3A_527 = tpu.memref_slice %arg12[%dma_wait3A_525, %dma_wait3A_526] : memref<10112x128xf32, #tpu.memory_space<vmem_shared>> -> memref<10112x128xf32, #tpu.memory_space<vmem_shared>>
          tpu.wait_indirect_dma semaphore(%arg21 : memref<!tpu.dma_semaphore, #tpu.memory_space<semaphore_mem>>) src(%dma_wait3A_521 : memref<64x128xf32, #tpu.memory_space<vmem>>) dst(%dma_wait3A_527 : memref<10112x128xf32, #tpu.memory_space<vmem_shared>>)
        } else {
        }
        %add3A_236 = arith.constant 4 : i32
        %add3A_237 = arith.addi %add3A_220, %add3A_236 : i32
        %sub3A = arith.constant 1 : i32
        %sub3A_238 = arith.subi %add3A_237, %sub3A : i32
        %lt3A = arith.constant 16 : i32
        %lt3A_239 = arith.cmpi slt, %sub3A_238, %lt3A : i32
        %convert_element_type3A_240 = arith.extui %lt3A_239 : i1 to i32
        %cond3A_241 = arith.constant 0 : i32
        %cond3A_242 = arith.cmpi ne, %convert_element_type3A_240, %cond3A_241 : i32
        scf.if %cond3A_242 {
          %add3A_515 = arith.constant 4 : i32
          %add3A_516 = arith.addi %add3A_220, %add3A_515 : i32
          %sub3A_517 = arith.constant 1 : i32
          %sub3A_518 = arith.subi %add3A_516, %sub3A_517 : i32
          %dma_start3A_519 = arith.constant 3 : i32
          %dma_start3A_520 = arith.constant 0 : i32
          %dma_start3A_521 = arith.constant 0 : i32
          %dma_start3A_522 = tpu.memref_slice %arg9[%dma_start3A_519, %dma_start3A_520, %dma_start3A_521] : memref<4x64x128xf32, #tpu.memory_space<vmem>> -> memref<1x64x128xf32, #tpu.memory_space<vmem>>
          %dma_start3A_523 = tpu.memref_squeeze %dma_start3A_522 : memref<1x64x128xf32, #tpu.memory_space<vmem>> -> memref<64x128xf32, #tpu.memory_space<vmem>>
          %dma_start3A_524 = arith.constant 0 : i32
          %dma_start3A_525 = tpu.memref_slice %arg7[%sub3A_518, %dma_start3A_524] : memref<16x64xi32, #tpu.memory_space<vmem>> -> memref<1x64xi32, #tpu.memory_space<vmem>>
          %dma_start3A_526 = tpu.memref_squeeze %dma_start3A_525 : memref<1x64xi32, #tpu.memory_space<vmem>> -> memref<64xi32, #tpu.memory_space<vmem>>
          %dma_start3A_527 = arith.constant 0 : i32
          %dma_start3A_528 = arith.constant 0 : i32
          %dma_start3A_529 = tpu.memref_slice %arg2[%dma_start3A_527, %dma_start3A_528] : memref<10000x128xf32, #tpu.memory_space<hbm>> -> memref<10000x128xf32, #tpu.memory_space<hbm>>
          tpu.enqueue_indirect_dma source(%dma_start3A_529 : memref<10000x128xf32, #tpu.memory_space<hbm>>) target(%dma_start3A_523 : memref<64x128xf32, #tpu.memory_space<vmem>>) offsets(%dma_start3A_526 : memref<64xi32, #tpu.memory_space<vmem>>) semaphore(%arg17 : memref<!tpu.dma_semaphore, #tpu.memory_space<semaphore_mem>>)
        } else {
        }
        %dma_start3A_243 = arith.constant 0 : i32
        %dma_start3A_244 = arith.constant 0 : i32
        %dma_start3A_245 = arith.constant 0 : i32
        %dma_start3A_246 = tpu.memref_slice %arg9[%dma_start3A_243, %dma_start3A_244, %dma_start3A_245] : memref<4x64x128xf32, #tpu.memory_space<vmem>> -> memref<1x64x128xf32, #tpu.memory_space<vmem>>
        %dma_start3A_247 = tpu.memref_squeeze %dma_start3A_246 : memref<1x64x128xf32, #tpu.memory_space<vmem>> -> memref<64x128xf32, #tpu.memory_space<vmem>>
        %dma_start3A_248 = arith.constant 0 : i32
        %dma_start3A_249 = tpu.memref_slice %arg8[%add3A_220, %dma_start3A_248] : memref<16x64xi32, #tpu.memory_space<vmem>> -> memref<1x64xi32, #tpu.memory_space<vmem>>
        %dma_start3A_250 = tpu.memref_squeeze %dma_start3A_249 : memref<1x64xi32, #tpu.memory_space<vmem>> -> memref<64xi32, #tpu.memory_space<vmem>>
        %dma_start3A_251 = arith.constant 0 : i32
        %dma_start3A_252 = arith.constant 0 : i32
        %dma_start3A_253 = tpu.memref_slice %arg12[%dma_start3A_251, %dma_start3A_252] : memref<10112x128xf32, #tpu.memory_space<vmem_shared>> -> memref<10112x128xf32, #tpu.memory_space<vmem_shared>>
        tpu.enqueue_indirect_dma source(%dma_start3A_247 : memref<64x128xf32, #tpu.memory_space<vmem>>) target(%dma_start3A_253 : memref<10112x128xf32, #tpu.memory_space<vmem_shared>>) offsets(%dma_start3A_250 : memref<64xi32, #tpu.memory_space<vmem>>) semaphore(%arg18 : memref<!tpu.dma_semaphore, #tpu.memory_space<semaphore_mem>>) {add = true}
        %get3A = arith.index_cast %add3A_220 : i32 to index
        %get3A_254 = arith.constant 0 : index
        %get3A_255 = tpu.vector_load %arg8[%get3A, %get3A_254] {strides = array<i32>} : memref<16x64xi32, #tpu.memory_space<vmem>>, vector<16xi32>,
        %shift_right_arithmetic3A = arith.constant 7 : i32
        %shift_right_arithmetic3A_256 = vector.broadcast %shift_right_arithmetic3A : i32 to vector<16xi32>
        %shift_right_arithmetic3A_257 = arith.shrsi %get3A_255, %shift_right_arithmetic3A_256 : vector<16xi32>
        %and3A = arith.constant 127 : i32
        %and3A_258 = vector.broadcast %and3A : i32 to vector<16xi32>
        %and3A_259 = arith.andi %get3A_255, %and3A_258 : vector<16xi32>
        tpu.vector_store_idx %arg10[%shift_right_arithmetic3A_257, %and3A_259], %broadcast_in_dim3A_129 masked %eq3A_83 {add = true} : memref<80x128xf32, #tpu.memory_space<vmem>>[vector<16xi32>, vector<16xi32>], vector<16xf32>, vector<16xi1>
        tpu.vector_store_idx %arg10[%shift_right_arithmetic3A_257, %and3A_259], %broadcast_in_dim3A_129 masked %eq3A_86 {add = true} : memref<80x128xf32, #tpu.memory_space<vmem>>[vector<16xi32>, vector<16xi32>], vector<16xf32>, vector<16xi1>
        tpu.vector_store_idx %arg10[%shift_right_arithmetic3A_257, %and3A_259], %broadcast_in_dim3A_129 masked %eq3A_89 {add = true} : memref<80x128xf32, #tpu.memory_space<vmem>>[vector<16xi32>, vector<16xi32>], vector<16xf32>, vector<16xi1>
        tpu.vector_store_idx %arg10[%shift_right_arithmetic3A_257, %and3A_259], %broadcast_in_dim3A_129 masked %eq3A_92 {add = true} : memref<80x128xf32, #tpu.memory_space<vmem>>[vector<16xi32>, vector<16xi32>], vector<16xf32>, vector<16xi1>
        tpu.vector_store_idx %arg10[%shift_right_arithmetic3A_257, %and3A_259], %broadcast_in_dim3A_129 masked %eq3A_95 {add = true} : memref<80x128xf32, #tpu.memory_space<vmem>>[vector<16xi32>, vector<16xi32>], vector<16xf32>, vector<16xi1>
        tpu.vector_store_idx %arg10[%shift_right_arithmetic3A_257, %and3A_259], %broadcast_in_dim3A_129 masked %eq3A_98 {add = true} : memref<80x128xf32, #tpu.memory_space<vmem>>[vector<16xi32>, vector<16xi32>], vector<16xf32>, vector<16xi1>
        tpu.vector_store_idx %arg10[%shift_right_arithmetic3A_257, %and3A_259], %broadcast_in_dim3A_129 masked %eq3A_101 {add = true} : memref<80x128xf32, #tpu.memory_space<vmem>>[vector<16xi32>, vector<16xi32>], vector<16xf32>, vector<16xi1>
        tpu.vector_store_idx %arg10[%shift_right_arithmetic3A_257, %and3A_259], %broadcast_in_dim3A_129 masked %eq3A_104 {add = true} : memref<80x128xf32, #tpu.memory_space<vmem>>[vector<16xi32>, vector<16xi32>], vector<16xf32>, vector<16xi1>
        tpu.vector_store_idx %arg10[%shift_right_arithmetic3A_257, %and3A_259], %broadcast_in_dim3A_129 masked %eq3A_107 {add = true} : memref<80x128xf32, #tpu.memory_space<vmem>>[vector<16xi32>, vector<16xi32>], vector<16xf32>, vector<16xi1>
        tpu.vector_store_idx %arg10[%shift_right_arithmetic3A_257, %and3A_259], %broadcast_in_dim3A_129 masked %eq3A_110 {add = true} : memref<80x128xf32, #tpu.memory_space<vmem>>[vector<16xi32>, vector<16xi32>], vector<16xf32>, vector<16xi1>
        tpu.vector_store_idx %arg10[%shift_right_arithmetic3A_257, %and3A_259], %broadcast_in_dim3A_129 masked %eq3A_113 {add = true} : memref<80x128xf32, #tpu.memory_space<vmem>>[vector<16xi32>, vector<16xi32>], vector<16xf32>, vector<16xi1>
        tpu.vector_store_idx %arg10[%shift_right_arithmetic3A_257, %and3A_259], %broadcast_in_dim3A_129 masked %eq3A_116 {add = true} : memref<80x128xf32, #tpu.memory_space<vmem>>[vector<16xi32>, vector<16xi32>], vector<16xf32>, vector<16xi1>
        tpu.vector_store_idx %arg10[%shift_right_arithmetic3A_257, %and3A_259], %broadcast_in_dim3A_129 masked %eq3A_119 {add = true} : memref<80x128xf32, #tpu.memory_space<vmem>>[vector<16xi32>, vector<16xi32>], vector<16xf32>, vector<16xi1>
        tpu.vector_store_idx %arg10[%shift_right_arithmetic3A_257, %and3A_259], %broadcast_in_dim3A_129 masked %eq3A_122 {add = true} : memref<80x128xf32, #tpu.memory_space<vmem>>[vector<16xi32>, vector<16xi32>], vector<16xf32>, vector<16xi1>
        tpu.vector_store_idx %arg10[%shift_right_arithmetic3A_257, %and3A_259], %broadcast_in_dim3A_129 masked %eq3A_125 {add = true} : memref<80x128xf32, #tpu.memory_space<vmem>>[vector<16xi32>, vector<16xi32>], vector<16xf32>, vector<16xi1>
        tpu.vector_store_idx %arg10[%shift_right_arithmetic3A_257, %and3A_259], %broadcast_in_dim3A_129 masked %eq3A_128 {add = true} : memref<80x128xf32, #tpu.memory_space<vmem>>[vector<16xi32>, vector<16xi32>], vector<16xf32>, vector<16xi1>
        %get3A_260 = arith.index_cast %add3A_220 : i32 to index
        %get3A_261 = arith.constant 16 : index
        %get3A_262 = tpu.vector_load %arg8[%get3A_260, %get3A_261] {strides = array<i32>} : memref<16x64xi32, #tpu.memory_space<vmem>>, vector<16xi32>,
        %shift_right_arithmetic3A_263 = arith.constant 7 : i32
        %shift_right_arithmetic3A_264 = vector.broadcast %shift_right_arithmetic3A_263 : i32 to vector<16xi32>
        %shift_right_arithmetic3A_265 = arith.shrsi %get3A_262, %shift_right_arithmetic3A_264 : vector<16xi32>
        %and3A_266 = arith.constant 127 : i32
        %and3A_267 = vector.broadcast %and3A_266 : i32 to vector<16xi32>
        %and3A_268 = arith.andi %get3A_262, %and3A_267 : vector<16xi32>
        tpu.vector_store_idx %arg10[%shift_right_arithmetic3A_265, %and3A_268], %broadcast_in_dim3A_129 masked %eq3A_83 {add = true} : memref<80x128xf32, #tpu.memory_space<vmem>>[vector<16xi32>, vector<16xi32>], vector<16xf32>, vector<16xi1>
        tpu.vector_store_idx %arg10[%shift_right_arithmetic3A_265, %and3A_268], %broadcast_in_dim3A_129 masked %eq3A_86 {add = true} : memref<80x128xf32, #tpu.memory_space<vmem>>[vector<16xi32>, vector<16xi32>], vector<16xf32>, vector<16xi1>
        tpu.vector_store_idx %arg10[%shift_right_arithmetic3A_265, %and3A_268], %broadcast_in_dim3A_129 masked %eq3A_89 {add = true} : memref<80x128xf32, #tpu.memory_space<vmem>>[vector<16xi32>, vector<16xi32>], vector<16xf32>, vector<16xi1>
        tpu.vector_store_idx %arg10[%shift_right_arithmetic3A_265, %and3A_268], %broadcast_in_dim3A_129 masked %eq3A_92 {add = true} : memref<80x128xf32, #tpu.memory_space<vmem>>[vector<16xi32>, vector<16xi32>], vector<16xf32>, vector<16xi1>
        tpu.vector_store_idx %arg10[%shift_right_arithmetic3A_265, %and3A_268], %broadcast_in_dim3A_129 masked %eq3A_95 {add = true} : memref<80x128xf32, #tpu.memory_space<vmem>>[vector<16xi32>, vector<16xi32>], vector<16xf32>, vector<16xi1>
        tpu.vector_store_idx %arg10[%shift_right_arithmetic3A_265, %and3A_268], %broadcast_in_dim3A_129 masked %eq3A_98 {add = true} : memref<80x128xf32, #tpu.memory_space<vmem>>[vector<16xi32>, vector<16xi32>], vector<16xf32>, vector<16xi1>
        tpu.vector_store_idx %arg10[%shift_right_arithmetic3A_265, %and3A_268], %broadcast_in_dim3A_129 masked %eq3A_101 {add = true} : memref<80x128xf32, #tpu.memory_space<vmem>>[vector<16xi32>, vector<16xi32>], vector<16xf32>, vector<16xi1>
        tpu.vector_store_idx %arg10[%shift_right_arithmetic3A_265, %and3A_268], %broadcast_in_dim3A_129 masked %eq3A_104 {add = true} : memref<80x128xf32, #tpu.memory_space<vmem>>[vector<16xi32>, vector<16xi32>], vector<16xf32>, vector<16xi1>
        tpu.vector_store_idx %arg10[%shift_right_arithmetic3A_265, %and3A_268], %broadcast_in_dim3A_129 masked %eq3A_107 {add = true} : memref<80x128xf32, #tpu.memory_space<vmem>>[vector<16xi32>, vector<16xi32>], vector<16xf32>, vector<16xi1>
        tpu.vector_store_idx %arg10[%shift_right_arithmetic3A_265, %and3A_268], %broadcast_in_dim3A_129 masked %eq3A_110 {add = true} : memref<80x128xf32, #tpu.memory_space<vmem>>[vector<16xi32>, vector<16xi32>], vector<16xf32>, vector<16xi1>
        tpu.vector_store_idx %arg10[%shift_right_arithmetic3A_265, %and3A_268], %broadcast_in_dim3A_129 masked %eq3A_113 {add = true} : memref<80x128xf32, #tpu.memory_space<vmem>>[vector<16xi32>, vector<16xi32>], vector<16xf32>, vector<16xi1>
        tpu.vector_store_idx %arg10[%shift_right_arithmetic3A_265, %and3A_268], %broadcast_in_dim3A_129 masked %eq3A_116 {add = true} : memref<80x128xf32, #tpu.memory_space<vmem>>[vector<16xi32>, vector<16xi32>], vector<16xf32>, vector<16xi1>
        tpu.vector_store_idx %arg10[%shift_right_arithmetic3A_265, %and3A_268], %broadcast_in_dim3A_129 masked %eq3A_119 {add = true} : memref<80x128xf32, #tpu.memory_space<vmem>>[vector<16xi32>, vector<16xi32>], vector<16xf32>, vector<16xi1>
        tpu.vector_store_idx %arg10[%shift_right_arithmetic3A_265, %and3A_268], %broadcast_in_dim3A_129 masked %eq3A_122 {add = true} : memref<80x128xf32, #tpu.memory_space<vmem>>[vector<16xi32>, vector<16xi32>], vector<16xf32>, vector<16xi1>
        tpu.vector_store_idx %arg10[%shift_right_arithmetic3A_265, %and3A_268], %broadcast_in_dim3A_129 masked %eq3A_125 {add = true} : memref<80x128xf32, #tpu.memory_space<vmem>>[vector<16xi32>, vector<16xi32>], vector<16xf32>, vector<16xi1>
        tpu.vector_store_idx %arg10[%shift_right_arithmetic3A_265, %and3A_268], %broadcast_in_dim3A_129 masked %eq3A_128 {add = true} : memref<80x128xf32, #tpu.memory_space<vmem>>[vector<16xi32>, vector<16xi32>], vector<16xf32>, vector<16xi1>
        %get3A_269 = arith.index_cast %add3A_220 : i32 to index
        %get3A_270 = arith.constant 32 : index
        %get3A_271 = tpu.vector_load %arg8[%get3A_269, %get3A_270] {strides = array<i32>} : memref<16x64xi32, #tpu.memory_space<vmem>>, vector<16xi32>,
        %shift_right_arithmetic3A_272 = arith.constant 7 : i32
        %shift_right_arithmetic3A_273 = vector.broadcast %shift_right_arithmetic3A_272 : i32 to vector<16xi32>
        %shift_right_arithmetic3A_274 = arith.shrsi %get3A_271, %shift_right_arithmetic3A_273 : vector<16xi32>
        %and3A_275 = arith.constant 127 : i32
        %and3A_276 = vector.broadcast %and3A_275 : i32 to vector<16xi32>
        %and3A_277 = arith.andi %get3A_271, %and3A_276 : vector<16xi32>
        tpu.vector_store_idx %arg10[%shift_right_arithmetic3A_274, %and3A_277], %broadcast_in_dim3A_129 masked %eq3A_83 {add = true} : memref<80x128xf32, #tpu.memory_space<vmem>>[vector<16xi32>, vector<16xi32>], vector<16xf32>, vector<16xi1>
        tpu.vector_store_idx %arg10[%shift_right_arithmetic3A_274, %and3A_277], %broadcast_in_dim3A_129 masked %eq3A_86 {add = true} : memref<80x128xf32, #tpu.memory_space<vmem>>[vector<16xi32>, vector<16xi32>], vector<16xf32>, vector<16xi1>
        tpu.vector_store_idx %arg10[%shift_right_arithmetic3A_274, %and3A_277], %broadcast_in_dim3A_129 masked %eq3A_89 {add = true} : memref<80x128xf32, #tpu.memory_space<vmem>>[vector<16xi32>, vector<16xi32>], vector<16xf32>, vector<16xi1>
        tpu.vector_store_idx %arg10[%shift_right_arithmetic3A_274, %and3A_277], %broadcast_in_dim3A_129 masked %eq3A_92 {add = true} : memref<80x128xf32, #tpu.memory_space<vmem>>[vector<16xi32>, vector<16xi32>], vector<16xf32>, vector<16xi1>
        tpu.vector_store_idx %arg10[%shift_right_arithmetic3A_274, %and3A_277], %broadcast_in_dim3A_129 masked %eq3A_95 {add = true} : memref<80x128xf32, #tpu.memory_space<vmem>>[vector<16xi32>, vector<16xi32>], vector<16xf32>, vector<16xi1>
        tpu.vector_store_idx %arg10[%shift_right_arithmetic3A_274, %and3A_277], %broadcast_in_dim3A_129 masked %eq3A_98 {add = true} : memref<80x128xf32, #tpu.memory_space<vmem>>[vector<16xi32>, vector<16xi32>], vector<16xf32>, vector<16xi1>
        tpu.vector_store_idx %arg10[%shift_right_arithmetic3A_274, %and3A_277], %broadcast_in_dim3A_129 masked %eq3A_101 {add = true} : memref<80x128xf32, #tpu.memory_space<vmem>>[vector<16xi32>, vector<16xi32>], vector<16xf32>, vector<16xi1>
        tpu.vector_store_idx %arg10[%shift_right_arithmetic3A_274, %and3A_277], %broadcast_in_dim3A_129 masked %eq3A_104 {add = true} : memref<80x128xf32, #tpu.memory_space<vmem>>[vector<16xi32>, vector<16xi32>], vector<16xf32>, vector<16xi1>
        tpu.vector_store_idx %arg10[%shift_right_arithmetic3A_274, %and3A_277], %broadcast_in_dim3A_129 masked %eq3A_107 {add = true} : memref<80x128xf32, #tpu.memory_space<vmem>>[vector<16xi32>, vector<16xi32>], vector<16xf32>, vector<16xi1>
        tpu.vector_store_idx %arg10[%shift_right_arithmetic3A_274, %and3A_277], %broadcast_in_dim3A_129 masked %eq3A_110 {add = true} : memref<80x128xf32, #tpu.memory_space<vmem>>[vector<16xi32>, vector<16xi32>], vector<16xf32>, vector<16xi1>
        tpu.vector_store_idx %arg10[%shift_right_arithmetic3A_274, %and3A_277], %broadcast_in_dim3A_129 masked %eq3A_113 {add = true} : memref<80x128xf32, #tpu.memory_space<vmem>>[vector<16xi32>, vector<16xi32>], vector<16xf32>, vector<16xi1>
        tpu.vector_store_idx %arg10[%shift_right_arithmetic3A_274, %and3A_277], %broadcast_in_dim3A_129 masked %eq3A_116 {add = true} : memref<80x128xf32, #tpu.memory_space<vmem>>[vector<16xi32>, vector<16xi32>], vector<16xf32>, vector<16xi1>
        tpu.vector_store_idx %arg10[%shift_right_arithmetic3A_274, %and3A_277], %broadcast_in_dim3A_129 masked %eq3A_119 {add = true} : memref<80x128xf32, #tpu.memory_space<vmem>>[vector<16xi32>, vector<16xi32>], vector<16xf32>, vector<16xi1>
        tpu.vector_store_idx %arg10[%shift_right_arithmetic3A_274, %and3A_277], %broadcast_in_dim3A_129 masked %eq3A_122 {add = true} : memref<80x128xf32, #tpu.memory_space<vmem>>[vector<16xi32>, vector<16xi32>], vector<16xf32>, vector<16xi1>
        tpu.vector_store_idx %arg10[%shift_right_arithmetic3A_274, %and3A_277], %broadcast_in_dim3A_129 masked %eq3A_125 {add = true} : memref<80x128xf32, #tpu.memory_space<vmem>>[vector<16xi32>, vector<16xi32>], vector<16xf32>, vector<16xi1>
        tpu.vector_store_idx %arg10[%shift_right_arithmetic3A_274, %and3A_277], %broadcast_in_dim3A_129 masked %eq3A_128 {add = true} : memref<80x128xf32, #tpu.memory_space<vmem>>[vector<16xi32>, vector<16xi32>], vector<16xf32>, vector<16xi1>
        %get3A_278 = arith.index_cast %add3A_220 : i32 to index
        %get3A_279 = arith.constant 48 : index
        %get3A_280 = tpu.vector_load %arg8[%get3A_278, %get3A_279] {strides = array<i32>} : memref<16x64xi32, #tpu.memory_space<vmem>>, vector<16xi32>,
        %shift_right_arithmetic3A_281 = arith.constant 7 : i32
        %shift_right_arithmetic3A_282 = vector.broadcast %shift_right_arithmetic3A_281 : i32 to vector<16xi32>
        %shift_right_arithmetic3A_283 = arith.shrsi %get3A_280, %shift_right_arithmetic3A_282 : vector<16xi32>
        %and3A_284 = arith.constant 127 : i32
        %and3A_285 = vector.broadcast %and3A_284 : i32 to vector<16xi32>
        %and3A_286 = arith.andi %get3A_280, %and3A_285 : vector<16xi32>
        tpu.vector_store_idx %arg10[%shift_right_arithmetic3A_283, %and3A_286], %broadcast_in_dim3A_129 masked %eq3A_83 {add = true} : memref<80x128xf32, #tpu.memory_space<vmem>>[vector<16xi32>, vector<16xi32>], vector<16xf32>, vector<16xi1>
        tpu.vector_store_idx %arg10[%shift_right_arithmetic3A_283, %and3A_286], %broadcast_in_dim3A_129 masked %eq3A_86 {add = true} : memref<80x128xf32, #tpu.memory_space<vmem>>[vector<16xi32>, vector<16xi32>], vector<16xf32>, vector<16xi1>
        tpu.vector_store_idx %arg10[%shift_right_arithmetic3A_283, %and3A_286], %broadcast_in_dim3A_129 masked %eq3A_89 {add = true} : memref<80x128xf32, #tpu.memory_space<vmem>>[vector<16xi32>, vector<16xi32>], vector<16xf32>, vector<16xi1>
        tpu.vector_store_idx %arg10[%shift_right_arithmetic3A_283, %and3A_286], %broadcast_in_dim3A_129 masked %eq3A_92 {add = true} : memref<80x128xf32, #tpu.memory_space<vmem>>[vector<16xi32>, vector<16xi32>], vector<16xf32>, vector<16xi1>
        tpu.vector_store_idx %arg10[%shift_right_arithmetic3A_283, %and3A_286], %broadcast_in_dim3A_129 masked %eq3A_95 {add = true} : memref<80x128xf32, #tpu.memory_space<vmem>>[vector<16xi32>, vector<16xi32>], vector<16xf32>, vector<16xi1>
        tpu.vector_store_idx %arg10[%shift_right_arithmetic3A_283, %and3A_286], %broadcast_in_dim3A_129 masked %eq3A_98 {add = true} : memref<80x128xf32, #tpu.memory_space<vmem>>[vector<16xi32>, vector<16xi32>], vector<16xf32>, vector<16xi1>
        tpu.vector_store_idx %arg10[%shift_right_arithmetic3A_283, %and3A_286], %broadcast_in_dim3A_129 masked %eq3A_101 {add = true} : memref<80x128xf32, #tpu.memory_space<vmem>>[vector<16xi32>, vector<16xi32>], vector<16xf32>, vector<16xi1>
        tpu.vector_store_idx %arg10[%shift_right_arithmetic3A_283, %and3A_286], %broadcast_in_dim3A_129 masked %eq3A_104 {add = true} : memref<80x128xf32, #tpu.memory_space<vmem>>[vector<16xi32>, vector<16xi32>], vector<16xf32>, vector<16xi1>
        tpu.vector_store_idx %arg10[%shift_right_arithmetic3A_283, %and3A_286], %broadcast_in_dim3A_129 masked %eq3A_107 {add = true} : memref<80x128xf32, #tpu.memory_space<vmem>>[vector<16xi32>, vector<16xi32>], vector<16xf32>, vector<16xi1>
        tpu.vector_store_idx %arg10[%shift_right_arithmetic3A_283, %and3A_286], %broadcast_in_dim3A_129 masked %eq3A_110 {add = true} : memref<80x128xf32, #tpu.memory_space<vmem>>[vector<16xi32>, vector<16xi32>], vector<16xf32>, vector<16xi1>
        tpu.vector_store_idx %arg10[%shift_right_arithmetic3A_283, %and3A_286], %broadcast_in_dim3A_129 masked %eq3A_113 {add = true} : memref<80x128xf32, #tpu.memory_space<vmem>>[vector<16xi32>, vector<16xi32>], vector<16xf32>, vector<16xi1>
        tpu.vector_store_idx %arg10[%shift_right_arithmetic3A_283, %and3A_286], %broadcast_in_dim3A_129 masked %eq3A_116 {add = true} : memref<80x128xf32, #tpu.memory_space<vmem>>[vector<16xi32>, vector<16xi32>], vector<16xf32>, vector<16xi1>
        tpu.vector_store_idx %arg10[%shift_right_arithmetic3A_283, %and3A_286], %broadcast_in_dim3A_129 masked %eq3A_119 {add = true} : memref<80x128xf32, #tpu.memory_space<vmem>>[vector<16xi32>, vector<16xi32>], vector<16xf32>, vector<16xi1>
        tpu.vector_store_idx %arg10[%shift_right_arithmetic3A_283, %and3A_286], %broadcast_in_dim3A_129 masked %eq3A_122 {add = true} : memref<80x128xf32, #tpu.memory_space<vmem>>[vector<16xi32>, vector<16xi32>], vector<16xf32>, vector<16xi1>
        tpu.vector_store_idx %arg10[%shift_right_arithmetic3A_283, %and3A_286], %broadcast_in_dim3A_129 masked %eq3A_125 {add = true} : memref<80x128xf32, #tpu.memory_space<vmem>>[vector<16xi32>, vector<16xi32>], vector<16xf32>, vector<16xi1>
        tpu.vector_store_idx %arg10[%shift_right_arithmetic3A_283, %and3A_286], %broadcast_in_dim3A_129 masked %eq3A_128 {add = true} : memref<80x128xf32, #tpu.memory_space<vmem>>[vector<16xi32>, vector<16xi32>], vector<16xf32>, vector<16xi1>
        %mul3A_287 = arith.constant 4 : i32
        %mul3A_288 = arith.muli %scan3A_216, %mul3A_287 : i32
        %add3A_289 = arith.constant 1 : i32
        %add3A_290 = arith.addi %mul3A_288, %add3A_289 : i32
        %dma_wait3A_291 = arith.constant 1 : i32
        %dma_wait3A_292 = arith.constant 0 : i32
        %dma_wait3A_293 = arith.constant 0 : i32
        %dma_wait3A_294 = tpu.memref_slice %arg9[%dma_wait3A_291, %dma_wait3A_292, %dma_wait3A_293] : memref<4x64x128xf32, #tpu.memory_space<vmem>> -> memref<1x64x128xf32, #tpu.memory_space<vmem>>
        %dma_wait3A_295 = tpu.memref_squeeze %dma_wait3A_294 : memref<1x64x128xf32, #tpu.memory_space<vmem>> -> memref<64x128xf32, #tpu.memory_space<vmem>>
        %dma_wait3A_296 = arith.constant 0 : i32
        %dma_wait3A_297 = tpu.memref_slice %arg7[%add3A_290, %dma_wait3A_296] : memref<16x64xi32, #tpu.memory_space<vmem>> -> memref<1x64xi32, #tpu.memory_space<vmem>>
        %dma_wait3A_298 = tpu.memref_squeeze %dma_wait3A_297 : memref<1x64xi32, #tpu.memory_space<vmem>> -> memref<64xi32, #tpu.memory_space<vmem>>
        %dma_wait3A_299 = arith.constant 0 : i32
        %dma_wait3A_300 = arith.constant 0 : i32
        %dma_wait3A_301 = tpu.memref_slice %arg2[%dma_wait3A_299, %dma_wait3A_300] : memref<10000x128xf32, #tpu.memory_space<hbm>> -> memref<10000x128xf32, #tpu.memory_space<hbm>>
        tpu.wait_indirect_dma semaphore(%arg15 : memref<!tpu.dma_semaphore, #tpu.memory_space<semaphore_mem>>) src(%dma_wait3A_301 : memref<10000x128xf32, #tpu.memory_space<hbm>>) dst(%dma_wait3A_295 : memref<64x128xf32, #tpu.memory_space<vmem>>)
        %gt3A_302 = arith.constant 0 : i32
        %gt3A_303 = arith.cmpi sgt, %add3A_290, %gt3A_302 : i32
        %convert_element_type3A_304 = arith.extui %gt3A_303 : i1 to i32
        %cond3A_305 = arith.constant 0 : i32
        %cond3A_306 = arith.cmpi ne, %convert_element_type3A_304, %cond3A_305 : i32
        scf.if %cond3A_306 {
          %sub3A_515 = arith.constant 1 : i32
          %sub3A_516 = arith.subi %add3A_290, %sub3A_515 : i32
          %dma_wait3A_517 = arith.constant 0 : i32
          %dma_wait3A_518 = arith.constant 0 : i32
          %dma_wait3A_519 = arith.constant 0 : i32
          %dma_wait3A_520 = tpu.memref_slice %arg9[%dma_wait3A_517, %dma_wait3A_518, %dma_wait3A_519] : memref<4x64x128xf32, #tpu.memory_space<vmem>> -> memref<1x64x128xf32, #tpu.memory_space<vmem>>
          %dma_wait3A_521 = tpu.memref_squeeze %dma_wait3A_520 : memref<1x64x128xf32, #tpu.memory_space<vmem>> -> memref<64x128xf32, #tpu.memory_space<vmem>>
          %dma_wait3A_522 = arith.constant 0 : i32
          %dma_wait3A_523 = tpu.memref_slice %arg8[%sub3A_516, %dma_wait3A_522] : memref<16x64xi32, #tpu.memory_space<vmem>> -> memref<1x64xi32, #tpu.memory_space<vmem>>
          %dma_wait3A_524 = tpu.memref_squeeze %dma_wait3A_523 : memref<1x64xi32, #tpu.memory_space<vmem>> -> memref<64xi32, #tpu.memory_space<vmem>>
          %dma_wait3A_525 = arith.constant 0 : i32
          %dma_wait3A_526 = arith.constant 0 : i32
          %dma_wait3A_527 = tpu.memref_slice %arg12[%dma_wait3A_525, %dma_wait3A_526] : memref<10112x128xf32, #tpu.memory_space<vmem_shared>> -> memref<10112x128xf32, #tpu.memory_space<vmem_shared>>
          tpu.wait_indirect_dma semaphore(%arg18 : memref<!tpu.dma_semaphore, #tpu.memory_space<semaphore_mem>>) src(%dma_wait3A_521 : memref<64x128xf32, #tpu.memory_space<vmem>>) dst(%dma_wait3A_527 : memref<10112x128xf32, #tpu.memory_space<vmem_shared>>)
        } else {
        }
        %add3A_307 = arith.constant 4 : i32
        %add3A_308 = arith.addi %add3A_290, %add3A_307 : i32
        %sub3A_309 = arith.constant 1 : i32
        %sub3A_310 = arith.subi %add3A_308, %sub3A_309 : i32
        %lt3A_311 = arith.constant 16 : i32
        %lt3A_312 = arith.cmpi slt, %sub3A_310, %lt3A_311 : i32
        %convert_element_type3A_313 = arith.extui %lt3A_312 : i1 to i32
        %cond3A_314 = arith.constant 0 : i32
        %cond3A_315 = arith.cmpi ne, %convert_element_type3A_313, %cond3A_314 : i32
        scf.if %cond3A_315 {
          %add3A_515 = arith.constant 4 : i32
          %add3A_516 = arith.addi %add3A_290, %add3A_515 : i32
          %sub3A_517 = arith.constant 1 : i32
          %sub3A_518 = arith.subi %add3A_516, %sub3A_517 : i32
          %dma_start3A_519 = arith.constant 0 : i32
          %dma_start3A_520 = arith.constant 0 : i32
          %dma_start3A_521 = arith.constant 0 : i32
          %dma_start3A_522 = tpu.memref_slice %arg9[%dma_start3A_519, %dma_start3A_520, %dma_start3A_521] : memref<4x64x128xf32, #tpu.memory_space<vmem>> -> memref<1x64x128xf32, #tpu.memory_space<vmem>>
          %dma_start3A_523 = tpu.memref_squeeze %dma_start3A_522 : memref<1x64x128xf32, #tpu.memory_space<vmem>> -> memref<64x128xf32, #tpu.memory_space<vmem>>
          %dma_start3A_524 = arith.constant 0 : i32
          %dma_start3A_525 = tpu.memref_slice %arg7[%sub3A_518, %dma_start3A_524] : memref<16x64xi32, #tpu.memory_space<vmem>> -> memref<1x64xi32, #tpu.memory_space<vmem>>
          %dma_start3A_526 = tpu.memref_squeeze %dma_start3A_525 : memref<1x64xi32, #tpu.memory_space<vmem>> -> memref<64xi32, #tpu.memory_space<vmem>>
          %dma_start3A_527 = arith.constant 0 : i32
          %dma_start3A_528 = arith.constant 0 : i32
          %dma_start3A_529 = tpu.memref_slice %arg2[%dma_start3A_527, %dma_start3A_528] : memref<10000x128xf32, #tpu.memory_space<hbm>> -> memref<10000x128xf32, #tpu.memory_space<hbm>>
          tpu.enqueue_indirect_dma source(%dma_start3A_529 : memref<10000x128xf32, #tpu.memory_space<hbm>>) target(%dma_start3A_523 : memref<64x128xf32, #tpu.memory_space<vmem>>) offsets(%dma_start3A_526 : memref<64xi32, #tpu.memory_space<vmem>>) semaphore(%arg14 : memref<!tpu.dma_semaphore, #tpu.memory_space<semaphore_mem>>)
        } else {
        }
        %dma_start3A_316 = arith.constant 1 : i32
        %dma_start3A_317 = arith.constant 0 : i32
        %dma_start3A_318 = arith.constant 0 : i32
        %dma_start3A_319 = tpu.memref_slice %arg9[%dma_start3A_316, %dma_start3A_317, %dma_start3A_318] : memref<4x64x128xf32, #tpu.memory_space<vmem>> -> memref<1x64x128xf32, #tpu.memory_space<vmem>>
        %dma_start3A_320 = tpu.memref_squeeze %dma_start3A_319 : memref<1x64x128xf32, #tpu.memory_space<vmem>> -> memref<64x128xf32, #tpu.memory_space<vmem>>
        %dma_start3A_321 = arith.constant 0 : i32
        %dma_start3A_322 = tpu.memref_slice %arg8[%add3A_290, %dma_start3A_321] : memref<16x64xi32, #tpu.memory_space<vmem>> -> memref<1x64xi32, #tpu.memory_space<vmem>>
        %dma_start3A_323 = tpu.memref_squeeze %dma_start3A_322 : memref<1x64xi32, #tpu.memory_space<vmem>> -> memref<64xi32, #tpu.memory_space<vmem>>
        %dma_start3A_324 = arith.constant 0 : i32
        %dma_start3A_325 = arith.constant 0 : i32
        %dma_start3A_326 = tpu.memref_slice %arg12[%dma_start3A_324, %dma_start3A_325] : memref<10112x128xf32, #tpu.memory_space<vmem_shared>> -> memref<10112x128xf32, #tpu.memory_space<vmem_shared>>
        tpu.enqueue_indirect_dma source(%dma_start3A_320 : memref<64x128xf32, #tpu.memory_space<vmem>>) target(%dma_start3A_326 : memref<10112x128xf32, #tpu.memory_space<vmem_shared>>) offsets(%dma_start3A_323 : memref<64xi32, #tpu.memory_space<vmem>>) semaphore(%arg19 : memref<!tpu.dma_semaphore, #tpu.memory_space<semaphore_mem>>) {add = true}
        %get3A_327 = arith.index_cast %add3A_290 : i32 to index
        %get3A_328 = arith.constant 0 : index
        %get3A_329 = tpu.vector_load %arg8[%get3A_327, %get3A_328] {strides = array<i32>} : memref<16x64xi32, #tpu.memory_space<vmem>>, vector<16xi32>,
        %shift_right_arithmetic3A_330 = arith.constant 7 : i32
        %shift_right_arithmetic3A_331 = vector.broadcast %shift_right_arithmetic3A_330 : i32 to vector<16xi32>
        %shift_right_arithmetic3A_332 = arith.shrsi %get3A_329, %shift_right_arithmetic3A_331 : vector<16xi32>
        %and3A_333 = arith.constant 127 : i32
        %and3A_334 = vector.broadcast %and3A_333 : i32 to vector<16xi32>
        %and3A_335 = arith.andi %get3A_329, %and3A_334 : vector<16xi32>
        tpu.vector_store_idx %arg10[%shift_right_arithmetic3A_332, %and3A_335], %broadcast_in_dim3A_129 masked %eq3A_83 {add = true} : memref<80x128xf32, #tpu.memory_space<vmem>>[vector<16xi32>, vector<16xi32>], vector<16xf32>, vector<16xi1>
        tpu.vector_store_idx %arg10[%shift_right_arithmetic3A_332, %and3A_335], %broadcast_in_dim3A_129 masked %eq3A_86 {add = true} : memref<80x128xf32, #tpu.memory_space<vmem>>[vector<16xi32>, vector<16xi32>], vector<16xf32>, vector<16xi1>
        tpu.vector_store_idx %arg10[%shift_right_arithmetic3A_332, %and3A_335], %broadcast_in_dim3A_129 masked %eq3A_89 {add = true} : memref<80x128xf32, #tpu.memory_space<vmem>>[vector<16xi32>, vector<16xi32>], vector<16xf32>, vector<16xi1>
        tpu.vector_store_idx %arg10[%shift_right_arithmetic3A_332, %and3A_335], %broadcast_in_dim3A_129 masked %eq3A_92 {add = true} : memref<80x128xf32, #tpu.memory_space<vmem>>[vector<16xi32>, vector<16xi32>], vector<16xf32>, vector<16xi1>
        tpu.vector_store_idx %arg10[%shift_right_arithmetic3A_332, %and3A_335], %broadcast_in_dim3A_129 masked %eq3A_95 {add = true} : memref<80x128xf32, #tpu.memory_space<vmem>>[vector<16xi32>, vector<16xi32>], vector<16xf32>, vector<16xi1>
        tpu.vector_store_idx %arg10[%shift_right_arithmetic3A_332, %and3A_335], %broadcast_in_dim3A_129 masked %eq3A_98 {add = true} : memref<80x128xf32, #tpu.memory_space<vmem>>[vector<16xi32>, vector<16xi32>], vector<16xf32>, vector<16xi1>
        tpu.vector_store_idx %arg10[%shift_right_arithmetic3A_332, %and3A_335], %broadcast_in_dim3A_129 masked %eq3A_101 {add = true} : memref<80x128xf32, #tpu.memory_space<vmem>>[vector<16xi32>, vector<16xi32>], vector<16xf32>, vector<16xi1>
        tpu.vector_store_idx %arg10[%shift_right_arithmetic3A_332, %and3A_335], %broadcast_in_dim3A_129 masked %eq3A_104 {add = true} : memref<80x128xf32, #tpu.memory_space<vmem>>[vector<16xi32>, vector<16xi32>], vector<16xf32>, vector<16xi1>
        tpu.vector_store_idx %arg10[%shift_right_arithmetic3A_332, %and3A_335], %broadcast_in_dim3A_129 masked %eq3A_107 {add = true} : memref<80x128xf32, #tpu.memory_space<vmem>>[vector<16xi32>, vector<16xi32>], vector<16xf32>, vector<16xi1>
        tpu.vector_store_idx %arg10[%shift_right_arithmetic3A_332, %and3A_335], %broadcast_in_dim3A_129 masked %eq3A_110 {add = true} : memref<80x128xf32, #tpu.memory_space<vmem>>[vector<16xi32>, vector<16xi32>], vector<16xf32>, vector<16xi1>
        tpu.vector_store_idx %arg10[%shift_right_arithmetic3A_332, %and3A_335], %broadcast_in_dim3A_129 masked %eq3A_113 {add = true} : memref<80x128xf32, #tpu.memory_space<vmem>>[vector<16xi32>, vector<16xi32>], vector<16xf32>, vector<16xi1>
        tpu.vector_store_idx %arg10[%shift_right_arithmetic3A_332, %and3A_335], %broadcast_in_dim3A_129 masked %eq3A_116 {add = true} : memref<80x128xf32, #tpu.memory_space<vmem>>[vector<16xi32>, vector<16xi32>], vector<16xf32>, vector<16xi1>
        tpu.vector_store_idx %arg10[%shift_right_arithmetic3A_332, %and3A_335], %broadcast_in_dim3A_129 masked %eq3A_119 {add = true} : memref<80x128xf32, #tpu.memory_space<vmem>>[vector<16xi32>, vector<16xi32>], vector<16xf32>, vector<16xi1>
        tpu.vector_store_idx %arg10[%shift_right_arithmetic3A_332, %and3A_335], %broadcast_in_dim3A_129 masked %eq3A_122 {add = true} : memref<80x128xf32, #tpu.memory_space<vmem>>[vector<16xi32>, vector<16xi32>], vector<16xf32>, vector<16xi1>
        tpu.vector_store_idx %arg10[%shift_right_arithmetic3A_332, %and3A_335], %broadcast_in_dim3A_129 masked %eq3A_125 {add = true} : memref<80x128xf32, #tpu.memory_space<vmem>>[vector<16xi32>, vector<16xi32>], vector<16xf32>, vector<16xi1>
        tpu.vector_store_idx %arg10[%shift_right_arithmetic3A_332, %and3A_335], %broadcast_in_dim3A_129 masked %eq3A_128 {add = true} : memref<80x128xf32, #tpu.memory_space<vmem>>[vector<16xi32>, vector<16xi32>], vector<16xf32>, vector<16xi1>
        %get3A_336 = arith.index_cast %add3A_290 : i32 to index
        %get3A_337 = arith.constant 16 : index
        %get3A_338 = tpu.vector_load %arg8[%get3A_336, %get3A_337] {strides = array<i32>} : memref<16x64xi32, #tpu.memory_space<vmem>>, vector<16xi32>,
        %shift_right_arithmetic3A_339 = arith.constant 7 : i32
        %shift_right_arithmetic3A_340 = vector.broadcast %shift_right_arithmetic3A_339 : i32 to vector<16xi32>
        %shift_right_arithmetic3A_341 = arith.shrsi %get3A_338, %shift_right_arithmetic3A_340 : vector<16xi32>
        %and3A_342 = arith.constant 127 : i32
        %and3A_343 = vector.broadcast %and3A_342 : i32 to vector<16xi32>
        %and3A_344 = arith.andi %get3A_338, %and3A_343 : vector<16xi32>
        tpu.vector_store_idx %arg10[%shift_right_arithmetic3A_341, %and3A_344], %broadcast_in_dim3A_129 masked %eq3A_83 {add = true} : memref<80x128xf32, #tpu.memory_space<vmem>>[vector<16xi32>, vector<16xi32>], vector<16xf32>, vector<16xi1>
        tpu.vector_store_idx %arg10[%shift_right_arithmetic3A_341, %and3A_344], %broadcast_in_dim3A_129 masked %eq3A_86 {add = true} : memref<80x128xf32, #tpu.memory_space<vmem>>[vector<16xi32>, vector<16xi32>], vector<16xf32>, vector<16xi1>
        tpu.vector_store_idx %arg10[%shift_right_arithmetic3A_341, %and3A_344], %broadcast_in_dim3A_129 masked %eq3A_89 {add = true} : memref<80x128xf32, #tpu.memory_space<vmem>>[vector<16xi32>, vector<16xi32>], vector<16xf32>, vector<16xi1>
        tpu.vector_store_idx %arg10[%shift_right_arithmetic3A_341, %and3A_344], %broadcast_in_dim3A_129 masked %eq3A_92 {add = true} : memref<80x128xf32, #tpu.memory_space<vmem>>[vector<16xi32>, vector<16xi32>], vector<16xf32>, vector<16xi1>
        tpu.vector_store_idx %arg10[%shift_right_arithmetic3A_341, %and3A_344], %broadcast_in_dim3A_129 masked %eq3A_95 {add = true} : memref<80x128xf32, #tpu.memory_space<vmem>>[vector<16xi32>, vector<16xi32>], vector<16xf32>, vector<16xi1>
        tpu.vector_store_idx %arg10[%shift_right_arithmetic3A_341, %and3A_344], %broadcast_in_dim3A_129 masked %eq3A_98 {add = true} : memref<80x128xf32, #tpu.memory_space<vmem>>[vector<16xi32>, vector<16xi32>], vector<16xf32>, vector<16xi1>
        tpu.vector_store_idx %arg10[%shift_right_arithmetic3A_341, %and3A_344], %broadcast_in_dim3A_129 masked %eq3A_101 {add = true} : memref<80x128xf32, #tpu.memory_space<vmem>>[vector<16xi32>, vector<16xi32>], vector<16xf32>, vector<16xi1>
        tpu.vector_store_idx %arg10[%shift_right_arithmetic3A_341, %and3A_344], %broadcast_in_dim3A_129 masked %eq3A_104 {add = true} : memref<80x128xf32, #tpu.memory_space<vmem>>[vector<16xi32>, vector<16xi32>], vector<16xf32>, vector<16xi1>
        tpu.vector_store_idx %arg10[%shift_right_arithmetic3A_341, %and3A_344], %broadcast_in_dim3A_129 masked %eq3A_107 {add = true} : memref<80x128xf32, #tpu.memory_space<vmem>>[vector<16xi32>, vector<16xi32>], vector<16xf32>, vector<16xi1>
        tpu.vector_store_idx %arg10[%shift_right_arithmetic3A_341, %and3A_344], %broadcast_in_dim3A_129 masked %eq3A_110 {add = true} : memref<80x128xf32, #tpu.memory_space<vmem>>[vector<16xi32>, vector<16xi32>], vector<16xf32>, vector<16xi1>
        tpu.vector_store_idx %arg10[%shift_right_arithmetic3A_341, %and3A_344], %broadcast_in_dim3A_129 masked %eq3A_113 {add = true} : memref<80x128xf32, #tpu.memory_space<vmem>>[vector<16xi32>, vector<16xi32>], vector<16xf32>, vector<16xi1>
        tpu.vector_store_idx %arg10[%shift_right_arithmetic3A_341, %and3A_344], %broadcast_in_dim3A_129 masked %eq3A_116 {add = true} : memref<80x128xf32, #tpu.memory_space<vmem>>[vector<16xi32>, vector<16xi32>], vector<16xf32>, vector<16xi1>
        tpu.vector_store_idx %arg10[%shift_right_arithmetic3A_341, %and3A_344], %broadcast_in_dim3A_129 masked %eq3A_119 {add = true} : memref<80x128xf32, #tpu.memory_space<vmem>>[vector<16xi32>, vector<16xi32>], vector<16xf32>, vector<16xi1>
        tpu.vector_store_idx %arg10[%shift_right_arithmetic3A_341, %and3A_344], %broadcast_in_dim3A_129 masked %eq3A_122 {add = true} : memref<80x128xf32, #tpu.memory_space<vmem>>[vector<16xi32>, vector<16xi32>], vector<16xf32>, vector<16xi1>
        tpu.vector_store_idx %arg10[%shift_right_arithmetic3A_341, %and3A_344], %broadcast_in_dim3A_129 masked %eq3A_125 {add = true} : memref<80x128xf32, #tpu.memory_space<vmem>>[vector<16xi32>, vector<16xi32>], vector<16xf32>, vector<16xi1>
        tpu.vector_store_idx %arg10[%shift_right_arithmetic3A_341, %and3A_344], %broadcast_in_dim3A_129 masked %eq3A_128 {add = true} : memref<80x128xf32, #tpu.memory_space<vmem>>[vector<16xi32>, vector<16xi32>], vector<16xf32>, vector<16xi1>
        %get3A_345 = arith.index_cast %add3A_290 : i32 to index
        %get3A_346 = arith.constant 32 : index
        %get3A_347 = tpu.vector_load %arg8[%get3A_345, %get3A_346] {strides = array<i32>} : memref<16x64xi32, #tpu.memory_space<vmem>>, vector<16xi32>,
        %shift_right_arithmetic3A_348 = arith.constant 7 : i32
        %shift_right_arithmetic3A_349 = vector.broadcast %shift_right_arithmetic3A_348 : i32 to vector<16xi32>
        %shift_right_arithmetic3A_350 = arith.shrsi %get3A_347, %shift_right_arithmetic3A_349 : vector<16xi32>
        %and3A_351 = arith.constant 127 : i32
        %and3A_352 = vector.broadcast %and3A_351 : i32 to vector<16xi32>
        %and3A_353 = arith.andi %get3A_347, %and3A_352 : vector<16xi32>
        tpu.vector_store_idx %arg10[%shift_right_arithmetic3A_350, %and3A_353], %broadcast_in_dim3A_129 masked %eq3A_83 {add = true} : memref<80x128xf32, #tpu.memory_space<vmem>>[vector<16xi32>, vector<16xi32>], vector<16xf32>, vector<16xi1>
        tpu.vector_store_idx %arg10[%shift_right_arithmetic3A_350, %and3A_353], %broadcast_in_dim3A_129 masked %eq3A_86 {add = true} : memref<80x128xf32, #tpu.memory_space<vmem>>[vector<16xi32>, vector<16xi32>], vector<16xf32>, vector<16xi1>
        tpu.vector_store_idx %arg10[%shift_right_arithmetic3A_350, %and3A_353], %broadcast_in_dim3A_129 masked %eq3A_89 {add = true} : memref<80x128xf32, #tpu.memory_space<vmem>>[vector<16xi32>, vector<16xi32>], vector<16xf32>, vector<16xi1>
        tpu.vector_store_idx %arg10[%shift_right_arithmetic3A_350, %and3A_353], %broadcast_in_dim3A_129 masked %eq3A_92 {add = true} : memref<80x128xf32, #tpu.memory_space<vmem>>[vector<16xi32>, vector<16xi32>], vector<16xf32>, vector<16xi1>
        tpu.vector_store_idx %arg10[%shift_right_arithmetic3A_350, %and3A_353], %broadcast_in_dim3A_129 masked %eq3A_95 {add = true} : memref<80x128xf32, #tpu.memory_space<vmem>>[vector<16xi32>, vector<16xi32>], vector<16xf32>, vector<16xi1>
        tpu.vector_store_idx %arg10[%shift_right_arithmetic3A_350, %and3A_353], %broadcast_in_dim3A_129 masked %eq3A_98 {add = true} : memref<80x128xf32, #tpu.memory_space<vmem>>[vector<16xi32>, vector<16xi32>], vector<16xf32>, vector<16xi1>
        tpu.vector_store_idx %arg10[%shift_right_arithmetic3A_350, %and3A_353], %broadcast_in_dim3A_129 masked %eq3A_101 {add = true} : memref<80x128xf32, #tpu.memory_space<vmem>>[vector<16xi32>, vector<16xi32>], vector<16xf32>, vector<16xi1>
        tpu.vector_store_idx %arg10[%shift_right_arithmetic3A_350, %and3A_353], %broadcast_in_dim3A_129 masked %eq3A_104 {add = true} : memref<80x128xf32, #tpu.memory_space<vmem>>[vector<16xi32>, vector<16xi32>], vector<16xf32>, vector<16xi1>
        tpu.vector_store_idx %arg10[%shift_right_arithmetic3A_350, %and3A_353], %broadcast_in_dim3A_129 masked %eq3A_107 {add = true} : memref<80x128xf32, #tpu.memory_space<vmem>>[vector<16xi32>, vector<16xi32>], vector<16xf32>, vector<16xi1>
        tpu.vector_store_idx %arg10[%shift_right_arithmetic3A_350, %and3A_353], %broadcast_in_dim3A_129 masked %eq3A_110 {add = true} : memref<80x128xf32, #tpu.memory_space<vmem>>[vector<16xi32>, vector<16xi32>], vector<16xf32>, vector<16xi1>
        tpu.vector_store_idx %arg10[%shift_right_arithmetic3A_350, %and3A_353], %broadcast_in_dim3A_129 masked %eq3A_113 {add = true} : memref<80x128xf32, #tpu.memory_space<vmem>>[vector<16xi32>, vector<16xi32>], vector<16xf32>, vector<16xi1>
        tpu.vector_store_idx %arg10[%shift_right_arithmetic3A_350, %and3A_353], %broadcast_in_dim3A_129 masked %eq3A_116 {add = true} : memref<80x128xf32, #tpu.memory_space<vmem>>[vector<16xi32>, vector<16xi32>], vector<16xf32>, vector<16xi1>
        tpu.vector_store_idx %arg10[%shift_right_arithmetic3A_350, %and3A_353], %broadcast_in_dim3A_129 masked %eq3A_119 {add = true} : memref<80x128xf32, #tpu.memory_space<vmem>>[vector<16xi32>, vector<16xi32>], vector<16xf32>, vector<16xi1>
        tpu.vector_store_idx %arg10[%shift_right_arithmetic3A_350, %and3A_353], %broadcast_in_dim3A_129 masked %eq3A_122 {add = true} : memref<80x128xf32, #tpu.memory_space<vmem>>[vector<16xi32>, vector<16xi32>], vector<16xf32>, vector<16xi1>
        tpu.vector_store_idx %arg10[%shift_right_arithmetic3A_350, %and3A_353], %broadcast_in_dim3A_129 masked %eq3A_125 {add = true} : memref<80x128xf32, #tpu.memory_space<vmem>>[vector<16xi32>, vector<16xi32>], vector<16xf32>, vector<16xi1>
        tpu.vector_store_idx %arg10[%shift_right_arithmetic3A_350, %and3A_353], %broadcast_in_dim3A_129 masked %eq3A_128 {add = true} : memref<80x128xf32, #tpu.memory_space<vmem>>[vector<16xi32>, vector<16xi32>], vector<16xf32>, vector<16xi1>
        %get3A_354 = arith.index_cast %add3A_290 : i32 to index
        %get3A_355 = arith.constant 48 : index
        %get3A_356 = tpu.vector_load %arg8[%get3A_354, %get3A_355] {strides = array<i32>} : memref<16x64xi32, #tpu.memory_space<vmem>>, vector<16xi32>,
        %shift_right_arithmetic3A_357 = arith.constant 7 : i32
        %shift_right_arithmetic3A_358 = vector.broadcast %shift_right_arithmetic3A_357 : i32 to vector<16xi32>
        %shift_right_arithmetic3A_359 = arith.shrsi %get3A_356, %shift_right_arithmetic3A_358 : vector<16xi32>
        %and3A_360 = arith.constant 127 : i32
        %and3A_361 = vector.broadcast %and3A_360 : i32 to vector<16xi32>
        %and3A_362 = arith.andi %get3A_356, %and3A_361 : vector<16xi32>
        tpu.vector_store_idx %arg10[%shift_right_arithmetic3A_359, %and3A_362], %broadcast_in_dim3A_129 masked %eq3A_83 {add = true} : memref<80x128xf32, #tpu.memory_space<vmem>>[vector<16xi32>, vector<16xi32>], vector<16xf32>, vector<16xi1>
        tpu.vector_store_idx %arg10[%shift_right_arithmetic3A_359, %and3A_362], %broadcast_in_dim3A_129 masked %eq3A_86 {add = true} : memref<80x128xf32, #tpu.memory_space<vmem>>[vector<16xi32>, vector<16xi32>], vector<16xf32>, vector<16xi1>
        tpu.vector_store_idx %arg10[%shift_right_arithmetic3A_359, %and3A_362], %broadcast_in_dim3A_129 masked %eq3A_89 {add = true} : memref<80x128xf32, #tpu.memory_space<vmem>>[vector<16xi32>, vector<16xi32>], vector<16xf32>, vector<16xi1>
        tpu.vector_store_idx %arg10[%shift_right_arithmetic3A_359, %and3A_362], %broadcast_in_dim3A_129 masked %eq3A_92 {add = true} : memref<80x128xf32, #tpu.memory_space<vmem>>[vector<16xi32>, vector<16xi32>], vector<16xf32>, vector<16xi1>
        tpu.vector_store_idx %arg10[%shift_right_arithmetic3A_359, %and3A_362], %broadcast_in_dim3A_129 masked %eq3A_95 {add = true} : memref<80x128xf32, #tpu.memory_space<vmem>>[vector<16xi32>, vector<16xi32>], vector<16xf32>, vector<16xi1>
        tpu.vector_store_idx %arg10[%shift_right_arithmetic3A_359, %and3A_362], %broadcast_in_dim3A_129 masked %eq3A_98 {add = true} : memref<80x128xf32, #tpu.memory_space<vmem>>[vector<16xi32>, vector<16xi32>], vector<16xf32>, vector<16xi1>
        tpu.vector_store_idx %arg10[%shift_right_arithmetic3A_359, %and3A_362], %broadcast_in_dim3A_129 masked %eq3A_101 {add = true} : memref<80x128xf32, #tpu.memory_space<vmem>>[vector<16xi32>, vector<16xi32>], vector<16xf32>, vector<16xi1>
        tpu.vector_store_idx %arg10[%shift_right_arithmetic3A_359, %and3A_362], %broadcast_in_dim3A_129 masked %eq3A_104 {add = true} : memref<80x128xf32, #tpu.memory_space<vmem>>[vector<16xi32>, vector<16xi32>], vector<16xf32>, vector<16xi1>
        tpu.vector_store_idx %arg10[%shift_right_arithmetic3A_359, %and3A_362], %broadcast_in_dim3A_129 masked %eq3A_107 {add = true} : memref<80x128xf32, #tpu.memory_space<vmem>>[vector<16xi32>, vector<16xi32>], vector<16xf32>, vector<16xi1>
        tpu.vector_store_idx %arg10[%shift_right_arithmetic3A_359, %and3A_362], %broadcast_in_dim3A_129 masked %eq3A_110 {add = true} : memref<80x128xf32, #tpu.memory_space<vmem>>[vector<16xi32>, vector<16xi32>], vector<16xf32>, vector<16xi1>
        tpu.vector_store_idx %arg10[%shift_right_arithmetic3A_359, %and3A_362], %broadcast_in_dim3A_129 masked %eq3A_113 {add = true} : memref<80x128xf32, #tpu.memory_space<vmem>>[vector<16xi32>, vector<16xi32>], vector<16xf32>, vector<16xi1>
        tpu.vector_store_idx %arg10[%shift_right_arithmetic3A_359, %and3A_362], %broadcast_in_dim3A_129 masked %eq3A_116 {add = true} : memref<80x128xf32, #tpu.memory_space<vmem>>[vector<16xi32>, vector<16xi32>], vector<16xf32>, vector<16xi1>
        tpu.vector_store_idx %arg10[%shift_right_arithmetic3A_359, %and3A_362], %broadcast_in_dim3A_129 masked %eq3A_119 {add = true} : memref<80x128xf32, #tpu.memory_space<vmem>>[vector<16xi32>, vector<16xi32>], vector<16xf32>, vector<16xi1>
        tpu.vector_store_idx %arg10[%shift_right_arithmetic3A_359, %and3A_362], %broadcast_in_dim3A_129 masked %eq3A_122 {add = true} : memref<80x128xf32, #tpu.memory_space<vmem>>[vector<16xi32>, vector<16xi32>], vector<16xf32>, vector<16xi1>
        tpu.vector_store_idx %arg10[%shift_right_arithmetic3A_359, %and3A_362], %broadcast_in_dim3A_129 masked %eq3A_125 {add = true} : memref<80x128xf32, #tpu.memory_space<vmem>>[vector<16xi32>, vector<16xi32>], vector<16xf32>, vector<16xi1>
        tpu.vector_store_idx %arg10[%shift_right_arithmetic3A_359, %and3A_362], %broadcast_in_dim3A_129 masked %eq3A_128 {add = true} : memref<80x128xf32, #tpu.memory_space<vmem>>[vector<16xi32>, vector<16xi32>], vector<16xf32>, vector<16xi1>
        %mul3A_363 = arith.constant 4 : i32
        %mul3A_364 = arith.muli %scan3A_216, %mul3A_363 : i32
        %add3A_365 = arith.constant 2 : i32
        %add3A_366 = arith.addi %mul3A_364, %add3A_365 : i32
        %dma_wait3A_367 = arith.constant 2 : i32
        %dma_wait3A_368 = arith.constant 0 : i32
        %dma_wait3A_369 = arith.constant 0 : i32
        %dma_wait3A_370 = tpu.memref_slice %arg9[%dma_wait3A_367, %dma_wait3A_368, %dma_wait3A_369] : memref<4x64x128xf32, #tpu.memory_space<vmem>> -> memref<1x64x128xf32, #tpu.memory_space<vmem>>
        %dma_wait3A_371 = tpu.memref_squeeze %dma_wait3A_370 : memref<1x64x128xf32, #tpu.memory_space<vmem>> -> memref<64x128xf32, #tpu.memory_space<vmem>>
        %dma_wait3A_372 = arith.constant 0 : i32
        %dma_wait3A_373 = tpu.memref_slice %arg7[%add3A_366, %dma_wait3A_372] : memref<16x64xi32, #tpu.memory_space<vmem>> -> memref<1x64xi32, #tpu.memory_space<vmem>>
        %dma_wait3A_374 = tpu.memref_squeeze %dma_wait3A_373 : memref<1x64xi32, #tpu.memory_space<vmem>> -> memref<64xi32, #tpu.memory_space<vmem>>
        %dma_wait3A_375 = arith.constant 0 : i32
        %dma_wait3A_376 = arith.constant 0 : i32
        %dma_wait3A_377 = tpu.memref_slice %arg2[%dma_wait3A_375, %dma_wait3A_376] : memref<10000x128xf32, #tpu.memory_space<hbm>> -> memref<10000x128xf32, #tpu.memory_space<hbm>>
        tpu.wait_indirect_dma semaphore(%arg16 : memref<!tpu.dma_semaphore, #tpu.memory_space<semaphore_mem>>) src(%dma_wait3A_377 : memref<10000x128xf32, #tpu.memory_space<hbm>>) dst(%dma_wait3A_371 : memref<64x128xf32, #tpu.memory_space<vmem>>)
        %gt3A_378 = arith.constant 0 : i32
        %gt3A_379 = arith.cmpi sgt, %add3A_366, %gt3A_378 : i32
        %convert_element_type3A_380 = arith.extui %gt3A_379 : i1 to i32
        %cond3A_381 = arith.constant 0 : i32
        %cond3A_382 = arith.cmpi ne, %convert_element_type3A_380, %cond3A_381 : i32
        scf.if %cond3A_382 {
          %sub3A_515 = arith.constant 1 : i32
          %sub3A_516 = arith.subi %add3A_366, %sub3A_515 : i32
          %dma_wait3A_517 = arith.constant 1 : i32
          %dma_wait3A_518 = arith.constant 0 : i32
          %dma_wait3A_519 = arith.constant 0 : i32
          %dma_wait3A_520 = tpu.memref_slice %arg9[%dma_wait3A_517, %dma_wait3A_518, %dma_wait3A_519] : memref<4x64x128xf32, #tpu.memory_space<vmem>> -> memref<1x64x128xf32, #tpu.memory_space<vmem>>
          %dma_wait3A_521 = tpu.memref_squeeze %dma_wait3A_520 : memref<1x64x128xf32, #tpu.memory_space<vmem>> -> memref<64x128xf32, #tpu.memory_space<vmem>>
          %dma_wait3A_522 = arith.constant 0 : i32
          %dma_wait3A_523 = tpu.memref_slice %arg8[%sub3A_516, %dma_wait3A_522] : memref<16x64xi32, #tpu.memory_space<vmem>> -> memref<1x64xi32, #tpu.memory_space<vmem>>
          %dma_wait3A_524 = tpu.memref_squeeze %dma_wait3A_523 : memref<1x64xi32, #tpu.memory_space<vmem>> -> memref<64xi32, #tpu.memory_space<vmem>>
          %dma_wait3A_525 = arith.constant 0 : i32
          %dma_wait3A_526 = arith.constant 0 : i32
          %dma_wait3A_527 = tpu.memref_slice %arg12[%dma_wait3A_525, %dma_wait3A_526] : memref<10112x128xf32, #tpu.memory_space<vmem_shared>> -> memref<10112x128xf32, #tpu.memory_space<vmem_shared>>
          tpu.wait_indirect_dma semaphore(%arg19 : memref<!tpu.dma_semaphore, #tpu.memory_space<semaphore_mem>>) src(%dma_wait3A_521 : memref<64x128xf32, #tpu.memory_space<vmem>>) dst(%dma_wait3A_527 : memref<10112x128xf32, #tpu.memory_space<vmem_shared>>)
        } else {
        }
        %add3A_383 = arith.constant 4 : i32
        %add3A_384 = arith.addi %add3A_366, %add3A_383 : i32
        %sub3A_385 = arith.constant 1 : i32
        %sub3A_386 = arith.subi %add3A_384, %sub3A_385 : i32
        %lt3A_387 = arith.constant 16 : i32
        %lt3A_388 = arith.cmpi slt, %sub3A_386, %lt3A_387 : i32
        %convert_element_type3A_389 = arith.extui %lt3A_388 : i1 to i32
        %cond3A_390 = arith.constant 0 : i32
        %cond3A_391 = arith.cmpi ne, %convert_element_type3A_389, %cond3A_390 : i32
        scf.if %cond3A_391 {
          %add3A_515 = arith.constant 4 : i32
          %add3A_516 = arith.addi %add3A_366, %add3A_515 : i32
          %sub3A_517 = arith.constant 1 : i32
          %sub3A_518 = arith.subi %add3A_516, %sub3A_517 : i32
          %dma_start3A_519 = arith.constant 1 : i32
          %dma_start3A_520 = arith.constant 0 : i32
          %dma_start3A_521 = arith.constant 0 : i32
          %dma_start3A_522 = tpu.memref_slice %arg9[%dma_start3A_519, %dma_start3A_520, %dma_start3A_521] : memref<4x64x128xf32, #tpu.memory_space<vmem>> -> memref<1x64x128xf32, #tpu.memory_space<vmem>>
          %dma_start3A_523 = tpu.memref_squeeze %dma_start3A_522 : memref<1x64x128xf32, #tpu.memory_space<vmem>> -> memref<64x128xf32, #tpu.memory_space<vmem>>
          %dma_start3A_524 = arith.constant 0 : i32
          %dma_start3A_525 = tpu.memref_slice %arg7[%sub3A_518, %dma_start3A_524] : memref<16x64xi32, #tpu.memory_space<vmem>> -> memref<1x64xi32, #tpu.memory_space<vmem>>
          %dma_start3A_526 = tpu.memref_squeeze %dma_start3A_525 : memref<1x64xi32, #tpu.memory_space<vmem>> -> memref<64xi32, #tpu.memory_space<vmem>>
          %dma_start3A_527 = arith.constant 0 : i32
          %dma_start3A_528 = arith.constant 0 : i32
          %dma_start3A_529 = tpu.memref_slice %arg2[%dma_start3A_527, %dma_start3A_528] : memref<10000x128xf32, #tpu.memory_space<hbm>> -> memref<10000x128xf32, #tpu.memory_space<hbm>>
          tpu.enqueue_indirect_dma source(%dma_start3A_529 : memref<10000x128xf32, #tpu.memory_space<hbm>>) target(%dma_start3A_523 : memref<64x128xf32, #tpu.memory_space<vmem>>) offsets(%dma_start3A_526 : memref<64xi32, #tpu.memory_space<vmem>>) semaphore(%arg15 : memref<!tpu.dma_semaphore, #tpu.memory_space<semaphore_mem>>)
        } else {
        }
        %dma_start3A_392 = arith.constant 2 : i32
        %dma_start3A_393 = arith.constant 0 : i32
        %dma_start3A_394 = arith.constant 0 : i32
        %dma_start3A_395 = tpu.memref_slice %arg9[%dma_start3A_392, %dma_start3A_393, %dma_start3A_394] : memref<4x64x128xf32, #tpu.memory_space<vmem>> -> memref<1x64x128xf32, #tpu.memory_space<vmem>>
        %dma_start3A_396 = tpu.memref_squeeze %dma_start3A_395 : memref<1x64x128xf32, #tpu.memory_space<vmem>> -> memref<64x128xf32, #tpu.memory_space<vmem>>
        %dma_start3A_397 = arith.constant 0 : i32
        %dma_start3A_398 = tpu.memref_slice %arg8[%add3A_366, %dma_start3A_397] : memref<16x64xi32, #tpu.memory_space<vmem>> -> memref<1x64xi32, #tpu.memory_space<vmem>>
        %dma_start3A_399 = tpu.memref_squeeze %dma_start3A_398 : memref<1x64xi32, #tpu.memory_space<vmem>> -> memref<64xi32, #tpu.memory_space<vmem>>
        %dma_start3A_400 = arith.constant 0 : i32
        %dma_start3A_401 = arith.constant 0 : i32
        %dma_start3A_402 = tpu.memref_slice %arg12[%dma_start3A_400, %dma_start3A_401] : memref<10112x128xf32, #tpu.memory_space<vmem_shared>> -> memref<10112x128xf32, #tpu.memory_space<vmem_shared>>
        tpu.enqueue_indirect_dma source(%dma_start3A_396 : memref<64x128xf32, #tpu.memory_space<vmem>>) target(%dma_start3A_402 : memref<10112x128xf32, #tpu.memory_space<vmem_shared>>) offsets(%dma_start3A_399 : memref<64xi32, #tpu.memory_space<vmem>>) semaphore(%arg20 : memref<!tpu.dma_semaphore, #tpu.memory_space<semaphore_mem>>) {add = true}
        %get3A_403 = arith.index_cast %add3A_366 : i32 to index
        %get3A_404 = arith.constant 0 : index
        %get3A_405 = tpu.vector_load %arg8[%get3A_403, %get3A_404] {strides = array<i32>} : memref<16x64xi32, #tpu.memory_space<vmem>>, vector<16xi32>,
        %shift_right_arithmetic3A_406 = arith.constant 7 : i32
        %shift_right_arithmetic3A_407 = vector.broadcast %shift_right_arithmetic3A_406 : i32 to vector<16xi32>
        %shift_right_arithmetic3A_408 = arith.shrsi %get3A_405, %shift_right_arithmetic3A_407 : vector<16xi32>
        %and3A_409 = arith.constant 127 : i32
        %and3A_410 = vector.broadcast %and3A_409 : i32 to vector<16xi32>
        %and3A_411 = arith.andi %get3A_405, %and3A_410 : vector<16xi32>
        tpu.vector_store_idx %arg10[%shift_right_arithmetic3A_408, %and3A_411], %broadcast_in_dim3A_129 masked %eq3A_83 {add = true} : memref<80x128xf32, #tpu.memory_space<vmem>>[vector<16xi32>, vector<16xi32>], vector<16xf32>, vector<16xi1>
        tpu.vector_store_idx %arg10[%shift_right_arithmetic3A_408, %and3A_411], %broadcast_in_dim3A_129 masked %eq3A_86 {add = true} : memref<80x128xf32, #tpu.memory_space<vmem>>[vector<16xi32>, vector<16xi32>], vector<16xf32>, vector<16xi1>
        tpu.vector_store_idx %arg10[%shift_right_arithmetic3A_408, %and3A_411], %broadcast_in_dim3A_129 masked %eq3A_89 {add = true} : memref<80x128xf32, #tpu.memory_space<vmem>>[vector<16xi32>, vector<16xi32>], vector<16xf32>, vector<16xi1>
        tpu.vector_store_idx %arg10[%shift_right_arithmetic3A_408, %and3A_411], %broadcast_in_dim3A_129 masked %eq3A_92 {add = true} : memref<80x128xf32, #tpu.memory_space<vmem>>[vector<16xi32>, vector<16xi32>], vector<16xf32>, vector<16xi1>
        tpu.vector_store_idx %arg10[%shift_right_arithmetic3A_408, %and3A_411], %broadcast_in_dim3A_129 masked %eq3A_95 {add = true} : memref<80x128xf32, #tpu.memory_space<vmem>>[vector<16xi32>, vector<16xi32>], vector<16xf32>, vector<16xi1>
        tpu.vector_store_idx %arg10[%shift_right_arithmetic3A_408, %and3A_411], %broadcast_in_dim3A_129 masked %eq3A_98 {add = true} : memref<80x128xf32, #tpu.memory_space<vmem>>[vector<16xi32>, vector<16xi32>], vector<16xf32>, vector<16xi1>
        tpu.vector_store_idx %arg10[%shift_right_arithmetic3A_408, %and3A_411], %broadcast_in_dim3A_129 masked %eq3A_101 {add = true} : memref<80x128xf32, #tpu.memory_space<vmem>>[vector<16xi32>, vector<16xi32>], vector<16xf32>, vector<16xi1>
        tpu.vector_store_idx %arg10[%shift_right_arithmetic3A_408, %and3A_411], %broadcast_in_dim3A_129 masked %eq3A_104 {add = true} : memref<80x128xf32, #tpu.memory_space<vmem>>[vector<16xi32>, vector<16xi32>], vector<16xf32>, vector<16xi1>
        tpu.vector_store_idx %arg10[%shift_right_arithmetic3A_408, %and3A_411], %broadcast_in_dim3A_129 masked %eq3A_107 {add = true} : memref<80x128xf32, #tpu.memory_space<vmem>>[vector<16xi32>, vector<16xi32>], vector<16xf32>, vector<16xi1>
        tpu.vector_store_idx %arg10[%shift_right_arithmetic3A_408, %and3A_411], %broadcast_in_dim3A_129 masked %eq3A_110 {add = true} : memref<80x128xf32, #tpu.memory_space<vmem>>[vector<16xi32>, vector<16xi32>], vector<16xf32>, vector<16xi1>
        tpu.vector_store_idx %arg10[%shift_right_arithmetic3A_408, %and3A_411], %broadcast_in_dim3A_129 masked %eq3A_113 {add = true} : memref<80x128xf32, #tpu.memory_space<vmem>>[vector<16xi32>, vector<16xi32>], vector<16xf32>, vector<16xi1>
        tpu.vector_store_idx %arg10[%shift_right_arithmetic3A_408, %and3A_411], %broadcast_in_dim3A_129 masked %eq3A_116 {add = true} : memref<80x128xf32, #tpu.memory_space<vmem>>[vector<16xi32>, vector<16xi32>], vector<16xf32>, vector<16xi1>
        tpu.vector_store_idx %arg10[%shift_right_arithmetic3A_408, %and3A_411], %broadcast_in_dim3A_129 masked %eq3A_119 {add = true} : memref<80x128xf32, #tpu.memory_space<vmem>>[vector<16xi32>, vector<16xi32>], vector<16xf32>, vector<16xi1>
        tpu.vector_store_idx %arg10[%shift_right_arithmetic3A_408, %and3A_411], %broadcast_in_dim3A_129 masked %eq3A_122 {add = true} : memref<80x128xf32, #tpu.memory_space<vmem>>[vector<16xi32>, vector<16xi32>], vector<16xf32>, vector<16xi1>
        tpu.vector_store_idx %arg10[%shift_right_arithmetic3A_408, %and3A_411], %broadcast_in_dim3A_129 masked %eq3A_125 {add = true} : memref<80x128xf32, #tpu.memory_space<vmem>>[vector<16xi32>, vector<16xi32>], vector<16xf32>, vector<16xi1>
        tpu.vector_store_idx %arg10[%shift_right_arithmetic3A_408, %and3A_411], %broadcast_in_dim3A_129 masked %eq3A_128 {add = true} : memref<80x128xf32, #tpu.memory_space<vmem>>[vector<16xi32>, vector<16xi32>], vector<16xf32>, vector<16xi1>
        %get3A_412 = arith.index_cast %add3A_366 : i32 to index
        %get3A_413 = arith.constant 16 : index
        %get3A_414 = tpu.vector_load %arg8[%get3A_412, %get3A_413] {strides = array<i32>} : memref<16x64xi32, #tpu.memory_space<vmem>>, vector<16xi32>,
        %shift_right_arithmetic3A_415 = arith.constant 7 : i32
        %shift_right_arithmetic3A_416 = vector.broadcast %shift_right_arithmetic3A_415 : i32 to vector<16xi32>
        %shift_right_arithmetic3A_417 = arith.shrsi %get3A_414, %shift_right_arithmetic3A_416 : vector<16xi32>
        %and3A_418 = arith.constant 127 : i32
        %and3A_419 = vector.broadcast %and3A_418 : i32 to vector<16xi32>
        %and3A_420 = arith.andi %get3A_414, %and3A_419 : vector<16xi32>
        tpu.vector_store_idx %arg10[%shift_right_arithmetic3A_417, %and3A_420], %broadcast_in_dim3A_129 masked %eq3A_83 {add = true} : memref<80x128xf32, #tpu.memory_space<vmem>>[vector<16xi32>, vector<16xi32>], vector<16xf32>, vector<16xi1>
        tpu.vector_store_idx %arg10[%shift_right_arithmetic3A_417, %and3A_420], %broadcast_in_dim3A_129 masked %eq3A_86 {add = true} : memref<80x128xf32, #tpu.memory_space<vmem>>[vector<16xi32>, vector<16xi32>], vector<16xf32>, vector<16xi1>
        tpu.vector_store_idx %arg10[%shift_right_arithmetic3A_417, %and3A_420], %broadcast_in_dim3A_129 masked %eq3A_89 {add = true} : memref<80x128xf32, #tpu.memory_space<vmem>>[vector<16xi32>, vector<16xi32>], vector<16xf32>, vector<16xi1>
        tpu.vector_store_idx %arg10[%shift_right_arithmetic3A_417, %and3A_420], %broadcast_in_dim3A_129 masked %eq3A_92 {add = true} : memref<80x128xf32, #tpu.memory_space<vmem>>[vector<16xi32>, vector<16xi32>], vector<16xf32>, vector<16xi1>
        tpu.vector_store_idx %arg10[%shift_right_arithmetic3A_417, %and3A_420], %broadcast_in_dim3A_129 masked %eq3A_95 {add = true} : memref<80x128xf32, #tpu.memory_space<vmem>>[vector<16xi32>, vector<16xi32>], vector<16xf32>, vector<16xi1>
        tpu.vector_store_idx %arg10[%shift_right_arithmetic3A_417, %and3A_420], %broadcast_in_dim3A_129 masked %eq3A_98 {add = true} : memref<80x128xf32, #tpu.memory_space<vmem>>[vector<16xi32>, vector<16xi32>], vector<16xf32>, vector<16xi1>
        tpu.vector_store_idx %arg10[%shift_right_arithmetic3A_417, %and3A_420], %broadcast_in_dim3A_129 masked %eq3A_101 {add = true} : memref<80x128xf32, #tpu.memory_space<vmem>>[vector<16xi32>, vector<16xi32>], vector<16xf32>, vector<16xi1>
        tpu.vector_store_idx %arg10[%shift_right_arithmetic3A_417, %and3A_420], %broadcast_in_dim3A_129 masked %eq3A_104 {add = true} : memref<80x128xf32, #tpu.memory_space<vmem>>[vector<16xi32>, vector<16xi32>], vector<16xf32>, vector<16xi1>
        tpu.vector_store_idx %arg10[%shift_right_arithmetic3A_417, %and3A_420], %broadcast_in_dim3A_129 masked %eq3A_107 {add = true} : memref<80x128xf32, #tpu.memory_space<vmem>>[vector<16xi32>, vector<16xi32>], vector<16xf32>, vector<16xi1>
        tpu.vector_store_idx %arg10[%shift_right_arithmetic3A_417, %and3A_420], %broadcast_in_dim3A_129 masked %eq3A_110 {add = true} : memref<80x128xf32, #tpu.memory_space<vmem>>[vector<16xi32>, vector<16xi32>], vector<16xf32>, vector<16xi1>
        tpu.vector_store_idx %arg10[%shift_right_arithmetic3A_417, %and3A_420], %broadcast_in_dim3A_129 masked %eq3A_113 {add = true} : memref<80x128xf32, #tpu.memory_space<vmem>>[vector<16xi32>, vector<16xi32>], vector<16xf32>, vector<16xi1>
        tpu.vector_store_idx %arg10[%shift_right_arithmetic3A_417, %and3A_420], %broadcast_in_dim3A_129 masked %eq3A_116 {add = true} : memref<80x128xf32, #tpu.memory_space<vmem>>[vector<16xi32>, vector<16xi32>], vector<16xf32>, vector<16xi1>
        tpu.vector_store_idx %arg10[%shift_right_arithmetic3A_417, %and3A_420], %broadcast_in_dim3A_129 masked %eq3A_119 {add = true} : memref<80x128xf32, #tpu.memory_space<vmem>>[vector<16xi32>, vector<16xi32>], vector<16xf32>, vector<16xi1>
        tpu.vector_store_idx %arg10[%shift_right_arithmetic3A_417, %and3A_420], %broadcast_in_dim3A_129 masked %eq3A_122 {add = true} : memref<80x128xf32, #tpu.memory_space<vmem>>[vector<16xi32>, vector<16xi32>], vector<16xf32>, vector<16xi1>
        tpu.vector_store_idx %arg10[%shift_right_arithmetic3A_417, %and3A_420], %broadcast_in_dim3A_129 masked %eq3A_125 {add = true} : memref<80x128xf32, #tpu.memory_space<vmem>>[vector<16xi32>, vector<16xi32>], vector<16xf32>, vector<16xi1>
        tpu.vector_store_idx %arg10[%shift_right_arithmetic3A_417, %and3A_420], %broadcast_in_dim3A_129 masked %eq3A_128 {add = true} : memref<80x128xf32, #tpu.memory_space<vmem>>[vector<16xi32>, vector<16xi32>], vector<16xf32>, vector<16xi1>
        %get3A_421 = arith.index_cast %add3A_366 : i32 to index
        %get3A_422 = arith.constant 32 : index
        %get3A_423 = tpu.vector_load %arg8[%get3A_421, %get3A_422] {strides = array<i32>} : memref<16x64xi32, #tpu.memory_space<vmem>>, vector<16xi32>,
        %shift_right_arithmetic3A_424 = arith.constant 7 : i32
        %shift_right_arithmetic3A_425 = vector.broadcast %shift_right_arithmetic3A_424 : i32 to vector<16xi32>
        %shift_right_arithmetic3A_426 = arith.shrsi %get3A_423, %shift_right_arithmetic3A_425 : vector<16xi32>
        %and3A_427 = arith.constant 127 : i32
        %and3A_428 = vector.broadcast %and3A_427 : i32 to vector<16xi32>
        %and3A_429 = arith.andi %get3A_423, %and3A_428 : vector<16xi32>
        tpu.vector_store_idx %arg10[%shift_right_arithmetic3A_426, %and3A_429], %broadcast_in_dim3A_129 masked %eq3A_83 {add = true} : memref<80x128xf32, #tpu.memory_space<vmem>>[vector<16xi32>, vector<16xi32>], vector<16xf32>, vector<16xi1>
        tpu.vector_store_idx %arg10[%shift_right_arithmetic3A_426, %and3A_429], %broadcast_in_dim3A_129 masked %eq3A_86 {add = true} : memref<80x128xf32, #tpu.memory_space<vmem>>[vector<16xi32>, vector<16xi32>], vector<16xf32>, vector<16xi1>
        tpu.vector_store_idx %arg10[%shift_right_arithmetic3A_426, %and3A_429], %broadcast_in_dim3A_129 masked %eq3A_89 {add = true} : memref<80x128xf32, #tpu.memory_space<vmem>>[vector<16xi32>, vector<16xi32>], vector<16xf32>, vector<16xi1>
        tpu.vector_store_idx %arg10[%shift_right_arithmetic3A_426, %and3A_429], %broadcast_in_dim3A_129 masked %eq3A_92 {add = true} : memref<80x128xf32, #tpu.memory_space<vmem>>[vector<16xi32>, vector<16xi32>], vector<16xf32>, vector<16xi1>
        tpu.vector_store_idx %arg10[%shift_right_arithmetic3A_426, %and3A_429], %broadcast_in_dim3A_129 masked %eq3A_95 {add = true} : memref<80x128xf32, #tpu.memory_space<vmem>>[vector<16xi32>, vector<16xi32>], vector<16xf32>, vector<16xi1>
        tpu.vector_store_idx %arg10[%shift_right_arithmetic3A_426, %and3A_429], %broadcast_in_dim3A_129 masked %eq3A_98 {add = true} : memref<80x128xf32, #tpu.memory_space<vmem>>[vector<16xi32>, vector<16xi32>], vector<16xf32>, vector<16xi1>
        tpu.vector_store_idx %arg10[%shift_right_arithmetic3A_426, %and3A_429], %broadcast_in_dim3A_129 masked %eq3A_101 {add = true} : memref<80x128xf32, #tpu.memory_space<vmem>>[vector<16xi32>, vector<16xi32>], vector<16xf32>, vector<16xi1>
        tpu.vector_store_idx %arg10[%shift_right_arithmetic3A_426, %and3A_429], %broadcast_in_dim3A_129 masked %eq3A_104 {add = true} : memref<80x128xf32, #tpu.memory_space<vmem>>[vector<16xi32>, vector<16xi32>], vector<16xf32>, vector<16xi1>
        tpu.vector_store_idx %arg10[%shift_right_arithmetic3A_426, %and3A_429], %broadcast_in_dim3A_129 masked %eq3A_107 {add = true} : memref<80x128xf32, #tpu.memory_space<vmem>>[vector<16xi32>, vector<16xi32>], vector<16xf32>, vector<16xi1>
        tpu.vector_store_idx %arg10[%shift_right_arithmetic3A_426, %and3A_429], %broadcast_in_dim3A_129 masked %eq3A_110 {add = true} : memref<80x128xf32, #tpu.memory_space<vmem>>[vector<16xi32>, vector<16xi32>], vector<16xf32>, vector<16xi1>
        tpu.vector_store_idx %arg10[%shift_right_arithmetic3A_426, %and3A_429], %broadcast_in_dim3A_129 masked %eq3A_113 {add = true} : memref<80x128xf32, #tpu.memory_space<vmem>>[vector<16xi32>, vector<16xi32>], vector<16xf32>, vector<16xi1>
        tpu.vector_store_idx %arg10[%shift_right_arithmetic3A_426, %and3A_429], %broadcast_in_dim3A_129 masked %eq3A_116 {add = true} : memref<80x128xf32, #tpu.memory_space<vmem>>[vector<16xi32>, vector<16xi32>], vector<16xf32>, vector<16xi1>
        tpu.vector_store_idx %arg10[%shift_right_arithmetic3A_426, %and3A_429], %broadcast_in_dim3A_129 masked %eq3A_119 {add = true} : memref<80x128xf32, #tpu.memory_space<vmem>>[vector<16xi32>, vector<16xi32>], vector<16xf32>, vector<16xi1>
        tpu.vector_store_idx %arg10[%shift_right_arithmetic3A_426, %and3A_429], %broadcast_in_dim3A_129 masked %eq3A_122 {add = true} : memref<80x128xf32, #tpu.memory_space<vmem>>[vector<16xi32>, vector<16xi32>], vector<16xf32>, vector<16xi1>
        tpu.vector_store_idx %arg10[%shift_right_arithmetic3A_426, %and3A_429], %broadcast_in_dim3A_129 masked %eq3A_125 {add = true} : memref<80x128xf32, #tpu.memory_space<vmem>>[vector<16xi32>, vector<16xi32>], vector<16xf32>, vector<16xi1>
        tpu.vector_store_idx %arg10[%shift_right_arithmetic3A_426, %and3A_429], %broadcast_in_dim3A_129 masked %eq3A_128 {add = true} : memref<80x128xf32, #tpu.memory_space<vmem>>[vector<16xi32>, vector<16xi32>], vector<16xf32>, vector<16xi1>
        %get3A_430 = arith.index_cast %add3A_366 : i32 to index
        %get3A_431 = arith.constant 48 : index
        %get3A_432 = tpu.vector_load %arg8[%get3A_430, %get3A_431] {strides = array<i32>} : memref<16x64xi32, #tpu.memory_space<vmem>>, vector<16xi32>,
        %shift_right_arithmetic3A_433 = arith.constant 7 : i32
        %shift_right_arithmetic3A_434 = vector.broadcast %shift_right_arithmetic3A_433 : i32 to vector<16xi32>
        %shift_right_arithmetic3A_435 = arith.shrsi %get3A_432, %shift_right_arithmetic3A_434 : vector<16xi32>
        %and3A_436 = arith.constant 127 : i32
        %and3A_437 = vector.broadcast %and3A_436 : i32 to vector<16xi32>
        %and3A_438 = arith.andi %get3A_432, %and3A_437 : vector<16xi32>
        tpu.vector_store_idx %arg10[%shift_right_arithmetic3A_435, %and3A_438], %broadcast_in_dim3A_129 masked %eq3A_83 {add = true} : memref<80x128xf32, #tpu.memory_space<vmem>>[vector<16xi32>, vector<16xi32>], vector<16xf32>, vector<16xi1>
        tpu.vector_store_idx %arg10[%shift_right_arithmetic3A_435, %and3A_438], %broadcast_in_dim3A_129 masked %eq3A_86 {add = true} : memref<80x128xf32, #tpu.memory_space<vmem>>[vector<16xi32>, vector<16xi32>], vector<16xf32>, vector<16xi1>
        tpu.vector_store_idx %arg10[%shift_right_arithmetic3A_435, %and3A_438], %broadcast_in_dim3A_129 masked %eq3A_89 {add = true} : memref<80x128xf32, #tpu.memory_space<vmem>>[vector<16xi32>, vector<16xi32>], vector<16xf32>, vector<16xi1>
        tpu.vector_store_idx %arg10[%shift_right_arithmetic3A_435, %and3A_438], %broadcast_in_dim3A_129 masked %eq3A_92 {add = true} : memref<80x128xf32, #tpu.memory_space<vmem>>[vector<16xi32>, vector<16xi32>], vector<16xf32>, vector<16xi1>
        tpu.vector_store_idx %arg10[%shift_right_arithmetic3A_435, %and3A_438], %broadcast_in_dim3A_129 masked %eq3A_95 {add = true} : memref<80x128xf32, #tpu.memory_space<vmem>>[vector<16xi32>, vector<16xi32>], vector<16xf32>, vector<16xi1>
        tpu.vector_store_idx %arg10[%shift_right_arithmetic3A_435, %and3A_438], %broadcast_in_dim3A_129 masked %eq3A_98 {add = true} : memref<80x128xf32, #tpu.memory_space<vmem>>[vector<16xi32>, vector<16xi32>], vector<16xf32>, vector<16xi1>
        tpu.vector_store_idx %arg10[%shift_right_arithmetic3A_435, %and3A_438], %broadcast_in_dim3A_129 masked %eq3A_101 {add = true} : memref<80x128xf32, #tpu.memory_space<vmem>>[vector<16xi32>, vector<16xi32>], vector<16xf32>, vector<16xi1>
        tpu.vector_store_idx %arg10[%shift_right_arithmetic3A_435, %and3A_438], %broadcast_in_dim3A_129 masked %eq3A_104 {add = true} : memref<80x128xf32, #tpu.memory_space<vmem>>[vector<16xi32>, vector<16xi32>], vector<16xf32>, vector<16xi1>
        tpu.vector_store_idx %arg10[%shift_right_arithmetic3A_435, %and3A_438], %broadcast_in_dim3A_129 masked %eq3A_107 {add = true} : memref<80x128xf32, #tpu.memory_space<vmem>>[vector<16xi32>, vector<16xi32>], vector<16xf32>, vector<16xi1>
        tpu.vector_store_idx %arg10[%shift_right_arithmetic3A_435, %and3A_438], %broadcast_in_dim3A_129 masked %eq3A_110 {add = true} : memref<80x128xf32, #tpu.memory_space<vmem>>[vector<16xi32>, vector<16xi32>], vector<16xf32>, vector<16xi1>
        tpu.vector_store_idx %arg10[%shift_right_arithmetic3A_435, %and3A_438], %broadcast_in_dim3A_129 masked %eq3A_113 {add = true} : memref<80x128xf32, #tpu.memory_space<vmem>>[vector<16xi32>, vector<16xi32>], vector<16xf32>, vector<16xi1>
        tpu.vector_store_idx %arg10[%shift_right_arithmetic3A_435, %and3A_438], %broadcast_in_dim3A_129 masked %eq3A_116 {add = true} : memref<80x128xf32, #tpu.memory_space<vmem>>[vector<16xi32>, vector<16xi32>], vector<16xf32>, vector<16xi1>
        tpu.vector_store_idx %arg10[%shift_right_arithmetic3A_435, %and3A_438], %broadcast_in_dim3A_129 masked %eq3A_119 {add = true} : memref<80x128xf32, #tpu.memory_space<vmem>>[vector<16xi32>, vector<16xi32>], vector<16xf32>, vector<16xi1>
        tpu.vector_store_idx %arg10[%shift_right_arithmetic3A_435, %and3A_438], %broadcast_in_dim3A_129 masked %eq3A_122 {add = true} : memref<80x128xf32, #tpu.memory_space<vmem>>[vector<16xi32>, vector<16xi32>], vector<16xf32>, vector<16xi1>
        tpu.vector_store_idx %arg10[%shift_right_arithmetic3A_435, %and3A_438], %broadcast_in_dim3A_129 masked %eq3A_125 {add = true} : memref<80x128xf32, #tpu.memory_space<vmem>>[vector<16xi32>, vector<16xi32>], vector<16xf32>, vector<16xi1>
        tpu.vector_store_idx %arg10[%shift_right_arithmetic3A_435, %and3A_438], %broadcast_in_dim3A_129 masked %eq3A_128 {add = true} : memref<80x128xf32, #tpu.memory_space<vmem>>[vector<16xi32>, vector<16xi32>], vector<16xf32>, vector<16xi1>
        %mul3A_439 = arith.constant 4 : i32
        %mul3A_440 = arith.muli %scan3A_216, %mul3A_439 : i32
        %add3A_441 = arith.constant 3 : i32
        %add3A_442 = arith.addi %mul3A_440, %add3A_441 : i32
        %dma_wait3A_443 = arith.constant 3 : i32
        %dma_wait3A_444 = arith.constant 0 : i32
        %dma_wait3A_445 = arith.constant 0 : i32
        %dma_wait3A_446 = tpu.memref_slice %arg9[%dma_wait3A_443, %dma_wait3A_444, %dma_wait3A_445] : memref<4x64x128xf32, #tpu.memory_space<vmem>> -> memref<1x64x128xf32, #tpu.memory_space<vmem>>
        %dma_wait3A_447 = tpu.memref_squeeze %dma_wait3A_446 : memref<1x64x128xf32, #tpu.memory_space<vmem>> -> memref<64x128xf32, #tpu.memory_space<vmem>>
        %dma_wait3A_448 = arith.constant 0 : i32
        %dma_wait3A_449 = tpu.memref_slice %arg7[%add3A_442, %dma_wait3A_448] : memref<16x64xi32, #tpu.memory_space<vmem>> -> memref<1x64xi32, #tpu.memory_space<vmem>>
        %dma_wait3A_450 = tpu.memref_squeeze %dma_wait3A_449 : memref<1x64xi32, #tpu.memory_space<vmem>> -> memref<64xi32, #tpu.memory_space<vmem>>
        %dma_wait3A_451 = arith.constant 0 : i32
        %dma_wait3A_452 = arith.constant 0 : i32
        %dma_wait3A_453 = tpu.memref_slice %arg2[%dma_wait3A_451, %dma_wait3A_452] : memref<10000x128xf32, #tpu.memory_space<hbm>> -> memref<10000x128xf32, #tpu.memory_space<hbm>>
        tpu.wait_indirect_dma semaphore(%arg17 : memref<!tpu.dma_semaphore, #tpu.memory_space<semaphore_mem>>) src(%dma_wait3A_453 : memref<10000x128xf32, #tpu.memory_space<hbm>>) dst(%dma_wait3A_447 : memref<64x128xf32, #tpu.memory_space<vmem>>)
        %gt3A_454 = arith.constant 0 : i32
        %gt3A_455 = arith.cmpi sgt, %add3A_442, %gt3A_454 : i32
        %convert_element_type3A_456 = arith.extui %gt3A_455 : i1 to i32
        %cond3A_457 = arith.constant 0 : i32
        %cond3A_458 = arith.cmpi ne, %convert_element_type3A_456, %cond3A_457 : i32
        scf.if %cond3A_458 {
          %sub3A_515 = arith.constant 1 : i32
          %sub3A_516 = arith.subi %add3A_442, %sub3A_515 : i32
          %dma_wait3A_517 = arith.constant 2 : i32
          %dma_wait3A_518 = arith.constant 0 : i32
          %dma_wait3A_519 = arith.constant 0 : i32
          %dma_wait3A_520 = tpu.memref_slice %arg9[%dma_wait3A_517, %dma_wait3A_518, %dma_wait3A_519] : memref<4x64x128xf32, #tpu.memory_space<vmem>> -> memref<1x64x128xf32, #tpu.memory_space<vmem>>
          %dma_wait3A_521 = tpu.memref_squeeze %dma_wait3A_520 : memref<1x64x128xf32, #tpu.memory_space<vmem>> -> memref<64x128xf32, #tpu.memory_space<vmem>>
          %dma_wait3A_522 = arith.constant 0 : i32
          %dma_wait3A_523 = tpu.memref_slice %arg8[%sub3A_516, %dma_wait3A_522] : memref<16x64xi32, #tpu.memory_space<vmem>> -> memref<1x64xi32, #tpu.memory_space<vmem>>
          %dma_wait3A_524 = tpu.memref_squeeze %dma_wait3A_523 : memref<1x64xi32, #tpu.memory_space<vmem>> -> memref<64xi32, #tpu.memory_space<vmem>>
          %dma_wait3A_525 = arith.constant 0 : i32
          %dma_wait3A_526 = arith.constant 0 : i32
          %dma_wait3A_527 = tpu.memref_slice %arg12[%dma_wait3A_525, %dma_wait3A_526] : memref<10112x128xf32, #tpu.memory_space<vmem_shared>> -> memref<10112x128xf32, #tpu.memory_space<vmem_shared>>
          tpu.wait_indirect_dma semaphore(%arg20 : memref<!tpu.dma_semaphore, #tpu.memory_space<semaphore_mem>>) src(%dma_wait3A_521 : memref<64x128xf32, #tpu.memory_space<vmem>>) dst(%dma_wait3A_527 : memref<10112x128xf32, #tpu.memory_space<vmem_shared>>)
        } else {
        }
        %add3A_459 = arith.constant 4 : i32
        %add3A_460 = arith.addi %add3A_442, %add3A_459 : i32
        %sub3A_461 = arith.constant 1 : i32
        %sub3A_462 = arith.subi %add3A_460, %sub3A_461 : i32
        %lt3A_463 = arith.constant 16 : i32
        %lt3A_464 = arith.cmpi slt, %sub3A_462, %lt3A_463 : i32
        %convert_element_type3A_465 = arith.extui %lt3A_464 : i1 to i32
        %cond3A_466 = arith.constant 0 : i32
        %cond3A_467 = arith.cmpi ne, %convert_element_type3A_465, %cond3A_466 : i32
        scf.if %cond3A_467 {
          %add3A_515 = arith.constant 4 : i32
          %add3A_516 = arith.addi %add3A_442, %add3A_515 : i32
          %sub3A_517 = arith.constant 1 : i32
          %sub3A_518 = arith.subi %add3A_516, %sub3A_517 : i32
          %dma_start3A_519 = arith.constant 2 : i32
          %dma_start3A_520 = arith.constant 0 : i32
          %dma_start3A_521 = arith.constant 0 : i32
          %dma_start3A_522 = tpu.memref_slice %arg9[%dma_start3A_519, %dma_start3A_520, %dma_start3A_521] : memref<4x64x128xf32, #tpu.memory_space<vmem>> -> memref<1x64x128xf32, #tpu.memory_space<vmem>>
          %dma_start3A_523 = tpu.memref_squeeze %dma_start3A_522 : memref<1x64x128xf32, #tpu.memory_space<vmem>> -> memref<64x128xf32, #tpu.memory_space<vmem>>
          %dma_start3A_524 = arith.constant 0 : i32
          %dma_start3A_525 = tpu.memref_slice %arg7[%sub3A_518, %dma_start3A_524] : memref<16x64xi32, #tpu.memory_space<vmem>> -> memref<1x64xi32, #tpu.memory_space<vmem>>
          %dma_start3A_526 = tpu.memref_squeeze %dma_start3A_525 : memref<1x64xi32, #tpu.memory_space<vmem>> -> memref<64xi32, #tpu.memory_space<vmem>>
          %dma_start3A_527 = arith.constant 0 : i32
          %dma_start3A_528 = arith.constant 0 : i32
          %dma_start3A_529 = tpu.memref_slice %arg2[%dma_start3A_527, %dma_start3A_528] : memref<10000x128xf32, #tpu.memory_space<hbm>> -> memref<10000x128xf32, #tpu.memory_space<hbm>>
          tpu.enqueue_indirect_dma source(%dma_start3A_529 : memref<10000x128xf32, #tpu.memory_space<hbm>>) target(%dma_start3A_523 : memref<64x128xf32, #tpu.memory_space<vmem>>) offsets(%dma_start3A_526 : memref<64xi32, #tpu.memory_space<vmem>>) semaphore(%arg16 : memref<!tpu.dma_semaphore, #tpu.memory_space<semaphore_mem>>)
        } else {
        }
        %dma_start3A_468 = arith.constant 3 : i32
        %dma_start3A_469 = arith.constant 0 : i32
        %dma_start3A_470 = arith.constant 0 : i32
        %dma_start3A_471 = tpu.memref_slice %arg9[%dma_start3A_468, %dma_start3A_469, %dma_start3A_470] : memref<4x64x128xf32, #tpu.memory_space<vmem>> -> memref<1x64x128xf32, #tpu.memory_space<vmem>>
        %dma_start3A_472 = tpu.memref_squeeze %dma_start3A_471 : memref<1x64x128xf32, #tpu.memory_space<vmem>> -> memref<64x128xf32, #tpu.memory_space<vmem>>
        %dma_start3A_473 = arith.constant 0 : i32
        %dma_start3A_474 = tpu.memref_slice %arg8[%add3A_442, %dma_start3A_473] : memref<16x64xi32, #tpu.memory_space<vmem>> -> memref<1x64xi32, #tpu.memory_space<vmem>>
        %dma_start3A_475 = tpu.memref_squeeze %dma_start3A_474 : memref<1x64xi32, #tpu.memory_space<vmem>> -> memref<64xi32, #tpu.memory_space<vmem>>
        %dma_start3A_476 = arith.constant 0 : i32
        %dma_start3A_477 = arith.constant 0 : i32
        %dma_start3A_478 = tpu.memref_slice %arg12[%dma_start3A_476, %dma_start3A_477] : memref<10112x128xf32, #tpu.memory_space<vmem_shared>> -> memref<10112x128xf32, #tpu.memory_space<vmem_shared>>
        tpu.enqueue_indirect_dma source(%dma_start3A_472 : memref<64x128xf32, #tpu.memory_space<vmem>>) target(%dma_start3A_478 : memref<10112x128xf32, #tpu.memory_space<vmem_shared>>) offsets(%dma_start3A_475 : memref<64xi32, #tpu.memory_space<vmem>>) semaphore(%arg21 : memref<!tpu.dma_semaphore, #tpu.memory_space<semaphore_mem>>) {add = true}
        %get3A_479 = arith.index_cast %add3A_442 : i32 to index
        %get3A_480 = arith.constant 0 : index
        %get3A_481 = tpu.vector_load %arg8[%get3A_479, %get3A_480] {strides = array<i32>} : memref<16x64xi32, #tpu.memory_space<vmem>>, vector<16xi32>,
        %shift_right_arithmetic3A_482 = arith.constant 7 : i32
        %shift_right_arithmetic3A_483 = vector.broadcast %shift_right_arithmetic3A_482 : i32 to vector<16xi32>
        %shift_right_arithmetic3A_484 = arith.shrsi %get3A_481, %shift_right_arithmetic3A_483 : vector<16xi32>
        %and3A_485 = arith.constant 127 : i32
        %and3A_486 = vector.broadcast %and3A_485 : i32 to vector<16xi32>
        %and3A_487 = arith.andi %get3A_481, %and3A_486 : vector<16xi32>
        tpu.vector_store_idx %arg10[%shift_right_arithmetic3A_484, %and3A_487], %broadcast_in_dim3A_129 masked %eq3A_83 {add = true} : memref<80x128xf32, #tpu.memory_space<vmem>>[vector<16xi32>, vector<16xi32>], vector<16xf32>, vector<16xi1>
        tpu.vector_store_idx %arg10[%shift_right_arithmetic3A_484, %and3A_487], %broadcast_in_dim3A_129 masked %eq3A_86 {add = true} : memref<80x128xf32, #tpu.memory_space<vmem>>[vector<16xi32>, vector<16xi32>], vector<16xf32>, vector<16xi1>
        tpu.vector_store_idx %arg10[%shift_right_arithmetic3A_484, %and3A_487], %broadcast_in_dim3A_129 masked %eq3A_89 {add = true} : memref<80x128xf32, #tpu.memory_space<vmem>>[vector<16xi32>, vector<16xi32>], vector<16xf32>, vector<16xi1>
        tpu.vector_store_idx %arg10[%shift_right_arithmetic3A_484, %and3A_487], %broadcast_in_dim3A_129 masked %eq3A_92 {add = true} : memref<80x128xf32, #tpu.memory_space<vmem>>[vector<16xi32>, vector<16xi32>], vector<16xf32>, vector<16xi1>
        tpu.vector_store_idx %arg10[%shift_right_arithmetic3A_484, %and3A_487], %broadcast_in_dim3A_129 masked %eq3A_95 {add = true} : memref<80x128xf32, #tpu.memory_space<vmem>>[vector<16xi32>, vector<16xi32>], vector<16xf32>, vector<16xi1>
        tpu.vector_store_idx %arg10[%shift_right_arithmetic3A_484, %and3A_487], %broadcast_in_dim3A_129 masked %eq3A_98 {add = true} : memref<80x128xf32, #tpu.memory_space<vmem>>[vector<16xi32>, vector<16xi32>], vector<16xf32>, vector<16xi1>
        tpu.vector_store_idx %arg10[%shift_right_arithmetic3A_484, %and3A_487], %broadcast_in_dim3A_129 masked %eq3A_101 {add = true} : memref<80x128xf32, #tpu.memory_space<vmem>>[vector<16xi32>, vector<16xi32>], vector<16xf32>, vector<16xi1>
        tpu.vector_store_idx %arg10[%shift_right_arithmetic3A_484, %and3A_487], %broadcast_in_dim3A_129 masked %eq3A_104 {add = true} : memref<80x128xf32, #tpu.memory_space<vmem>>[vector<16xi32>, vector<16xi32>], vector<16xf32>, vector<16xi1>
        tpu.vector_store_idx %arg10[%shift_right_arithmetic3A_484, %and3A_487], %broadcast_in_dim3A_129 masked %eq3A_107 {add = true} : memref<80x128xf32, #tpu.memory_space<vmem>>[vector<16xi32>, vector<16xi32>], vector<16xf32>, vector<16xi1>
        tpu.vector_store_idx %arg10[%shift_right_arithmetic3A_484, %and3A_487], %broadcast_in_dim3A_129 masked %eq3A_110 {add = true} : memref<80x128xf32, #tpu.memory_space<vmem>>[vector<16xi32>, vector<16xi32>], vector<16xf32>, vector<16xi1>
        tpu.vector_store_idx %arg10[%shift_right_arithmetic3A_484, %and3A_487], %broadcast_in_dim3A_129 masked %eq3A_113 {add = true} : memref<80x128xf32, #tpu.memory_space<vmem>>[vector<16xi32>, vector<16xi32>], vector<16xf32>, vector<16xi1>
        tpu.vector_store_idx %arg10[%shift_right_arithmetic3A_484, %and3A_487], %broadcast_in_dim3A_129 masked %eq3A_116 {add = true} : memref<80x128xf32, #tpu.memory_space<vmem>>[vector<16xi32>, vector<16xi32>], vector<16xf32>, vector<16xi1>
        tpu.vector_store_idx %arg10[%shift_right_arithmetic3A_484, %and3A_487], %broadcast_in_dim3A_129 masked %eq3A_119 {add = true} : memref<80x128xf32, #tpu.memory_space<vmem>>[vector<16xi32>, vector<16xi32>], vector<16xf32>, vector<16xi1>
        tpu.vector_store_idx %arg10[%shift_right_arithmetic3A_484, %and3A_487], %broadcast_in_dim3A_129 masked %eq3A_122 {add = true} : memref<80x128xf32, #tpu.memory_space<vmem>>[vector<16xi32>, vector<16xi32>], vector<16xf32>, vector<16xi1>
        tpu.vector_store_idx %arg10[%shift_right_arithmetic3A_484, %and3A_487], %broadcast_in_dim3A_129 masked %eq3A_125 {add = true} : memref<80x128xf32, #tpu.memory_space<vmem>>[vector<16xi32>, vector<16xi32>], vector<16xf32>, vector<16xi1>
        tpu.vector_store_idx %arg10[%shift_right_arithmetic3A_484, %and3A_487], %broadcast_in_dim3A_129 masked %eq3A_128 {add = true} : memref<80x128xf32, #tpu.memory_space<vmem>>[vector<16xi32>, vector<16xi32>], vector<16xf32>, vector<16xi1>
        %get3A_488 = arith.index_cast %add3A_442 : i32 to index
        %get3A_489 = arith.constant 16 : index
        %get3A_490 = tpu.vector_load %arg8[%get3A_488, %get3A_489] {strides = array<i32>} : memref<16x64xi32, #tpu.memory_space<vmem>>, vector<16xi32>,
        %shift_right_arithmetic3A_491 = arith.constant 7 : i32
        %shift_right_arithmetic3A_492 = vector.broadcast %shift_right_arithmetic3A_491 : i32 to vector<16xi32>
        %shift_right_arithmetic3A_493 = arith.shrsi %get3A_490, %shift_right_arithmetic3A_492 : vector<16xi32>
        %and3A_494 = arith.constant 127 : i32
        %and3A_495 = vector.broadcast %and3A_494 : i32 to vector<16xi32>
        %and3A_496 = arith.andi %get3A_490, %and3A_495 : vector<16xi32>
        tpu.vector_store_idx %arg10[%shift_right_arithmetic3A_493, %and3A_496], %broadcast_in_dim3A_129 masked %eq3A_83 {add = true} : memref<80x128xf32, #tpu.memory_space<vmem>>[vector<16xi32>, vector<16xi32>], vector<16xf32>, vector<16xi1>
        tpu.vector_store_idx %arg10[%shift_right_arithmetic3A_493, %and3A_496], %broadcast_in_dim3A_129 masked %eq3A_86 {add = true} : memref<80x128xf32, #tpu.memory_space<vmem>>[vector<16xi32>, vector<16xi32>], vector<16xf32>, vector<16xi1>
        tpu.vector_store_idx %arg10[%shift_right_arithmetic3A_493, %and3A_496], %broadcast_in_dim3A_129 masked %eq3A_89 {add = true} : memref<80x128xf32, #tpu.memory_space<vmem>>[vector<16xi32>, vector<16xi32>], vector<16xf32>, vector<16xi1>
        tpu.vector_store_idx %arg10[%shift_right_arithmetic3A_493, %and3A_496], %broadcast_in_dim3A_129 masked %eq3A_92 {add = true} : memref<80x128xf32, #tpu.memory_space<vmem>>[vector<16xi32>, vector<16xi32>], vector<16xf32>, vector<16xi1>
        tpu.vector_store_idx %arg10[%shift_right_arithmetic3A_493, %and3A_496], %broadcast_in_dim3A_129 masked %eq3A_95 {add = true} : memref<80x128xf32, #tpu.memory_space<vmem>>[vector<16xi32>, vector<16xi32>], vector<16xf32>, vector<16xi1>
        tpu.vector_store_idx %arg10[%shift_right_arithmetic3A_493, %and3A_496], %broadcast_in_dim3A_129 masked %eq3A_98 {add = true} : memref<80x128xf32, #tpu.memory_space<vmem>>[vector<16xi32>, vector<16xi32>], vector<16xf32>, vector<16xi1>
        tpu.vector_store_idx %arg10[%shift_right_arithmetic3A_493, %and3A_496], %broadcast_in_dim3A_129 masked %eq3A_101 {add = true} : memref<80x128xf32, #tpu.memory_space<vmem>>[vector<16xi32>, vector<16xi32>], vector<16xf32>, vector<16xi1>
        tpu.vector_store_idx %arg10[%shift_right_arithmetic3A_493, %and3A_496], %broadcast_in_dim3A_129 masked %eq3A_104 {add = true} : memref<80x128xf32, #tpu.memory_space<vmem>>[vector<16xi32>, vector<16xi32>], vector<16xf32>, vector<16xi1>
        tpu.vector_store_idx %arg10[%shift_right_arithmetic3A_493, %and3A_496], %broadcast_in_dim3A_129 masked %eq3A_107 {add = true} : memref<80x128xf32, #tpu.memory_space<vmem>>[vector<16xi32>, vector<16xi32>], vector<16xf32>, vector<16xi1>
        tpu.vector_store_idx %arg10[%shift_right_arithmetic3A_493, %and3A_496], %broadcast_in_dim3A_129 masked %eq3A_110 {add = true} : memref<80x128xf32, #tpu.memory_space<vmem>>[vector<16xi32>, vector<16xi32>], vector<16xf32>, vector<16xi1>
        tpu.vector_store_idx %arg10[%shift_right_arithmetic3A_493, %and3A_496], %broadcast_in_dim3A_129 masked %eq3A_113 {add = true} : memref<80x128xf32, #tpu.memory_space<vmem>>[vector<16xi32>, vector<16xi32>], vector<16xf32>, vector<16xi1>
        tpu.vector_store_idx %arg10[%shift_right_arithmetic3A_493, %and3A_496], %broadcast_in_dim3A_129 masked %eq3A_116 {add = true} : memref<80x128xf32, #tpu.memory_space<vmem>>[vector<16xi32>, vector<16xi32>], vector<16xf32>, vector<16xi1>
        tpu.vector_store_idx %arg10[%shift_right_arithmetic3A_493, %and3A_496], %broadcast_in_dim3A_129 masked %eq3A_119 {add = true} : memref<80x128xf32, #tpu.memory_space<vmem>>[vector<16xi32>, vector<16xi32>], vector<16xf32>, vector<16xi1>
        tpu.vector_store_idx %arg10[%shift_right_arithmetic3A_493, %and3A_496], %broadcast_in_dim3A_129 masked %eq3A_122 {add = true} : memref<80x128xf32, #tpu.memory_space<vmem>>[vector<16xi32>, vector<16xi32>], vector<16xf32>, vector<16xi1>
        tpu.vector_store_idx %arg10[%shift_right_arithmetic3A_493, %and3A_496], %broadcast_in_dim3A_129 masked %eq3A_125 {add = true} : memref<80x128xf32, #tpu.memory_space<vmem>>[vector<16xi32>, vector<16xi32>], vector<16xf32>, vector<16xi1>
        tpu.vector_store_idx %arg10[%shift_right_arithmetic3A_493, %and3A_496], %broadcast_in_dim3A_129 masked %eq3A_128 {add = true} : memref<80x128xf32, #tpu.memory_space<vmem>>[vector<16xi32>, vector<16xi32>], vector<16xf32>, vector<16xi1>
        %get3A_497 = arith.index_cast %add3A_442 : i32 to index
        %get3A_498 = arith.constant 32 : index
        %get3A_499 = tpu.vector_load %arg8[%get3A_497, %get3A_498] {strides = array<i32>} : memref<16x64xi32, #tpu.memory_space<vmem>>, vector<16xi32>,
        %shift_right_arithmetic3A_500 = arith.constant 7 : i32
        %shift_right_arithmetic3A_501 = vector.broadcast %shift_right_arithmetic3A_500 : i32 to vector<16xi32>
        %shift_right_arithmetic3A_502 = arith.shrsi %get3A_499, %shift_right_arithmetic3A_501 : vector<16xi32>
        %and3A_503 = arith.constant 127 : i32
        %and3A_504 = vector.broadcast %and3A_503 : i32 to vector<16xi32>
        %and3A_505 = arith.andi %get3A_499, %and3A_504 : vector<16xi32>
        tpu.vector_store_idx %arg10[%shift_right_arithmetic3A_502, %and3A_505], %broadcast_in_dim3A_129 masked %eq3A_83 {add = true} : memref<80x128xf32, #tpu.memory_space<vmem>>[vector<16xi32>, vector<16xi32>], vector<16xf32>, vector<16xi1>
        tpu.vector_store_idx %arg10[%shift_right_arithmetic3A_502, %and3A_505], %broadcast_in_dim3A_129 masked %eq3A_86 {add = true} : memref<80x128xf32, #tpu.memory_space<vmem>>[vector<16xi32>, vector<16xi32>], vector<16xf32>, vector<16xi1>
        tpu.vector_store_idx %arg10[%shift_right_arithmetic3A_502, %and3A_505], %broadcast_in_dim3A_129 masked %eq3A_89 {add = true} : memref<80x128xf32, #tpu.memory_space<vmem>>[vector<16xi32>, vector<16xi32>], vector<16xf32>, vector<16xi1>
        tpu.vector_store_idx %arg10[%shift_right_arithmetic3A_502, %and3A_505], %broadcast_in_dim3A_129 masked %eq3A_92 {add = true} : memref<80x128xf32, #tpu.memory_space<vmem>>[vector<16xi32>, vector<16xi32>], vector<16xf32>, vector<16xi1>
        tpu.vector_store_idx %arg10[%shift_right_arithmetic3A_502, %and3A_505], %broadcast_in_dim3A_129 masked %eq3A_95 {add = true} : memref<80x128xf32, #tpu.memory_space<vmem>>[vector<16xi32>, vector<16xi32>], vector<16xf32>, vector<16xi1>
        tpu.vector_store_idx %arg10[%shift_right_arithmetic3A_502, %and3A_505], %broadcast_in_dim3A_129 masked %eq3A_98 {add = true} : memref<80x128xf32, #tpu.memory_space<vmem>>[vector<16xi32>, vector<16xi32>], vector<16xf32>, vector<16xi1>
        tpu.vector_store_idx %arg10[%shift_right_arithmetic3A_502, %and3A_505], %broadcast_in_dim3A_129 masked %eq3A_101 {add = true} : memref<80x128xf32, #tpu.memory_space<vmem>>[vector<16xi32>, vector<16xi32>], vector<16xf32>, vector<16xi1>
        tpu.vector_store_idx %arg10[%shift_right_arithmetic3A_502, %and3A_505], %broadcast_in_dim3A_129 masked %eq3A_104 {add = true} : memref<80x128xf32, #tpu.memory_space<vmem>>[vector<16xi32>, vector<16xi32>], vector<16xf32>, vector<16xi1>
        tpu.vector_store_idx %arg10[%shift_right_arithmetic3A_502, %and3A_505], %broadcast_in_dim3A_129 masked %eq3A_107 {add = true} : memref<80x128xf32, #tpu.memory_space<vmem>>[vector<16xi32>, vector<16xi32>], vector<16xf32>, vector<16xi1>
        tpu.vector_store_idx %arg10[%shift_right_arithmetic3A_502, %and3A_505], %broadcast_in_dim3A_129 masked %eq3A_110 {add = true} : memref<80x128xf32, #tpu.memory_space<vmem>>[vector<16xi32>, vector<16xi32>], vector<16xf32>, vector<16xi1>
        tpu.vector_store_idx %arg10[%shift_right_arithmetic3A_502, %and3A_505], %broadcast_in_dim3A_129 masked %eq3A_113 {add = true} : memref<80x128xf32, #tpu.memory_space<vmem>>[vector<16xi32>, vector<16xi32>], vector<16xf32>, vector<16xi1>
        tpu.vector_store_idx %arg10[%shift_right_arithmetic3A_502, %and3A_505], %broadcast_in_dim3A_129 masked %eq3A_116 {add = true} : memref<80x128xf32, #tpu.memory_space<vmem>>[vector<16xi32>, vector<16xi32>], vector<16xf32>, vector<16xi1>
        tpu.vector_store_idx %arg10[%shift_right_arithmetic3A_502, %and3A_505], %broadcast_in_dim3A_129 masked %eq3A_119 {add = true} : memref<80x128xf32, #tpu.memory_space<vmem>>[vector<16xi32>, vector<16xi32>], vector<16xf32>, vector<16xi1>
        tpu.vector_store_idx %arg10[%shift_right_arithmetic3A_502, %and3A_505], %broadcast_in_dim3A_129 masked %eq3A_122 {add = true} : memref<80x128xf32, #tpu.memory_space<vmem>>[vector<16xi32>, vector<16xi32>], vector<16xf32>, vector<16xi1>
        tpu.vector_store_idx %arg10[%shift_right_arithmetic3A_502, %and3A_505], %broadcast_in_dim3A_129 masked %eq3A_125 {add = true} : memref<80x128xf32, #tpu.memory_space<vmem>>[vector<16xi32>, vector<16xi32>], vector<16xf32>, vector<16xi1>
        tpu.vector_store_idx %arg10[%shift_right_arithmetic3A_502, %and3A_505], %broadcast_in_dim3A_129 masked %eq3A_128 {add = true} : memref<80x128xf32, #tpu.memory_space<vmem>>[vector<16xi32>, vector<16xi32>], vector<16xf32>, vector<16xi1>
        %get3A_506 = arith.index_cast %add3A_442 : i32 to index
        %get3A_507 = arith.constant 48 : index
        %get3A_508 = tpu.vector_load %arg8[%get3A_506, %get3A_507] {strides = array<i32>} : memref<16x64xi32, #tpu.memory_space<vmem>>, vector<16xi32>,
        %shift_right_arithmetic3A_509 = arith.constant 7 : i32
        %shift_right_arithmetic3A_510 = vector.broadcast %shift_right_arithmetic3A_509 : i32 to vector<16xi32>
        %shift_right_arithmetic3A_511 = arith.shrsi %get3A_508, %shift_right_arithmetic3A_510 : vector<16xi32>
        %and3A_512 = arith.constant 127 : i32
        %and3A_513 = vector.broadcast %and3A_512 : i32 to vector<16xi32>
        %and3A_514 = arith.andi %get3A_508, %and3A_513 : vector<16xi32>
        tpu.vector_store_idx %arg10[%shift_right_arithmetic3A_511, %and3A_514], %broadcast_in_dim3A_129 masked %eq3A_83 {add = true} : memref<80x128xf32, #tpu.memory_space<vmem>>[vector<16xi32>, vector<16xi32>], vector<16xf32>, vector<16xi1>
        tpu.vector_store_idx %arg10[%shift_right_arithmetic3A_511, %and3A_514], %broadcast_in_dim3A_129 masked %eq3A_86 {add = true} : memref<80x128xf32, #tpu.memory_space<vmem>>[vector<16xi32>, vector<16xi32>], vector<16xf32>, vector<16xi1>
        tpu.vector_store_idx %arg10[%shift_right_arithmetic3A_511, %and3A_514], %broadcast_in_dim3A_129 masked %eq3A_89 {add = true} : memref<80x128xf32, #tpu.memory_space<vmem>>[vector<16xi32>, vector<16xi32>], vector<16xf32>, vector<16xi1>
        tpu.vector_store_idx %arg10[%shift_right_arithmetic3A_511, %and3A_514], %broadcast_in_dim3A_129 masked %eq3A_92 {add = true} : memref<80x128xf32, #tpu.memory_space<vmem>>[vector<16xi32>, vector<16xi32>], vector<16xf32>, vector<16xi1>
        tpu.vector_store_idx %arg10[%shift_right_arithmetic3A_511, %and3A_514], %broadcast_in_dim3A_129 masked %eq3A_95 {add = true} : memref<80x128xf32, #tpu.memory_space<vmem>>[vector<16xi32>, vector<16xi32>], vector<16xf32>, vector<16xi1>
        tpu.vector_store_idx %arg10[%shift_right_arithmetic3A_511, %and3A_514], %broadcast_in_dim3A_129 masked %eq3A_98 {add = true} : memref<80x128xf32, #tpu.memory_space<vmem>>[vector<16xi32>, vector<16xi32>], vector<16xf32>, vector<16xi1>
        tpu.vector_store_idx %arg10[%shift_right_arithmetic3A_511, %and3A_514], %broadcast_in_dim3A_129 masked %eq3A_101 {add = true} : memref<80x128xf32, #tpu.memory_space<vmem>>[vector<16xi32>, vector<16xi32>], vector<16xf32>, vector<16xi1>
        tpu.vector_store_idx %arg10[%shift_right_arithmetic3A_511, %and3A_514], %broadcast_in_dim3A_129 masked %eq3A_104 {add = true} : memref<80x128xf32, #tpu.memory_space<vmem>>[vector<16xi32>, vector<16xi32>], vector<16xf32>, vector<16xi1>
        tpu.vector_store_idx %arg10[%shift_right_arithmetic3A_511, %and3A_514], %broadcast_in_dim3A_129 masked %eq3A_107 {add = true} : memref<80x128xf32, #tpu.memory_space<vmem>>[vector<16xi32>, vector<16xi32>], vector<16xf32>, vector<16xi1>
        tpu.vector_store_idx %arg10[%shift_right_arithmetic3A_511, %and3A_514], %broadcast_in_dim3A_129 masked %eq3A_110 {add = true} : memref<80x128xf32, #tpu.memory_space<vmem>>[vector<16xi32>, vector<16xi32>], vector<16xf32>, vector<16xi1>
        tpu.vector_store_idx %arg10[%shift_right_arithmetic3A_511, %and3A_514], %broadcast_in_dim3A_129 masked %eq3A_113 {add = true} : memref<80x128xf32, #tpu.memory_space<vmem>>[vector<16xi32>, vector<16xi32>], vector<16xf32>, vector<16xi1>
        tpu.vector_store_idx %arg10[%shift_right_arithmetic3A_511, %and3A_514], %broadcast_in_dim3A_129 masked %eq3A_116 {add = true} : memref<80x128xf32, #tpu.memory_space<vmem>>[vector<16xi32>, vector<16xi32>], vector<16xf32>, vector<16xi1>
        tpu.vector_store_idx %arg10[%shift_right_arithmetic3A_511, %and3A_514], %broadcast_in_dim3A_129 masked %eq3A_119 {add = true} : memref<80x128xf32, #tpu.memory_space<vmem>>[vector<16xi32>, vector<16xi32>], vector<16xf32>, vector<16xi1>
        tpu.vector_store_idx %arg10[%shift_right_arithmetic3A_511, %and3A_514], %broadcast_in_dim3A_129 masked %eq3A_122 {add = true} : memref<80x128xf32, #tpu.memory_space<vmem>>[vector<16xi32>, vector<16xi32>], vector<16xf32>, vector<16xi1>
        tpu.vector_store_idx %arg10[%shift_right_arithmetic3A_511, %and3A_514], %broadcast_in_dim3A_129 masked %eq3A_125 {add = true} : memref<80x128xf32, #tpu.memory_space<vmem>>[vector<16xi32>, vector<16xi32>], vector<16xf32>, vector<16xi1>
        tpu.vector_store_idx %arg10[%shift_right_arithmetic3A_511, %and3A_514], %broadcast_in_dim3A_129 masked %eq3A_128 {add = true} : memref<80x128xf32, #tpu.memory_space<vmem>>[vector<16xi32>, vector<16xi32>], vector<16xf32>, vector<16xi1>
      }
      %scan3A_204 = arith.constant 4 : i32
      %dma_wait3A = arith.constant 3 : i32
      %dma_wait3A_205 = arith.constant 15 : i32
      %dma_wait3A_206 = arith.constant 0 : i32
      %dma_wait3A_207 = arith.constant 0 : i32
      %dma_wait3A_208 = tpu.memref_slice %arg9[%dma_wait3A, %dma_wait3A_206, %dma_wait3A_207] : memref<4x64x128xf32, #tpu.memory_space<vmem>> -> memref<1x64x128xf32, #tpu.memory_space<vmem>>
      %dma_wait3A_209 = tpu.memref_squeeze %dma_wait3A_208 : memref<1x64x128xf32, #tpu.memory_space<vmem>> -> memref<64x128xf32, #tpu.memory_space<vmem>>
      %dma_wait3A_210 = arith.constant 0 : i32
      %dma_wait3A_211 = tpu.memref_slice %arg8[%dma_wait3A_205, %dma_wait3A_210] : memref<16x64xi32, #tpu.memory_space<vmem>> -> memref<1x64xi32, #tpu.memory_space<vmem>>
      %dma_wait3A_212 = tpu.memref_squeeze %dma_wait3A_211 : memref<1x64xi32, #tpu.memory_space<vmem>> -> memref<64xi32, #tpu.memory_space<vmem>>
      %dma_wait3A_213 = arith.constant 0 : i32
      %dma_wait3A_214 = arith.constant 0 : i32
      %dma_wait3A_215 = tpu.memref_slice %arg12[%dma_wait3A_213, %dma_wait3A_214] : memref<10112x128xf32, #tpu.memory_space<vmem_shared>> -> memref<10112x128xf32, #tpu.memory_space<vmem_shared>>
      tpu.wait_indirect_dma semaphore(%arg21 : memref<!tpu.dma_semaphore, #tpu.memory_space<semaphore_mem>>) src(%dma_wait3A_209 : memref<64x128xf32, #tpu.memory_space<vmem>>) dst(%dma_wait3A_215 : memref<10112x128xf32, #tpu.memory_space<vmem_shared>>)
    }
    %run_scoped3A_151 = arith.constant 0 : i32
    "tpu.region"() ({
      %run_scoped3A_160 = tpu.sem_alloc : memref<!tpu.dma_semaphore, #tpu.memory_space<semaphore_mem>>
      %dma_start3A = arith.constant 0 : i32
      %dma_start3A_161 = tpu.memref_slice %arg11[%run_scoped3A_151, %dma_start3A] : memref<1x80xi32, #tpu.memory_space<vmem>> -> memref<1x80xi32, #tpu.memory_space<vmem>>
      %dma_start3A_162 = tpu.memref_squeeze %dma_start3A_161 : memref<1x80xi32, #tpu.memory_space<vmem>> -> memref<80xi32, #tpu.memory_space<vmem>>
      %dma_start3A_163 = arith.constant 0 : i32
      %dma_start3A_164 = arith.constant 0 : i32
      %dma_start3A_165 = tpu.memref_slice %arg13[%dma_start3A_163, %dma_start3A_164] : memref<80x128xf32, #tpu.memory_space<vmem_shared>> -> memref<80x128xf32, #tpu.memory_space<vmem_shared>>
      tpu.enqueue_indirect_dma source(%arg10 : memref<80x128xf32, #tpu.memory_space<vmem>>) target(%dma_start3A_165 : memref<80x128xf32, #tpu.memory_space<vmem_shared>>) offsets(%dma_start3A_162 : memref<80xi32, #tpu.memory_space<vmem>>) semaphore(%run_scoped3A_160 : memref<!tpu.dma_semaphore, #tpu.memory_space<semaphore_mem>>) {add = true}
      %dma_wait3A = arith.constant 0 : i32
      %dma_wait3A_166 = tpu.memref_slice %arg11[%run_scoped3A_151, %dma_wait3A] : memref<1x80xi32, #tpu.memory_space<vmem>> -> memref<1x80xi32, #tpu.memory_space<vmem>>
      %dma_wait3A_167 = tpu.memref_squeeze %dma_wait3A_166 : memref<1x80xi32, #tpu.memory_space<vmem>> -> memref<80xi32, #tpu.memory_space<vmem>>
      %dma_wait3A_168 = arith.constant 0 : i32
      %dma_wait3A_169 = arith.constant 0 : i32
      %dma_wait3A_170 = tpu.memref_slice %arg13[%dma_wait3A_168, %dma_wait3A_169] : memref<80x128xf32, #tpu.memory_space<vmem_shared>> -> memref<80x128xf32, #tpu.memory_space<vmem_shared>>
      tpu.wait_indirect_dma semaphore(%run_scoped3A_160 : memref<!tpu.dma_semaphore, #tpu.memory_space<semaphore_mem>>) src(%arg10 : memref<80x128xf32, #tpu.memory_space<vmem>>) dst(%dma_wait3A_170 : memref<80x128xf32, #tpu.memory_space<vmem_shared>>)
      tpu.yield
    }) : () -> ()
    %barrier3A_152 = arith.constant 0 : index
    tpu.barrier barrier_id(%barrier3A_152)
    %mul3A_153 = arith.constant 632 : i32
    %mul3A_154 = arith.muli %arg1, %mul3A_153 : i32
    "tpu.region"() ({
      %run_scoped3A_160 = tpu.sem_alloc : memref<!tpu.dma_semaphore, #tpu.memory_space<semaphore_mem>>
      %dma_start3A = arith.constant 0 : i32
      %dma_start3A_161 = tpu.memref_slice %arg5[%arg0, %mul3A_154, %dma_start3A] : memref<2x10112x128xf32, #tpu.memory_space<hbm>> -> memref<1x632x128xf32, #tpu.memory_space<hbm>>
      %dma_start3A_162 = tpu.memref_squeeze %dma_start3A_161 : memref<1x632x128xf32, #tpu.memory_space<hbm>> -> memref<632x128xf32, #tpu.memory_space<hbm>>
      %dma_start3A_163 = arith.constant 0 : i32
      %dma_start3A_164 = tpu.memref_slice %arg12[%mul3A_154, %dma_start3A_163] : memref<10112x128xf32, #tpu.memory_space<vmem_shared>> -> memref<632x128xf32, #tpu.memory_space<vmem_shared>>
      tpu.enqueue_dma source(%dma_start3A_164 : memref<632x128xf32, #tpu.memory_space<vmem_shared>>) target(%dma_start3A_162 : memref<632x128xf32, #tpu.memory_space<hbm>>) target_semaphore(%run_scoped3A_160 : memref<!tpu.dma_semaphore, #tpu.memory_space<semaphore_mem>>)
      %dma_wait3A = arith.constant 0 : i32
      %dma_wait3A_165 = tpu.memref_slice %arg5[%arg0, %mul3A_154, %dma_wait3A] : memref<2x10112x128xf32, #tpu.memory_space<hbm>> -> memref<1x632x128xf32, #tpu.memory_space<hbm>>
      %dma_wait3A_166 = tpu.memref_squeeze %dma_wait3A_165 : memref<1x632x128xf32, #tpu.memory_space<hbm>> -> memref<632x128xf32, #tpu.memory_space<hbm>>
      %dma_wait3A_167 = arith.constant 0 : i32
      %dma_wait3A_168 = tpu.memref_slice %arg12[%mul3A_154, %dma_wait3A_167] : memref<10112x128xf32, #tpu.memory_space<vmem_shared>> -> memref<632x128xf32, #tpu.memory_space<vmem_shared>>
      tpu.wait_dma2 semaphore(%run_scoped3A_160 : memref<!tpu.dma_semaphore, #tpu.memory_space<semaphore_mem>>) src(%dma_wait3A_168 : memref<632x128xf32, #tpu.memory_space<vmem_shared>>) dst(%dma_wait3A_166 : memref<632x128xf32, #tpu.memory_space<hbm>>)
      tpu.yield
    }) : () -> ()
    %eq3A_155 = arith.constant 0 : i32
    %eq3A_156 = arith.cmpi eq, %arg1, %eq3A_155 : i32
    %convert_element_type3A_157 = arith.extui %eq3A_156 : i1 to i32
    %cond3A_158 = arith.constant 0 : i32
    %cond3A_159 = arith.cmpi ne, %convert_element_type3A_157, %cond3A_158 : i32
    scf.if %cond3A_159 {
      "tpu.region"() ({
        %run_scoped3A_160 = tpu.sem_alloc : memref<!tpu.dma_semaphore, #tpu.memory_space<semaphore_mem>>
        %dma_start3A = arith.constant 0 : i32
        %dma_start3A_161 = arith.constant 0 : i32
        %dma_start3A_162 = tpu.memref_slice %arg6[%arg0, %dma_start3A, %dma_start3A_161] : memref<2x80x128xf32, #tpu.memory_space<hbm>> -> memref<1x80x128xf32, #tpu.memory_space<hbm>>
        %dma_start3A_163 = tpu.memref_squeeze %dma_start3A_162 : memref<1x80x128xf32, #tpu.memory_space<hbm>> -> memref<80x128xf32, #tpu.memory_space<hbm>>
        tpu.enqueue_dma source(%arg13 : memref<80x128xf32, #tpu.memory_space<vmem_shared>>) target(%dma_start3A_163 : memref<80x128xf32, #tpu.memory_space<hbm>>) target_semaphore(%run_scoped3A_160 : memref<!tpu.dma_semaphore, #tpu.memory_space<semaphore_mem>>)
        %dma_wait3A = arith.constant 0 : i32
        %dma_wait3A_164 = arith.constant 0 : i32
        %dma_wait3A_165 = tpu.memref_slice %arg6[%arg0, %dma_wait3A, %dma_wait3A_164] : memref<2x80x128xf32, #tpu.memory_space<hbm>> -> memref<1x80x128xf32, #tpu.memory_space<hbm>>
        %dma_wait3A_166 = tpu.memref_squeeze %dma_wait3A_165 : memref<1x80x128xf32, #tpu.memory_space<hbm>> -> memref<80x128xf32, #tpu.memory_space<hbm>>
        tpu.wait_dma2 semaphore(%run_scoped3A_160 : memref<!tpu.dma_semaphore, #tpu.memory_space<semaphore_mem>>) src(%arg13 : memref<80x128xf32, #tpu.memory_space<vmem_shared>>) dst(%dma_wait3A_166 : memref<80x128xf32, #tpu.memory_space<hbm>>)
        tpu.yield
      }) : () -> ()
    } else {
    }
    return
  }
}

module attributes {stable_mosaic.version = 14 : i64} {
  func.func @_mlp_body(%arg0: i32, %arg1: memref<1000x128xf32, #tpu.memory_space<vmem>>, %arg2: memref<128x128xf32, #tpu.memory_space<vmem>>, %arg3: memref<1x128xf32, #tpu.memory_space<vmem>>, %arg4: memref<128x128xf32, #tpu.memory_space<vmem>>, %arg5: memref<1x128xf32, #tpu.memory_space<vmem>>, %arg6: memref<1000x128xf32, #tpu.memory_space<vmem>>) attributes {dimension_semantics = [#tpu.dimension_semantics<arbitrary>], iteration_bounds = array<i64: 10>, scalar_prefetch = 0 : i64, scratch_operands = 0 : i64, tpu.core_type = #tpu.core_type<tc>, window_params = [{transform_indices = @transform_0, window_bounds = array<i64: 1000, 128>}, {pipeline_mode = #tpu.pipeline_mode<synchronous>, transform_indices = @transform_1, window_bounds = array<i64: 128, 128>}, {pipeline_mode = #tpu.pipeline_mode<synchronous>, transform_indices = @transform_2, window_bounds = array<i64: 1, 128>}, {pipeline_mode = #tpu.pipeline_mode<synchronous>, transform_indices = @transform_3, window_bounds = array<i64: 128, 128>}, {pipeline_mode = #tpu.pipeline_mode<synchronous>, transform_indices = @transform_4, window_bounds = array<i64: 1, 128>}, {transform_indices = @transform_5, window_bounds = array<i64: 1000, 128>}]} {
    %get3A = arith.constant 0 : index
    %get3A_0 = arith.constant 0 : index
    %get3A_1 = vector.load %arg1[%get3A, %get3A_0] : memref<1000x128xf32, #tpu.memory_space<vmem>>, vector<1000x128xf32>
    %get3A_2 = arith.constant 0 : index
    %get3A_3 = arith.constant 0 : index
    %get3A_4 = vector.load %arg2[%get3A_2, %get3A_3] : memref<128x128xf32, #tpu.memory_space<vmem>>, vector<128x128xf32>
    %dot_general3A = arith.constant dense<0.000000e+00> : vector<1000x128xf32>
    %dot_general3A_5 = tpu.matmul %get3A_1, %get3A_4, %dot_general3A {dimension_numbers = #tpu.dot_dimension_numbers<[1], [0], [0], [1], [0, 0, 1, 1], [], []>, transpose_lhs_hint = false} : vector<1000x128xf32>, vector<128x128xf32>, vector<1000x128xf32> -> vector<1000x128xf32>
    %get3A_6 = arith.constant 0 : index
    %get3A_7 = arith.constant 0 : index
    %get3A_8 = vector.load %arg3[%get3A_6, %get3A_7] : memref<1x128xf32, #tpu.memory_space<vmem>>, vector<1x128xf32>
    %add3A = vector.broadcast %get3A_8 : vector<1x128xf32> to vector<1000x128xf32>
    %add3A_9 = arith.addf %dot_general3A_5, %add3A : vector<1000x128xf32>
    %max3A = arith.constant 0.000000e+00 : f32
    %max3A_10 = vector.broadcast %max3A : f32 to vector<1000x128xf32>
    %max3A_11 = arith.maximumf %add3A_9, %max3A_10 : vector<1000x128xf32>
    %get3A_12 = arith.constant 0 : index
    %get3A_13 = arith.constant 0 : index
    %get3A_14 = vector.load %arg4[%get3A_12, %get3A_13] : memref<128x128xf32, #tpu.memory_space<vmem>>, vector<128x128xf32>
    %dot_general3A_15 = arith.constant dense<0.000000e+00> : vector<1000x128xf32>
    %dot_general3A_16 = tpu.matmul %max3A_11, %get3A_14, %dot_general3A_15 {dimension_numbers = #tpu.dot_dimension_numbers<[1], [0], [0], [1], [0, 0, 1, 1], [], []>, transpose_lhs_hint = false} : vector<1000x128xf32>, vector<128x128xf32>, vector<1000x128xf32> -> vector<1000x128xf32>
    %get3A_17 = arith.constant 0 : index
    %get3A_18 = arith.constant 0 : index
    %get3A_19 = vector.load %arg5[%get3A_17, %get3A_18] : memref<1x128xf32, #tpu.memory_space<vmem>>, vector<1x128xf32>
    %add3A_20 = vector.broadcast %get3A_19 : vector<1x128xf32> to vector<1000x128xf32>
    %add3A_21 = arith.addf %dot_general3A_16, %add3A_20 : vector<1000x128xf32>
    %swap3A = arith.constant 0 : index
    %swap3A_22 = arith.constant 0 : index
    %swap3A_23 = vector.load %arg6[%swap3A, %swap3A_22] : memref<1000x128xf32, #tpu.memory_space<vmem>>, vector<1000x128xf32>
    tpu.vector_store %arg6[%swap3A, %swap3A_22], %add3A_21 {strides = array<i32>} : memref<1000x128xf32, #tpu.memory_space<vmem>>, vector<1000x128xf32>,
    return
  }
  func.func @transform_0(%arg0: i32) -> (i32, i32) {
    %c0_i32 = arith.constant 0 : i32
    %c0_i32_0 = arith.constant 0 : i32
    return %arg0, %c0_i32 : i32, i32
  }
  func.func @transform_1(%arg0: i32) -> (i32, i32) {
    %c0_i32 = arith.constant 0 : i32
    %c0_i32_0 = arith.constant 0 : i32
    %c0_i32_1 = arith.constant 0 : i32
    return %c0_i32, %c0_i32_0 : i32, i32
  }
  func.func @transform_2(%arg0: i32) -> (i32, i32) {
    %c0_i32 = arith.constant 0 : i32
    %c0_i32_0 = arith.constant 0 : i32
    %c0_i32_1 = arith.constant 0 : i32
    return %c0_i32, %c0_i32_0 : i32, i32
  }
  func.func @transform_3(%arg0: i32) -> (i32, i32) {
    %c0_i32 = arith.constant 0 : i32
    %c0_i32_0 = arith.constant 0 : i32
    %c0_i32_1 = arith.constant 0 : i32
    return %c0_i32, %c0_i32_0 : i32, i32
  }
  func.func @transform_4(%arg0: i32) -> (i32, i32) {
    %c0_i32 = arith.constant 0 : i32
    %c0_i32_0 = arith.constant 0 : i32
    %c0_i32_1 = arith.constant 0 : i32
    return %c0_i32, %c0_i32_0 : i32, i32
  }
  func.func @transform_5(%arg0: i32) -> (i32, i32) {
    %c0_i32 = arith.constant 0 : i32
    %c0_i32_0 = arith.constant 0 : i32
    return %arg0, %c0_i32 : i32, i32
  }
}

module attributes {stable_mosaic.version = 14 : i64} {
  func.func @_update_body(%arg0: i32, %arg1: memref<1024x128xf32, #tpu.memory_space<vmem>>, %arg2: memref<2x1024x128xf32, #tpu.memory_space<vmem>>, %arg3: memref<2x8x128xf32, #tpu.memory_space<vmem>>, %arg4: memref<128x128xf32, #tpu.memory_space<vmem>>, %arg5: memref<128x128xf32, #tpu.memory_space<vmem>>, %arg6: memref<1x128xf32, #tpu.memory_space<vmem>>, %arg7: memref<128x128xf32, #tpu.memory_space<vmem>>, %arg8: memref<1x128xf32, #tpu.memory_space<vmem>>, %arg9: memref<1x128xf32, #tpu.memory_space<vmem>>, %arg10: memref<1x128xf32, #tpu.memory_space<vmem>>, %arg11: memref<1024x128xf32, #tpu.memory_space<vmem>>) attributes {dimension_semantics = [#tpu.dimension_semantics<arbitrary>], iteration_bounds = array<i64: 10>, scalar_prefetch = 0 : i64, scratch_operands = 0 : i64, tpu.core_type = #tpu.core_type<tc>, window_params = [{transform_indices = @transform_0, window_bounds = array<i64: 1024, 128>}, {transform_indices = @transform_1, window_bounds = array<i64: 2, 1024, 128>}, {transform_indices = @transform_2, window_bounds = array<i64: 2, 8, 128>}, {pipeline_mode = #tpu.pipeline_mode<synchronous>, transform_indices = @transform_3, window_bounds = array<i64: 128, 128>}, {pipeline_mode = #tpu.pipeline_mode<synchronous>, transform_indices = @transform_4, window_bounds = array<i64: 128, 128>}, {pipeline_mode = #tpu.pipeline_mode<synchronous>, transform_indices = @transform_5, window_bounds = array<i64: 1, 128>}, {pipeline_mode = #tpu.pipeline_mode<synchronous>, transform_indices = @transform_6, window_bounds = array<i64: 128, 128>}, {pipeline_mode = #tpu.pipeline_mode<synchronous>, transform_indices = @transform_7, window_bounds = array<i64: 1, 128>}, {pipeline_mode = #tpu.pipeline_mode<synchronous>, transform_indices = @transform_8, window_bounds = array<i64: 1, 128>}, {pipeline_mode = #tpu.pipeline_mode<synchronous>, transform_indices = @transform_9, window_bounds = array<i64: 1, 128>}, {transform_indices = @transform_10, window_bounds = array<i64: 1024, 128>}]} {
    %get3A = arith.constant 0 : index
    %get3A_0 = arith.constant 0 : index
    %get3A_1 = arith.constant 0 : index
    %get3A_2 = vector.load %arg3[%get3A, %get3A_0, %get3A_1] : memref<2x8x128xf32, #tpu.memory_space<vmem>>, vector<1x8x128xf32>
    %get3A_3 = vector.shape_cast %get3A_2 : vector<1x8x128xf32> to vector<8x128xf32>
    %get3A_4 = arith.constant 1 : index
    %get3A_5 = arith.constant 0 : index
    %get3A_6 = arith.constant 0 : index
    %get3A_7 = vector.load %arg3[%get3A_4, %get3A_5, %get3A_6] : memref<2x8x128xf32, #tpu.memory_space<vmem>>, vector<1x8x128xf32>
    %get3A_8 = vector.shape_cast %get3A_7 : vector<1x8x128xf32> to vector<8x128xf32>
    %add3A = arith.addf %get3A_3, %get3A_8 : vector<8x128xf32>
    %iota3A = tpu.iota {dimensions = array<i32: 0>} : vector<1024x1xi32>
    %jit3A = arith.constant 128 : i32
    %div3A = vector.broadcast %jit3A : i32 to vector<1024x1xi32>
    %div3A_9 = arith.divsi %iota3A, %div3A : vector<1024x1xi32>
    %sign3A = arith.constant 0 : i32
    %sign3A_10 = vector.broadcast %sign3A : i32 to vector<1024x1xi32>
    %sign3A_11 = arith.cmpi sgt, %iota3A, %sign3A_10 : vector<1024x1xi32>
    %sign3A_12 = arith.extui %sign3A_11 : vector<1024x1xi1> to vector<1024x1xi32>
    %sign3A_13 = arith.constant 0 : i32
    %sign3A_14 = vector.broadcast %sign3A_13 : i32 to vector<1024x1xi32>
    %sign3A_15 = arith.cmpi slt, %iota3A, %sign3A_14 : vector<1024x1xi32>
    %sign3A_16 = arith.extui %sign3A_15 : vector<1024x1xi1> to vector<1024x1xi32>
    %sign3A_17 = arith.subi %sign3A_12, %sign3A_16 : vector<1024x1xi32>
    %sign3A_18 = arith.constant 0 : i32
    %sign3A_19 = arith.cmpi sgt, %jit3A, %sign3A_18 : i32
    %sign3A_20 = arith.extui %sign3A_19 : i1 to i32
    %sign3A_21 = arith.constant 0 : i32
    %sign3A_22 = arith.cmpi slt, %jit3A, %sign3A_21 : i32
    %sign3A_23 = arith.extui %sign3A_22 : i1 to i32
    %sign3A_24 = arith.subi %sign3A_20, %sign3A_23 : i32
    %ne3A = vector.broadcast %sign3A_24 : i32 to vector<1024x1xi32>
    %ne3A_25 = arith.cmpi ne, %sign3A_17, %ne3A : vector<1024x1xi32>
    %rem3A = vector.broadcast %jit3A : i32 to vector<1024x1xi32>
    %rem3A_26 = arith.remsi %iota3A, %rem3A : vector<1024x1xi32>
    %ne3A_27 = arith.constant 0 : i32
    %ne3A_28 = vector.broadcast %ne3A_27 : i32 to vector<1024x1xi32>
    %ne3A_29 = arith.cmpi ne, %rem3A_26, %ne3A_28 : vector<1024x1xi32>
    %and3A = arith.andi %ne3A_25, %ne3A_29 : vector<1024x1xi1>
    %sub3A = arith.constant 1 : i32
    %sub3A_30 = vector.broadcast %sub3A : i32 to vector<1024x1xi32>
    %sub3A_31 = arith.subi %div3A_9, %sub3A_30 : vector<1024x1xi32>
    %select_n3A = arith.select %and3A, %sub3A_31, %div3A_9 : vector<1024x1xi1>, vector<1024x1xi32>
    %iota3A_32 = tpu.iota {dimensions = array<i32: 1>} : vector<1024x8xi32>
    %eq3A = vector.broadcast %select_n3A : vector<1024x1xi32> to vector<1024x8xi32>
    %eq3A_33 = arith.cmpi eq, %eq3A, %iota3A_32 : vector<1024x8xi32>
    %convert_element_type3A = arith.extui %eq3A_33 : vector<1024x8xi1> to vector<1024x8xi32>
    %convert_element_type3A_34 = arith.sitofp %convert_element_type3A : vector<1024x8xi32> to vector<1024x8xf32>
    %jit3A_35 = arith.constant 128 : i32
    %eq3A_36 = arith.constant 0 : i32
    %eq3A_37 = arith.cmpi eq, %jit3A_35, %eq3A_36 : i32
    %jit3A_38 = arith.constant 1 : i32
    %select_n3A_39 = arith.select %eq3A_37, %jit3A_38, %jit3A_35 : i32
    %rem3A_40 = vector.broadcast %select_n3A_39 : i32 to vector<1024x1xi32>
    %rem3A_41 = arith.remsi %iota3A, %rem3A_40 : vector<1024x1xi32>
    %ne3A_42 = arith.constant 0 : i32
    %ne3A_43 = vector.broadcast %ne3A_42 : i32 to vector<1024x1xi32>
    %ne3A_44 = arith.cmpi ne, %rem3A_41, %ne3A_43 : vector<1024x1xi32>
    %lt3A = arith.constant 0 : i32
    %lt3A_45 = vector.broadcast %lt3A : i32 to vector<1024x1xi32>
    %lt3A_46 = arith.cmpi slt, %rem3A_41, %lt3A_45 : vector<1024x1xi32>
    %lt3A_47 = arith.constant 0 : i32
    %lt3A_48 = arith.cmpi slt, %select_n3A_39, %lt3A_47 : i32
    %ne3A_49 = vector.broadcast %lt3A_48 : i1 to vector<1024x1xi1>
    %ne3A_50 = vector.broadcast %ne3A_49 : vector<1024x1xi1> to vector<1024x1xi1>
    %ne3A_51 = arith.xori %lt3A_46, %ne3A_50 : vector<1024x1xi1>
    %and3A_52 = arith.andi %ne3A_51, %ne3A_44 : vector<1024x1xi1>
    %add3A_53 = vector.broadcast %select_n3A_39 : i32 to vector<1024x1xi32>
    %add3A_54 = arith.addi %rem3A_41, %add3A_53 : vector<1024x1xi32>
    %select_n3A_55 = arith.select %and3A_52, %add3A_54, %rem3A_41 : vector<1024x1xi1>, vector<1024x1xi32>
    %iota3A_56 = tpu.iota {dimensions = array<i32: 1>} : vector<1024x128xi32>
    %eq3A_57 = vector.broadcast %select_n3A_55 : vector<1024x1xi32> to vector<1024x128xi32>
    %eq3A_58 = arith.cmpi eq, %eq3A_57, %iota3A_56 : vector<1024x128xi32>
    %dot_general3A = arith.constant dense<0.000000e+00> : vector<1024x128xf32>
    %dot_general3A_59 = tpu.matmul %convert_element_type3A_34, %add3A, %dot_general3A {dimension_numbers = #tpu.dot_dimension_numbers<[1], [0], [0], [1], [0, 0, 1, 1], [], []>, transpose_lhs_hint = false} : vector<1024x8xf32>, vector<8x128xf32>, vector<1024x128xf32> -> vector<1024x128xf32>
    %jit3A_60 = arith.constant 0.000000e+00 : f32
    %broadcast_in_dim3A = vector.broadcast %jit3A_60 : f32 to vector<1024x128xf32>
    %select_n3A_61 = arith.select %eq3A_58, %dot_general3A_59, %broadcast_in_dim3A : vector<1024x128xi1>, vector<1024x128xf32>
    %reduce_sum3A = arith.constant dense<0.000000e+00> : vector<1024xf32>
    %reduce_sum3A_62 = vector.multi_reduction <add>, %select_n3A_61, %reduce_sum3A [1] : vector<1024x128xf32> to vector<1024xf32>
    %broadcast_in_dim3A_63 = vector.shape_cast %reduce_sum3A_62 : vector<1024xf32> to vector<1024x1xf32>
    %max3A = arith.constant 1.000000e+00 : f32
    %max3A_64 = vector.broadcast %max3A : f32 to vector<1024x1xf32>
    %max3A_65 = arith.maximumf %broadcast_in_dim3A_63, %max3A_64 : vector<1024x1xf32>
    %get3A_66 = arith.constant 0 : index
    %get3A_67 = arith.constant 0 : index
    %get3A_68 = arith.constant 0 : index
    %get3A_69 = vector.load %arg2[%get3A_66, %get3A_67, %get3A_68] : memref<2x1024x128xf32, #tpu.memory_space<vmem>>, vector<1x1024x128xf32>
    %get3A_70 = vector.shape_cast %get3A_69 : vector<1x1024x128xf32> to vector<1024x128xf32>
    %get3A_71 = arith.constant 1 : index
    %get3A_72 = arith.constant 0 : index
    %get3A_73 = arith.constant 0 : index
    %get3A_74 = vector.load %arg2[%get3A_71, %get3A_72, %get3A_73] : memref<2x1024x128xf32, #tpu.memory_space<vmem>>, vector<1x1024x128xf32>
    %get3A_75 = vector.shape_cast %get3A_74 : vector<1x1024x128xf32> to vector<1024x128xf32>
    %add3A_76 = arith.addf %get3A_70, %get3A_75 : vector<1024x128xf32>
    %div3A_77 = vector.broadcast %max3A_65 : vector<1024x1xf32> to vector<1024x128xf32>
    %div3A_78 = arith.divf %add3A_76, %div3A_77 : vector<1024x128xf32>
    %get3A_79 = arith.constant 0 : index
    %get3A_80 = arith.constant 0 : index
    %get3A_81 = vector.load %arg1[%get3A_79, %get3A_80] : memref<1024x128xf32, #tpu.memory_space<vmem>>, vector<1024x128xf32>
    %get3A_82 = arith.constant 0 : index
    %get3A_83 = arith.constant 0 : index
    %get3A_84 = vector.load %arg4[%get3A_82, %get3A_83] : memref<128x128xf32, #tpu.memory_space<vmem>>, vector<128x128xf32>
    %dot_general3A_85 = arith.constant dense<0.000000e+00> : vector<1024x128xf32>
    %dot_general3A_86 = tpu.matmul %get3A_81, %get3A_84, %dot_general3A_85 {dimension_numbers = #tpu.dot_dimension_numbers<[1], [0], [0], [1], [0, 0, 1, 1], [], []>, transpose_lhs_hint = false} : vector<1024x128xf32>, vector<128x128xf32>, vector<1024x128xf32> -> vector<1024x128xf32>
    %get3A_87 = arith.constant 0 : index
    %get3A_88 = arith.constant 0 : index
    %get3A_89 = vector.load %arg5[%get3A_87, %get3A_88] : memref<128x128xf32, #tpu.memory_space<vmem>>, vector<128x128xf32>
    %dot_general3A_90 = arith.constant dense<0.000000e+00> : vector<1024x128xf32>
    %dot_general3A_91 = tpu.matmul %div3A_78, %get3A_89, %dot_general3A_90 {dimension_numbers = #tpu.dot_dimension_numbers<[1], [0], [0], [1], [0, 0, 1, 1], [], []>, transpose_lhs_hint = false} : vector<1024x128xf32>, vector<128x128xf32>, vector<1024x128xf32> -> vector<1024x128xf32>
    %add3A_92 = arith.addf %dot_general3A_86, %dot_general3A_91 : vector<1024x128xf32>
    %get3A_93 = arith.constant 0 : index
    %get3A_94 = arith.constant 0 : index
    %get3A_95 = vector.load %arg6[%get3A_93, %get3A_94] : memref<1x128xf32, #tpu.memory_space<vmem>>, vector<1x128xf32>
    %add3A_96 = vector.broadcast %get3A_95 : vector<1x128xf32> to vector<1024x128xf32>
    %add3A_97 = arith.addf %add3A_92, %add3A_96 : vector<1024x128xf32>
    %max3A_98 = arith.constant 0.000000e+00 : f32
    %max3A_99 = vector.broadcast %max3A_98 : f32 to vector<1024x128xf32>
    %max3A_100 = arith.maximumf %add3A_97, %max3A_99 : vector<1024x128xf32>
    %get3A_101 = arith.constant 0 : index
    %get3A_102 = arith.constant 0 : index
    %get3A_103 = vector.load %arg7[%get3A_101, %get3A_102] : memref<128x128xf32, #tpu.memory_space<vmem>>, vector<128x128xf32>
    %dot_general3A_104 = arith.constant dense<0.000000e+00> : vector<1024x128xf32>
    %dot_general3A_105 = tpu.matmul %max3A_100, %get3A_103, %dot_general3A_104 {dimension_numbers = #tpu.dot_dimension_numbers<[1], [0], [0], [1], [0, 0, 1, 1], [], []>, transpose_lhs_hint = false} : vector<1024x128xf32>, vector<128x128xf32>, vector<1024x128xf32> -> vector<1024x128xf32>
    %get3A_106 = arith.constant 0 : index
    %get3A_107 = arith.constant 0 : index
    %get3A_108 = vector.load %arg8[%get3A_106, %get3A_107] : memref<1x128xf32, #tpu.memory_space<vmem>>, vector<1x128xf32>
    %add3A_109 = vector.broadcast %get3A_108 : vector<1x128xf32> to vector<1024x128xf32>
    %add3A_110 = arith.addf %dot_general3A_105, %add3A_109 : vector<1024x128xf32>
    %add3A_111 = arith.addf %add3A_110, %get3A_81 : vector<1024x128xf32>
    %reduce_sum3A_112 = arith.constant dense<0.000000e+00> : vector<1024xf32>
    %reduce_sum3A_113 = vector.multi_reduction <add>, %add3A_111, %reduce_sum3A_112 [1] : vector<1024x128xf32> to vector<1024xf32>
    %broadcast_in_dim3A_114 = vector.shape_cast %reduce_sum3A_113 : vector<1024xf32> to vector<1024x1xf32>
    %div3A_115 = arith.constant 1.280000e+02 : f32
    %div3A_116 = vector.broadcast %div3A_115 : f32 to vector<1024x1xf32>
    %div3A_117 = arith.divf %broadcast_in_dim3A_114, %div3A_116 : vector<1024x1xf32>
    %sub3A_118 = vector.broadcast %div3A_117 : vector<1024x1xf32> to vector<1024x128xf32>
    %sub3A_119 = arith.subf %add3A_111, %sub3A_118 : vector<1024x128xf32>
    %mul3A = arith.mulf %sub3A_119, %sub3A_119 : vector<1024x128xf32>
    %reduce_sum3A_120 = arith.constant dense<0.000000e+00> : vector<1024xf32>
    %reduce_sum3A_121 = vector.multi_reduction <add>, %mul3A, %reduce_sum3A_120 [1] : vector<1024x128xf32> to vector<1024xf32>
    %broadcast_in_dim3A_122 = vector.shape_cast %reduce_sum3A_121 : vector<1024xf32> to vector<1024x1xf32>
    %div3A_123 = arith.constant 1.280000e+02 : f32
    %div3A_124 = vector.broadcast %div3A_123 : f32 to vector<1024x1xf32>
    %div3A_125 = arith.divf %broadcast_in_dim3A_122, %div3A_124 : vector<1024x1xf32>
    %get3A_126 = arith.constant 0 : index
    %get3A_127 = arith.constant 0 : index
    %get3A_128 = vector.load %arg9[%get3A_126, %get3A_127] : memref<1x128xf32, #tpu.memory_space<vmem>>, vector<1x128xf32>
    %mul3A_129 = vector.broadcast %get3A_128 : vector<1x128xf32> to vector<1024x128xf32>
    %mul3A_130 = arith.mulf %mul3A_129, %sub3A_119 : vector<1024x128xf32>
    %add3A_131 = arith.constant 9.99999974E-6 : f32
    %add3A_132 = vector.broadcast %add3A_131 : f32 to vector<1024x1xf32>
    %add3A_133 = arith.addf %div3A_125, %add3A_132 : vector<1024x1xf32>
    %rsqrt3A = math.rsqrt %add3A_133 : vector<1024x1xf32>
    %mul3A_134 = vector.broadcast %rsqrt3A : vector<1024x1xf32> to vector<1024x128xf32>
    %mul3A_135 = arith.mulf %mul3A_130, %mul3A_134 : vector<1024x128xf32>
    %get3A_136 = arith.constant 0 : index
    %get3A_137 = arith.constant 0 : index
    %get3A_138 = vector.load %arg10[%get3A_136, %get3A_137] : memref<1x128xf32, #tpu.memory_space<vmem>>, vector<1x128xf32>
    %add3A_139 = vector.broadcast %get3A_138 : vector<1x128xf32> to vector<1024x128xf32>
    %add3A_140 = arith.addf %mul3A_135, %add3A_139 : vector<1024x128xf32>
    %swap3A = arith.constant 0 : index
    %swap3A_141 = arith.constant 0 : index
    %swap3A_142 = vector.load %arg11[%swap3A, %swap3A_141] : memref<1024x128xf32, #tpu.memory_space<vmem>>, vector<1024x128xf32>
    tpu.vector_store %arg11[%swap3A, %swap3A_141], %add3A_140 {strides = array<i32>} : memref<1024x128xf32, #tpu.memory_space<vmem>>, vector<1024x128xf32>,
    return
  }
  func.func @transform_0(%arg0: i32) -> (i32, i32) {
    %c0_i32 = arith.constant 0 : i32
    %c0_i32_0 = arith.constant 0 : i32
    return %arg0, %c0_i32 : i32, i32
  }
  func.func @transform_1(%arg0: i32) -> (i32, i32, i32) {
    %c0_i32 = arith.constant 0 : i32
    %c0_i32_0 = arith.constant 0 : i32
    %c0_i32_1 = arith.constant 0 : i32
    return %c0_i32, %arg0, %c0_i32_0 : i32, i32, i32
  }
  func.func @transform_2(%arg0: i32) -> (i32, i32, i32) {
    %c0_i32 = arith.constant 0 : i32
    %c0_i32_0 = arith.constant 0 : i32
    %c0_i32_1 = arith.constant 0 : i32
    return %c0_i32, %arg0, %c0_i32_0 : i32, i32, i32
  }
  func.func @transform_3(%arg0: i32) -> (i32, i32) {
    %c0_i32 = arith.constant 0 : i32
    %c0_i32_0 = arith.constant 0 : i32
    %c0_i32_1 = arith.constant 0 : i32
    return %c0_i32, %c0_i32_0 : i32, i32
  }
  func.func @transform_4(%arg0: i32) -> (i32, i32) {
    %c0_i32 = arith.constant 0 : i32
    %c0_i32_0 = arith.constant 0 : i32
    %c0_i32_1 = arith.constant 0 : i32
    return %c0_i32, %c0_i32_0 : i32, i32
  }
  func.func @transform_5(%arg0: i32) -> (i32, i32) {
    %c0_i32 = arith.constant 0 : i32
    %c0_i32_0 = arith.constant 0 : i32
    %c0_i32_1 = arith.constant 0 : i32
    return %c0_i32, %c0_i32_0 : i32, i32
  }
  func.func @transform_6(%arg0: i32) -> (i32, i32) {
    %c0_i32 = arith.constant 0 : i32
    %c0_i32_0 = arith.constant 0 : i32
    %c0_i32_1 = arith.constant 0 : i32
    return %c0_i32, %c0_i32_0 : i32, i32
  }
  func.func @transform_7(%arg0: i32) -> (i32, i32) {
    %c0_i32 = arith.constant 0 : i32
    %c0_i32_0 = arith.constant 0 : i32
    %c0_i32_1 = arith.constant 0 : i32
    return %c0_i32, %c0_i32_0 : i32, i32
  }
  func.func @transform_8(%arg0: i32) -> (i32, i32) {
    %c0_i32 = arith.constant 0 : i32
    %c0_i32_0 = arith.constant 0 : i32
    %c0_i32_1 = arith.constant 0 : i32
    return %c0_i32, %c0_i32_0 : i32, i32
  }
  func.func @transform_9(%arg0: i32) -> (i32, i32) {
    %c0_i32 = arith.constant 0 : i32
    %c0_i32_0 = arith.constant 0 : i32
    %c0_i32_1 = arith.constant 0 : i32
    return %c0_i32, %c0_i32_0 : i32, i32
  }
  func.func @transform_10(%arg0: i32) -> (i32, i32) {
    %c0_i32 = arith.constant 0 : i32
    %c0_i32_0 = arith.constant 0 : i32
    return %arg0, %c0_i32 : i32, i32
  }
}

</mosaic_0001>

<sc_bundles>
// kernel: kernel.5.cloned.1.call-start
scs
__scs_entry_jumppad:
0x0: {  	(pc) =	sbr.rel $0x88, $3  }
0x1: {  	(tag) =	ssettag $0x0;
	lr =	simm.s32 $0x1  }
0x2: {  	[smem:$0x3F95] =	sst lr;
	_ =	strace $0xD0000000  }
0x3: {  	_ = 	snop  }
0x4: {  	_ = 	snop  }
0x5: {  	_ = 	snop  }
0x6: {  	_ = 	snop  }
0x7: {  	_ = 	snop  }
__scs_overlays_trampoline_lowered:
0x8: {  	[smem:$0x3FA4] =	sst s0  }
0x9: {  	[smem:$0x3FA5] =	sst s1  }
0xa: {  	[smem:$0x3FA6] =	sst s2  }
0xb: {  	[smem:$0x3FA7] =	sst s3  }
0xc: {  	[smem:$0x3FA8] =	sst s4  }
0xd: {  	[smem:$0x3FA9] =	sst s5  }
0xe: {  	[smem:$0x3FAA] =	sst s6  }
0xf: {  	[smem:$0x3FAB] =	sst s7  }
0x10: {  	[smem:$0x3FAC] =	sst s8  }
0x11: {  	[smem:$0x3FAD] =	sst s9;
	s0 =	simm.s32 @!p0 $0x0  }
0x12: {  	s1 =	sld [smem:$0x3F93];
	s0 =	simm.s32 @p0 $0x1  }
0x13: {  	[smem:$0x3FAE] =	sst s0;
	s0 =	simm.s32 @!p1 $0x0  }
0x14: {  	s2 =	sld [smem:$0x3F92];
	s0 =	simm.s32 @p1 $0x1  }
0x15: {  	[smem:$0x3FAF] =	sst s0;
	s0 =	simm.s32 @!p2 $0x0  }
0x16: {  	s3 =	sld [smem:$0x3FDB];
	s0 =	simm.s32 @p2 $0x1  }
0x17: {  	s4 =	simm.s32 $0x1BF5;
	[smem:$0x3FB1] =	sst s0  }
0x18: {  	s0 =	sld [smem:$0x3F94];
	_ =	swait.ge [sflag:s4], $0x0  }
0x19: {  	s7 =	sld [smem:$0x3F95]  }
0x1a: {  	s8 =	sadd.s32 $0xFFFFE003, lr  }
0x1b: {  	s9 =	sadd.s32 $0xFFFFFEF7, lr;
	s5 =	simm.s32 $0xFFFFFFFF;
	p2 =	slt.u32 s8, $0xFFFFF086  }
0x1c: {  	p1 =	slt.u32 s9, $0xF7A;
	s5 =	simm.s32 @!p2 $0x0  }
0x1d: {  	s5 =	simm.s32 @p1 $0x1;
	p0 =	seq.s32 s7, s2  }
0x1e: {  	s7 =	smul.u32 @!p0 $0xF7A, s2;
	p2 =	seq.s32 @!p0 s5, $0x0  }
0x1f: {  	s9 =	smul.u32 $0xF7A, s1;
	s8 =	simm.s32 @!p0 $0x1BF5;
	p2 =	por !p2, p0  }
0x20: {  	[sflag:s8] =	ssyncset.s32 @!p0 $0xFFFFF086;
	s6 =	sadd.s32 @!p0 s3, s7;
	s7 =	simm.s32 @!p0 $0x108  }
0x21: {  	s3 =	sadd.s32 s3, s9;
	s6 =	sadd.s32 @!p0 $0x88, s6;
	s7 =	simm.s32 @p2 $0x1082  }
0x22: {  	[simem:s7], [sflag:s8] =	dma.local @!p0 [hbm:s6], $0xF7A  }
0x23: {  	s9 =	sor.u32 $0xD0000000, s2;
	s6 =	simm.s32 $0x108;
	_ =	swait.ge @!p0 [sflag:s8], $0x0  }
0x24: {  	s3 =	sadd.s32 $0x88, s3;
	s6 =	simm.s32 @!p1 $0x1082;
	[sflag:s4] =	ssyncset.s32 $0xFFFFF086  }
0x25: {  	[simem:s6], [sflag:s4] =	dma.local [hbm:s3], $0xF7A  }
0x26: {  	[smem:$0x3F95] =	sst s1;
	(tag) =	ssettag s2;
	_ =	strace s9  }
0x27: {  	s1 =	sld [smem:$0x3FA5]  }
0x28: {  	s2 =	sld [smem:$0x3FA6]  }
0x29: {  	s4 =	sld [smem:$0x3FA8]  }
0x2a: {  	p0 =	seq.s32 s5, $0x0;
	s5 =	sld [smem:$0x3FA9]  }
0x2b: {  	s6 =	sld [smem:$0x3FAA]  }
0x2c: {  	s7 =	sld [smem:$0x3FAB]  }
0x2d: {  	s3 =	simm.s32 $0x108;
	s8 =	sld [smem:$0x3FAC]  }
0x2e: {  	s3 =	simm.s32 @!p0 $0x1082;
	s9 =	sld [smem:$0x3FAD]  }
0x2f: {  	lr =	sadd.s32 s0, s3;
	s0 =	sld [smem:$0x3FA4]  }
0x30: {  	s3 =	sld [smem:$0x3FA7]  }
0x31: {  	[smem:$0x3FB0] =	sst s10  }
0x32: {  	s10 =	sld [smem:$0x3FAE];
	_ =	sdelay $0x3  }
0x33: {  	p0 =	seq.s32 s10, $0x1;
	s10 =	sld [smem:$0x3FB0];
	_ =	sdelay $0x3  }
0x34: {  	[smem:$0x3FB0] =	sst s10  }
0x35: {  	s10 =	sld [smem:$0x3FAF];
	_ =	sdelay $0x3  }
0x36: {  	p1 =	seq.s32 s10, $0x1;
	s10 =	sld [smem:$0x3FB0];
	_ =	sdelay $0x3  }
0x37: {  	[smem:$0x3FB0] =	sst s10  }
0x38: {  	s10 =	sld [smem:$0x3FB1]  }
0x39: {  	_ = 	snop;
	(pc) =	sbr.ind lr, $3  }
0x3a: {  	_ = 	snop  }
0x3b: {  	_ = 	snop  }
0x3c: {  	p2 =	seq.s32 s10, $0x1;
	s10 =	sld [smem:$0x3FB0]  }
0x3d: {  	_ =	shalt  }
0x3e: {  	_ =	shalt  }
0x3f: {  	_ =	shalt  }
0x40: {  	_ =	shalt  }
0x41: {  	_ =	shalt  }
0x42: {  	_ =	shalt  }
0x43: {  	_ =	shalt  }
0x44: {  	_ =	shalt  }
0x45: {  	_ =	shalt  }
0x46: {  	_ =	shalt  }
0x47: {  	_ =	shalt  }
0x48: {  	_ =	shalt  }
0x49: {  	_ =	shalt  }
0x4a: {  	_ =	shalt  }
0x4b: {  	_ =	shalt  }
0x4c: {  	_ =	shalt  }
0x4d: {  	_ =	shalt  }
0x4e: {  	_ =	shalt  }
0x4f: {  	_ =	shalt  }
0x50: {  	_ =	shalt  }
0x51: {  	_ =	shalt  }
0x52: {  	_ =	shalt  }
0x53: {  	_ =	shalt  }
0x54: {  	_ =	shalt  }
0x55: {  	_ =	shalt  }
0x56: {  	_ =	shalt  }
0x57: {  	_ =	shalt  }
0x58: {  	_ =	shalt  }
0x59: {  	_ =	shalt  }
0x5a: {  	_ =	shalt  }
0x5b: {  	_ =	shalt  }
0x5c: {  	_ =	shalt  }
0x5d: {  	_ =	shalt  }
0x5e: {  	_ =	shalt  }
0x5f: {  	_ =	shalt  }
0x60: {  	_ =	shalt  }
0x61: {  	_ =	shalt  }
0x62: {  	_ =	shalt  }
0x63: {  	_ =	shalt  }
0x64: {  	_ =	shalt  }
0x65: {  	_ =	shalt  }
0x66: {  	_ =	shalt  }
0x67: {  	_ =	shalt  }
0x68: {  	_ =	shalt  }
0x69: {  	_ =	shalt  }
0x6a: {  	_ =	shalt  }
0x6b: {  	_ =	shalt  }
0x6c: {  	_ =	shalt  }
0x6d: {  	_ =	shalt  }
0x6e: {  	_ =	shalt  }
0x6f: {  	_ =	shalt  }
0x70: {  	_ =	shalt  }
0x71: {  	_ =	shalt  }
0x72: {  	_ =	shalt  }
0x73: {  	_ =	shalt  }
0x74: {  	_ =	shalt  }
0x75: {  	_ =	shalt  }
0x76: {  	_ =	shalt  }
0x77: {  	_ =	shalt  }
0x78: {  	_ =	shalt  }
0x79: {  	_ =	shalt  }
0x7a: {  	_ =	shalt  }
0x7b: {  	_ =	shalt  }
0x7c: {  	_ =	shalt  }
0x7d: {  	_ =	shalt  }
0x7e: {  	_ =	shalt  }
0x7f: {  	_ =	shalt  }
0x80: {  	_ =	shalt  }
0x81: {  	_ =	shalt  }
0x82: {  	_ =	shalt  }
0x83: {  	_ =	shalt  }
0x84: {  	_ =	shalt  }
0x85: {  	_ =	shalt  }
0x86: {  	_ =	shalt  }
0x87: {  	_ =	shalt  }
.Lfunc_end0:
.L_simem_size_0:
called_computation_lowered:
.L_overlay_start_0:
0x88: {  	s2 =	sld [smem:$0x3FD9]  }
0x89: {  	s3 =	sld [smem:$0x3FFE];
	_ =	sdelay $0x1  }
0x8a: {  	s1 =	srdreg.scid  }
0x8b: {  	s0 =	sand.u32 $0x1, s1  }
0x8c: {  	s17 =	sshll.u32 s0, $0xA;
	s2 =	sadd.s32 s3, s2  }
0x8d: {  	s2 =	sadd.s32 s2, s17  }
0x8e: {  	[smem:$0x3FBC] =	sst s2  }
0x8f: {  	_ = 	snop  }
0x90: {  	s2 =	sld [smem:$0x3FD0];
	(tm) =	ssettm $0x1  }
0x91: {  	s18 =	sld [smem:$0x3FFB];
	_ =	sdelay $0x3  }
0x92: {  	_ =	strace s18  }
0x93: {  	s3 =	sld [smem:$0x3FFC];
	_ =	sdelay $0x3  }
0x94: {  	_ =	strace s3  }
0x95: {  	s3 =	sld [smem:$0x3FFD];
	_ =	sdelay $0x3  }
0x96: {  	_ =	strace s3  }
0x97: {  	_ =	strace $0x8FFFFFFF  }
0x98: {  	s19 =	sld [smem:$0x3FDB];
	_ =	sdelay $0x1  }
0x99: {  	s4 =	simm.s32 $_scs_section_size  }
0x9a: {  	s5 =	simm.s32 $_size__tile_overlayer_lowered;
	s6 =	simm.s32 $_tile_overlayer_lowered  }
0x9b: {  	s22 =	simm.s32 $0x1BFF;
	s21 =	sshll.u32 s6, $0x1;
	s3 =	sadd.s32 s4, s19  }
0x9c: {  	s7 =	simm.s32 $0x0;
	s20 =	sshll.u32 s5, $0x1;
	s5 =	sadd.s32 s21, s3  }
0x9d: {  	[timem:s7], [sflag:s22] =	dma.local [hbm:s5], s20  }
0x9e: {  	_ =	swait.ge [sflag:s22], s20  }
0x9f: {  	s4 =	ssub.s32 $0x0, s20;
	[sflag:s22] =	ssyncset.done $0x0  }
0xa0: {  	[sflag:s22] =	ssyncadd.s32 s4;
	_ =	sdelay $0x1  }
0xa1: {  	s23 =	simm.s32 $0x1B8B  }
0xa2: {  	_ =	swait.ge [sflag:s23], $0x1  }
0xa3: {  	[sflag:s23] =	ssyncset.done $0x0  }
0xa4: {  	s25 =	simm.s32 $0x1B8E;
	s24 =	sld [smem:$0x3FFE];
	[sflag:s23] =	ssyncadd.s32 $0xFFFFFFFF  }
0xa5: {  	s26 =	simm.s32 $execute0_lowered;
	[smem:$0x3FD2] =	sst s25  }
0xa6: {  	s5 =	sshll.u32 s26, $0x1;
	_ =	strace $0x80000046;
	[dreg:$0x1] =	wrdreg $0xFFFFFFFF  }
0xa7: {  	s28 =	simm.s32 $_size_execute0_lowered;
	s3 =	sadd.s32 s3, s5;
	[dreg:$0x0] =	wrdreg $0x0  }
0xa8: {  	s5 =	sshll.u32 s28, $0x1;
	[dreg:$0x2] =	wrdreg s3  }
0xa9: {  	[dreg:$0x3] =	wrdreg s5  }
0xaa: {  	[dreg:$0x4] =	wrdreg $0xC0  }
0xab: {  	_ =	task [dreg:s7], $0x5FFFF  }
0xac: {  	[dreg:$0x1] =	wrdreg $0xFFFFFFFF  }
0xad: {  	[dreg:$0x0] =	wrdreg $0x60  }
0xae: {  	[dreg:$0x2] =	wrdreg s2  }
0xaf: {  	[dreg:$0x3] =	wrdreg s24  }
0xb0: {  	[dreg:$0x4] =	wrdreg $0xB8800  }
0xb1: {  	[dreg:$0x5] =	wrdreg $0x1F4800  }
0xb2: {  	[dreg:$0x6] =	wrdreg $0x9  }
0xb3: {  	_ =	task.clear_ibuf [dreg:s7], $0x7FFFF;
	_ =	strace $0x90000046  }
0xb4: {  	s29 =	simm.s32 $0x9;
	_ =	strace $0x80000048  }
0xb5: {  	_ =	swait.ge [sflag:s29], $0x1  }
0xb6: {  	[sflag:s29] =	ssyncadd.s32 $0xFFFFFFFF  }
0xb7: {  	_ =	strace $0x90000048  }
0xb8: {  	_ =	sfence  }
0xb9: {  	s30 =	sld [smem:$0x0];
	_ =	sdelay $0x2  }
0xba: {  	s31 =	sshll.u32 s1, $0xD;
	s1 =	sshrl.u32 s1, $0x2  }
0xbb: {  	s3 =	sand.u32 $0x4000, s31;
	s1 =	sadd.s32 s1, s30  }
0xbc: {  	s0 =	sor.u32 s3, s0;
	s1 =	sshll.u32 s1, $0x11  }
0xbd: {  	s0 =	sor.u32 s1, s0  }
0xbe: {  	s0 =	sadd.s32 $0x8F2B, s0  }
0xbf: {  	[sflag:s0] =	ssyncadd.remote.s32 $0x1  }
0xc0: {  	_ =	sfence.sel $0xFFFF  }
0xc1: {  	[dreg:$0x0] =	wrdreg $0xFFFFFFFF;
	(pc) =	sbr.abs _section_cstart, $3  }
0xc2: {  	[dreg:$0x1] =	wrdreg $0xFFFFFFFF  }
0xc3: {  	_ =	task.clear_ibuf [dreg:s7], $0x2FFFF;
	_ =	strace $0x9FFFFFFF  }
0xc4: {  	(tm) =	ssettm $0x7FFFFFFF  }
0xc5: {  	_ =	shalt  }
tec
execute0_lowered:
.L_overlay_start_1:
0x0: {  	(tag) =	ssettag $0x1  }
0x1: {  	s1 =	rddreg [dreg:$0x0]  }
0x2: {  	s0 =	rddreg [dreg:$0x1]  }
0x3: {  	s2 =	rddreg [dreg:$0x2]  }
0x4: {  	s19 =	rddreg [dreg:$0x3];
	s3 =	srdreg.scid;
	s4 =	simm.s32 $0x0  }
0x5: {  	s11 =	stileid.u32;
	s28 =	simm.s32 $0x80;
	s29 =	simm.s32 $0x3000  }
0x6: {  	s30 =	simm.s32 $0x100;
	s31 =	simm.s32 $0x5000;
	s13 =	simm.s32 $0x6  }
0x7: {  	s3 =	sand.u32 $0x1, s3;
	[smem:$0x7FF] =	sst s4;
	s8 =	smul.u32 $0x4F000, s11  }
0x8: {  	s7 =	smul.u32 $0x13C00, s11;
	s6 =	sadd.s32 $0x2400, s0;
	s24 =	sadd.s32 $0x2000, s19  }
0x9: {  	s5 =	smul.u32 $0x13C000, s3;
	_ =	strace $0x80000047;
	s8 =	sshrl.u32 s8, $0x2  }
0xa: {  	s9 =	smul.u32 $0x500, s3;
	[dreg:$0x10] =	wrdreg s24;
	s8 =	sadd.s32 s8, s2  }
0xb: {  	s10 =	ssub.s32 $0x2, s3;
	s15 =	sadd.s32 $0x2000, s8;
	[dreg:$0x6] =	wrdreg s8  }
0xc: {  	p0 =	seq.s32 s3, $0x0;
	s16 =	sadd.s32 $0x4000, s8;
	[dreg:$0x7] =	wrdreg s15  }
0xd: {  	s24 =	simm.s32 $0x9;
	s17 =	sadd.s32 $0x6000, s8;
	[dreg:$0x8] =	wrdreg s16  }
0xe: {  	s14 =	sshrl.u32 s10, $0x1;
	s18 =	sadd.s32 $0x8000, s8;
	[dreg:$0x9] =	wrdreg s17  }
0xf: {  	s5 =	sadd.s32 s7, s5;
	s12 =	sadd.s32 $0xA000, s8;
	[dreg:$0xa] =	wrdreg s18  }
0x10: {  	s7 =	sadd.s32 $0x16400, s0;
	s20 =	sadd.s32 $0xC000, s8;
	[dreg:$0xb] =	wrdreg s12  }
0x11: {  	s5 =	sshrl.u32 s5, $0x3;
	s21 =	sadd.s32 $0xE000, s8;
	[dreg:$0xc] =	wrdreg s20  }
0x12: {  	s22 =	sadd.s32 $0x10000, s8;
	s23 =	sadd.s32 $0x12000, s8;
	[dreg:$0xd] =	wrdreg s21  }
0x13: {  	s5 =	sadd.s32 s5, s0;
	s0 =	sadd.s32 s9, s0;
	[dreg:$0xe] =	wrdreg s22  }
0x14: {  	v0 =	vlaneseq.u32;
	s9 =	ssub.s32 s10, s14;
	s10 =	smul.u32 $0x5000, s11;
	[dreg:$0xf] =	wrdreg s23  }
0x15: {  	v1 =	vimm.f32 $0.0e+00;
	v6 =	vimm.f32 $1.000000000e+00;
	vm0 =	vcmask $0x704;
	s23 =	simm.s32 $0x1000;
	s12 =	simm.s32 $0x3;
	s14 =	simm.s32 $0x4  }
0x16: {  	vm1 =	vcmask $0xB08;
	vm2 =	vcmask $0xF0C;
	vm3 =	vcmask $0x1310;
	s15 =	simm.s32 $0x7;
	s16 =	simm.s32 $0x8;
	s25 =	sadd.s32 $0x2A400, s5  }
0x17: {  	vm4 =	vcmask $0x1714;
	vm5 =	vcmask $0x1B18;
	vm6 =	vcmask $0x1F1C;
	s0 =	sadd.s32 $0x79400, s0;
	s26 =	smax.u32 s9, $0x1;
	[dreg:$0x11] =	wrdreg s25  }
0x18: {  	vm7 =	vcmask $0x2320;
	vm8 =	vcmask $0x2724;
	vm9 =	vcmask $0x2B28;
	s5 =	simm.s32 $0x7000;
	s9 =	simm.s32 $0x9000;
	[dreg:$0x12] =	wrdreg s0  }
0x19: {  	vm10 =	vcmask $0x2F2C;
	vm11 =	vcmask $0x3330;
	vm12 =	vcmask $0x3734;
	s17 =	sadd.s32 $0x50000, s10;
	[dreg:$0x13] =	wrdreg s26;
	s25 =	simm.s32 $0x800  }
0x1a: {  	vm13 =	vcmask $0x3B38;
	vm14 =	vcmask $0x3F3C;
	v2 =	vor.u32 $0x10, v0;
	s26 =	simm.s32 $0x40;
	s0 =	simm.s32 $0x1;
	s17 =	smov.u32 @p0 s10  }
0x1b: {  	v3 =	vor.u32 $0x20, v0;
	v4 =	vor.u32 $0x30, v0;
	v5 =	vor.u32 $0x40, v0;
	p0 =	sne.s32 s11, $0x0;
	s10 =	simm.s32 $0x2;
	s11 =	simm.s32 $0x5  }
.LBB2_1:
0x1c: {  	s3 =	simm.s32 $0x0;
	s18 =	simm.s32 $0x200  }
.LBB2_2:
0x1d: {  	p1 =	sne.s32 s18, $0x7E00;
	[tilespmem:s3+$0x1070] =	vst v1  }
0x1e: {  	[tilespmem:s3+$0x1000] =	vst v1  }
0x1f: {  	[tilespmem:s3+$0x1010] =	vst v1  }
.Ltmp0:
0x20: {  	[tilespmem:s3+$0x1020] =	vst v1;
	(pc) =	sbr.rel @p1 .LBB2_2-.Ltmp0, $4  }
0x21: {  	[tilespmem:s3+$0x1030] =	vst v1  }
0x22: {  	[tilespmem:s3+$0x1040] =	vst v1  }
0x23: {  	[tilespmem:s3+$0x1050] =	vst v1  }
0x24: {  	[tilespmem:s3+$0x1060] =	vst v1;
	s3 =	sshra.s32 s18, $0x2;
	s18 =	sadd.s32 $0x200, s18  }
0x25: {  	[tilespmem:s3+$0x1070] =	vst v1  }
0x26: {  	[tilespmem:s3+$0x1000] =	vst v1  }
0x27: {  	[tilespmem:s3+$0x1010] =	vst v1  }
0x28: {  	[tilespmem:s3+$0x1020] =	vst v1  }
0x29: {  	[tilespmem:s3+$0x1030] =	vst v1  }
0x2a: {  	[tilespmem:s3+$0x1040] =	vst v1  }
0x2b: {  	[tilespmem:s3+$0x1050] =	vst v1  }
0x2c: {  	[tilespmem:s3+$0x1060] =	vst v1;
	s3 =	simm.s32 $0x0;
	s18 =	simm.s32 $0x200  }
.LBB2_4:
0x2d: {  	p1 =	sne.s32 s18, $0x9E00;
	[tilespmem:s3+$0x9070] =	vst v1  }
0x2e: {  	[tilespmem:s3+$0x9000] =	vst v1  }
0x2f: {  	[tilespmem:s3+$0x9010] =	vst v1  }
.Ltmp1:
0x30: {  	[tilespmem:s3+$0x9020] =	vst v1;
	(pc) =	sbr.rel @p1 .LBB2_4-.Ltmp1, $4  }
0x31: {  	[tilespmem:s3+$0x9030] =	vst v1  }
0x32: {  	[tilespmem:s3+$0x9040] =	vst v1  }
0x33: {  	[tilespmem:s3+$0x9050] =	vst v1  }
0x34: {  	[tilespmem:s3+$0x9060] =	vst v1;
	s3 =	sshra.s32 s18, $0x2;
	s18 =	sadd.s32 $0x200, s18  }
0x35: {  	[tilespmem:s3+$0x9070] =	vst v1  }
0x36: {  	[tilespmem:s3+$0x9000] =	vst v1  }
0x37: {  	[tilespmem:s3+$0x9010] =	vst v1  }
0x38: {  	[tilespmem:s3+$0x9020] =	vst v1  }
0x39: {  	[tilespmem:s3+$0x9030] =	vst v1  }
0x3a: {  	[tilespmem:s3+$0x9040] =	vst v1  }
0x3b: {  	[tilespmem:s3+$0x9050] =	vst v1  }
0x3c: {  	[tilespmem:s3+$0x9060] =	vst v1  }
0x3d: {  	[tilespmem:$0xB800] =	vst v0  }
0x3e: {  	[tilespmem:$0xB810] =	vst v2  }
0x3f: {  	[tilespmem:$0xB820] =	vst v3  }
0x40: {  	[tilespmem:$0xB830] =	vst v4  }
0x41: {  	[dreg:$0x5] =	wrdreg s4;
	[tilespmem:$0xB840] =	vst v5  }
0x42: {  	[spmem:s8] =	stream.linear.scatter [tilespmem:s23], [sflag:$0x9], $0x2000, $0x38;
	[tilespmem:$0x1F700] =	vst v63  }
0x43: {  	_ =	swait.ge [sflag:s24], $0x2000  }
0x44: {  	[sflag:s24] =	ssyncset.done $0x0  }
0x45: {  	s20 =	rddreg [dreg:$0x7];
	[sflag:s24] =	ssyncadd.s32 $0xFFFFE000  }
0x46: {  	[spmem:s20] =	stream.linear.scatter [tilespmem:s23], [sflag:$0x9], $0x2000, $0x38;
	[tilespmem:$0x1F700] =	vst v63  }
0x47: {  	_ =	swait.ge [sflag:s24], $0x2000  }
0x48: {  	[sflag:s24] =	ssyncset.done $0x0  }
0x49: {  	s21 =	rddreg [dreg:$0x8];
	[sflag:s24] =	ssyncadd.s32 $0xFFFFE000  }
0x4a: {  	[spmem:s21] =	stream.linear.scatter [tilespmem:s23], [sflag:$0x9], $0x2000, $0x38;
	[tilespmem:$0x1F700] =	vst v63  }
0x4b: {  	_ =	swait.ge [sflag:s24], $0x2000  }
0x4c: {  	[sflag:s24] =	ssyncset.done $0x0  }
0x4d: {  	s22 =	rddreg [dreg:$0x9];
	[sflag:s24] =	ssyncadd.s32 $0xFFFFE000  }
0x4e: {  	[spmem:s22] =	stream.linear.scatter [tilespmem:s23], [sflag:$0x9], $0x2000, $0x38;
	[tilespmem:$0x1F700] =	vst v63  }
0x4f: {  	_ =	swait.ge [sflag:s24], $0x2000  }
0x50: {  	[sflag:s24] =	ssyncset.done $0x0  }
0x51: {  	s4 =	rddreg [dreg:$0xa];
	[sflag:s24] =	ssyncadd.s32 $0xFFFFE000  }
0x52: {  	[spmem:s4] =	stream.linear.scatter [tilespmem:s23], [sflag:$0x9], $0x2000, $0x38;
	[tilespmem:$0x1F700] =	vst v63  }
0x53: {  	_ =	swait.ge [sflag:s24], $0x2000  }
0x54: {  	[sflag:s24] =	ssyncset.done $0x0  }
0x55: {  	s8 =	rddreg [dreg:$0xb];
	[sflag:s24] =	ssyncadd.s32 $0xFFFFE000  }
0x56: {  	[spmem:s8] =	stream.linear.scatter [tilespmem:s23], [sflag:$0x9], $0x2000, $0x38;
	[tilespmem:$0x1F700] =	vst v63  }
0x57: {  	_ =	swait.ge [sflag:s24], $0x2000  }
0x58: {  	[sflag:s24] =	ssyncset.done $0x0  }
0x59: {  	s18 =	rddreg [dreg:$0xc];
	[sflag:s24] =	ssyncadd.s32 $0xFFFFE000  }
0x5a: {  	[spmem:s18] =	stream.linear.scatter [tilespmem:s23], [sflag:$0x9], $0x2000, $0x38;
	[tilespmem:$0x1F700] =	vst v63  }
0x5b: {  	_ =	swait.ge [sflag:s24], $0x2000  }
0x5c: {  	[sflag:s24] =	ssyncset.done $0x0  }
0x5d: {  	s20 =	rddreg [dreg:$0xd];
	[sflag:s24] =	ssyncadd.s32 $0xFFFFE000  }
0x5e: {  	[spmem:s20] =	stream.linear.scatter [tilespmem:s23], [sflag:$0x9], $0x2000, $0x38;
	[tilespmem:$0x1F700] =	vst v63  }
0x5f: {  	_ =	swait.ge [sflag:s24], $0x2000  }
0x60: {  	[sflag:s24] =	ssyncset.done $0x0  }
0x61: {  	s21 =	rddreg [dreg:$0xe];
	[sflag:s24] =	ssyncadd.s32 $0xFFFFE000  }
0x62: {  	[spmem:s21] =	stream.linear.scatter [tilespmem:s23], [sflag:$0x9], $0x2000, $0x38;
	[tilespmem:$0x1F700] =	vst v63  }
0x63: {  	_ =	swait.ge [sflag:s24], $0x2000  }
0x64: {  	[sflag:s24] =	ssyncset.done $0x0  }
0x65: {  	s22 =	rddreg [dreg:$0xf];
	[sflag:s24] =	ssyncadd.s32 $0xFFFFE000  }
0x66: {  	[spmem:s22] =	stream.linear.scatter [tilespmem:s23], [sflag:$0x9], $0x1C00, $0x38;
	[tilespmem:$0x1F700] =	vst v63  }
0x67: {  	_ =	swait.ge [sflag:s24], $0x1C00  }
0x68: {  	[sflag:s24] =	ssyncset.done $0x0  }
0x69: {  	s3 =	simm.s32 @!p0 $0x1000;
	s18 =	simm.s32 @!p0 $0x9;
	[sflag:s24] =	ssyncadd.s32 $0xFFFFE400  }
0x6a: {  	[spmem:s19] =	stream.linear.scatter @!p0 [tilespmem:s3], [sflag:$0x9], $0x2000, $0x38;
	[tilespmem:$0x1F700] =	vst v63  }
0x6b: {  	_ =	swait.ge @!p0 [sflag:s18], $0x2000  }
0x6c: {  	[sflag:s18] =	ssyncset.done @!p0 $0x0  }
0x6d: {  	s4 =	rddreg [dreg:$0x10];
	[sflag:s18] =	ssyncadd.s32 @!p0 $0xFFFFE000  }
0x6e: {  	[spmem:s4] =	stream.linear.scatter @!p0 [tilespmem:s3], [sflag:$0x9], $0x800, $0x38;
	[tilespmem:$0x1F700] =	vst v63  }
0x6f: {  	_ =	swait.ge @!p0 [sflag:s18], $0x800  }
0x70: {  	[sflag:s18] =	ssyncset.done @!p0 $0x0  }
0x71: {  	[sflag:s18] =	ssyncadd.s32 @!p0 $0xFFFFF800  }
0x72: {  	s19 =	simm.s32 $0x0;
	s18 =	simm.s32 $0x0;
	[bflag:$0x0] =	sbarrier.arrive $0xFFFF  }
.LBB2_6:
0x73: {  	s3 =	sshll.u32 s19, $0xB  }
0x74: {  	s3 =	sadd.s32 s17, s3  }
0x75: {  	s3 =	sshrl.u32 s3, $0x3  }
0x76: {  	s20 =	sadd.s32 s6, s3  }
0x77: {  	[tilespmem:s18], [sflag:$0x9] =	stream.linear.gather [hbm4b:s20+s18], $0x800, $0x38;
	[tilespmem:$0x1F700] =	vst v63  }
0x78: {  	_ =	swait.ge [sflag:s24], $0x800  }
0x79: {  	[sflag:s24] =	ssyncset.done $0x0  }
0x7a: {  	s3 =	sadd.s32 s7, s3;
	[sflag:s24] =	ssyncadd.s32 $0xFFFFF800  }
0x7b: {  	[tilespmem:s25], [sflag:$0x9] =	stream.linear.gather [hbm4b:s3+s18], $0x800, $0x38;
	[tilespmem:$0x1F700] =	vst v63  }
0x7c: {  	_ =	swait.ge [sflag:s24], $0x800  }
0x7d: {  	[sflag:s24] =	ssyncset.done $0x0  }
0x7e: {  	[sflag:s24] =	ssyncadd.s32 $0xFFFFF800  }
0x7f: {  	[tilespmem:s23], [sflag:$0x1] =	stream.indirect.gather [hbm4b:s1+s26], $0x80, s18, s26, $0xb8;
	[tilespmem:$0x1F700] =	vst v63  }
0x80: {  	_ = 	snop  }
0x81: {  	[tilespmem:s29], [sflag:$0x2] =	stream.indirect.gather [hbm4b:s1+s26], $0x80, s28, s26, $0xb8;
	[tilespmem:$0x1F700] =	vst v63  }
0x82: {  	s20 =	simm.s32 $0x0  }
0x83: {  	[tilespmem:s31], [sflag:$0x3] =	stream.indirect.gather [hbm4b:s1+s26], $0x80, s30, s26, $0xb8;
	[tilespmem:$0x1F700] =	vst v63  }
.LBB2_7:
0x84: {  	_ =	swait.ge [sflag:s0], $0x2000  }
0x85: {  	p1 =	seq.s32 s20, $0x0;
	[sflag:s0] =	ssyncset.done $0x0  }
0x86: {  	s3 =	simm.s32 @!p1 $0x8;
	[sflag:s0] =	ssyncadd.s32 $0xFFFFE000  }
0x87: {  	_ =	swait.ge @!p1 [sflag:s3], $0x2000  }
0x88: {  	s21 =	sshra.s32 s20, $0x2;
	[sflag:s3] =	ssyncset.done @!p1 $0x0  }
0x89: {  	s22 =	sadd.s32 $0x180, s21;
	[sflag:s3] =	ssyncadd.s32 @!p1 $0xFFFFE000  }
0x8a: {  	[tilespmem:s5], [sflag:$0x4] =	stream.indirect.gather [hbm4b:s1+s26], $0x80, s22, s26, $0xb8;
	[tilespmem:$0x1F700] =	vst v63  }
0x8b: {  	s4 =	sadd.s32 $0x800, s21  }
0x8c: {  	[spmem:s2] =	stream.indirect.scatter.add.f32 [tilespmem:s23], [sflag:$0x5], $0x80, s4, s26, $0xb8;
	[tilespmem:$0x1F700] =	vst v63  }
0x8d: {  	v7 =	vld [tilespmem:s21+$0x800];
	_ =	sdelay $0x7  }
0x8e: {  	[tilespmem:v7+s9+$0x0] =	vst.idx.add.f32.msk $0x1, v6  }
0x8f: {  	[tilespmem:v7+s9+$0x0] =	vst.idx.add.f32.msk vm0, v6  }
0x90: {  	[tilespmem:v7+s9+$0x0] =	vst.idx.add.f32.msk vm1, v6  }
0x91: {  	[tilespmem:v7+s9+$0x0] =	vst.idx.add.f32.msk vm2, v6  }
0x92: {  	[tilespmem:v7+s9+$0x0] =	vst.idx.add.f32.msk vm3, v6  }
0x93: {  	[tilespmem:v7+s9+$0x0] =	vst.idx.add.f32.msk vm4, v6  }
0x94: {  	[tilespmem:v7+s9+$0x0] =	vst.idx.add.f32.msk vm5, v6  }
0x95: {  	[tilespmem:v7+s9+$0x0] =	vst.idx.add.f32.msk vm6, v6  }
0x96: {  	[tilespmem:v7+s9+$0x0] =	vst.idx.add.f32.msk vm7, v6  }
0x97: {  	[tilespmem:v7+s9+$0x0] =	vst.idx.add.f32.msk vm8, v6  }
0x98: {  	[tilespmem:v7+s9+$0x0] =	vst.idx.add.f32.msk vm9, v6  }
0x99: {  	[tilespmem:v7+s9+$0x0] =	vst.idx.add.f32.msk vm10, v6  }
0x9a: {  	[tilespmem:v7+s9+$0x0] =	vst.idx.add.f32.msk vm11, v6  }
0x9b: {  	[tilespmem:v7+s9+$0x0] =	vst.idx.add.f32.msk vm12, v6  }
0x9c: {  	[tilespmem:v7+s9+$0x0] =	vst.idx.add.f32.msk vm13, v6  }
0x9d: {  	[tilespmem:v7+s9+$0x0] =	vst.idx.add.f32.msk vm14, v6  }
0x9e: {  	v7 =	vld [tilespmem:s21+$0x810];
	_ =	sdelay $0x7  }
0x9f: {  	[tilespmem:v7+s9+$0x0] =	vst.idx.add.f32.msk $0x1, v6  }
0xa0: {  	[tilespmem:v7+s9+$0x0] =	vst.idx.add.f32.msk vm0, v6  }
0xa1: {  	[tilespmem:v7+s9+$0x0] =	vst.idx.add.f32.msk vm1, v6  }
0xa2: {  	[tilespmem:v7+s9+$0x0] =	vst.idx.add.f32.msk vm2, v6  }
0xa3: {  	[tilespmem:v7+s9+$0x0] =	vst.idx.add.f32.msk vm3, v6  }
0xa4: {  	[tilespmem:v7+s9+$0x0] =	vst.idx.add.f32.msk vm4, v6  }
0xa5: {  	[tilespmem:v7+s9+$0x0] =	vst.idx.add.f32.msk vm5, v6  }
0xa6: {  	[tilespmem:v7+s9+$0x0] =	vst.idx.add.f32.msk vm6, v6  }
0xa7: {  	[tilespmem:v7+s9+$0x0] =	vst.idx.add.f32.msk vm7, v6  }
0xa8: {  	[tilespmem:v7+s9+$0x0] =	vst.idx.add.f32.msk vm8, v6  }
0xa9: {  	[tilespmem:v7+s9+$0x0] =	vst.idx.add.f32.msk vm9, v6  }
0xaa: {  	[tilespmem:v7+s9+$0x0] =	vst.idx.add.f32.msk vm10, v6  }
0xab: {  	[tilespmem:v7+s9+$0x0] =	vst.idx.add.f32.msk vm11, v6  }
0xac: {  	[tilespmem:v7+s9+$0x0] =	vst.idx.add.f32.msk vm12, v6  }
0xad: {  	[tilespmem:v7+s9+$0x0] =	vst.idx.add.f32.msk vm13, v6  }
0xae: {  	[tilespmem:v7+s9+$0x0] =	vst.idx.add.f32.msk vm14, v6  }
0xaf: {  	v7 =	vld [tilespmem:s21+$0x820];
	_ =	sdelay $0x7  }
0xb0: {  	[tilespmem:v7+s9+$0x0] =	vst.idx.add.f32.msk $0x1, v6  }
0xb1: {  	[tilespmem:v7+s9+$0x0] =	vst.idx.add.f32.msk vm0, v6  }
0xb2: {  	[tilespmem:v7+s9+$0x0] =	vst.idx.add.f32.msk vm1, v6  }
0xb3: {  	[tilespmem:v7+s9+$0x0] =	vst.idx.add.f32.msk vm2, v6  }
0xb4: {  	[tilespmem:v7+s9+$0x0] =	vst.idx.add.f32.msk vm3, v6  }
0xb5: {  	[tilespmem:v7+s9+$0x0] =	vst.idx.add.f32.msk vm4, v6  }
0xb6: {  	[tilespmem:v7+s9+$0x0] =	vst.idx.add.f32.msk vm5, v6  }
0xb7: {  	[tilespmem:v7+s9+$0x0] =	vst.idx.add.f32.msk vm6, v6  }
0xb8: {  	[tilespmem:v7+s9+$0x0] =	vst.idx.add.f32.msk vm7, v6  }
0xb9: {  	[tilespmem:v7+s9+$0x0] =	vst.idx.add.f32.msk vm8, v6  }
0xba: {  	[tilespmem:v7+s9+$0x0] =	vst.idx.add.f32.msk vm9, v6  }
0xbb: {  	[tilespmem:v7+s9+$0x0] =	vst.idx.add.f32.msk vm10, v6  }
0xbc: {  	[tilespmem:v7+s9+$0x0] =	vst.idx.add.f32.msk vm11, v6  }
0xbd: {  	[tilespmem:v7+s9+$0x0] =	vst.idx.add.f32.msk vm12, v6  }
0xbe: {  	[tilespmem:v7+s9+$0x0] =	vst.idx.add.f32.msk vm13, v6  }
0xbf: {  	[tilespmem:v7+s9+$0x0] =	vst.idx.add.f32.msk vm14, v6  }
0xc0: {  	v7 =	vld [tilespmem:s21+$0x830];
	_ =	sdelay $0x7  }
0xc1: {  	[tilespmem:v7+s9+$0x0] =	vst.idx.add.f32.msk $0x1, v6  }
0xc2: {  	[tilespmem:v7+s9+$0x0] =	vst.idx.add.f32.msk vm0, v6  }
0xc3: {  	[tilespmem:v7+s9+$0x0] =	vst.idx.add.f32.msk vm1, v6  }
0xc4: {  	[tilespmem:v7+s9+$0x0] =	vst.idx.add.f32.msk vm2, v6  }
0xc5: {  	[tilespmem:v7+s9+$0x0] =	vst.idx.add.f32.msk vm3, v6  }
0xc6: {  	[tilespmem:v7+s9+$0x0] =	vst.idx.add.f32.msk vm4, v6  }
0xc7: {  	[tilespmem:v7+s9+$0x0] =	vst.idx.add.f32.msk vm5, v6  }
0xc8: {  	[tilespmem:v7+s9+$0x0] =	vst.idx.add.f32.msk vm6, v6  }
0xc9: {  	[tilespmem:v7+s9+$0x0] =	vst.idx.add.f32.msk vm7, v6  }
0xca: {  	[tilespmem:v7+s9+$0x0] =	vst.idx.add.f32.msk vm8, v6  }
0xcb: {  	[tilespmem:v7+s9+$0x0] =	vst.idx.add.f32.msk vm9, v6  }
0xcc: {  	[tilespmem:v7+s9+$0x0] =	vst.idx.add.f32.msk vm10, v6  }
0xcd: {  	[tilespmem:v7+s9+$0x0] =	vst.idx.add.f32.msk vm11, v6  }
0xce: {  	[tilespmem:v7+s9+$0x0] =	vst.idx.add.f32.msk vm12, v6  }
0xcf: {  	[tilespmem:v7+s9+$0x0] =	vst.idx.add.f32.msk vm13, v6  }
0xd0: {  	[tilespmem:v7+s9+$0x0] =	vst.idx.add.f32.msk vm14, v6  }
0xd1: {  	_ =	swait.ge [sflag:s10], $0x2000  }
0xd2: {  	[sflag:s10] =	ssyncset.done $0x0  }
0xd3: {  	[sflag:s10] =	ssyncadd.s32 $0xFFFFE000  }
0xd4: {  	p1 =	seq.s32 s20, $0x1800;
	_ =	swait.ge [sflag:s11], $0x2000  }
0xd5: {  	s22 =	sshra.s32 @!p1 s20, $0x2;
	s3 =	simm.s32 @!p1 $0x40;
	[sflag:s11] =	ssyncset.done $0x0  }
0xd6: {  	s8 =	sadd.s32 @!p1 $0x200, s22;
	s4 =	simm.s32 @!p1 $0x1000;
	[sflag:s11] =	ssyncadd.s32 $0xFFFFE000  }
0xd7: {  	[tilespmem:s4], [sflag:$0x1] =	stream.indirect.gather @!p1 [hbm4b:s1+s3], $0x80, s8, s3, $0xb8;
	[tilespmem:$0x1F700] =	vst v63  }
0xd8: {  	s8 =	sadd.s32 $0x880, s21  }
0xd9: {  	[spmem:s2] =	stream.indirect.scatter.add.f32 [tilespmem:s29], [sflag:$0x6], $0x80, s8, s26, $0xb8;
	[tilespmem:$0x1F700] =	vst v63  }
0xda: {  	v7 =	vld [tilespmem:s21+$0x880];
	_ =	sdelay $0x7  }
0xdb: {  	[tilespmem:v7+s9+$0x0] =	vst.idx.add.f32.msk $0x1, v6  }
0xdc: {  	[tilespmem:v7+s9+$0x0] =	vst.idx.add.f32.msk vm0, v6  }
0xdd: {  	[tilespmem:v7+s9+$0x0] =	vst.idx.add.f32.msk vm1, v6  }
0xde: {  	[tilespmem:v7+s9+$0x0] =	vst.idx.add.f32.msk vm2, v6  }
0xdf: {  	[tilespmem:v7+s9+$0x0] =	vst.idx.add.f32.msk vm3, v6  }
0xe0: {  	[tilespmem:v7+s9+$0x0] =	vst.idx.add.f32.msk vm4, v6  }
0xe1: {  	[tilespmem:v7+s9+$0x0] =	vst.idx.add.f32.msk vm5, v6  }
0xe2: {  	[tilespmem:v7+s9+$0x0] =	vst.idx.add.f32.msk vm6, v6  }
0xe3: {  	[tilespmem:v7+s9+$0x0] =	vst.idx.add.f32.msk vm7, v6  }
0xe4: {  	[tilespmem:v7+s9+$0x0] =	vst.idx.add.f32.msk vm8, v6  }
0xe5: {  	[tilespmem:v7+s9+$0x0] =	vst.idx.add.f32.msk vm9, v6  }
0xe6: {  	[tilespmem:v7+s9+$0x0] =	vst.idx.add.f32.msk vm10, v6  }
0xe7: {  	[tilespmem:v7+s9+$0x0] =	vst.idx.add.f32.msk vm11, v6  }
0xe8: {  	[tilespmem:v7+s9+$0x0] =	vst.idx.add.f32.msk vm12, v6  }
0xe9: {  	[tilespmem:v7+s9+$0x0] =	vst.idx.add.f32.msk vm13, v6  }
0xea: {  	[tilespmem:v7+s9+$0x0] =	vst.idx.add.f32.msk vm14, v6  }
0xeb: {  	v7 =	vld [tilespmem:s21+$0x890];
	_ =	sdelay $0x7  }
0xec: {  	[tilespmem:v7+s9+$0x0] =	vst.idx.add.f32.msk $0x1, v6  }
0xed: {  	[tilespmem:v7+s9+$0x0] =	vst.idx.add.f32.msk vm0, v6  }
0xee: {  	[tilespmem:v7+s9+$0x0] =	vst.idx.add.f32.msk vm1, v6  }
0xef: {  	[tilespmem:v7+s9+$0x0] =	vst.idx.add.f32.msk vm2, v6  }
0xf0: {  	[tilespmem:v7+s9+$0x0] =	vst.idx.add.f32.msk vm3, v6  }
0xf1: {  	[tilespmem:v7+s9+$0x0] =	vst.idx.add.f32.msk vm4, v6  }
0xf2: {  	[tilespmem:v7+s9+$0x0] =	vst.idx.add.f32.msk vm5, v6  }
0xf3: {  	[tilespmem:v7+s9+$0x0] =	vst.idx.add.f32.msk vm6, v6  }
0xf4: {  	[tilespmem:v7+s9+$0x0] =	vst.idx.add.f32.msk vm7, v6  }
0xf5: {  	[tilespmem:v7+s9+$0x0] =	vst.idx.add.f32.msk vm8, v6  }
0xf6: {  	[tilespmem:v7+s9+$0x0] =	vst.idx.add.f32.msk vm9, v6  }
0xf7: {  	[tilespmem:v7+s9+$0x0] =	vst.idx.add.f32.msk vm10, v6  }
0xf8: {  	[tilespmem:v7+s9+$0x0] =	vst.idx.add.f32.msk vm11, v6  }
0xf9: {  	[tilespmem:v7+s9+$0x0] =	vst.idx.add.f32.msk vm12, v6  }
0xfa: {  	[tilespmem:v7+s9+$0x0] =	vst.idx.add.f32.msk vm13, v6  }
0xfb: {  	[tilespmem:v7+s9+$0x0] =	vst.idx.add.f32.msk vm14, v6  }
0xfc: {  	v7 =	vld [tilespmem:s21+$0x8A0];
	_ =	sdelay $0x7  }
0xfd: {  	[tilespmem:v7+s9+$0x0] =	vst.idx.add.f32.msk $0x1, v6  }
0xfe: {  	[tilespmem:v7+s9+$0x0] =	vst.idx.add.f32.msk vm0, v6  }
0xff: {  	[tilespmem:v7+s9+$0x0] =	vst.idx.add.f32.msk vm1, v6  }
0x100: {  	[tilespmem:v7+s9+$0x0] =	vst.idx.add.f32.msk vm2, v6  }
0x101: {  	[tilespmem:v7+s9+$0x0] =	vst.idx.add.f32.msk vm3, v6  }
0x102: {  	[tilespmem:v7+s9+$0x0] =	vst.idx.add.f32.msk vm4, v6  }
0x103: {  	[tilespmem:v7+s9+$0x0] =	vst.idx.add.f32.msk vm5, v6  }
0x104: {  	[tilespmem:v7+s9+$0x0] =	vst.idx.add.f32.msk vm6, v6  }
0x105: {  	[tilespmem:v7+s9+$0x0] =	vst.idx.add.f32.msk vm7, v6  }
0x106: {  	[tilespmem:v7+s9+$0x0] =	vst.idx.add.f32.msk vm8, v6  }
0x107: {  	[tilespmem:v7+s9+$0x0] =	vst.idx.add.f32.msk vm9, v6  }
0x108: {  	[tilespmem:v7+s9+$0x0] =	vst.idx.add.f32.msk vm10, v6  }
0x109: {  	[tilespmem:v7+s9+$0x0] =	vst.idx.add.f32.msk vm11, v6  }
0x10a: {  	[tilespmem:v7+s9+$0x0] =	vst.idx.add.f32.msk vm12, v6  }
0x10b: {  	[tilespmem:v7+s9+$0x0] =	vst.idx.add.f32.msk vm13, v6  }
0x10c: {  	[tilespmem:v7+s9+$0x0] =	vst.idx.add.f32.msk vm14, v6  }
0x10d: {  	v7 =	vld [tilespmem:s21+$0x8B0];
	_ =	sdelay $0x7  }
0x10e: {  	[tilespmem:v7+s9+$0x0] =	vst.idx.add.f32.msk $0x1, v6  }
0x10f: {  	[tilespmem:v7+s9+$0x0] =	vst.idx.add.f32.msk vm0, v6  }
0x110: {  	[tilespmem:v7+s9+$0x0] =	vst.idx.add.f32.msk vm1, v6  }
0x111: {  	[tilespmem:v7+s9+$0x0] =	vst.idx.add.f32.msk vm2, v6  }
0x112: {  	[tilespmem:v7+s9+$0x0] =	vst.idx.add.f32.msk vm3, v6  }
0x113: {  	[tilespmem:v7+s9+$0x0] =	vst.idx.add.f32.msk vm4, v6  }
0x114: {  	[tilespmem:v7+s9+$0x0] =	vst.idx.add.f32.msk vm5, v6  }
0x115: {  	[tilespmem:v7+s9+$0x0] =	vst.idx.add.f32.msk vm6, v6  }
0x116: {  	[tilespmem:v7+s9+$0x0] =	vst.idx.add.f32.msk vm7, v6  }
0x117: {  	[tilespmem:v7+s9+$0x0] =	vst.idx.add.f32.msk vm8, v6  }
0x118: {  	[tilespmem:v7+s9+$0x0] =	vst.idx.add.f32.msk vm9, v6  }
0x119: {  	[tilespmem:v7+s9+$0x0] =	vst.idx.add.f32.msk vm10, v6  }
0x11a: {  	[tilespmem:v7+s9+$0x0] =	vst.idx.add.f32.msk vm11, v6  }
0x11b: {  	[tilespmem:v7+s9+$0x0] =	vst.idx.add.f32.msk vm12, v6  }
0x11c: {  	[tilespmem:v7+s9+$0x0] =	vst.idx.add.f32.msk vm13, v6  }
0x11d: {  	[tilespmem:v7+s9+$0x0] =	vst.idx.add.f32.msk vm14, v6  }
0x11e: {  	_ =	swait.ge [sflag:s12], $0x2000  }
0x11f: {  	[sflag:s12] =	ssyncset.done $0x0  }
0x120: {  	[sflag:s12] =	ssyncadd.s32 $0xFFFFE000  }
0x121: {  	_ =	swait.ge [sflag:s13], $0x2000  }
0x122: {  	[sflag:s13] =	ssyncset.done $0x0  }
0x123: {  	s4 =	sadd.s32 @!p1 $0x280, s22;
	s8 =	simm.s32 @!p1 $0x3000;
	[sflag:s13] =	ssyncadd.s32 $0xFFFFE000  }
0x124: {  	[tilespmem:s8], [sflag:$0x2] =	stream.indirect.gather @!p1 [hbm4b:s1+s3], $0x80, s4, s3, $0xb8;
	[tilespmem:$0x1F700] =	vst v63  }
0x125: {  	s8 =	sadd.s32 $0x900, s21  }
0x126: {  	[spmem:s2] =	stream.indirect.scatter.add.f32 [tilespmem:s31], [sflag:$0x7], $0x80, s8, s26, $0xb8;
	[tilespmem:$0x1F700] =	vst v63  }
0x127: {  	v7 =	vld [tilespmem:s21+$0x900];
	_ =	sdelay $0x7  }
0x128: {  	[tilespmem:v7+s9+$0x0] =	vst.idx.add.f32.msk $0x1, v6  }
0x129: {  	[tilespmem:v7+s9+$0x0] =	vst.idx.add.f32.msk vm0, v6  }
0x12a: {  	[tilespmem:v7+s9+$0x0] =	vst.idx.add.f32.msk vm1, v6  }
0x12b: {  	[tilespmem:v7+s9+$0x0] =	vst.idx.add.f32.msk vm2, v6  }
0x12c: {  	[tilespmem:v7+s9+$0x0] =	vst.idx.add.f32.msk vm3, v6  }
0x12d: {  	[tilespmem:v7+s9+$0x0] =	vst.idx.add.f32.msk vm4, v6  }
0x12e: {  	[tilespmem:v7+s9+$0x0] =	vst.idx.add.f32.msk vm5, v6  }
0x12f: {  	[tilespmem:v7+s9+$0x0] =	vst.idx.add.f32.msk vm6, v6  }
0x130: {  	[tilespmem:v7+s9+$0x0] =	vst.idx.add.f32.msk vm7, v6  }
0x131: {  	[tilespmem:v7+s9+$0x0] =	vst.idx.add.f32.msk vm8, v6  }
0x132: {  	[tilespmem:v7+s9+$0x0] =	vst.idx.add.f32.msk vm9, v6  }
0x133: {  	[tilespmem:v7+s9+$0x0] =	vst.idx.add.f32.msk vm10, v6  }
0x134: {  	[tilespmem:v7+s9+$0x0] =	vst.idx.add.f32.msk vm11, v6  }
0x135: {  	[tilespmem:v7+s9+$0x0] =	vst.idx.add.f32.msk vm12, v6  }
0x136: {  	[tilespmem:v7+s9+$0x0] =	vst.idx.add.f32.msk vm13, v6  }
0x137: {  	[tilespmem:v7+s9+$0x0] =	vst.idx.add.f32.msk vm14, v6  }
0x138: {  	v7 =	vld [tilespmem:s21+$0x910];
	_ =	sdelay $0x7  }
0x139: {  	[tilespmem:v7+s9+$0x0] =	vst.idx.add.f32.msk $0x1, v6  }
0x13a: {  	[tilespmem:v7+s9+$0x0] =	vst.idx.add.f32.msk vm0, v6  }
0x13b: {  	[tilespmem:v7+s9+$0x0] =	vst.idx.add.f32.msk vm1, v6  }
0x13c: {  	[tilespmem:v7+s9+$0x0] =	vst.idx.add.f32.msk vm2, v6  }
0x13d: {  	[tilespmem:v7+s9+$0x0] =	vst.idx.add.f32.msk vm3, v6  }
0x13e: {  	[tilespmem:v7+s9+$0x0] =	vst.idx.add.f32.msk vm4, v6  }
0x13f: {  	[tilespmem:v7+s9+$0x0] =	vst.idx.add.f32.msk vm5, v6  }
0x140: {  	[tilespmem:v7+s9+$0x0] =	vst.idx.add.f32.msk vm6, v6  }
0x141: {  	[tilespmem:v7+s9+$0x0] =	vst.idx.add.f32.msk vm7, v6  }
0x142: {  	[tilespmem:v7+s9+$0x0] =	vst.idx.add.f32.msk vm8, v6  }
0x143: {  	[tilespmem:v7+s9+$0x0] =	vst.idx.add.f32.msk vm9, v6  }
0x144: {  	[tilespmem:v7+s9+$0x0] =	vst.idx.add.f32.msk vm10, v6  }
0x145: {  	[tilespmem:v7+s9+$0x0] =	vst.idx.add.f32.msk vm11, v6  }
0x146: {  	[tilespmem:v7+s9+$0x0] =	vst.idx.add.f32.msk vm12, v6  }
0x147: {  	[tilespmem:v7+s9+$0x0] =	vst.idx.add.f32.msk vm13, v6  }
0x148: {  	[tilespmem:v7+s9+$0x0] =	vst.idx.add.f32.msk vm14, v6  }
0x149: {  	v7 =	vld [tilespmem:s21+$0x920];
	_ =	sdelay $0x7  }
0x14a: {  	[tilespmem:v7+s9+$0x0] =	vst.idx.add.f32.msk $0x1, v6  }
0x14b: {  	[tilespmem:v7+s9+$0x0] =	vst.idx.add.f32.msk vm0, v6  }
0x14c: {  	[tilespmem:v7+s9+$0x0] =	vst.idx.add.f32.msk vm1, v6  }
0x14d: {  	[tilespmem:v7+s9+$0x0] =	vst.idx.add.f32.msk vm2, v6  }
0x14e: {  	[tilespmem:v7+s9+$0x0] =	vst.idx.add.f32.msk vm3, v6  }
0x14f: {  	[tilespmem:v7+s9+$0x0] =	vst.idx.add.f32.msk vm4, v6  }
0x150: {  	[tilespmem:v7+s9+$0x0] =	vst.idx.add.f32.msk vm5, v6  }
0x151: {  	[tilespmem:v7+s9+$0x0] =	vst.idx.add.f32.msk vm6, v6  }
0x152: {  	[tilespmem:v7+s9+$0x0] =	vst.idx.add.f32.msk vm7, v6  }
0x153: {  	[tilespmem:v7+s9+$0x0] =	vst.idx.add.f32.msk vm8, v6  }
0x154: {  	[tilespmem:v7+s9+$0x0] =	vst.idx.add.f32.msk vm9, v6  }
0x155: {  	[tilespmem:v7+s9+$0x0] =	vst.idx.add.f32.msk vm10, v6  }
0x156: {  	[tilespmem:v7+s9+$0x0] =	vst.idx.add.f32.msk vm11, v6  }
0x157: {  	[tilespmem:v7+s9+$0x0] =	vst.idx.add.f32.msk vm12, v6  }
0x158: {  	[tilespmem:v7+s9+$0x0] =	vst.idx.add.f32.msk vm13, v6  }
0x159: {  	[tilespmem:v7+s9+$0x0] =	vst.idx.add.f32.msk vm14, v6  }
0x15a: {  	v7 =	vld [tilespmem:s21+$0x930];
	_ =	sdelay $0x7  }
0x15b: {  	[tilespmem:v7+s9+$0x0] =	vst.idx.add.f32.msk $0x1, v6  }
0x15c: {  	[tilespmem:v7+s9+$0x0] =	vst.idx.add.f32.msk vm0, v6  }
0x15d: {  	[tilespmem:v7+s9+$0x0] =	vst.idx.add.f32.msk vm1, v6  }
0x15e: {  	[tilespmem:v7+s9+$0x0] =	vst.idx.add.f32.msk vm2, v6  }
0x15f: {  	[tilespmem:v7+s9+$0x0] =	vst.idx.add.f32.msk vm3, v6  }
0x160: {  	[tilespmem:v7+s9+$0x0] =	vst.idx.add.f32.msk vm4, v6  }
0x161: {  	[tilespmem:v7+s9+$0x0] =	vst.idx.add.f32.msk vm5, v6  }
0x162: {  	[tilespmem:v7+s9+$0x0] =	vst.idx.add.f32.msk vm6, v6  }
0x163: {  	[tilespmem:v7+s9+$0x0] =	vst.idx.add.f32.msk vm7, v6  }
0x164: {  	[tilespmem:v7+s9+$0x0] =	vst.idx.add.f32.msk vm8, v6  }
0x165: {  	[tilespmem:v7+s9+$0x0] =	vst.idx.add.f32.msk vm9, v6  }
0x166: {  	[tilespmem:v7+s9+$0x0] =	vst.idx.add.f32.msk vm10, v6  }
0x167: {  	[tilespmem:v7+s9+$0x0] =	vst.idx.add.f32.msk vm11, v6  }
0x168: {  	[tilespmem:v7+s9+$0x0] =	vst.idx.add.f32.msk vm12, v6  }
0x169: {  	[tilespmem:v7+s9+$0x0] =	vst.idx.add.f32.msk vm13, v6  }
0x16a: {  	[tilespmem:v7+s9+$0x0] =	vst.idx.add.f32.msk vm14, v6  }
0x16b: {  	_ =	swait.ge [sflag:s14], $0x2000  }
0x16c: {  	[sflag:s14] =	ssyncset.done $0x0  }
0x16d: {  	[sflag:s14] =	ssyncadd.s32 $0xFFFFE000  }
0x16e: {  	_ =	swait.ge [sflag:s15], $0x2000  }
0x16f: {  	[sflag:s15] =	ssyncset.done $0x0  }
0x170: {  	s4 =	sadd.s32 @!p1 $0x300, s22;
	s8 =	simm.s32 @!p1 $0x5000;
	[sflag:s15] =	ssyncadd.s32 $0xFFFFE000  }
0x171: {  	[tilespmem:s8], [sflag:$0x3] =	stream.indirect.gather @!p1 [hbm4b:s1+s3], $0x80, s4, s3, $0xb8;
	[tilespmem:$0x1F700] =	vst v63  }
0x172: {  	s22 =	sadd.s32 $0x980, s21  }
0x173: {  	[spmem:s2] =	stream.indirect.scatter.add.f32 [tilespmem:s5], [sflag:$0x8], $0x80, s22, s26, $0xb8;
	[tilespmem:$0x1F700] =	vst v63  }
0x174: {  	v7 =	vld [tilespmem:s21+$0x980];
	_ =	sdelay $0x7  }
0x175: {  	[tilespmem:v7+s9+$0x0] =	vst.idx.add.f32.msk $0x1, v6  }
0x176: {  	[tilespmem:v7+s9+$0x0] =	vst.idx.add.f32.msk vm0, v6  }
0x177: {  	[tilespmem:v7+s9+$0x0] =	vst.idx.add.f32.msk vm1, v6  }
0x178: {  	[tilespmem:v7+s9+$0x0] =	vst.idx.add.f32.msk vm2, v6  }
0x179: {  	[tilespmem:v7+s9+$0x0] =	vst.idx.add.f32.msk vm3, v6  }
0x17a: {  	[tilespmem:v7+s9+$0x0] =	vst.idx.add.f32.msk vm4, v6  }
0x17b: {  	[tilespmem:v7+s9+$0x0] =	vst.idx.add.f32.msk vm5, v6  }
0x17c: {  	[tilespmem:v7+s9+$0x0] =	vst.idx.add.f32.msk vm6, v6  }
0x17d: {  	[tilespmem:v7+s9+$0x0] =	vst.idx.add.f32.msk vm7, v6  }
0x17e: {  	[tilespmem:v7+s9+$0x0] =	vst.idx.add.f32.msk vm8, v6  }
0x17f: {  	[tilespmem:v7+s9+$0x0] =	vst.idx.add.f32.msk vm9, v6  }
0x180: {  	[tilespmem:v7+s9+$0x0] =	vst.idx.add.f32.msk vm10, v6  }
0x181: {  	[tilespmem:v7+s9+$0x0] =	vst.idx.add.f32.msk vm11, v6  }
0x182: {  	[tilespmem:v7+s9+$0x0] =	vst.idx.add.f32.msk vm12, v6  }
0x183: {  	[tilespmem:v7+s9+$0x0] =	vst.idx.add.f32.msk vm13, v6  }
0x184: {  	[tilespmem:v7+s9+$0x0] =	vst.idx.add.f32.msk vm14, v6  }
0x185: {  	v7 =	vld [tilespmem:s21+$0x990];
	_ =	sdelay $0x7  }
0x186: {  	[tilespmem:v7+s9+$0x0] =	vst.idx.add.f32.msk $0x1, v6  }
0x187: {  	[tilespmem:v7+s9+$0x0] =	vst.idx.add.f32.msk vm0, v6  }
0x188: {  	[tilespmem:v7+s9+$0x0] =	vst.idx.add.f32.msk vm1, v6  }
0x189: {  	[tilespmem:v7+s9+$0x0] =	vst.idx.add.f32.msk vm2, v6  }
0x18a: {  	[tilespmem:v7+s9+$0x0] =	vst.idx.add.f32.msk vm3, v6  }
0x18b: {  	[tilespmem:v7+s9+$0x0] =	vst.idx.add.f32.msk vm4, v6  }
0x18c: {  	[tilespmem:v7+s9+$0x0] =	vst.idx.add.f32.msk vm5, v6  }
0x18d: {  	[tilespmem:v7+s9+$0x0] =	vst.idx.add.f32.msk vm6, v6  }
0x18e: {  	[tilespmem:v7+s9+$0x0] =	vst.idx.add.f32.msk vm7, v6  }
0x18f: {  	[tilespmem:v7+s9+$0x0] =	vst.idx.add.f32.msk vm8, v6  }
0x190: {  	[tilespmem:v7+s9+$0x0] =	vst.idx.add.f32.msk vm9, v6  }
0x191: {  	[tilespmem:v7+s9+$0x0] =	vst.idx.add.f32.msk vm10, v6  }
0x192: {  	[tilespmem:v7+s9+$0x0] =	vst.idx.add.f32.msk vm11, v6  }
0x193: {  	[tilespmem:v7+s9+$0x0] =	vst.idx.add.f32.msk vm12, v6  }
0x194: {  	[tilespmem:v7+s9+$0x0] =	vst.idx.add.f32.msk vm13, v6  }
0x195: {  	[tilespmem:v7+s9+$0x0] =	vst.idx.add.f32.msk vm14, v6  }
0x196: {  	v7 =	vld [tilespmem:s21+$0x9A0];
	_ =	sdelay $0x7  }
0x197: {  	[tilespmem:v7+s9+$0x0] =	vst.idx.add.f32.msk $0x1, v6  }
0x198: {  	[tilespmem:v7+s9+$0x0] =	vst.idx.add.f32.msk vm0, v6  }
0x199: {  	[tilespmem:v7+s9+$0x0] =	vst.idx.add.f32.msk vm1, v6  }
0x19a: {  	[tilespmem:v7+s9+$0x0] =	vst.idx.add.f32.msk vm2, v6  }
0x19b: {  	[tilespmem:v7+s9+$0x0] =	vst.idx.add.f32.msk vm3, v6  }
0x19c: {  	[tilespmem:v7+s9+$0x0] =	vst.idx.add.f32.msk vm4, v6  }
0x19d: {  	[tilespmem:v7+s9+$0x0] =	vst.idx.add.f32.msk vm5, v6  }
0x19e: {  	[tilespmem:v7+s9+$0x0] =	vst.idx.add.f32.msk vm6, v6  }
0x19f: {  	[tilespmem:v7+s9+$0x0] =	vst.idx.add.f32.msk vm7, v6  }
0x1a0: {  	[tilespmem:v7+s9+$0x0] =	vst.idx.add.f32.msk vm8, v6  }
0x1a1: {  	[tilespmem:v7+s9+$0x0] =	vst.idx.add.f32.msk vm9, v6  }
0x1a2: {  	[tilespmem:v7+s9+$0x0] =	vst.idx.add.f32.msk vm10, v6  }
0x1a3: {  	[tilespmem:v7+s9+$0x0] =	vst.idx.add.f32.msk vm11, v6  }
0x1a4: {  	[tilespmem:v7+s9+$0x0] =	vst.idx.add.f32.msk vm12, v6  }
0x1a5: {  	[tilespmem:v7+s9+$0x0] =	vst.idx.add.f32.msk vm13, v6  }
0x1a6: {  	[tilespmem:v7+s9+$0x0] =	vst.idx.add.f32.msk vm14, v6  }
0x1a7: {  	v7 =	vld [tilespmem:s21+$0x9B0];
	_ =	sdelay $0x7  }
0x1a8: {  	[tilespmem:v7+s9+$0x0] =	vst.idx.add.f32.msk $0x1, v6  }
0x1a9: {  	[tilespmem:v7+s9+$0x0] =	vst.idx.add.f32.msk vm0, v6  }
0x1aa: {  	[tilespmem:v7+s9+$0x0] =	vst.idx.add.f32.msk vm1, v6  }
0x1ab: {  	[tilespmem:v7+s9+$0x0] =	vst.idx.add.f32.msk vm2, v6  }
0x1ac: {  	[tilespmem:v7+s9+$0x0] =	vst.idx.add.f32.msk vm3, v6  }
0x1ad: {  	[tilespmem:v7+s9+$0x0] =	vst.idx.add.f32.msk vm4, v6  }
0x1ae: {  	[tilespmem:v7+s9+$0x0] =	vst.idx.add.f32.msk vm5, v6  }
0x1af: {  	[tilespmem:v7+s9+$0x0] =	vst.idx.add.f32.msk vm6, v6  }
0x1b0: {  	[tilespmem:v7+s9+$0x0] =	vst.idx.add.f32.msk vm7, v6  }
0x1b1: {  	s20 =	sadd.s32 $0x800, s20;
	[tilespmem:v7+s9+$0x0] =	vst.idx.add.f32.msk vm8, v6  }
0x1b2: {  	p1 =	sne.s32 s20, $0x2000;
	[tilespmem:v7+s9+$0x0] =	vst.idx.add.f32.msk vm9, v6  }
.Ltmp2:
0x1b3: {  	[tilespmem:v7+s9+$0x0] =	vst.idx.add.f32.msk vm10, v6;
	(pc) =	sbr.rel @p1 .LBB2_7-.Ltmp2, $4  }
0x1b4: {  	[tilespmem:v7+s9+$0x0] =	vst.idx.add.f32.msk vm11, v6  }
0x1b5: {  	[tilespmem:v7+s9+$0x0] =	vst.idx.add.f32.msk vm12, v6  }
0x1b6: {  	[tilespmem:v7+s9+$0x0] =	vst.idx.add.f32.msk vm13, v6  }
0x1b7: {  	[tilespmem:v7+s9+$0x0] =	vst.idx.add.f32.msk vm14, v6  }
0x1b8: {  	s19 =	sadd.s32 $0x1, s19  }
0x1b9: {  	p1 =	sne.s32 s19, $0xA  }
.Ltmp3:
0x1ba: {  	_ = 	snop;
	(pc) =	sbr.rel @p1 .LBB2_6-.Ltmp3, $4  }
0x1bb: {  	_ = 	snop  }
0x1bc: {  	_ =	swait.ge [sflag:s16], $0x2000  }
0x1bd: {  	[sflag:s16] =	ssyncset.done $0x0  }
0x1be: {  	[sflag:s16] =	ssyncadd.s32 $0xFFFFE000  }
0x1bf: {  	s19 =	rddreg [dreg:$0x3];
	s3 =	simm.s32 $0x50;
	s4 =	simm.s32 $0xB800  }
0x1c0: {  	[spmem:s19] =	stream.indirect.scatter.add.f32 [tilespmem:s9], [sflag:$0x9], $0x80, s4, s3, $0xb8;
	[tilespmem:$0x1F700] =	vst v63  }
0x1c1: {  	_ =	swait.ge [sflag:s24], $0x2800  }
0x1c2: {  	[sflag:s24] =	ssyncset.done $0x0  }
0x1c3: {  	[sflag:s24] =	ssyncadd.s32 $0xFFFFD800  }
0x1c4: {  	s18 =	stileid.u32;
	[bflag:$0x0] =	sbarrier.arrive $0xFFFF  }
0x1c5: {  	s3 =	sshll.u32 s18, $0x6;
	s8 =	rddreg [dreg:$0x6]  }
0x1c6: {  	s3 =	sor.u32 $0x1C09, s3;
	s18 =	rddreg [dreg:$0x11];
	s20 =	sshrl.u32 s8, $0x3  }
0x1c7: {  	[hbm:s18], [sflag:s3] =	dma.local [spmem:s20], $0x2780  }
0x1c8: {  	_ =	swait.ge [sflag:s24], $0x2780  }
0x1c9: {  	[sflag:s24] =	ssyncset.done $0x0  }
0x1ca: {  	s4 =	sshrl.u32 @!p0 s19, $0x3;
	s18 =	rddreg [dreg:$0x12];
	[sflag:s24] =	ssyncadd.s32 $0xFFFFD880  }
0x1cb: {  	[hbm:s18], [sflag:s3] =	dma.local @!p0 [spmem:s4], $0x500  }
0x1cc: {  	s3 =	simm.s32 @!p0 $0x9  }
0x1cd: {  	_ =	swait.ge @!p0 [sflag:s3], $0x500  }
0x1ce: {  	s21 =	rddreg [dreg:$0x5]  }
0x1cf: {  	s22 =	rddreg [dreg:$0x13];
	s4 =	sadd.s32 $0x1, s21  }
0x1d0: {  	p1 =	sne.s32 s4, s22  }
.Ltmp4:
0x1d1: {  	_ = 	snop;
	(pc) =	sbr.rel @p1 .LBB2_1-.Ltmp4, $3  }
0x1d2: {  	_ =	sdelay $0x1  }
0x1d3: {  	[sflag:s3] =	ssyncset.done @!p0 $0x0  }
0x1d4: {  	[sflag:s3] =	ssyncadd.s32 @!p0 $0xFFFFFB00  }
0x1d5: {  	_ =	sfence.sel $0x180000  }
0x1d6: {  	[bflag:$0x0] =	sbarrier.arrive $0xFFFF  }
0x1d7: {  	_ =	strace $0x90000047  }
0x1d8: {  	[bflag:$0x2] =	sbarrier.arrive $0xFFFF  }
0x1d9: {  	s0 =	rddreg [dreg:$0x4]  }
0x1da: {  	s0 =	sadd.s32 @!p0 $0x100000, s0  }
0x1db: {  	[sflag:s0] =	ssyncadd.tile.s32 @!p0 $0x1;
	_ =	shalt  }
.Lfunc_end2:
_tile_overlayer_lowered:
.L_overlay_start_2:
0x1dc: {  	(tag) =	ssettag $0x2  }
0x1dd: {  	s0 =	rddreg [dreg:$0x0];
	s2 =	stileid.u32  }
0x1de: {  	s1 =	rddreg [dreg:$0x1];
	p0 =	sne.s32 s2, $0x0  }
0x1df: {  	s3 =	rddreg [dreg:$0x2];
	[bflag:$0x3] =	sbarrier.arrive $0xFFFF;
	s2 =	simm.s32 @!p0 $0x1C09  }
0x1e0: {  	[timem:s3], [sflag:s2] =	dma.local @!p0 [hbm:s0], s1  }
0x1e1: {  	s0 =	simm.s32 @!p0 $0x9  }
0x1e2: {  	_ =	swait.ge @!p0 [sflag:s0], s1  }
0x1e3: {  	s1 =	ssub.s32 @!p0 $0x0, s1;
	[sflag:s0] =	ssyncset.done @!p0 $0x0  }
0x1e4: {  	[sflag:s0] =	ssyncadd.s32 @!p0 s1  }
0x1e5: {  	[bflag:$0x3] =	sbarrier.arrive $0xFFFF  }
0x1e6: {  	_ =	shalt  }

</sc_bundles>
